<compile_context>
chip_gen: v7x
topology: tpu7x:2x2x1
jax: 0.10.2.dev20260603
libtpu: 0.0.44.dev20260713+nightly
codegen_flags: <defaults>
</compile_context>

<pallas_src>
import jax
import jax.numpy as jnp
from jax import lax
from jax.experimental import pallas as pl
from jax.experimental.pallas import tpu as pltpu
from jax.experimental.pallas import tpu_sc as plsc

D = 128
E = 320000
CH = 128
NCHUNKS = E // CH
NC, NS, L = 2, 16, 16
NW = NC * NS
CPT = NCHUNKS // NW
PAIRS = CPT // 2
EXTRA = NCHUNKS % NW

BITREV = (0, 8, 4, 12, 2, 10, 6, 14, 1, 9, 5, 13, 3, 11, 7, 15)
_GATHER_DNUMS = lax.GatherDimensionNumbers(
    offset_dims=(), collapsed_slice_dims=(0,), start_index_map=(0,))


def _perm16(x, s):
    idx = jnp.arange(L, dtype=jnp.int32) ^ s
    return lax.gather(x, idx[:, None], _GATHER_DNUMS, (1,),
                      mode=lax.GatherScatterMode.PROMISE_IN_BOUNDS)


def _edge_dot_kernel(xm, xd, srcr, dstr, out, idx_a, idx_b, a0, b0, a1, b1,
                     out_v, sem0, sem1):
    wid = lax.axis_index("s") * NC + lax.axis_index("c")
    cbase = wid * CPT
    lanes = lax.iota(jnp.int32, L)

    def compute_chunk(c_local, a_rows, b_rows):
        def combine(a, b, s):
            m = (lanes & s) == 0
            return (jnp.where(m, a, _perm16(b, s)) +
                    jnp.where(m, _perm16(a, s), b))

        def group_body(g, c2):
            pending = [None] * 5
            for j in range(L):
                e = g * L + BITREV[j]
                acc = a_rows[e, pl.ds(0, L)] * b_rows[e, pl.ds(0, L)]
                for k in range(1, D // L):
                    acc = acc + (a_rows[e, pl.ds(k * L, L)] *
                                 b_rows[e, pl.ds(k * L, L)])
                t = 0
                while pending[t] is not None:
                    acc = combine(pending[t], acc, 8 >> t)
                    pending[t] = None
                    t += 1
                pending[t] = acc
            out_v[pl.ds(c_local * CH + g * L, L)] = pending[4]
            return c2

        lax.fori_loop(0, CH // L, group_body, 0, unroll=False)

    hia = pltpu.async_copy(srcr.at[pl.ds(cbase * CH, CPT * CH)], idx_a, sem0)
    hib = pltpu.async_copy(dstr.at[pl.ds(cbase * CH, CPT * CH)], idx_b, sem0)
    hia.wait()
    hib.wait()

    pltpu.async_copy(xm.at[idx_a.at[pl.ds(0, CH)]], a0, sem0)
    pltpu.async_copy(xd.at[idx_b.at[pl.ds(0, CH)]], b0, sem0)

    def pair_body(p, carry):
        c0 = 2 * p
        c1 = 2 * p + 1
        h1a = pltpu.async_copy(xm.at[idx_a.at[pl.ds(c1 * CH, CH)]], a1, sem1)
        h1b = pltpu.async_copy(xd.at[idx_b.at[pl.ds(c1 * CH, CH)]], b1, sem1)
        pltpu.make_async_copy(xm.at[idx_a.at[pl.ds(c0 * CH, CH)]], a0, sem0).wait()
        pltpu.make_async_copy(xd.at[idx_b.at[pl.ds(c0 * CH, CH)]], b0, sem0).wait()
        compute_chunk(c0, a0, b0)

        @pl.when(p < PAIRS - 1)
        def _():
            pltpu.async_copy(xm.at[idx_a.at[pl.ds((c0 + 2) * CH, CH)]], a0, sem0)
            pltpu.async_copy(xd.at[idx_b.at[pl.ds((c0 + 2) * CH, CH)]], b0, sem0)

        h1a.wait()
        h1b.wait()
        compute_chunk(c1, a1, b1)
        return carry

    lax.fori_loop(0, PAIRS, pair_body, 0, unroll=False)

    pltpu.sync_copy(out_v, out.at[pl.ds(cbase * CH, CPT * CH)])

    @pl.when(wid < EXTRA)
    def _():
        rglob = NW * CPT + wid
        pltpu.sync_copy(srcr.at[pl.ds(rglob * CH, CH)], idx_a.at[pl.ds(0, CH)])
        pltpu.sync_copy(dstr.at[pl.ds(rglob * CH, CH)], idx_b.at[pl.ds(0, CH)])
        ha = pltpu.async_copy(xm.at[idx_a.at[pl.ds(0, CH)]], a0, sem0)
        hb = pltpu.async_copy(xd.at[idx_b.at[pl.ds(0, CH)]], b0, sem0)
        ha.wait()
        hb.wait()
        compute_chunk(0, a0, b0)
        pltpu.sync_copy(out_v.at[pl.ds(0, CH)], out.at[pl.ds(rglob * CH, CH)])


def kernel(x_miRNA, x_disease, edge_label_index):
    eli = edge_label_index.astype(jnp.int32)
    src_r = eli[0]
    dst_r = eli[1]

    mesh = plsc.VectorSubcoreMesh(core_axis_name="c", subcore_axis_name="s")
    f = pl.kernel(
        _edge_dot_kernel,
        out_type=jax.ShapeDtypeStruct((E,), jnp.float32),
        mesh=mesh,
        scratch_types=[
            pltpu.VMEM((CPT * CH,), jnp.int32),
            pltpu.VMEM((CPT * CH,), jnp.int32),
            pltpu.VMEM((CH, D), jnp.float32),
            pltpu.VMEM((CH, D), jnp.float32),
            pltpu.VMEM((CH, D), jnp.float32),
            pltpu.VMEM((CH, D), jnp.float32),
            pltpu.VMEM((CPT * CH,), jnp.float32),
            pltpu.SemaphoreType.DMA,
            pltpu.SemaphoreType.DMA,
        ],
        compiler_params=pltpu.CompilerParams(needs_layout_passes=False),
    )
    return f(x_miRNA, x_disease, src_r, dst_r)

# --- scband reference (transcript-rebuilt; emitter-appended) ---
"""Pipeline reference for scband-rdgcndecoder-v2-3693671874805 (READ-ONLY COPY).

The authoritative reference and input builder live on the scoring server;
editing this copy changes nothing except your own understanding.
"""

import jax, jax.numpy as jnp
import numpy as np

N_MIRNA = 10000
N_DISEASE = 10000
D_FEAT = 128
N_EDGES = 320000

def setup_inputs(seed: int = 0) -> dict:
    key = jax.random.key(seed)
    k1, k2, k3 = jax.random.split(key, 3)
    x_miRNA = jax.random.normal(k1, (N_MIRNA, D_FEAT), dtype=jnp.float32)
    x_disease = jax.random.normal(k2, (N_DISEASE, D_FEAT), dtype=jnp.float32)
    edge_label_index = jax.random.randint(k3, (2, N_EDGES), 0, N_MIRNA, dtype=jnp.int64) if jax.config.jax_enable_x64 else jax.random.randint(k3, (2, N_EDGES), 0, N_MIRNA, dtype=jnp.int32)
    return {"x_miRNA": x_miRNA, "x_disease": x_disease, "edge_label_index": edge_label_index}

def reference(x_miRNA, x_disease, edge_label_index):
    # Faithful translation of RDGCNDecoder_v2.forward:
    # gather per-edge source (miRNA) and destination (disease) embeddings,
    # elementwise multiply, and reduce over feature dim.
    edge_feature_RNA = jnp.take(x_miRNA, edge_label_index[0], axis=0)
    edge_feature_disease = jnp.take(x_disease, edge_label_index[1], axis=0)
    res = (edge_feature_RNA * edge_feature_disease).sum(axis=-1)
    return res

if __name__ == "__main__":
    import jax
    _d = setup_inputs()
    print(jax.jit(kernel)(*tuple(_d.values())))

</pallas_src>

<mosaic_0001>
#map = affine_map<(d0, d1) -> (0, 0)>
#map1 = affine_map<(d0, d1) -> (0)>
module attributes {stable_mosaic.version = 14 : i64} {
  func.func @_edge_dot_kernel(%arg0: i32, %arg1: i32, %arg2: memref<10000x128xf32, #tpu.memory_space<hbm>>, %arg3: memref<10000x128xf32, #tpu.memory_space<hbm>>, %arg4: memref<320000xi32, #tpu.memory_space<hbm>>, %arg5: memref<320000xi32, #tpu.memory_space<hbm>>, %arg6: memref<320000xf32, #tpu.memory_space<hbm>>, %arg7: memref<9984xi32, #tpu.memory_space<vmem>>, %arg8: memref<9984xi32, #tpu.memory_space<vmem>>, %arg9: memref<128x128xf32, #tpu.memory_space<vmem>>, %arg10: memref<128x128xf32, #tpu.memory_space<vmem>>, %arg11: memref<128x128xf32, #tpu.memory_space<vmem>>, %arg12: memref<128x128xf32, #tpu.memory_space<vmem>>, %arg13: memref<9984xf32, #tpu.memory_space<vmem>>, %arg14: memref<!tpu.dma_semaphore, #tpu.memory_space<semaphore_mem>>, %arg15: memref<!tpu.dma_semaphore, #tpu.memory_space<semaphore_mem>>) attributes {dimension_semantics = [#tpu.dimension_semantics<core_parallel>, #tpu.dimension_semantics<subcore_parallel>], iteration_bounds = array<i64: 2, 16>, scalar_prefetch = 0 : i64, scratch_operands = 9 : i64, tpu.core_type = #tpu.core_type<sc_vector_subcore>, window_params = [{transform_indices = #map}, {transform_indices = #map}, {transform_indices = #map1}, {transform_indices = #map1}, {transform_indices = #map1}]} {
    %mul3A = arith.constant 2 : i32
    %mul3A_0 = arith.muli %arg1, %mul3A : i32
    %add3A = arith.addi %mul3A_0, %arg0 : i32
    %mul3A_1 = arith.constant 78 : i32
    %mul3A_2 = arith.muli %add3A, %mul3A_1 : i32
    %iota3A = tpu.iota {dimensions = array<i32: 0>} : vector<16xi32>
    %mul3A_3 = arith.constant 128 : i32
    %mul3A_4 = arith.muli %mul3A_2, %mul3A_3 : i32
    %dma_start3A = tpu.memref_slice %arg4[%mul3A_4] : memref<320000xi32, #tpu.memory_space<hbm>> -> memref<9984xi32, #tpu.memory_space<hbm>>
    %dma_start3A_5 = tpu.memref_slice %arg4[%mul3A_4] : memref<320000xi32, #tpu.memory_space<hbm>> -> memref<9984xi32, #tpu.memory_space<hbm>>
    tpu.enqueue_dma source(%dma_start3A_5 : memref<9984xi32, #tpu.memory_space<hbm>>) target(%arg7 : memref<9984xi32, #tpu.memory_space<vmem>>) target_semaphore(%arg14 : memref<!tpu.dma_semaphore, #tpu.memory_space<semaphore_mem>>)
    %mul3A_6 = arith.constant 128 : i32
    %mul3A_7 = arith.muli %mul3A_2, %mul3A_6 : i32
    %dma_start3A_8 = tpu.memref_slice %arg5[%mul3A_7] : memref<320000xi32, #tpu.memory_space<hbm>> -> memref<9984xi32, #tpu.memory_space<hbm>>
    %dma_start3A_9 = tpu.memref_slice %arg5[%mul3A_7] : memref<320000xi32, #tpu.memory_space<hbm>> -> memref<9984xi32, #tpu.memory_space<hbm>>
    tpu.enqueue_dma source(%dma_start3A_9 : memref<9984xi32, #tpu.memory_space<hbm>>) target(%arg8 : memref<9984xi32, #tpu.memory_space<vmem>>) target_semaphore(%arg14 : memref<!tpu.dma_semaphore, #tpu.memory_space<semaphore_mem>>)
    %dma_wait3A = tpu.memref_slice %arg4[%mul3A_4] : memref<320000xi32, #tpu.memory_space<hbm>> -> memref<9984xi32, #tpu.memory_space<hbm>>
    %dma_wait3A_10 = tpu.memref_slice %arg4[%mul3A_4] : memref<320000xi32, #tpu.memory_space<hbm>> -> memref<9984xi32, #tpu.memory_space<hbm>>
    tpu.wait_dma2 semaphore(%arg14 : memref<!tpu.dma_semaphore, #tpu.memory_space<semaphore_mem>>) src(%dma_wait3A_10 : memref<9984xi32, #tpu.memory_space<hbm>>) dst(%arg7 : memref<9984xi32, #tpu.memory_space<vmem>>)
    %dma_wait3A_11 = tpu.memref_slice %arg5[%mul3A_7] : memref<320000xi32, #tpu.memory_space<hbm>> -> memref<9984xi32, #tpu.memory_space<hbm>>
    %dma_wait3A_12 = tpu.memref_slice %arg5[%mul3A_7] : memref<320000xi32, #tpu.memory_space<hbm>> -> memref<9984xi32, #tpu.memory_space<hbm>>
    tpu.wait_dma2 semaphore(%arg14 : memref<!tpu.dma_semaphore, #tpu.memory_space<semaphore_mem>>) src(%dma_wait3A_12 : memref<9984xi32, #tpu.memory_space<hbm>>) dst(%arg8 : memref<9984xi32, #tpu.memory_space<vmem>>)
    %dma_start3A_13 = arith.constant 0 : i32
    %dma_start3A_14 = tpu.memref_slice %arg7[%dma_start3A_13] : memref<9984xi32, #tpu.memory_space<vmem>> -> memref<128xi32, #tpu.memory_space<vmem>>
    %dma_start3A_15 = arith.constant 0 : i32
    %dma_start3A_16 = arith.constant 0 : i32
    %dma_start3A_17 = tpu.memref_slice %arg2[%dma_start3A_15, %dma_start3A_16] : memref<10000x128xf32, #tpu.memory_space<hbm>> -> memref<10000x128xf32, #tpu.memory_space<hbm>>
    tpu.enqueue_indirect_dma source(%dma_start3A_17 : memref<10000x128xf32, #tpu.memory_space<hbm>>) target(%arg9 : memref<128x128xf32, #tpu.memory_space<vmem>>) offsets(%dma_start3A_14 : memref<128xi32, #tpu.memory_space<vmem>>) semaphore(%arg14 : memref<!tpu.dma_semaphore, #tpu.memory_space<semaphore_mem>>)
    %dma_start3A_18 = arith.constant 0 : i32
    %dma_start3A_19 = tpu.memref_slice %arg8[%dma_start3A_18] : memref<9984xi32, #tpu.memory_space<vmem>> -> memref<128xi32, #tpu.memory_space<vmem>>
    %dma_start3A_20 = arith.constant 0 : i32
    %dma_start3A_21 = arith.constant 0 : i32
    %dma_start3A_22 = tpu.memref_slice %arg3[%dma_start3A_20, %dma_start3A_21] : memref<10000x128xf32, #tpu.memory_space<hbm>> -> memref<10000x128xf32, #tpu.memory_space<hbm>>
    tpu.enqueue_indirect_dma source(%dma_start3A_22 : memref<10000x128xf32, #tpu.memory_space<hbm>>) target(%arg10 : memref<128x128xf32, #tpu.memory_space<vmem>>) offsets(%dma_start3A_19 : memref<128xi32, #tpu.memory_space<vmem>>) semaphore(%arg14 : memref<!tpu.dma_semaphore, #tpu.memory_space<semaphore_mem>>)
    %scan3A = arith.constant 0 : i32
    %scan3A_23 = arith.constant 0 : i32
    %scan3A_24 = arith.constant 39 : i32
    %scan3A_25 = arith.addi %scan3A_23, %scan3A_24 : i32
    %scan3A_26 = arith.constant 1 : i32
    scf.for %scan3A_32 = %scan3A_23 to %scan3A_25 step %scan3A_26  : i32 {
      %mul3A_33 = arith.constant 2 : i32
      %mul3A_34 = arith.muli %mul3A_33, %scan3A_32 : i32
      %mul3A_35 = arith.constant 2 : i32
      %mul3A_36 = arith.muli %mul3A_35, %scan3A_32 : i32
      %add3A_37 = arith.constant 1 : i32
      %add3A_38 = arith.addi %mul3A_36, %add3A_37 : i32
      %mul3A_39 = arith.constant 128 : i32
      %mul3A_40 = arith.muli %add3A_38, %mul3A_39 : i32
      %dma_start3A_41 = tpu.memref_slice %arg7[%mul3A_40] : memref<9984xi32, #tpu.memory_space<vmem>> -> memref<128xi32, #tpu.memory_space<vmem>>
      %dma_start3A_42 = arith.constant 0 : i32
      %dma_start3A_43 = arith.constant 0 : i32
      %dma_start3A_44 = tpu.memref_slice %arg2[%dma_start3A_42, %dma_start3A_43] : memref<10000x128xf32, #tpu.memory_space<hbm>> -> memref<10000x128xf32, #tpu.memory_space<hbm>>
      tpu.enqueue_indirect_dma source(%dma_start3A_44 : memref<10000x128xf32, #tpu.memory_space<hbm>>) target(%arg11 : memref<128x128xf32, #tpu.memory_space<vmem>>) offsets(%dma_start3A_41 : memref<128xi32, #tpu.memory_space<vmem>>) semaphore(%arg15 : memref<!tpu.dma_semaphore, #tpu.memory_space<semaphore_mem>>)
      %mul3A_45 = arith.constant 128 : i32
      %mul3A_46 = arith.muli %add3A_38, %mul3A_45 : i32
      %dma_start3A_47 = tpu.memref_slice %arg8[%mul3A_46] : memref<9984xi32, #tpu.memory_space<vmem>> -> memref<128xi32, #tpu.memory_space<vmem>>
      %dma_start3A_48 = arith.constant 0 : i32
      %dma_start3A_49 = arith.constant 0 : i32
      %dma_start3A_50 = tpu.memref_slice %arg3[%dma_start3A_48, %dma_start3A_49] : memref<10000x128xf32, #tpu.memory_space<hbm>> -> memref<10000x128xf32, #tpu.memory_space<hbm>>
      tpu.enqueue_indirect_dma source(%dma_start3A_50 : memref<10000x128xf32, #tpu.memory_space<hbm>>) target(%arg12 : memref<128x128xf32, #tpu.memory_space<vmem>>) offsets(%dma_start3A_47 : memref<128xi32, #tpu.memory_space<vmem>>) semaphore(%arg15 : memref<!tpu.dma_semaphore, #tpu.memory_space<semaphore_mem>>)
      %mul3A_51 = arith.constant 128 : i32
      %mul3A_52 = arith.muli %mul3A_34, %mul3A_51 : i32
      %dma_wait3A_53 = tpu.memref_slice %arg7[%mul3A_52] : memref<9984xi32, #tpu.memory_space<vmem>> -> memref<128xi32, #tpu.memory_space<vmem>>
      %dma_wait3A_54 = arith.constant 0 : i32
      %dma_wait3A_55 = arith.constant 0 : i32
      %dma_wait3A_56 = tpu.memref_slice %arg2[%dma_wait3A_54, %dma_wait3A_55] : memref<10000x128xf32, #tpu.memory_space<hbm>> -> memref<10000x128xf32, #tpu.memory_space<hbm>>
      tpu.wait_indirect_dma semaphore(%arg14 : memref<!tpu.dma_semaphore, #tpu.memory_space<semaphore_mem>>) src(%dma_wait3A_56 : memref<10000x128xf32, #tpu.memory_space<hbm>>) dst(%arg9 : memref<128x128xf32, #tpu.memory_space<vmem>>)
      %mul3A_57 = arith.constant 128 : i32
      %mul3A_58 = arith.muli %mul3A_34, %mul3A_57 : i32
      %dma_wait3A_59 = tpu.memref_slice %arg8[%mul3A_58] : memref<9984xi32, #tpu.memory_space<vmem>> -> memref<128xi32, #tpu.memory_space<vmem>>
      %dma_wait3A_60 = arith.constant 0 : i32
      %dma_wait3A_61 = arith.constant 0 : i32
      %dma_wait3A_62 = tpu.memref_slice %arg3[%dma_wait3A_60, %dma_wait3A_61] : memref<10000x128xf32, #tpu.memory_space<hbm>> -> memref<10000x128xf32, #tpu.memory_space<hbm>>
      tpu.wait_indirect_dma semaphore(%arg14 : memref<!tpu.dma_semaphore, #tpu.memory_space<semaphore_mem>>) src(%dma_wait3A_62 : memref<10000x128xf32, #tpu.memory_space<hbm>>) dst(%arg10 : memref<128x128xf32, #tpu.memory_space<vmem>>)
      %scan3A_63 = arith.constant 0 : i32
      %scan3A_64 = arith.constant 0 : i32
      %scan3A_65 = arith.constant 8 : i32
      %scan3A_66 = arith.addi %scan3A_64, %scan3A_65 : i32
      %scan3A_67 = arith.constant 1 : i32
      scf.for %scan3A_88 = %scan3A_64 to %scan3A_66 step %scan3A_67  : i32 {
        %mul3A_89 = arith.constant 16 : i32
        %mul3A_90 = arith.muli %scan3A_88, %mul3A_89 : i32
        %add3A_91 = arith.constant 0 : i32
        %add3A_92 = arith.addi %mul3A_90, %add3A_91 : i32
        %get3A = arith.index_cast %add3A_92 : i32 to index
        %get3A_93 = arith.constant 0 : index
        %get3A_94 = tpu.vector_load %arg9[%get3A, %get3A_93] {strides = array<i32>} : memref<128x128xf32, #tpu.memory_space<vmem>>, vector<16xf32>,
        %get3A_95 = arith.index_cast %add3A_92 : i32 to index
        %get3A_96 = arith.constant 0 : index
        %get3A_97 = tpu.vector_load %arg10[%get3A_95, %get3A_96] {strides = array<i32>} : memref<128x128xf32, #tpu.memory_space<vmem>>, vector<16xf32>,
        %mul3A_98 = arith.mulf %get3A_94, %get3A_97 : vector<16xf32>
        %get3A_99 = arith.index_cast %add3A_92 : i32 to index
        %get3A_100 = arith.constant 16 : index
        %get3A_101 = tpu.vector_load %arg9[%get3A_99, %get3A_100] {strides = array<i32>} : memref<128x128xf32, #tpu.memory_space<vmem>>, vector<16xf32>,
        %get3A_102 = arith.index_cast %add3A_92 : i32 to index
        %get3A_103 = arith.constant 16 : index
        %get3A_104 = tpu.vector_load %arg10[%get3A_102, %get3A_103] {strides = array<i32>} : memref<128x128xf32, #tpu.memory_space<vmem>>, vector<16xf32>,
        %mul3A_105 = arith.mulf %get3A_101, %get3A_104 : vector<16xf32>
        %add3A_106 = arith.addf %mul3A_98, %mul3A_105 : vector<16xf32>
        %get3A_107 = arith.index_cast %add3A_92 : i32 to index
        %get3A_108 = arith.constant 32 : index
        %get3A_109 = tpu.vector_load %arg9[%get3A_107, %get3A_108] {strides = array<i32>} : memref<128x128xf32, #tpu.memory_space<vmem>>, vector<16xf32>,
        %get3A_110 = arith.index_cast %add3A_92 : i32 to index
        %get3A_111 = arith.constant 32 : index
        %get3A_112 = tpu.vector_load %arg10[%get3A_110, %get3A_111] {strides = array<i32>} : memref<128x128xf32, #tpu.memory_space<vmem>>, vector<16xf32>,
        %mul3A_113 = arith.mulf %get3A_109, %get3A_112 : vector<16xf32>
        %add3A_114 = arith.addf %add3A_106, %mul3A_113 : vector<16xf32>
        %get3A_115 = arith.index_cast %add3A_92 : i32 to index
        %get3A_116 = arith.constant 48 : index
        %get3A_117 = tpu.vector_load %arg9[%get3A_115, %get3A_116] {strides = array<i32>} : memref<128x128xf32, #tpu.memory_space<vmem>>, vector<16xf32>,
        %get3A_118 = arith.index_cast %add3A_92 : i32 to index
        %get3A_119 = arith.constant 48 : index
        %get3A_120 = tpu.vector_load %arg10[%get3A_118, %get3A_119] {strides = array<i32>} : memref<128x128xf32, #tpu.memory_space<vmem>>, vector<16xf32>,
        %mul3A_121 = arith.mulf %get3A_117, %get3A_120 : vector<16xf32>
        %add3A_122 = arith.addf %add3A_114, %mul3A_121 : vector<16xf32>
        %get3A_123 = arith.index_cast %add3A_92 : i32 to index
        %get3A_124 = arith.constant 64 : index
        %get3A_125 = tpu.vector_load %arg9[%get3A_123, %get3A_124] {strides = array<i32>} : memref<128x128xf32, #tpu.memory_space<vmem>>, vector<16xf32>,
        %get3A_126 = arith.index_cast %add3A_92 : i32 to index
        %get3A_127 = arith.constant 64 : index
        %get3A_128 = tpu.vector_load %arg10[%get3A_126, %get3A_127] {strides = array<i32>} : memref<128x128xf32, #tpu.memory_space<vmem>>, vector<16xf32>,
        %mul3A_129 = arith.mulf %get3A_125, %get3A_128 : vector<16xf32>
        %add3A_130 = arith.addf %add3A_122, %mul3A_129 : vector<16xf32>
        %get3A_131 = arith.index_cast %add3A_92 : i32 to index
        %get3A_132 = arith.constant 80 : index
        %get3A_133 = tpu.vector_load %arg9[%get3A_131, %get3A_132] {strides = array<i32>} : memref<128x128xf32, #tpu.memory_space<vmem>>, vector<16xf32>,
        %get3A_134 = arith.index_cast %add3A_92 : i32 to index
        %get3A_135 = arith.constant 80 : index
        %get3A_136 = tpu.vector_load %arg10[%get3A_134, %get3A_135] {strides = array<i32>} : memref<128x128xf32, #tpu.memory_space<vmem>>, vector<16xf32>,
        %mul3A_137 = arith.mulf %get3A_133, %get3A_136 : vector<16xf32>
        %add3A_138 = arith.addf %add3A_130, %mul3A_137 : vector<16xf32>
        %get3A_139 = arith.index_cast %add3A_92 : i32 to index
        %get3A_140 = arith.constant 96 : index
        %get3A_141 = tpu.vector_load %arg9[%get3A_139, %get3A_140] {strides = array<i32>} : memref<128x128xf32, #tpu.memory_space<vmem>>, vector<16xf32>,
        %get3A_142 = arith.index_cast %add3A_92 : i32 to index
        %get3A_143 = arith.constant 96 : index
        %get3A_144 = tpu.vector_load %arg10[%get3A_142, %get3A_143] {strides = array<i32>} : memref<128x128xf32, #tpu.memory_space<vmem>>, vector<16xf32>,
        %mul3A_145 = arith.mulf %get3A_141, %get3A_144 : vector<16xf32>
        %add3A_146 = arith.addf %add3A_138, %mul3A_145 : vector<16xf32>
        %get3A_147 = arith.index_cast %add3A_92 : i32 to index
        %get3A_148 = arith.constant 112 : index
        %get3A_149 = tpu.vector_load %arg9[%get3A_147, %get3A_148] {strides = array<i32>} : memref<128x128xf32, #tpu.memory_space<vmem>>, vector<16xf32>,
        %get3A_150 = arith.index_cast %add3A_92 : i32 to index
        %get3A_151 = arith.constant 112 : index
        %get3A_152 = tpu.vector_load %arg10[%get3A_150, %get3A_151] {strides = array<i32>} : memref<128x128xf32, #tpu.memory_space<vmem>>, vector<16xf32>,
        %mul3A_153 = arith.mulf %get3A_149, %get3A_152 : vector<16xf32>
        %add3A_154 = arith.addf %add3A_146, %mul3A_153 : vector<16xf32>
        %mul3A_155 = arith.constant 16 : i32
        %mul3A_156 = arith.muli %scan3A_88, %mul3A_155 : i32
        %add3A_157 = arith.constant 8 : i32
        %add3A_158 = arith.addi %mul3A_156, %add3A_157 : i32
        %get3A_159 = arith.index_cast %add3A_158 : i32 to index
        %get3A_160 = arith.constant 0 : index
        %get3A_161 = tpu.vector_load %arg9[%get3A_159, %get3A_160] {strides = array<i32>} : memref<128x128xf32, #tpu.memory_space<vmem>>, vector<16xf32>,
        %get3A_162 = arith.index_cast %add3A_158 : i32 to index
        %get3A_163 = arith.constant 0 : index
        %get3A_164 = tpu.vector_load %arg10[%get3A_162, %get3A_163] {strides = array<i32>} : memref<128x128xf32, #tpu.memory_space<vmem>>, vector<16xf32>,
        %mul3A_165 = arith.mulf %get3A_161, %get3A_164 : vector<16xf32>
        %get3A_166 = arith.index_cast %add3A_158 : i32 to index
        %get3A_167 = arith.constant 16 : index
        %get3A_168 = tpu.vector_load %arg9[%get3A_166, %get3A_167] {strides = array<i32>} : memref<128x128xf32, #tpu.memory_space<vmem>>, vector<16xf32>,
        %get3A_169 = arith.index_cast %add3A_158 : i32 to index
        %get3A_170 = arith.constant 16 : index
        %get3A_171 = tpu.vector_load %arg10[%get3A_169, %get3A_170] {strides = array<i32>} : memref<128x128xf32, #tpu.memory_space<vmem>>, vector<16xf32>,
        %mul3A_172 = arith.mulf %get3A_168, %get3A_171 : vector<16xf32>
        %add3A_173 = arith.addf %mul3A_165, %mul3A_172 : vector<16xf32>
        %get3A_174 = arith.index_cast %add3A_158 : i32 to index
        %get3A_175 = arith.constant 32 : index
        %get3A_176 = tpu.vector_load %arg9[%get3A_174, %get3A_175] {strides = array<i32>} : memref<128x128xf32, #tpu.memory_space<vmem>>, vector<16xf32>,
        %get3A_177 = arith.index_cast %add3A_158 : i32 to index
        %get3A_178 = arith.constant 32 : index
        %get3A_179 = tpu.vector_load %arg10[%get3A_177, %get3A_178] {strides = array<i32>} : memref<128x128xf32, #tpu.memory_space<vmem>>, vector<16xf32>,
        %mul3A_180 = arith.mulf %get3A_176, %get3A_179 : vector<16xf32>
        %add3A_181 = arith.addf %add3A_173, %mul3A_180 : vector<16xf32>
        %get3A_182 = arith.index_cast %add3A_158 : i32 to index
        %get3A_183 = arith.constant 48 : index
        %get3A_184 = tpu.vector_load %arg9[%get3A_182, %get3A_183] {strides = array<i32>} : memref<128x128xf32, #tpu.memory_space<vmem>>, vector<16xf32>,
        %get3A_185 = arith.index_cast %add3A_158 : i32 to index
        %get3A_186 = arith.constant 48 : index
        %get3A_187 = tpu.vector_load %arg10[%get3A_185, %get3A_186] {strides = array<i32>} : memref<128x128xf32, #tpu.memory_space<vmem>>, vector<16xf32>,
        %mul3A_188 = arith.mulf %get3A_184, %get3A_187 : vector<16xf32>
        %add3A_189 = arith.addf %add3A_181, %mul3A_188 : vector<16xf32>
        %get3A_190 = arith.index_cast %add3A_158 : i32 to index
        %get3A_191 = arith.constant 64 : index
        %get3A_192 = tpu.vector_load %arg9[%get3A_190, %get3A_191] {strides = array<i32>} : memref<128x128xf32, #tpu.memory_space<vmem>>, vector<16xf32>,
        %get3A_193 = arith.index_cast %add3A_158 : i32 to index
        %get3A_194 = arith.constant 64 : index
        %get3A_195 = tpu.vector_load %arg10[%get3A_193, %get3A_194] {strides = array<i32>} : memref<128x128xf32, #tpu.memory_space<vmem>>, vector<16xf32>,
        %mul3A_196 = arith.mulf %get3A_192, %get3A_195 : vector<16xf32>
        %add3A_197 = arith.addf %add3A_189, %mul3A_196 : vector<16xf32>
        %get3A_198 = arith.index_cast %add3A_158 : i32 to index
        %get3A_199 = arith.constant 80 : index
        %get3A_200 = tpu.vector_load %arg9[%get3A_198, %get3A_199] {strides = array<i32>} : memref<128x128xf32, #tpu.memory_space<vmem>>, vector<16xf32>,
        %get3A_201 = arith.index_cast %add3A_158 : i32 to index
        %get3A_202 = arith.constant 80 : index
        %get3A_203 = tpu.vector_load %arg10[%get3A_201, %get3A_202] {strides = array<i32>} : memref<128x128xf32, #tpu.memory_space<vmem>>, vector<16xf32>,
        %mul3A_204 = arith.mulf %get3A_200, %get3A_203 : vector<16xf32>
        %add3A_205 = arith.addf %add3A_197, %mul3A_204 : vector<16xf32>
        %get3A_206 = arith.index_cast %add3A_158 : i32 to index
        %get3A_207 = arith.constant 96 : index
        %get3A_208 = tpu.vector_load %arg9[%get3A_206, %get3A_207] {strides = array<i32>} : memref<128x128xf32, #tpu.memory_space<vmem>>, vector<16xf32>,
        %get3A_209 = arith.index_cast %add3A_158 : i32 to index
        %get3A_210 = arith.constant 96 : index
        %get3A_211 = tpu.vector_load %arg10[%get3A_209, %get3A_210] {strides = array<i32>} : memref<128x128xf32, #tpu.memory_space<vmem>>, vector<16xf32>,
        %mul3A_212 = arith.mulf %get3A_208, %get3A_211 : vector<16xf32>
        %add3A_213 = arith.addf %add3A_205, %mul3A_212 : vector<16xf32>
        %get3A_214 = arith.index_cast %add3A_158 : i32 to index
        %get3A_215 = arith.constant 112 : index
        %get3A_216 = tpu.vector_load %arg9[%get3A_214, %get3A_215] {strides = array<i32>} : memref<128x128xf32, #tpu.memory_space<vmem>>, vector<16xf32>,
        %get3A_217 = arith.index_cast %add3A_158 : i32 to index
        %get3A_218 = arith.constant 112 : index
        %get3A_219 = tpu.vector_load %arg10[%get3A_217, %get3A_218] {strides = array<i32>} : memref<128x128xf32, #tpu.memory_space<vmem>>, vector<16xf32>,
        %mul3A_220 = arith.mulf %get3A_216, %get3A_219 : vector<16xf32>
        %add3A_221 = arith.addf %add3A_213, %mul3A_220 : vector<16xf32>
        %and3A = arith.constant 8 : i32
        %and3A_222 = vector.broadcast %and3A : i32 to vector<16xi32>
        %and3A_223 = arith.andi %iota3A, %and3A_222 : vector<16xi32>
        %eq3A = arith.constant 0 : i32
        %eq3A_224 = vector.broadcast %eq3A : i32 to vector<16xi32>
        %eq3A_225 = arith.cmpi eq, %and3A_223, %eq3A_224 : vector<16xi32>
        %iota3A_226 = tpu.iota {dimensions = array<i32: 0>} : vector<16xi32>
        %xor3A = arith.constant 8 : i32
        %xor3A_227 = vector.broadcast %xor3A : i32 to vector<16xi32>
        %xor3A_228 = arith.xori %iota3A_226, %xor3A_227 : vector<16xi32>
        %broadcast_in_dim3A = vector.shape_cast %xor3A_228 : vector<16xi32> to vector<16x1xi32>
        %gather3A = vector.shape_cast %broadcast_in_dim3A : vector<16x1xi32> to vector<16xi32>
        %gather3A_229 = tpu.dynamic_gather %add3A_221[%gather3A] in [0] : vector<16xf32>, vector<16xi32> -> vector<16xf32>
        %select_n3A = arith.select %eq3A_225, %add3A_154, %gather3A_229 : vector<16xi1>, vector<16xf32>
        %iota3A_230 = tpu.iota {dimensions = array<i32: 0>} : vector<16xi32>
        %xor3A_231 = arith.constant 8 : i32
        %xor3A_232 = vector.broadcast %xor3A_231 : i32 to vector<16xi32>
        %xor3A_233 = arith.xori %iota3A_230, %xor3A_232 : vector<16xi32>
        %broadcast_in_dim3A_234 = vector.shape_cast %xor3A_233 : vector<16xi32> to vector<16x1xi32>
        %gather3A_235 = vector.shape_cast %broadcast_in_dim3A_234 : vector<16x1xi32> to vector<16xi32>
        %gather3A_236 = tpu.dynamic_gather %add3A_154[%gather3A_235] in [0] : vector<16xf32>, vector<16xi32> -> vector<16xf32>
        %select_n3A_237 = arith.select %eq3A_225, %gather3A_236, %add3A_221 : vector<16xi1>, vector<16xf32>
        %add3A_238 = arith.addf %select_n3A, %select_n3A_237 : vector<16xf32>
        %mul3A_239 = arith.constant 16 : i32
        %mul3A_240 = arith.muli %scan3A_88, %mul3A_239 : i32
        %add3A_241 = arith.constant 4 : i32
        %add3A_242 = arith.addi %mul3A_240, %add3A_241 : i32
        %get3A_243 = arith.index_cast %add3A_242 : i32 to index
        %get3A_244 = arith.constant 0 : index
        %get3A_245 = tpu.vector_load %arg9[%get3A_243, %get3A_244] {strides = array<i32>} : memref<128x128xf32, #tpu.memory_space<vmem>>, vector<16xf32>,
        %get3A_246 = arith.index_cast %add3A_242 : i32 to index
        %get3A_247 = arith.constant 0 : index
        %get3A_248 = tpu.vector_load %arg10[%get3A_246, %get3A_247] {strides = array<i32>} : memref<128x128xf32, #tpu.memory_space<vmem>>, vector<16xf32>,
        %mul3A_249 = arith.mulf %get3A_245, %get3A_248 : vector<16xf32>
        %get3A_250 = arith.index_cast %add3A_242 : i32 to index
        %get3A_251 = arith.constant 16 : index
        %get3A_252 = tpu.vector_load %arg9[%get3A_250, %get3A_251] {strides = array<i32>} : memref<128x128xf32, #tpu.memory_space<vmem>>, vector<16xf32>,
        %get3A_253 = arith.index_cast %add3A_242 : i32 to index
        %get3A_254 = arith.constant 16 : index
        %get3A_255 = tpu.vector_load %arg10[%get3A_253, %get3A_254] {strides = array<i32>} : memref<128x128xf32, #tpu.memory_space<vmem>>, vector<16xf32>,
        %mul3A_256 = arith.mulf %get3A_252, %get3A_255 : vector<16xf32>
        %add3A_257 = arith.addf %mul3A_249, %mul3A_256 : vector<16xf32>
        %get3A_258 = arith.index_cast %add3A_242 : i32 to index
        %get3A_259 = arith.constant 32 : index
        %get3A_260 = tpu.vector_load %arg9[%get3A_258, %get3A_259] {strides = array<i32>} : memref<128x128xf32, #tpu.memory_space<vmem>>, vector<16xf32>,
        %get3A_261 = arith.index_cast %add3A_242 : i32 to index
        %get3A_262 = arith.constant 32 : index
        %get3A_263 = tpu.vector_load %arg10[%get3A_261, %get3A_262] {strides = array<i32>} : memref<128x128xf32, #tpu.memory_space<vmem>>, vector<16xf32>,
        %mul3A_264 = arith.mulf %get3A_260, %get3A_263 : vector<16xf32>
        %add3A_265 = arith.addf %add3A_257, %mul3A_264 : vector<16xf32>
        %get3A_266 = arith.index_cast %add3A_242 : i32 to index
        %get3A_267 = arith.constant 48 : index
        %get3A_268 = tpu.vector_load %arg9[%get3A_266, %get3A_267] {strides = array<i32>} : memref<128x128xf32, #tpu.memory_space<vmem>>, vector<16xf32>,
        %get3A_269 = arith.index_cast %add3A_242 : i32 to index
        %get3A_270 = arith.constant 48 : index
        %get3A_271 = tpu.vector_load %arg10[%get3A_269, %get3A_270] {strides = array<i32>} : memref<128x128xf32, #tpu.memory_space<vmem>>, vector<16xf32>,
        %mul3A_272 = arith.mulf %get3A_268, %get3A_271 : vector<16xf32>
        %add3A_273 = arith.addf %add3A_265, %mul3A_272 : vector<16xf32>
        %get3A_274 = arith.index_cast %add3A_242 : i32 to index
        %get3A_275 = arith.constant 64 : index
        %get3A_276 = tpu.vector_load %arg9[%get3A_274, %get3A_275] {strides = array<i32>} : memref<128x128xf32, #tpu.memory_space<vmem>>, vector<16xf32>,
        %get3A_277 = arith.index_cast %add3A_242 : i32 to index
        %get3A_278 = arith.constant 64 : index
        %get3A_279 = tpu.vector_load %arg10[%get3A_277, %get3A_278] {strides = array<i32>} : memref<128x128xf32, #tpu.memory_space<vmem>>, vector<16xf32>,
        %mul3A_280 = arith.mulf %get3A_276, %get3A_279 : vector<16xf32>
        %add3A_281 = arith.addf %add3A_273, %mul3A_280 : vector<16xf32>
        %get3A_282 = arith.index_cast %add3A_242 : i32 to index
        %get3A_283 = arith.constant 80 : index
        %get3A_284 = tpu.vector_load %arg9[%get3A_282, %get3A_283] {strides = array<i32>} : memref<128x128xf32, #tpu.memory_space<vmem>>, vector<16xf32>,
        %get3A_285 = arith.index_cast %add3A_242 : i32 to index
        %get3A_286 = arith.constant 80 : index
        %get3A_287 = tpu.vector_load %arg10[%get3A_285, %get3A_286] {strides = array<i32>} : memref<128x128xf32, #tpu.memory_space<vmem>>, vector<16xf32>,
        %mul3A_288 = arith.mulf %get3A_284, %get3A_287 : vector<16xf32>
        %add3A_289 = arith.addf %add3A_281, %mul3A_288 : vector<16xf32>
        %get3A_290 = arith.index_cast %add3A_242 : i32 to index
        %get3A_291 = arith.constant 96 : index
        %get3A_292 = tpu.vector_load %arg9[%get3A_290, %get3A_291] {strides = array<i32>} : memref<128x128xf32, #tpu.memory_space<vmem>>, vector<16xf32>,
        %get3A_293 = arith.index_cast %add3A_242 : i32 to index
        %get3A_294 = arith.constant 96 : index
        %get3A_295 = tpu.vector_load %arg10[%get3A_293, %get3A_294] {strides = array<i32>} : memref<128x128xf32, #tpu.memory_space<vmem>>, vector<16xf32>,
        %mul3A_296 = arith.mulf %get3A_292, %get3A_295 : vector<16xf32>
        %add3A_297 = arith.addf %add3A_289, %mul3A_296 : vector<16xf32>
        %get3A_298 = arith.index_cast %add3A_242 : i32 to index
        %get3A_299 = arith.constant 112 : index
        %get3A_300 = tpu.vector_load %arg9[%get3A_298, %get3A_299] {strides = array<i32>} : memref<128x128xf32, #tpu.memory_space<vmem>>, vector<16xf32>,
        %get3A_301 = arith.index_cast %add3A_242 : i32 to index
        %get3A_302 = arith.constant 112 : index
        %get3A_303 = tpu.vector_load %arg10[%get3A_301, %get3A_302] {strides = array<i32>} : memref<128x128xf32, #tpu.memory_space<vmem>>, vector<16xf32>,
        %mul3A_304 = arith.mulf %get3A_300, %get3A_303 : vector<16xf32>
        %add3A_305 = arith.addf %add3A_297, %mul3A_304 : vector<16xf32>
        %mul3A_306 = arith.constant 16 : i32
        %mul3A_307 = arith.muli %scan3A_88, %mul3A_306 : i32
        %add3A_308 = arith.constant 12 : i32
        %add3A_309 = arith.addi %mul3A_307, %add3A_308 : i32
        %get3A_310 = arith.index_cast %add3A_309 : i32 to index
        %get3A_311 = arith.constant 0 : index
        %get3A_312 = tpu.vector_load %arg9[%get3A_310, %get3A_311] {strides = array<i32>} : memref<128x128xf32, #tpu.memory_space<vmem>>, vector<16xf32>,
        %get3A_313 = arith.index_cast %add3A_309 : i32 to index
        %get3A_314 = arith.constant 0 : index
        %get3A_315 = tpu.vector_load %arg10[%get3A_313, %get3A_314] {strides = array<i32>} : memref<128x128xf32, #tpu.memory_space<vmem>>, vector<16xf32>,
        %mul3A_316 = arith.mulf %get3A_312, %get3A_315 : vector<16xf32>
        %get3A_317 = arith.index_cast %add3A_309 : i32 to index
        %get3A_318 = arith.constant 16 : index
        %get3A_319 = tpu.vector_load %arg9[%get3A_317, %get3A_318] {strides = array<i32>} : memref<128x128xf32, #tpu.memory_space<vmem>>, vector<16xf32>,
        %get3A_320 = arith.index_cast %add3A_309 : i32 to index
        %get3A_321 = arith.constant 16 : index
        %get3A_322 = tpu.vector_load %arg10[%get3A_320, %get3A_321] {strides = array<i32>} : memref<128x128xf32, #tpu.memory_space<vmem>>, vector<16xf32>,
        %mul3A_323 = arith.mulf %get3A_319, %get3A_322 : vector<16xf32>
        %add3A_324 = arith.addf %mul3A_316, %mul3A_323 : vector<16xf32>
        %get3A_325 = arith.index_cast %add3A_309 : i32 to index
        %get3A_326 = arith.constant 32 : index
        %get3A_327 = tpu.vector_load %arg9[%get3A_325, %get3A_326] {strides = array<i32>} : memref<128x128xf32, #tpu.memory_space<vmem>>, vector<16xf32>,
        %get3A_328 = arith.index_cast %add3A_309 : i32 to index
        %get3A_329 = arith.constant 32 : index
        %get3A_330 = tpu.vector_load %arg10[%get3A_328, %get3A_329] {strides = array<i32>} : memref<128x128xf32, #tpu.memory_space<vmem>>, vector<16xf32>,
        %mul3A_331 = arith.mulf %get3A_327, %get3A_330 : vector<16xf32>
        %add3A_332 = arith.addf %add3A_324, %mul3A_331 : vector<16xf32>
        %get3A_333 = arith.index_cast %add3A_309 : i32 to index
        %get3A_334 = arith.constant 48 : index
        %get3A_335 = tpu.vector_load %arg9[%get3A_333, %get3A_334] {strides = array<i32>} : memref<128x128xf32, #tpu.memory_space<vmem>>, vector<16xf32>,
        %get3A_336 = arith.index_cast %add3A_309 : i32 to index
        %get3A_337 = arith.constant 48 : index
        %get3A_338 = tpu.vector_load %arg10[%get3A_336, %get3A_337] {strides = array<i32>} : memref<128x128xf32, #tpu.memory_space<vmem>>, vector<16xf32>,
        %mul3A_339 = arith.mulf %get3A_335, %get3A_338 : vector<16xf32>
        %add3A_340 = arith.addf %add3A_332, %mul3A_339 : vector<16xf32>
        %get3A_341 = arith.index_cast %add3A_309 : i32 to index
        %get3A_342 = arith.constant 64 : index
        %get3A_343 = tpu.vector_load %arg9[%get3A_341, %get3A_342] {strides = array<i32>} : memref<128x128xf32, #tpu.memory_space<vmem>>, vector<16xf32>,
        %get3A_344 = arith.index_cast %add3A_309 : i32 to index
        %get3A_345 = arith.constant 64 : index
        %get3A_346 = tpu.vector_load %arg10[%get3A_344, %get3A_345] {strides = array<i32>} : memref<128x128xf32, #tpu.memory_space<vmem>>, vector<16xf32>,
        %mul3A_347 = arith.mulf %get3A_343, %get3A_346 : vector<16xf32>
        %add3A_348 = arith.addf %add3A_340, %mul3A_347 : vector<16xf32>
        %get3A_349 = arith.index_cast %add3A_309 : i32 to index
        %get3A_350 = arith.constant 80 : index
        %get3A_351 = tpu.vector_load %arg9[%get3A_349, %get3A_350] {strides = array<i32>} : memref<128x128xf32, #tpu.memory_space<vmem>>, vector<16xf32>,
        %get3A_352 = arith.index_cast %add3A_309 : i32 to index
        %get3A_353 = arith.constant 80 : index
        %get3A_354 = tpu.vector_load %arg10[%get3A_352, %get3A_353] {strides = array<i32>} : memref<128x128xf32, #tpu.memory_space<vmem>>, vector<16xf32>,
        %mul3A_355 = arith.mulf %get3A_351, %get3A_354 : vector<16xf32>
        %add3A_356 = arith.addf %add3A_348, %mul3A_355 : vector<16xf32>
        %get3A_357 = arith.index_cast %add3A_309 : i32 to index
        %get3A_358 = arith.constant 96 : index
        %get3A_359 = tpu.vector_load %arg9[%get3A_357, %get3A_358] {strides = array<i32>} : memref<128x128xf32, #tpu.memory_space<vmem>>, vector<16xf32>,
        %get3A_360 = arith.index_cast %add3A_309 : i32 to index
        %get3A_361 = arith.constant 96 : index
        %get3A_362 = tpu.vector_load %arg10[%get3A_360, %get3A_361] {strides = array<i32>} : memref<128x128xf32, #tpu.memory_space<vmem>>, vector<16xf32>,
        %mul3A_363 = arith.mulf %get3A_359, %get3A_362 : vector<16xf32>
        %add3A_364 = arith.addf %add3A_356, %mul3A_363 : vector<16xf32>
        %get3A_365 = arith.index_cast %add3A_309 : i32 to index
        %get3A_366 = arith.constant 112 : index
        %get3A_367 = tpu.vector_load %arg9[%get3A_365, %get3A_366] {strides = array<i32>} : memref<128x128xf32, #tpu.memory_space<vmem>>, vector<16xf32>,
        %get3A_368 = arith.index_cast %add3A_309 : i32 to index
        %get3A_369 = arith.constant 112 : index
        %get3A_370 = tpu.vector_load %arg10[%get3A_368, %get3A_369] {strides = array<i32>} : memref<128x128xf32, #tpu.memory_space<vmem>>, vector<16xf32>,
        %mul3A_371 = arith.mulf %get3A_367, %get3A_370 : vector<16xf32>
        %add3A_372 = arith.addf %add3A_364, %mul3A_371 : vector<16xf32>
        %and3A_373 = arith.constant 8 : i32
        %and3A_374 = vector.broadcast %and3A_373 : i32 to vector<16xi32>
        %and3A_375 = arith.andi %iota3A, %and3A_374 : vector<16xi32>
        %eq3A_376 = arith.constant 0 : i32
        %eq3A_377 = vector.broadcast %eq3A_376 : i32 to vector<16xi32>
        %eq3A_378 = arith.cmpi eq, %and3A_375, %eq3A_377 : vector<16xi32>
        %iota3A_379 = tpu.iota {dimensions = array<i32: 0>} : vector<16xi32>
        %xor3A_380 = arith.constant 8 : i32
        %xor3A_381 = vector.broadcast %xor3A_380 : i32 to vector<16xi32>
        %xor3A_382 = arith.xori %iota3A_379, %xor3A_381 : vector<16xi32>
        %broadcast_in_dim3A_383 = vector.shape_cast %xor3A_382 : vector<16xi32> to vector<16x1xi32>
        %gather3A_384 = vector.shape_cast %broadcast_in_dim3A_383 : vector<16x1xi32> to vector<16xi32>
        %gather3A_385 = tpu.dynamic_gather %add3A_372[%gather3A_384] in [0] : vector<16xf32>, vector<16xi32> -> vector<16xf32>
        %select_n3A_386 = arith.select %eq3A_378, %add3A_305, %gather3A_385 : vector<16xi1>, vector<16xf32>
        %iota3A_387 = tpu.iota {dimensions = array<i32: 0>} : vector<16xi32>
        %xor3A_388 = arith.constant 8 : i32
        %xor3A_389 = vector.broadcast %xor3A_388 : i32 to vector<16xi32>
        %xor3A_390 = arith.xori %iota3A_387, %xor3A_389 : vector<16xi32>
        %broadcast_in_dim3A_391 = vector.shape_cast %xor3A_390 : vector<16xi32> to vector<16x1xi32>
        %gather3A_392 = vector.shape_cast %broadcast_in_dim3A_391 : vector<16x1xi32> to vector<16xi32>
        %gather3A_393 = tpu.dynamic_gather %add3A_305[%gather3A_392] in [0] : vector<16xf32>, vector<16xi32> -> vector<16xf32>
        %select_n3A_394 = arith.select %eq3A_378, %gather3A_393, %add3A_372 : vector<16xi1>, vector<16xf32>
        %add3A_395 = arith.addf %select_n3A_386, %select_n3A_394 : vector<16xf32>
        %and3A_396 = arith.constant 4 : i32
        %and3A_397 = vector.broadcast %and3A_396 : i32 to vector<16xi32>
        %and3A_398 = arith.andi %iota3A, %and3A_397 : vector<16xi32>
        %eq3A_399 = arith.constant 0 : i32
        %eq3A_400 = vector.broadcast %eq3A_399 : i32 to vector<16xi32>
        %eq3A_401 = arith.cmpi eq, %and3A_398, %eq3A_400 : vector<16xi32>
        %iota3A_402 = tpu.iota {dimensions = array<i32: 0>} : vector<16xi32>
        %xor3A_403 = arith.constant 4 : i32
        %xor3A_404 = vector.broadcast %xor3A_403 : i32 to vector<16xi32>
        %xor3A_405 = arith.xori %iota3A_402, %xor3A_404 : vector<16xi32>
        %broadcast_in_dim3A_406 = vector.shape_cast %xor3A_405 : vector<16xi32> to vector<16x1xi32>
        %gather3A_407 = vector.shape_cast %broadcast_in_dim3A_406 : vector<16x1xi32> to vector<16xi32>
        %gather3A_408 = tpu.dynamic_gather %add3A_395[%gather3A_407] in [0] : vector<16xf32>, vector<16xi32> -> vector<16xf32>
        %select_n3A_409 = arith.select %eq3A_401, %add3A_238, %gather3A_408 : vector<16xi1>, vector<16xf32>
        %iota3A_410 = tpu.iota {dimensions = array<i32: 0>} : vector<16xi32>
        %xor3A_411 = arith.constant 4 : i32
        %xor3A_412 = vector.broadcast %xor3A_411 : i32 to vector<16xi32>
        %xor3A_413 = arith.xori %iota3A_410, %xor3A_412 : vector<16xi32>
        %broadcast_in_dim3A_414 = vector.shape_cast %xor3A_413 : vector<16xi32> to vector<16x1xi32>
        %gather3A_415 = vector.shape_cast %broadcast_in_dim3A_414 : vector<16x1xi32> to vector<16xi32>
        %gather3A_416 = tpu.dynamic_gather %add3A_238[%gather3A_415] in [0] : vector<16xf32>, vector<16xi32> -> vector<16xf32>
        %select_n3A_417 = arith.select %eq3A_401, %gather3A_416, %add3A_395 : vector<16xi1>, vector<16xf32>
        %add3A_418 = arith.addf %select_n3A_409, %select_n3A_417 : vector<16xf32>
        %mul3A_419 = arith.constant 16 : i32
        %mul3A_420 = arith.muli %scan3A_88, %mul3A_419 : i32
        %add3A_421 = arith.constant 2 : i32
        %add3A_422 = arith.addi %mul3A_420, %add3A_421 : i32
        %get3A_423 = arith.index_cast %add3A_422 : i32 to index
        %get3A_424 = arith.constant 0 : index
        %get3A_425 = tpu.vector_load %arg9[%get3A_423, %get3A_424] {strides = array<i32>} : memref<128x128xf32, #tpu.memory_space<vmem>>, vector<16xf32>,
        %get3A_426 = arith.index_cast %add3A_422 : i32 to index
        %get3A_427 = arith.constant 0 : index
        %get3A_428 = tpu.vector_load %arg10[%get3A_426, %get3A_427] {strides = array<i32>} : memref<128x128xf32, #tpu.memory_space<vmem>>, vector<16xf32>,
        %mul3A_429 = arith.mulf %get3A_425, %get3A_428 : vector<16xf32>
        %get3A_430 = arith.index_cast %add3A_422 : i32 to index
        %get3A_431 = arith.constant 16 : index
        %get3A_432 = tpu.vector_load %arg9[%get3A_430, %get3A_431] {strides = array<i32>} : memref<128x128xf32, #tpu.memory_space<vmem>>, vector<16xf32>,
        %get3A_433 = arith.index_cast %add3A_422 : i32 to index
        %get3A_434 = arith.constant 16 : index
        %get3A_435 = tpu.vector_load %arg10[%get3A_433, %get3A_434] {strides = array<i32>} : memref<128x128xf32, #tpu.memory_space<vmem>>, vector<16xf32>,
        %mul3A_436 = arith.mulf %get3A_432, %get3A_435 : vector<16xf32>
        %add3A_437 = arith.addf %mul3A_429, %mul3A_436 : vector<16xf32>
        %get3A_438 = arith.index_cast %add3A_422 : i32 to index
        %get3A_439 = arith.constant 32 : index
        %get3A_440 = tpu.vector_load %arg9[%get3A_438, %get3A_439] {strides = array<i32>} : memref<128x128xf32, #tpu.memory_space<vmem>>, vector<16xf32>,
        %get3A_441 = arith.index_cast %add3A_422 : i32 to index
        %get3A_442 = arith.constant 32 : index
        %get3A_443 = tpu.vector_load %arg10[%get3A_441, %get3A_442] {strides = array<i32>} : memref<128x128xf32, #tpu.memory_space<vmem>>, vector<16xf32>,
        %mul3A_444 = arith.mulf %get3A_440, %get3A_443 : vector<16xf32>
        %add3A_445 = arith.addf %add3A_437, %mul3A_444 : vector<16xf32>
        %get3A_446 = arith.index_cast %add3A_422 : i32 to index
        %get3A_447 = arith.constant 48 : index
        %get3A_448 = tpu.vector_load %arg9[%get3A_446, %get3A_447] {strides = array<i32>} : memref<128x128xf32, #tpu.memory_space<vmem>>, vector<16xf32>,
        %get3A_449 = arith.index_cast %add3A_422 : i32 to index
        %get3A_450 = arith.constant 48 : index
        %get3A_451 = tpu.vector_load %arg10[%get3A_449, %get3A_450] {strides = array<i32>} : memref<128x128xf32, #tpu.memory_space<vmem>>, vector<16xf32>,
        %mul3A_452 = arith.mulf %get3A_448, %get3A_451 : vector<16xf32>
        %add3A_453 = arith.addf %add3A_445, %mul3A_452 : vector<16xf32>
        %get3A_454 = arith.index_cast %add3A_422 : i32 to index
        %get3A_455 = arith.constant 64 : index
        %get3A_456 = tpu.vector_load %arg9[%get3A_454, %get3A_455] {strides = array<i32>} : memref<128x128xf32, #tpu.memory_space<vmem>>, vector<16xf32>,
        %get3A_457 = arith.index_cast %add3A_422 : i32 to index
        %get3A_458 = arith.constant 64 : index
        %get3A_459 = tpu.vector_load %arg10[%get3A_457, %get3A_458] {strides = array<i32>} : memref<128x128xf32, #tpu.memory_space<vmem>>, vector<16xf32>,
        %mul3A_460 = arith.mulf %get3A_456, %get3A_459 : vector<16xf32>
        %add3A_461 = arith.addf %add3A_453, %mul3A_460 : vector<16xf32>
        %get3A_462 = arith.index_cast %add3A_422 : i32 to index
        %get3A_463 = arith.constant 80 : index
        %get3A_464 = tpu.vector_load %arg9[%get3A_462, %get3A_463] {strides = array<i32>} : memref<128x128xf32, #tpu.memory_space<vmem>>, vector<16xf32>,
        %get3A_465 = arith.index_cast %add3A_422 : i32 to index
        %get3A_466 = arith.constant 80 : index
        %get3A_467 = tpu.vector_load %arg10[%get3A_465, %get3A_466] {strides = array<i32>} : memref<128x128xf32, #tpu.memory_space<vmem>>, vector<16xf32>,
        %mul3A_468 = arith.mulf %get3A_464, %get3A_467 : vector<16xf32>
        %add3A_469 = arith.addf %add3A_461, %mul3A_468 : vector<16xf32>
        %get3A_470 = arith.index_cast %add3A_422 : i32 to index
        %get3A_471 = arith.constant 96 : index
        %get3A_472 = tpu.vector_load %arg9[%get3A_470, %get3A_471] {strides = array<i32>} : memref<128x128xf32, #tpu.memory_space<vmem>>, vector<16xf32>,
        %get3A_473 = arith.index_cast %add3A_422 : i32 to index
        %get3A_474 = arith.constant 96 : index
        %get3A_475 = tpu.vector_load %arg10[%get3A_473, %get3A_474] {strides = array<i32>} : memref<128x128xf32, #tpu.memory_space<vmem>>, vector<16xf32>,
        %mul3A_476 = arith.mulf %get3A_472, %get3A_475 : vector<16xf32>
        %add3A_477 = arith.addf %add3A_469, %mul3A_476 : vector<16xf32>
        %get3A_478 = arith.index_cast %add3A_422 : i32 to index
        %get3A_479 = arith.constant 112 : index
        %get3A_480 = tpu.vector_load %arg9[%get3A_478, %get3A_479] {strides = array<i32>} : memref<128x128xf32, #tpu.memory_space<vmem>>, vector<16xf32>,
        %get3A_481 = arith.index_cast %add3A_422 : i32 to index
        %get3A_482 = arith.constant 112 : index
        %get3A_483 = tpu.vector_load %arg10[%get3A_481, %get3A_482] {strides = array<i32>} : memref<128x128xf32, #tpu.memory_space<vmem>>, vector<16xf32>,
        %mul3A_484 = arith.mulf %get3A_480, %get3A_483 : vector<16xf32>
        %add3A_485 = arith.addf %add3A_477, %mul3A_484 : vector<16xf32>
        %mul3A_486 = arith.constant 16 : i32
        %mul3A_487 = arith.muli %scan3A_88, %mul3A_486 : i32
        %add3A_488 = arith.constant 10 : i32
        %add3A_489 = arith.addi %mul3A_487, %add3A_488 : i32
        %get3A_490 = arith.index_cast %add3A_489 : i32 to index
        %get3A_491 = arith.constant 0 : index
        %get3A_492 = tpu.vector_load %arg9[%get3A_490, %get3A_491] {strides = array<i32>} : memref<128x128xf32, #tpu.memory_space<vmem>>, vector<16xf32>,
        %get3A_493 = arith.index_cast %add3A_489 : i32 to index
        %get3A_494 = arith.constant 0 : index
        %get3A_495 = tpu.vector_load %arg10[%get3A_493, %get3A_494] {strides = array<i32>} : memref<128x128xf32, #tpu.memory_space<vmem>>, vector<16xf32>,
        %mul3A_496 = arith.mulf %get3A_492, %get3A_495 : vector<16xf32>
        %get3A_497 = arith.index_cast %add3A_489 : i32 to index
        %get3A_498 = arith.constant 16 : index
        %get3A_499 = tpu.vector_load %arg9[%get3A_497, %get3A_498] {strides = array<i32>} : memref<128x128xf32, #tpu.memory_space<vmem>>, vector<16xf32>,
        %get3A_500 = arith.index_cast %add3A_489 : i32 to index
        %get3A_501 = arith.constant 16 : index
        %get3A_502 = tpu.vector_load %arg10[%get3A_500, %get3A_501] {strides = array<i32>} : memref<128x128xf32, #tpu.memory_space<vmem>>, vector<16xf32>,
        %mul3A_503 = arith.mulf %get3A_499, %get3A_502 : vector<16xf32>
        %add3A_504 = arith.addf %mul3A_496, %mul3A_503 : vector<16xf32>
        %get3A_505 = arith.index_cast %add3A_489 : i32 to index
        %get3A_506 = arith.constant 32 : index
        %get3A_507 = tpu.vector_load %arg9[%get3A_505, %get3A_506] {strides = array<i32>} : memref<128x128xf32, #tpu.memory_space<vmem>>, vector<16xf32>,
        %get3A_508 = arith.index_cast %add3A_489 : i32 to index
        %get3A_509 = arith.constant 32 : index
        %get3A_510 = tpu.vector_load %arg10[%get3A_508, %get3A_509] {strides = array<i32>} : memref<128x128xf32, #tpu.memory_space<vmem>>, vector<16xf32>,
        %mul3A_511 = arith.mulf %get3A_507, %get3A_510 : vector<16xf32>
        %add3A_512 = arith.addf %add3A_504, %mul3A_511 : vector<16xf32>
        %get3A_513 = arith.index_cast %add3A_489 : i32 to index
        %get3A_514 = arith.constant 48 : index
        %get3A_515 = tpu.vector_load %arg9[%get3A_513, %get3A_514] {strides = array<i32>} : memref<128x128xf32, #tpu.memory_space<vmem>>, vector<16xf32>,
        %get3A_516 = arith.index_cast %add3A_489 : i32 to index
        %get3A_517 = arith.constant 48 : index
        %get3A_518 = tpu.vector_load %arg10[%get3A_516, %get3A_517] {strides = array<i32>} : memref<128x128xf32, #tpu.memory_space<vmem>>, vector<16xf32>,
        %mul3A_519 = arith.mulf %get3A_515, %get3A_518 : vector<16xf32>
        %add3A_520 = arith.addf %add3A_512, %mul3A_519 : vector<16xf32>
        %get3A_521 = arith.index_cast %add3A_489 : i32 to index
        %get3A_522 = arith.constant 64 : index
        %get3A_523 = tpu.vector_load %arg9[%get3A_521, %get3A_522] {strides = array<i32>} : memref<128x128xf32, #tpu.memory_space<vmem>>, vector<16xf32>,
        %get3A_524 = arith.index_cast %add3A_489 : i32 to index
        %get3A_525 = arith.constant 64 : index
        %get3A_526 = tpu.vector_load %arg10[%get3A_524, %get3A_525] {strides = array<i32>} : memref<128x128xf32, #tpu.memory_space<vmem>>, vector<16xf32>,
        %mul3A_527 = arith.mulf %get3A_523, %get3A_526 : vector<16xf32>
        %add3A_528 = arith.addf %add3A_520, %mul3A_527 : vector<16xf32>
        %get3A_529 = arith.index_cast %add3A_489 : i32 to index
        %get3A_530 = arith.constant 80 : index
        %get3A_531 = tpu.vector_load %arg9[%get3A_529, %get3A_530] {strides = array<i32>} : memref<128x128xf32, #tpu.memory_space<vmem>>, vector<16xf32>,
        %get3A_532 = arith.index_cast %add3A_489 : i32 to index
        %get3A_533 = arith.constant 80 : index
        %get3A_534 = tpu.vector_load %arg10[%get3A_532, %get3A_533] {strides = array<i32>} : memref<128x128xf32, #tpu.memory_space<vmem>>, vector<16xf32>,
        %mul3A_535 = arith.mulf %get3A_531, %get3A_534 : vector<16xf32>
        %add3A_536 = arith.addf %add3A_528, %mul3A_535 : vector<16xf32>
        %get3A_537 = arith.index_cast %add3A_489 : i32 to index
        %get3A_538 = arith.constant 96 : index
        %get3A_539 = tpu.vector_load %arg9[%get3A_537, %get3A_538] {strides = array<i32>} : memref<128x128xf32, #tpu.memory_space<vmem>>, vector<16xf32>,
        %get3A_540 = arith.index_cast %add3A_489 : i32 to index
        %get3A_541 = arith.constant 96 : index
        %get3A_542 = tpu.vector_load %arg10[%get3A_540, %get3A_541] {strides = array<i32>} : memref<128x128xf32, #tpu.memory_space<vmem>>, vector<16xf32>,
        %mul3A_543 = arith.mulf %get3A_539, %get3A_542 : vector<16xf32>
        %add3A_544 = arith.addf %add3A_536, %mul3A_543 : vector<16xf32>
        %get3A_545 = arith.index_cast %add3A_489 : i32 to index
        %get3A_546 = arith.constant 112 : index
        %get3A_547 = tpu.vector_load %arg9[%get3A_545, %get3A_546] {strides = array<i32>} : memref<128x128xf32, #tpu.memory_space<vmem>>, vector<16xf32>,
        %get3A_548 = arith.index_cast %add3A_489 : i32 to index
        %get3A_549 = arith.constant 112 : index
        %get3A_550 = tpu.vector_load %arg10[%get3A_548, %get3A_549] {strides = array<i32>} : memref<128x128xf32, #tpu.memory_space<vmem>>, vector<16xf32>,
        %mul3A_551 = arith.mulf %get3A_547, %get3A_550 : vector<16xf32>
        %add3A_552 = arith.addf %add3A_544, %mul3A_551 : vector<16xf32>
        %and3A_553 = arith.constant 8 : i32
        %and3A_554 = vector.broadcast %and3A_553 : i32 to vector<16xi32>
        %and3A_555 = arith.andi %iota3A, %and3A_554 : vector<16xi32>
        %eq3A_556 = arith.constant 0 : i32
        %eq3A_557 = vector.broadcast %eq3A_556 : i32 to vector<16xi32>
        %eq3A_558 = arith.cmpi eq, %and3A_555, %eq3A_557 : vector<16xi32>
        %iota3A_559 = tpu.iota {dimensions = array<i32: 0>} : vector<16xi32>
        %xor3A_560 = arith.constant 8 : i32
        %xor3A_561 = vector.broadcast %xor3A_560 : i32 to vector<16xi32>
        %xor3A_562 = arith.xori %iota3A_559, %xor3A_561 : vector<16xi32>
        %broadcast_in_dim3A_563 = vector.shape_cast %xor3A_562 : vector<16xi32> to vector<16x1xi32>
        %gather3A_564 = vector.shape_cast %broadcast_in_dim3A_563 : vector<16x1xi32> to vector<16xi32>
        %gather3A_565 = tpu.dynamic_gather %add3A_552[%gather3A_564] in [0] : vector<16xf32>, vector<16xi32> -> vector<16xf32>
        %select_n3A_566 = arith.select %eq3A_558, %add3A_485, %gather3A_565 : vector<16xi1>, vector<16xf32>
        %iota3A_567 = tpu.iota {dimensions = array<i32: 0>} : vector<16xi32>
        %xor3A_568 = arith.constant 8 : i32
        %xor3A_569 = vector.broadcast %xor3A_568 : i32 to vector<16xi32>
        %xor3A_570 = arith.xori %iota3A_567, %xor3A_569 : vector<16xi32>
        %broadcast_in_dim3A_571 = vector.shape_cast %xor3A_570 : vector<16xi32> to vector<16x1xi32>
        %gather3A_572 = vector.shape_cast %broadcast_in_dim3A_571 : vector<16x1xi32> to vector<16xi32>
        %gather3A_573 = tpu.dynamic_gather %add3A_485[%gather3A_572] in [0] : vector<16xf32>, vector<16xi32> -> vector<16xf32>
        %select_n3A_574 = arith.select %eq3A_558, %gather3A_573, %add3A_552 : vector<16xi1>, vector<16xf32>
        %add3A_575 = arith.addf %select_n3A_566, %select_n3A_574 : vector<16xf32>
        %mul3A_576 = arith.constant 16 : i32
        %mul3A_577 = arith.muli %scan3A_88, %mul3A_576 : i32
        %add3A_578 = arith.constant 6 : i32
        %add3A_579 = arith.addi %mul3A_577, %add3A_578 : i32
        %get3A_580 = arith.index_cast %add3A_579 : i32 to index
        %get3A_581 = arith.constant 0 : index
        %get3A_582 = tpu.vector_load %arg9[%get3A_580, %get3A_581] {strides = array<i32>} : memref<128x128xf32, #tpu.memory_space<vmem>>, vector<16xf32>,
        %get3A_583 = arith.index_cast %add3A_579 : i32 to index
        %get3A_584 = arith.constant 0 : index
        %get3A_585 = tpu.vector_load %arg10[%get3A_583, %get3A_584] {strides = array<i32>} : memref<128x128xf32, #tpu.memory_space<vmem>>, vector<16xf32>,
        %mul3A_586 = arith.mulf %get3A_582, %get3A_585 : vector<16xf32>
        %get3A_587 = arith.index_cast %add3A_579 : i32 to index
        %get3A_588 = arith.constant 16 : index
        %get3A_589 = tpu.vector_load %arg9[%get3A_587, %get3A_588] {strides = array<i32>} : memref<128x128xf32, #tpu.memory_space<vmem>>, vector<16xf32>,
        %get3A_590 = arith.index_cast %add3A_579 : i32 to index
        %get3A_591 = arith.constant 16 : index
        %get3A_592 = tpu.vector_load %arg10[%get3A_590, %get3A_591] {strides = array<i32>} : memref<128x128xf32, #tpu.memory_space<vmem>>, vector<16xf32>,
        %mul3A_593 = arith.mulf %get3A_589, %get3A_592 : vector<16xf32>
        %add3A_594 = arith.addf %mul3A_586, %mul3A_593 : vector<16xf32>
        %get3A_595 = arith.index_cast %add3A_579 : i32 to index
        %get3A_596 = arith.constant 32 : index
        %get3A_597 = tpu.vector_load %arg9[%get3A_595, %get3A_596] {strides = array<i32>} : memref<128x128xf32, #tpu.memory_space<vmem>>, vector<16xf32>,
        %get3A_598 = arith.index_cast %add3A_579 : i32 to index
        %get3A_599 = arith.constant 32 : index
        %get3A_600 = tpu.vector_load %arg10[%get3A_598, %get3A_599] {strides = array<i32>} : memref<128x128xf32, #tpu.memory_space<vmem>>, vector<16xf32>,
        %mul3A_601 = arith.mulf %get3A_597, %get3A_600 : vector<16xf32>
        %add3A_602 = arith.addf %add3A_594, %mul3A_601 : vector<16xf32>
        %get3A_603 = arith.index_cast %add3A_579 : i32 to index
        %get3A_604 = arith.constant 48 : index
        %get3A_605 = tpu.vector_load %arg9[%get3A_603, %get3A_604] {strides = array<i32>} : memref<128x128xf32, #tpu.memory_space<vmem>>, vector<16xf32>,
        %get3A_606 = arith.index_cast %add3A_579 : i32 to index
        %get3A_607 = arith.constant 48 : index
        %get3A_608 = tpu.vector_load %arg10[%get3A_606, %get3A_607] {strides = array<i32>} : memref<128x128xf32, #tpu.memory_space<vmem>>, vector<16xf32>,
        %mul3A_609 = arith.mulf %get3A_605, %get3A_608 : vector<16xf32>
        %add3A_610 = arith.addf %add3A_602, %mul3A_609 : vector<16xf32>
        %get3A_611 = arith.index_cast %add3A_579 : i32 to index
        %get3A_612 = arith.constant 64 : index
        %get3A_613 = tpu.vector_load %arg9[%get3A_611, %get3A_612] {strides = array<i32>} : memref<128x128xf32, #tpu.memory_space<vmem>>, vector<16xf32>,
        %get3A_614 = arith.index_cast %add3A_579 : i32 to index
        %get3A_615 = arith.constant 64 : index
        %get3A_616 = tpu.vector_load %arg10[%get3A_614, %get3A_615] {strides = array<i32>} : memref<128x128xf32, #tpu.memory_space<vmem>>, vector<16xf32>,
        %mul3A_617 = arith.mulf %get3A_613, %get3A_616 : vector<16xf32>
        %add3A_618 = arith.addf %add3A_610, %mul3A_617 : vector<16xf32>
        %get3A_619 = arith.index_cast %add3A_579 : i32 to index
        %get3A_620 = arith.constant 80 : index
        %get3A_621 = tpu.vector_load %arg9[%get3A_619, %get3A_620] {strides = array<i32>} : memref<128x128xf32, #tpu.memory_space<vmem>>, vector<16xf32>,
        %get3A_622 = arith.index_cast %add3A_579 : i32 to index
        %get3A_623 = arith.constant 80 : index
        %get3A_624 = tpu.vector_load %arg10[%get3A_622, %get3A_623] {strides = array<i32>} : memref<128x128xf32, #tpu.memory_space<vmem>>, vector<16xf32>,
        %mul3A_625 = arith.mulf %get3A_621, %get3A_624 : vector<16xf32>
        %add3A_626 = arith.addf %add3A_618, %mul3A_625 : vector<16xf32>
        %get3A_627 = arith.index_cast %add3A_579 : i32 to index
        %get3A_628 = arith.constant 96 : index
        %get3A_629 = tpu.vector_load %arg9[%get3A_627, %get3A_628] {strides = array<i32>} : memref<128x128xf32, #tpu.memory_space<vmem>>, vector<16xf32>,
        %get3A_630 = arith.index_cast %add3A_579 : i32 to index
        %get3A_631 = arith.constant 96 : index
        %get3A_632 = tpu.vector_load %arg10[%get3A_630, %get3A_631] {strides = array<i32>} : memref<128x128xf32, #tpu.memory_space<vmem>>, vector<16xf32>,
        %mul3A_633 = arith.mulf %get3A_629, %get3A_632 : vector<16xf32>
        %add3A_634 = arith.addf %add3A_626, %mul3A_633 : vector<16xf32>
        %get3A_635 = arith.index_cast %add3A_579 : i32 to index
        %get3A_636 = arith.constant 112 : index
        %get3A_637 = tpu.vector_load %arg9[%get3A_635, %get3A_636] {strides = array<i32>} : memref<128x128xf32, #tpu.memory_space<vmem>>, vector<16xf32>,
        %get3A_638 = arith.index_cast %add3A_579 : i32 to index
        %get3A_639 = arith.constant 112 : index
        %get3A_640 = tpu.vector_load %arg10[%get3A_638, %get3A_639] {strides = array<i32>} : memref<128x128xf32, #tpu.memory_space<vmem>>, vector<16xf32>,
        %mul3A_641 = arith.mulf %get3A_637, %get3A_640 : vector<16xf32>
        %add3A_642 = arith.addf %add3A_634, %mul3A_641 : vector<16xf32>
        %mul3A_643 = arith.constant 16 : i32
        %mul3A_644 = arith.muli %scan3A_88, %mul3A_643 : i32
        %add3A_645 = arith.constant 14 : i32
        %add3A_646 = arith.addi %mul3A_644, %add3A_645 : i32
        %get3A_647 = arith.index_cast %add3A_646 : i32 to index
        %get3A_648 = arith.constant 0 : index
        %get3A_649 = tpu.vector_load %arg9[%get3A_647, %get3A_648] {strides = array<i32>} : memref<128x128xf32, #tpu.memory_space<vmem>>, vector<16xf32>,
        %get3A_650 = arith.index_cast %add3A_646 : i32 to index
        %get3A_651 = arith.constant 0 : index
        %get3A_652 = tpu.vector_load %arg10[%get3A_650, %get3A_651] {strides = array<i32>} : memref<128x128xf32, #tpu.memory_space<vmem>>, vector<16xf32>,
        %mul3A_653 = arith.mulf %get3A_649, %get3A_652 : vector<16xf32>
        %get3A_654 = arith.index_cast %add3A_646 : i32 to index
        %get3A_655 = arith.constant 16 : index
        %get3A_656 = tpu.vector_load %arg9[%get3A_654, %get3A_655] {strides = array<i32>} : memref<128x128xf32, #tpu.memory_space<vmem>>, vector<16xf32>,
        %get3A_657 = arith.index_cast %add3A_646 : i32 to index
        %get3A_658 = arith.constant 16 : index
        %get3A_659 = tpu.vector_load %arg10[%get3A_657, %get3A_658] {strides = array<i32>} : memref<128x128xf32, #tpu.memory_space<vmem>>, vector<16xf32>,
        %mul3A_660 = arith.mulf %get3A_656, %get3A_659 : vector<16xf32>
        %add3A_661 = arith.addf %mul3A_653, %mul3A_660 : vector<16xf32>
        %get3A_662 = arith.index_cast %add3A_646 : i32 to index
        %get3A_663 = arith.constant 32 : index
        %get3A_664 = tpu.vector_load %arg9[%get3A_662, %get3A_663] {strides = array<i32>} : memref<128x128xf32, #tpu.memory_space<vmem>>, vector<16xf32>,
        %get3A_665 = arith.index_cast %add3A_646 : i32 to index
        %get3A_666 = arith.constant 32 : index
        %get3A_667 = tpu.vector_load %arg10[%get3A_665, %get3A_666] {strides = array<i32>} : memref<128x128xf32, #tpu.memory_space<vmem>>, vector<16xf32>,
        %mul3A_668 = arith.mulf %get3A_664, %get3A_667 : vector<16xf32>
        %add3A_669 = arith.addf %add3A_661, %mul3A_668 : vector<16xf32>
        %get3A_670 = arith.index_cast %add3A_646 : i32 to index
        %get3A_671 = arith.constant 48 : index
        %get3A_672 = tpu.vector_load %arg9[%get3A_670, %get3A_671] {strides = array<i32>} : memref<128x128xf32, #tpu.memory_space<vmem>>, vector<16xf32>,
        %get3A_673 = arith.index_cast %add3A_646 : i32 to index
        %get3A_674 = arith.constant 48 : index
        %get3A_675 = tpu.vector_load %arg10[%get3A_673, %get3A_674] {strides = array<i32>} : memref<128x128xf32, #tpu.memory_space<vmem>>, vector<16xf32>,
        %mul3A_676 = arith.mulf %get3A_672, %get3A_675 : vector<16xf32>
        %add3A_677 = arith.addf %add3A_669, %mul3A_676 : vector<16xf32>
        %get3A_678 = arith.index_cast %add3A_646 : i32 to index
        %get3A_679 = arith.constant 64 : index
        %get3A_680 = tpu.vector_load %arg9[%get3A_678, %get3A_679] {strides = array<i32>} : memref<128x128xf32, #tpu.memory_space<vmem>>, vector<16xf32>,
        %get3A_681 = arith.index_cast %add3A_646 : i32 to index
        %get3A_682 = arith.constant 64 : index
        %get3A_683 = tpu.vector_load %arg10[%get3A_681, %get3A_682] {strides = array<i32>} : memref<128x128xf32, #tpu.memory_space<vmem>>, vector<16xf32>,
        %mul3A_684 = arith.mulf %get3A_680, %get3A_683 : vector<16xf32>
        %add3A_685 = arith.addf %add3A_677, %mul3A_684 : vector<16xf32>
        %get3A_686 = arith.index_cast %add3A_646 : i32 to index
        %get3A_687 = arith.constant 80 : index
        %get3A_688 = tpu.vector_load %arg9[%get3A_686, %get3A_687] {strides = array<i32>} : memref<128x128xf32, #tpu.memory_space<vmem>>, vector<16xf32>,
        %get3A_689 = arith.index_cast %add3A_646 : i32 to index
        %get3A_690 = arith.constant 80 : index
        %get3A_691 = tpu.vector_load %arg10[%get3A_689, %get3A_690] {strides = array<i32>} : memref<128x128xf32, #tpu.memory_space<vmem>>, vector<16xf32>,
        %mul3A_692 = arith.mulf %get3A_688, %get3A_691 : vector<16xf32>
        %add3A_693 = arith.addf %add3A_685, %mul3A_692 : vector<16xf32>
        %get3A_694 = arith.index_cast %add3A_646 : i32 to index
        %get3A_695 = arith.constant 96 : index
        %get3A_696 = tpu.vector_load %arg9[%get3A_694, %get3A_695] {strides = array<i32>} : memref<128x128xf32, #tpu.memory_space<vmem>>, vector<16xf32>,
        %get3A_697 = arith.index_cast %add3A_646 : i32 to index
        %get3A_698 = arith.constant 96 : index
        %get3A_699 = tpu.vector_load %arg10[%get3A_697, %get3A_698] {strides = array<i32>} : memref<128x128xf32, #tpu.memory_space<vmem>>, vector<16xf32>,
        %mul3A_700 = arith.mulf %get3A_696, %get3A_699 : vector<16xf32>
        %add3A_701 = arith.addf %add3A_693, %mul3A_700 : vector<16xf32>
        %get3A_702 = arith.index_cast %add3A_646 : i32 to index
        %get3A_703 = arith.constant 112 : index
        %get3A_704 = tpu.vector_load %arg9[%get3A_702, %get3A_703] {strides = array<i32>} : memref<128x128xf32, #tpu.memory_space<vmem>>, vector<16xf32>,
        %get3A_705 = arith.index_cast %add3A_646 : i32 to index
        %get3A_706 = arith.constant 112 : index
        %get3A_707 = tpu.vector_load %arg10[%get3A_705, %get3A_706] {strides = array<i32>} : memref<128x128xf32, #tpu.memory_space<vmem>>, vector<16xf32>,
        %mul3A_708 = arith.mulf %get3A_704, %get3A_707 : vector<16xf32>
        %add3A_709 = arith.addf %add3A_701, %mul3A_708 : vector<16xf32>
        %and3A_710 = arith.constant 8 : i32
        %and3A_711 = vector.broadcast %and3A_710 : i32 to vector<16xi32>
        %and3A_712 = arith.andi %iota3A, %and3A_711 : vector<16xi32>
        %eq3A_713 = arith.constant 0 : i32
        %eq3A_714 = vector.broadcast %eq3A_713 : i32 to vector<16xi32>
        %eq3A_715 = arith.cmpi eq, %and3A_712, %eq3A_714 : vector<16xi32>
        %iota3A_716 = tpu.iota {dimensions = array<i32: 0>} : vector<16xi32>
        %xor3A_717 = arith.constant 8 : i32
        %xor3A_718 = vector.broadcast %xor3A_717 : i32 to vector<16xi32>
        %xor3A_719 = arith.xori %iota3A_716, %xor3A_718 : vector<16xi32>
        %broadcast_in_dim3A_720 = vector.shape_cast %xor3A_719 : vector<16xi32> to vector<16x1xi32>
        %gather3A_721 = vector.shape_cast %broadcast_in_dim3A_720 : vector<16x1xi32> to vector<16xi32>
        %gather3A_722 = tpu.dynamic_gather %add3A_709[%gather3A_721] in [0] : vector<16xf32>, vector<16xi32> -> vector<16xf32>
        %select_n3A_723 = arith.select %eq3A_715, %add3A_642, %gather3A_722 : vector<16xi1>, vector<16xf32>
        %iota3A_724 = tpu.iota {dimensions = array<i32: 0>} : vector<16xi32>
        %xor3A_725 = arith.constant 8 : i32
        %xor3A_726 = vector.broadcast %xor3A_725 : i32 to vector<16xi32>
        %xor3A_727 = arith.xori %iota3A_724, %xor3A_726 : vector<16xi32>
        %broadcast_in_dim3A_728 = vector.shape_cast %xor3A_727 : vector<16xi32> to vector<16x1xi32>
        %gather3A_729 = vector.shape_cast %broadcast_in_dim3A_728 : vector<16x1xi32> to vector<16xi32>
        %gather3A_730 = tpu.dynamic_gather %add3A_642[%gather3A_729] in [0] : vector<16xf32>, vector<16xi32> -> vector<16xf32>
        %select_n3A_731 = arith.select %eq3A_715, %gather3A_730, %add3A_709 : vector<16xi1>, vector<16xf32>
        %add3A_732 = arith.addf %select_n3A_723, %select_n3A_731 : vector<16xf32>
        %and3A_733 = arith.constant 4 : i32
        %and3A_734 = vector.broadcast %and3A_733 : i32 to vector<16xi32>
        %and3A_735 = arith.andi %iota3A, %and3A_734 : vector<16xi32>
        %eq3A_736 = arith.constant 0 : i32
        %eq3A_737 = vector.broadcast %eq3A_736 : i32 to vector<16xi32>
        %eq3A_738 = arith.cmpi eq, %and3A_735, %eq3A_737 : vector<16xi32>
        %iota3A_739 = tpu.iota {dimensions = array<i32: 0>} : vector<16xi32>
        %xor3A_740 = arith.constant 4 : i32
        %xor3A_741 = vector.broadcast %xor3A_740 : i32 to vector<16xi32>
        %xor3A_742 = arith.xori %iota3A_739, %xor3A_741 : vector<16xi32>
        %broadcast_in_dim3A_743 = vector.shape_cast %xor3A_742 : vector<16xi32> to vector<16x1xi32>
        %gather3A_744 = vector.shape_cast %broadcast_in_dim3A_743 : vector<16x1xi32> to vector<16xi32>
        %gather3A_745 = tpu.dynamic_gather %add3A_732[%gather3A_744] in [0] : vector<16xf32>, vector<16xi32> -> vector<16xf32>
        %select_n3A_746 = arith.select %eq3A_738, %add3A_575, %gather3A_745 : vector<16xi1>, vector<16xf32>
        %iota3A_747 = tpu.iota {dimensions = array<i32: 0>} : vector<16xi32>
        %xor3A_748 = arith.constant 4 : i32
        %xor3A_749 = vector.broadcast %xor3A_748 : i32 to vector<16xi32>
        %xor3A_750 = arith.xori %iota3A_747, %xor3A_749 : vector<16xi32>
        %broadcast_in_dim3A_751 = vector.shape_cast %xor3A_750 : vector<16xi32> to vector<16x1xi32>
        %gather3A_752 = vector.shape_cast %broadcast_in_dim3A_751 : vector<16x1xi32> to vector<16xi32>
        %gather3A_753 = tpu.dynamic_gather %add3A_575[%gather3A_752] in [0] : vector<16xf32>, vector<16xi32> -> vector<16xf32>
        %select_n3A_754 = arith.select %eq3A_738, %gather3A_753, %add3A_732 : vector<16xi1>, vector<16xf32>
        %add3A_755 = arith.addf %select_n3A_746, %select_n3A_754 : vector<16xf32>
        %and3A_756 = arith.constant 2 : i32
        %and3A_757 = vector.broadcast %and3A_756 : i32 to vector<16xi32>
        %and3A_758 = arith.andi %iota3A, %and3A_757 : vector<16xi32>
        %eq3A_759 = arith.constant 0 : i32
        %eq3A_760 = vector.broadcast %eq3A_759 : i32 to vector<16xi32>
        %eq3A_761 = arith.cmpi eq, %and3A_758, %eq3A_760 : vector<16xi32>
        %iota3A_762 = tpu.iota {dimensions = array<i32: 0>} : vector<16xi32>
        %xor3A_763 = arith.constant 2 : i32
        %xor3A_764 = vector.broadcast %xor3A_763 : i32 to vector<16xi32>
        %xor3A_765 = arith.xori %iota3A_762, %xor3A_764 : vector<16xi32>
        %broadcast_in_dim3A_766 = vector.shape_cast %xor3A_765 : vector<16xi32> to vector<16x1xi32>
        %gather3A_767 = vector.shape_cast %broadcast_in_dim3A_766 : vector<16x1xi32> to vector<16xi32>
        %gather3A_768 = tpu.dynamic_gather %add3A_755[%gather3A_767] in [0] : vector<16xf32>, vector<16xi32> -> vector<16xf32>
        %select_n3A_769 = arith.select %eq3A_761, %add3A_418, %gather3A_768 : vector<16xi1>, vector<16xf32>
        %iota3A_770 = tpu.iota {dimensions = array<i32: 0>} : vector<16xi32>
        %xor3A_771 = arith.constant 2 : i32
        %xor3A_772 = vector.broadcast %xor3A_771 : i32 to vector<16xi32>
        %xor3A_773 = arith.xori %iota3A_770, %xor3A_772 : vector<16xi32>
        %broadcast_in_dim3A_774 = vector.shape_cast %xor3A_773 : vector<16xi32> to vector<16x1xi32>
        %gather3A_775 = vector.shape_cast %broadcast_in_dim3A_774 : vector<16x1xi32> to vector<16xi32>
        %gather3A_776 = tpu.dynamic_gather %add3A_418[%gather3A_775] in [0] : vector<16xf32>, vector<16xi32> -> vector<16xf32>
        %select_n3A_777 = arith.select %eq3A_761, %gather3A_776, %add3A_755 : vector<16xi1>, vector<16xf32>
        %add3A_778 = arith.addf %select_n3A_769, %select_n3A_777 : vector<16xf32>
        %mul3A_779 = arith.constant 16 : i32
        %mul3A_780 = arith.muli %scan3A_88, %mul3A_779 : i32
        %add3A_781 = arith.constant 1 : i32
        %add3A_782 = arith.addi %mul3A_780, %add3A_781 : i32
        %get3A_783 = arith.index_cast %add3A_782 : i32 to index
        %get3A_784 = arith.constant 0 : index
        %get3A_785 = tpu.vector_load %arg9[%get3A_783, %get3A_784] {strides = array<i32>} : memref<128x128xf32, #tpu.memory_space<vmem>>, vector<16xf32>,
        %get3A_786 = arith.index_cast %add3A_782 : i32 to index
        %get3A_787 = arith.constant 0 : index
        %get3A_788 = tpu.vector_load %arg10[%get3A_786, %get3A_787] {strides = array<i32>} : memref<128x128xf32, #tpu.memory_space<vmem>>, vector<16xf32>,
        %mul3A_789 = arith.mulf %get3A_785, %get3A_788 : vector<16xf32>
        %get3A_790 = arith.index_cast %add3A_782 : i32 to index
        %get3A_791 = arith.constant 16 : index
        %get3A_792 = tpu.vector_load %arg9[%get3A_790, %get3A_791] {strides = array<i32>} : memref<128x128xf32, #tpu.memory_space<vmem>>, vector<16xf32>,
        %get3A_793 = arith.index_cast %add3A_782 : i32 to index
        %get3A_794 = arith.constant 16 : index
        %get3A_795 = tpu.vector_load %arg10[%get3A_793, %get3A_794] {strides = array<i32>} : memref<128x128xf32, #tpu.memory_space<vmem>>, vector<16xf32>,
        %mul3A_796 = arith.mulf %get3A_792, %get3A_795 : vector<16xf32>
        %add3A_797 = arith.addf %mul3A_789, %mul3A_796 : vector<16xf32>
        %get3A_798 = arith.index_cast %add3A_782 : i32 to index
        %get3A_799 = arith.constant 32 : index
        %get3A_800 = tpu.vector_load %arg9[%get3A_798, %get3A_799] {strides = array<i32>} : memref<128x128xf32, #tpu.memory_space<vmem>>, vector<16xf32>,
        %get3A_801 = arith.index_cast %add3A_782 : i32 to index
        %get3A_802 = arith.constant 32 : index
        %get3A_803 = tpu.vector_load %arg10[%get3A_801, %get3A_802] {strides = array<i32>} : memref<128x128xf32, #tpu.memory_space<vmem>>, vector<16xf32>,
        %mul3A_804 = arith.mulf %get3A_800, %get3A_803 : vector<16xf32>
        %add3A_805 = arith.addf %add3A_797, %mul3A_804 : vector<16xf32>
        %get3A_806 = arith.index_cast %add3A_782 : i32 to index
        %get3A_807 = arith.constant 48 : index
        %get3A_808 = tpu.vector_load %arg9[%get3A_806, %get3A_807] {strides = array<i32>} : memref<128x128xf32, #tpu.memory_space<vmem>>, vector<16xf32>,
        %get3A_809 = arith.index_cast %add3A_782 : i32 to index
        %get3A_810 = arith.constant 48 : index
        %get3A_811 = tpu.vector_load %arg10[%get3A_809, %get3A_810] {strides = array<i32>} : memref<128x128xf32, #tpu.memory_space<vmem>>, vector<16xf32>,
        %mul3A_812 = arith.mulf %get3A_808, %get3A_811 : vector<16xf32>
        %add3A_813 = arith.addf %add3A_805, %mul3A_812 : vector<16xf32>
        %get3A_814 = arith.index_cast %add3A_782 : i32 to index
        %get3A_815 = arith.constant 64 : index
        %get3A_816 = tpu.vector_load %arg9[%get3A_814, %get3A_815] {strides = array<i32>} : memref<128x128xf32, #tpu.memory_space<vmem>>, vector<16xf32>,
        %get3A_817 = arith.index_cast %add3A_782 : i32 to index
        %get3A_818 = arith.constant 64 : index
        %get3A_819 = tpu.vector_load %arg10[%get3A_817, %get3A_818] {strides = array<i32>} : memref<128x128xf32, #tpu.memory_space<vmem>>, vector<16xf32>,
        %mul3A_820 = arith.mulf %get3A_816, %get3A_819 : vector<16xf32>
        %add3A_821 = arith.addf %add3A_813, %mul3A_820 : vector<16xf32>
        %get3A_822 = arith.index_cast %add3A_782 : i32 to index
        %get3A_823 = arith.constant 80 : index
        %get3A_824 = tpu.vector_load %arg9[%get3A_822, %get3A_823] {strides = array<i32>} : memref<128x128xf32, #tpu.memory_space<vmem>>, vector<16xf32>,
        %get3A_825 = arith.index_cast %add3A_782 : i32 to index
        %get3A_826 = arith.constant 80 : index
        %get3A_827 = tpu.vector_load %arg10[%get3A_825, %get3A_826] {strides = array<i32>} : memref<128x128xf32, #tpu.memory_space<vmem>>, vector<16xf32>,
        %mul3A_828 = arith.mulf %get3A_824, %get3A_827 : vector<16xf32>
        %add3A_829 = arith.addf %add3A_821, %mul3A_828 : vector<16xf32>
        %get3A_830 = arith.index_cast %add3A_782 : i32 to index
        %get3A_831 = arith.constant 96 : index
        %get3A_832 = tpu.vector_load %arg9[%get3A_830, %get3A_831] {strides = array<i32>} : memref<128x128xf32, #tpu.memory_space<vmem>>, vector<16xf32>,
        %get3A_833 = arith.index_cast %add3A_782 : i32 to index
        %get3A_834 = arith.constant 96 : index
        %get3A_835 = tpu.vector_load %arg10[%get3A_833, %get3A_834] {strides = array<i32>} : memref<128x128xf32, #tpu.memory_space<vmem>>, vector<16xf32>,
        %mul3A_836 = arith.mulf %get3A_832, %get3A_835 : vector<16xf32>
        %add3A_837 = arith.addf %add3A_829, %mul3A_836 : vector<16xf32>
        %get3A_838 = arith.index_cast %add3A_782 : i32 to index
        %get3A_839 = arith.constant 112 : index
        %get3A_840 = tpu.vector_load %arg9[%get3A_838, %get3A_839] {strides = array<i32>} : memref<128x128xf32, #tpu.memory_space<vmem>>, vector<16xf32>,
        %get3A_841 = arith.index_cast %add3A_782 : i32 to index
        %get3A_842 = arith.constant 112 : index
        %get3A_843 = tpu.vector_load %arg10[%get3A_841, %get3A_842] {strides = array<i32>} : memref<128x128xf32, #tpu.memory_space<vmem>>, vector<16xf32>,
        %mul3A_844 = arith.mulf %get3A_840, %get3A_843 : vector<16xf32>
        %add3A_845 = arith.addf %add3A_837, %mul3A_844 : vector<16xf32>
        %mul3A_846 = arith.constant 16 : i32
        %mul3A_847 = arith.muli %scan3A_88, %mul3A_846 : i32
        %add3A_848 = arith.constant 9 : i32
        %add3A_849 = arith.addi %mul3A_847, %add3A_848 : i32
        %get3A_850 = arith.index_cast %add3A_849 : i32 to index
        %get3A_851 = arith.constant 0 : index
        %get3A_852 = tpu.vector_load %arg9[%get3A_850, %get3A_851] {strides = array<i32>} : memref<128x128xf32, #tpu.memory_space<vmem>>, vector<16xf32>,
        %get3A_853 = arith.index_cast %add3A_849 : i32 to index
        %get3A_854 = arith.constant 0 : index
        %get3A_855 = tpu.vector_load %arg10[%get3A_853, %get3A_854] {strides = array<i32>} : memref<128x128xf32, #tpu.memory_space<vmem>>, vector<16xf32>,
        %mul3A_856 = arith.mulf %get3A_852, %get3A_855 : vector<16xf32>
        %get3A_857 = arith.index_cast %add3A_849 : i32 to index
        %get3A_858 = arith.constant 16 : index
        %get3A_859 = tpu.vector_load %arg9[%get3A_857, %get3A_858] {strides = array<i32>} : memref<128x128xf32, #tpu.memory_space<vmem>>, vector<16xf32>,
        %get3A_860 = arith.index_cast %add3A_849 : i32 to index
        %get3A_861 = arith.constant 16 : index
        %get3A_862 = tpu.vector_load %arg10[%get3A_860, %get3A_861] {strides = array<i32>} : memref<128x128xf32, #tpu.memory_space<vmem>>, vector<16xf32>,
        %mul3A_863 = arith.mulf %get3A_859, %get3A_862 : vector<16xf32>
        %add3A_864 = arith.addf %mul3A_856, %mul3A_863 : vector<16xf32>
        %get3A_865 = arith.index_cast %add3A_849 : i32 to index
        %get3A_866 = arith.constant 32 : index
        %get3A_867 = tpu.vector_load %arg9[%get3A_865, %get3A_866] {strides = array<i32>} : memref<128x128xf32, #tpu.memory_space<vmem>>, vector<16xf32>,
        %get3A_868 = arith.index_cast %add3A_849 : i32 to index
        %get3A_869 = arith.constant 32 : index
        %get3A_870 = tpu.vector_load %arg10[%get3A_868, %get3A_869] {strides = array<i32>} : memref<128x128xf32, #tpu.memory_space<vmem>>, vector<16xf32>,
        %mul3A_871 = arith.mulf %get3A_867, %get3A_870 : vector<16xf32>
        %add3A_872 = arith.addf %add3A_864, %mul3A_871 : vector<16xf32>
        %get3A_873 = arith.index_cast %add3A_849 : i32 to index
        %get3A_874 = arith.constant 48 : index
        %get3A_875 = tpu.vector_load %arg9[%get3A_873, %get3A_874] {strides = array<i32>} : memref<128x128xf32, #tpu.memory_space<vmem>>, vector<16xf32>,
        %get3A_876 = arith.index_cast %add3A_849 : i32 to index
        %get3A_877 = arith.constant 48 : index
        %get3A_878 = tpu.vector_load %arg10[%get3A_876, %get3A_877] {strides = array<i32>} : memref<128x128xf32, #tpu.memory_space<vmem>>, vector<16xf32>,
        %mul3A_879 = arith.mulf %get3A_875, %get3A_878 : vector<16xf32>
        %add3A_880 = arith.addf %add3A_872, %mul3A_879 : vector<16xf32>
        %get3A_881 = arith.index_cast %add3A_849 : i32 to index
        %get3A_882 = arith.constant 64 : index
        %get3A_883 = tpu.vector_load %arg9[%get3A_881, %get3A_882] {strides = array<i32>} : memref<128x128xf32, #tpu.memory_space<vmem>>, vector<16xf32>,
        %get3A_884 = arith.index_cast %add3A_849 : i32 to index
        %get3A_885 = arith.constant 64 : index
        %get3A_886 = tpu.vector_load %arg10[%get3A_884, %get3A_885] {strides = array<i32>} : memref<128x128xf32, #tpu.memory_space<vmem>>, vector<16xf32>,
        %mul3A_887 = arith.mulf %get3A_883, %get3A_886 : vector<16xf32>
        %add3A_888 = arith.addf %add3A_880, %mul3A_887 : vector<16xf32>
        %get3A_889 = arith.index_cast %add3A_849 : i32 to index
        %get3A_890 = arith.constant 80 : index
        %get3A_891 = tpu.vector_load %arg9[%get3A_889, %get3A_890] {strides = array<i32>} : memref<128x128xf32, #tpu.memory_space<vmem>>, vector<16xf32>,
        %get3A_892 = arith.index_cast %add3A_849 : i32 to index
        %get3A_893 = arith.constant 80 : index
        %get3A_894 = tpu.vector_load %arg10[%get3A_892, %get3A_893] {strides = array<i32>} : memref<128x128xf32, #tpu.memory_space<vmem>>, vector<16xf32>,
        %mul3A_895 = arith.mulf %get3A_891, %get3A_894 : vector<16xf32>
        %add3A_896 = arith.addf %add3A_888, %mul3A_895 : vector<16xf32>
        %get3A_897 = arith.index_cast %add3A_849 : i32 to index
        %get3A_898 = arith.constant 96 : index
        %get3A_899 = tpu.vector_load %arg9[%get3A_897, %get3A_898] {strides = array<i32>} : memref<128x128xf32, #tpu.memory_space<vmem>>, vector<16xf32>,
        %get3A_900 = arith.index_cast %add3A_849 : i32 to index
        %get3A_901 = arith.constant 96 : index
        %get3A_902 = tpu.vector_load %arg10[%get3A_900, %get3A_901] {strides = array<i32>} : memref<128x128xf32, #tpu.memory_space<vmem>>, vector<16xf32>,
        %mul3A_903 = arith.mulf %get3A_899, %get3A_902 : vector<16xf32>
        %add3A_904 = arith.addf %add3A_896, %mul3A_903 : vector<16xf32>
        %get3A_905 = arith.index_cast %add3A_849 : i32 to index
        %get3A_906 = arith.constant 112 : index
        %get3A_907 = tpu.vector_load %arg9[%get3A_905, %get3A_906] {strides = array<i32>} : memref<128x128xf32, #tpu.memory_space<vmem>>, vector<16xf32>,
        %get3A_908 = arith.index_cast %add3A_849 : i32 to index
        %get3A_909 = arith.constant 112 : index
        %get3A_910 = tpu.vector_load %arg10[%get3A_908, %get3A_909] {strides = array<i32>} : memref<128x128xf32, #tpu.memory_space<vmem>>, vector<16xf32>,
        %mul3A_911 = arith.mulf %get3A_907, %get3A_910 : vector<16xf32>
        %add3A_912 = arith.addf %add3A_904, %mul3A_911 : vector<16xf32>
        %and3A_913 = arith.constant 8 : i32
        %and3A_914 = vector.broadcast %and3A_913 : i32 to vector<16xi32>
        %and3A_915 = arith.andi %iota3A, %and3A_914 : vector<16xi32>
        %eq3A_916 = arith.constant 0 : i32
        %eq3A_917 = vector.broadcast %eq3A_916 : i32 to vector<16xi32>
        %eq3A_918 = arith.cmpi eq, %and3A_915, %eq3A_917 : vector<16xi32>
        %iota3A_919 = tpu.iota {dimensions = array<i32: 0>} : vector<16xi32>
        %xor3A_920 = arith.constant 8 : i32
        %xor3A_921 = vector.broadcast %xor3A_920 : i32 to vector<16xi32>
        %xor3A_922 = arith.xori %iota3A_919, %xor3A_921 : vector<16xi32>
        %broadcast_in_dim3A_923 = vector.shape_cast %xor3A_922 : vector<16xi32> to vector<16x1xi32>
        %gather3A_924 = vector.shape_cast %broadcast_in_dim3A_923 : vector<16x1xi32> to vector<16xi32>
        %gather3A_925 = tpu.dynamic_gather %add3A_912[%gather3A_924] in [0] : vector<16xf32>, vector<16xi32> -> vector<16xf32>
        %select_n3A_926 = arith.select %eq3A_918, %add3A_845, %gather3A_925 : vector<16xi1>, vector<16xf32>
        %iota3A_927 = tpu.iota {dimensions = array<i32: 0>} : vector<16xi32>
        %xor3A_928 = arith.constant 8 : i32
        %xor3A_929 = vector.broadcast %xor3A_928 : i32 to vector<16xi32>
        %xor3A_930 = arith.xori %iota3A_927, %xor3A_929 : vector<16xi32>
        %broadcast_in_dim3A_931 = vector.shape_cast %xor3A_930 : vector<16xi32> to vector<16x1xi32>
        %gather3A_932 = vector.shape_cast %broadcast_in_dim3A_931 : vector<16x1xi32> to vector<16xi32>
        %gather3A_933 = tpu.dynamic_gather %add3A_845[%gather3A_932] in [0] : vector<16xf32>, vector<16xi32> -> vector<16xf32>
        %select_n3A_934 = arith.select %eq3A_918, %gather3A_933, %add3A_912 : vector<16xi1>, vector<16xf32>
        %add3A_935 = arith.addf %select_n3A_926, %select_n3A_934 : vector<16xf32>
        %mul3A_936 = arith.constant 16 : i32
        %mul3A_937 = arith.muli %scan3A_88, %mul3A_936 : i32
        %add3A_938 = arith.constant 5 : i32
        %add3A_939 = arith.addi %mul3A_937, %add3A_938 : i32
        %get3A_940 = arith.index_cast %add3A_939 : i32 to index
        %get3A_941 = arith.constant 0 : index
        %get3A_942 = tpu.vector_load %arg9[%get3A_940, %get3A_941] {strides = array<i32>} : memref<128x128xf32, #tpu.memory_space<vmem>>, vector<16xf32>,
        %get3A_943 = arith.index_cast %add3A_939 : i32 to index
        %get3A_944 = arith.constant 0 : index
        %get3A_945 = tpu.vector_load %arg10[%get3A_943, %get3A_944] {strides = array<i32>} : memref<128x128xf32, #tpu.memory_space<vmem>>, vector<16xf32>,
        %mul3A_946 = arith.mulf %get3A_942, %get3A_945 : vector<16xf32>
        %get3A_947 = arith.index_cast %add3A_939 : i32 to index
        %get3A_948 = arith.constant 16 : index
        %get3A_949 = tpu.vector_load %arg9[%get3A_947, %get3A_948] {strides = array<i32>} : memref<128x128xf32, #tpu.memory_space<vmem>>, vector<16xf32>,
        %get3A_950 = arith.index_cast %add3A_939 : i32 to index
        %get3A_951 = arith.constant 16 : index
        %get3A_952 = tpu.vector_load %arg10[%get3A_950, %get3A_951] {strides = array<i32>} : memref<128x128xf32, #tpu.memory_space<vmem>>, vector<16xf32>,
        %mul3A_953 = arith.mulf %get3A_949, %get3A_952 : vector<16xf32>
        %add3A_954 = arith.addf %mul3A_946, %mul3A_953 : vector<16xf32>
        %get3A_955 = arith.index_cast %add3A_939 : i32 to index
        %get3A_956 = arith.constant 32 : index
        %get3A_957 = tpu.vector_load %arg9[%get3A_955, %get3A_956] {strides = array<i32>} : memref<128x128xf32, #tpu.memory_space<vmem>>, vector<16xf32>,
        %get3A_958 = arith.index_cast %add3A_939 : i32 to index
        %get3A_959 = arith.constant 32 : index
        %get3A_960 = tpu.vector_load %arg10[%get3A_958, %get3A_959] {strides = array<i32>} : memref<128x128xf32, #tpu.memory_space<vmem>>, vector<16xf32>,
        %mul3A_961 = arith.mulf %get3A_957, %get3A_960 : vector<16xf32>
        %add3A_962 = arith.addf %add3A_954, %mul3A_961 : vector<16xf32>
        %get3A_963 = arith.index_cast %add3A_939 : i32 to index
        %get3A_964 = arith.constant 48 : index
        %get3A_965 = tpu.vector_load %arg9[%get3A_963, %get3A_964] {strides = array<i32>} : memref<128x128xf32, #tpu.memory_space<vmem>>, vector<16xf32>,
        %get3A_966 = arith.index_cast %add3A_939 : i32 to index
        %get3A_967 = arith.constant 48 : index
        %get3A_968 = tpu.vector_load %arg10[%get3A_966, %get3A_967] {strides = array<i32>} : memref<128x128xf32, #tpu.memory_space<vmem>>, vector<16xf32>,
        %mul3A_969 = arith.mulf %get3A_965, %get3A_968 : vector<16xf32>
        %add3A_970 = arith.addf %add3A_962, %mul3A_969 : vector<16xf32>
        %get3A_971 = arith.index_cast %add3A_939 : i32 to index
        %get3A_972 = arith.constant 64 : index
        %get3A_973 = tpu.vector_load %arg9[%get3A_971, %get3A_972] {strides = array<i32>} : memref<128x128xf32, #tpu.memory_space<vmem>>, vector<16xf32>,
        %get3A_974 = arith.index_cast %add3A_939 : i32 to index
        %get3A_975 = arith.constant 64 : index
        %get3A_976 = tpu.vector_load %arg10[%get3A_974, %get3A_975] {strides = array<i32>} : memref<128x128xf32, #tpu.memory_space<vmem>>, vector<16xf32>,
        %mul3A_977 = arith.mulf %get3A_973, %get3A_976 : vector<16xf32>
        %add3A_978 = arith.addf %add3A_970, %mul3A_977 : vector<16xf32>
        %get3A_979 = arith.index_cast %add3A_939 : i32 to index
        %get3A_980 = arith.constant 80 : index
        %get3A_981 = tpu.vector_load %arg9[%get3A_979, %get3A_980] {strides = array<i32>} : memref<128x128xf32, #tpu.memory_space<vmem>>, vector<16xf32>,
        %get3A_982 = arith.index_cast %add3A_939 : i32 to index
        %get3A_983 = arith.constant 80 : index
        %get3A_984 = tpu.vector_load %arg10[%get3A_982, %get3A_983] {strides = array<i32>} : memref<128x128xf32, #tpu.memory_space<vmem>>, vector<16xf32>,
        %mul3A_985 = arith.mulf %get3A_981, %get3A_984 : vector<16xf32>
        %add3A_986 = arith.addf %add3A_978, %mul3A_985 : vector<16xf32>
        %get3A_987 = arith.index_cast %add3A_939 : i32 to index
        %get3A_988 = arith.constant 96 : index
        %get3A_989 = tpu.vector_load %arg9[%get3A_987, %get3A_988] {strides = array<i32>} : memref<128x128xf32, #tpu.memory_space<vmem>>, vector<16xf32>,
        %get3A_990 = arith.index_cast %add3A_939 : i32 to index
        %get3A_991 = arith.constant 96 : index
        %get3A_992 = tpu.vector_load %arg10[%get3A_990, %get3A_991] {strides = array<i32>} : memref<128x128xf32, #tpu.memory_space<vmem>>, vector<16xf32>,
        %mul3A_993 = arith.mulf %get3A_989, %get3A_992 : vector<16xf32>
        %add3A_994 = arith.addf %add3A_986, %mul3A_993 : vector<16xf32>
        %get3A_995 = arith.index_cast %add3A_939 : i32 to index
        %get3A_996 = arith.constant 112 : index
        %get3A_997 = tpu.vector_load %arg9[%get3A_995, %get3A_996] {strides = array<i32>} : memref<128x128xf32, #tpu.memory_space<vmem>>, vector<16xf32>,
        %get3A_998 = arith.index_cast %add3A_939 : i32 to index
        %get3A_999 = arith.constant 112 : index
        %get3A_1000 = tpu.vector_load %arg10[%get3A_998, %get3A_999] {strides = array<i32>} : memref<128x128xf32, #tpu.memory_space<vmem>>, vector<16xf32>,
        %mul3A_1001 = arith.mulf %get3A_997, %get3A_1000 : vector<16xf32>
        %add3A_1002 = arith.addf %add3A_994, %mul3A_1001 : vector<16xf32>
        %mul3A_1003 = arith.constant 16 : i32
        %mul3A_1004 = arith.muli %scan3A_88, %mul3A_1003 : i32
        %add3A_1005 = arith.constant 13 : i32
        %add3A_1006 = arith.addi %mul3A_1004, %add3A_1005 : i32
        %get3A_1007 = arith.index_cast %add3A_1006 : i32 to index
        %get3A_1008 = arith.constant 0 : index
        %get3A_1009 = tpu.vector_load %arg9[%get3A_1007, %get3A_1008] {strides = array<i32>} : memref<128x128xf32, #tpu.memory_space<vmem>>, vector<16xf32>,
        %get3A_1010 = arith.index_cast %add3A_1006 : i32 to index
        %get3A_1011 = arith.constant 0 : index
        %get3A_1012 = tpu.vector_load %arg10[%get3A_1010, %get3A_1011] {strides = array<i32>} : memref<128x128xf32, #tpu.memory_space<vmem>>, vector<16xf32>,
        %mul3A_1013 = arith.mulf %get3A_1009, %get3A_1012 : vector<16xf32>
        %get3A_1014 = arith.index_cast %add3A_1006 : i32 to index
        %get3A_1015 = arith.constant 16 : index
        %get3A_1016 = tpu.vector_load %arg9[%get3A_1014, %get3A_1015] {strides = array<i32>} : memref<128x128xf32, #tpu.memory_space<vmem>>, vector<16xf32>,
        %get3A_1017 = arith.index_cast %add3A_1006 : i32 to index
        %get3A_1018 = arith.constant 16 : index
        %get3A_1019 = tpu.vector_load %arg10[%get3A_1017, %get3A_1018] {strides = array<i32>} : memref<128x128xf32, #tpu.memory_space<vmem>>, vector<16xf32>,
        %mul3A_1020 = arith.mulf %get3A_1016, %get3A_1019 : vector<16xf32>
        %add3A_1021 = arith.addf %mul3A_1013, %mul3A_1020 : vector<16xf32>
        %get3A_1022 = arith.index_cast %add3A_1006 : i32 to index
        %get3A_1023 = arith.constant 32 : index
        %get3A_1024 = tpu.vector_load %arg9[%get3A_1022, %get3A_1023] {strides = array<i32>} : memref<128x128xf32, #tpu.memory_space<vmem>>, vector<16xf32>,
        %get3A_1025 = arith.index_cast %add3A_1006 : i32 to index
        %get3A_1026 = arith.constant 32 : index
        %get3A_1027 = tpu.vector_load %arg10[%get3A_1025, %get3A_1026] {strides = array<i32>} : memref<128x128xf32, #tpu.memory_space<vmem>>, vector<16xf32>,
        %mul3A_1028 = arith.mulf %get3A_1024, %get3A_1027 : vector<16xf32>
        %add3A_1029 = arith.addf %add3A_1021, %mul3A_1028 : vector<16xf32>
        %get3A_1030 = arith.index_cast %add3A_1006 : i32 to index
        %get3A_1031 = arith.constant 48 : index
        %get3A_1032 = tpu.vector_load %arg9[%get3A_1030, %get3A_1031] {strides = array<i32>} : memref<128x128xf32, #tpu.memory_space<vmem>>, vector<16xf32>,
        %get3A_1033 = arith.index_cast %add3A_1006 : i32 to index
        %get3A_1034 = arith.constant 48 : index
        %get3A_1035 = tpu.vector_load %arg10[%get3A_1033, %get3A_1034] {strides = array<i32>} : memref<128x128xf32, #tpu.memory_space<vmem>>, vector<16xf32>,
        %mul3A_1036 = arith.mulf %get3A_1032, %get3A_1035 : vector<16xf32>
        %add3A_1037 = arith.addf %add3A_1029, %mul3A_1036 : vector<16xf32>
        %get3A_1038 = arith.index_cast %add3A_1006 : i32 to index
        %get3A_1039 = arith.constant 64 : index
        %get3A_1040 = tpu.vector_load %arg9[%get3A_1038, %get3A_1039] {strides = array<i32>} : memref<128x128xf32, #tpu.memory_space<vmem>>, vector<16xf32>,
        %get3A_1041 = arith.index_cast %add3A_1006 : i32 to index
        %get3A_1042 = arith.constant 64 : index
        %get3A_1043 = tpu.vector_load %arg10[%get3A_1041, %get3A_1042] {strides = array<i32>} : memref<128x128xf32, #tpu.memory_space<vmem>>, vector<16xf32>,
        %mul3A_1044 = arith.mulf %get3A_1040, %get3A_1043 : vector<16xf32>
        %add3A_1045 = arith.addf %add3A_1037, %mul3A_1044 : vector<16xf32>
        %get3A_1046 = arith.index_cast %add3A_1006 : i32 to index
        %get3A_1047 = arith.constant 80 : index
        %get3A_1048 = tpu.vector_load %arg9[%get3A_1046, %get3A_1047] {strides = array<i32>} : memref<128x128xf32, #tpu.memory_space<vmem>>, vector<16xf32>,
        %get3A_1049 = arith.index_cast %add3A_1006 : i32 to index
        %get3A_1050 = arith.constant 80 : index
        %get3A_1051 = tpu.vector_load %arg10[%get3A_1049, %get3A_1050] {strides = array<i32>} : memref<128x128xf32, #tpu.memory_space<vmem>>, vector<16xf32>,
        %mul3A_1052 = arith.mulf %get3A_1048, %get3A_1051 : vector<16xf32>
        %add3A_1053 = arith.addf %add3A_1045, %mul3A_1052 : vector<16xf32>
        %get3A_1054 = arith.index_cast %add3A_1006 : i32 to index
        %get3A_1055 = arith.constant 96 : index
        %get3A_1056 = tpu.vector_load %arg9[%get3A_1054, %get3A_1055] {strides = array<i32>} : memref<128x128xf32, #tpu.memory_space<vmem>>, vector<16xf32>,
        %get3A_1057 = arith.index_cast %add3A_1006 : i32 to index
        %get3A_1058 = arith.constant 96 : index
        %get3A_1059 = tpu.vector_load %arg10[%get3A_1057, %get3A_1058] {strides = array<i32>} : memref<128x128xf32, #tpu.memory_space<vmem>>, vector<16xf32>,
        %mul3A_1060 = arith.mulf %get3A_1056, %get3A_1059 : vector<16xf32>
        %add3A_1061 = arith.addf %add3A_1053, %mul3A_1060 : vector<16xf32>
        %get3A_1062 = arith.index_cast %add3A_1006 : i32 to index
        %get3A_1063 = arith.constant 112 : index
        %get3A_1064 = tpu.vector_load %arg9[%get3A_1062, %get3A_1063] {strides = array<i32>} : memref<128x128xf32, #tpu.memory_space<vmem>>, vector<16xf32>,
        %get3A_1065 = arith.index_cast %add3A_1006 : i32 to index
        %get3A_1066 = arith.constant 112 : index
        %get3A_1067 = tpu.vector_load %arg10[%get3A_1065, %get3A_1066] {strides = array<i32>} : memref<128x128xf32, #tpu.memory_space<vmem>>, vector<16xf32>,
        %mul3A_1068 = arith.mulf %get3A_1064, %get3A_1067 : vector<16xf32>
        %add3A_1069 = arith.addf %add3A_1061, %mul3A_1068 : vector<16xf32>
        %and3A_1070 = arith.constant 8 : i32
        %and3A_1071 = vector.broadcast %and3A_1070 : i32 to vector<16xi32>
        %and3A_1072 = arith.andi %iota3A, %and3A_1071 : vector<16xi32>
        %eq3A_1073 = arith.constant 0 : i32
        %eq3A_1074 = vector.broadcast %eq3A_1073 : i32 to vector<16xi32>
        %eq3A_1075 = arith.cmpi eq, %and3A_1072, %eq3A_1074 : vector<16xi32>
        %iota3A_1076 = tpu.iota {dimensions = array<i32: 0>} : vector<16xi32>
        %xor3A_1077 = arith.constant 8 : i32
        %xor3A_1078 = vector.broadcast %xor3A_1077 : i32 to vector<16xi32>
        %xor3A_1079 = arith.xori %iota3A_1076, %xor3A_1078 : vector<16xi32>
        %broadcast_in_dim3A_1080 = vector.shape_cast %xor3A_1079 : vector<16xi32> to vector<16x1xi32>
        %gather3A_1081 = vector.shape_cast %broadcast_in_dim3A_1080 : vector<16x1xi32> to vector<16xi32>
        %gather3A_1082 = tpu.dynamic_gather %add3A_1069[%gather3A_1081] in [0] : vector<16xf32>, vector<16xi32> -> vector<16xf32>
        %select_n3A_1083 = arith.select %eq3A_1075, %add3A_1002, %gather3A_1082 : vector<16xi1>, vector<16xf32>
        %iota3A_1084 = tpu.iota {dimensions = array<i32: 0>} : vector<16xi32>
        %xor3A_1085 = arith.constant 8 : i32
        %xor3A_1086 = vector.broadcast %xor3A_1085 : i32 to vector<16xi32>
        %xor3A_1087 = arith.xori %iota3A_1084, %xor3A_1086 : vector<16xi32>
        %broadcast_in_dim3A_1088 = vector.shape_cast %xor3A_1087 : vector<16xi32> to vector<16x1xi32>
        %gather3A_1089 = vector.shape_cast %broadcast_in_dim3A_1088 : vector<16x1xi32> to vector<16xi32>
        %gather3A_1090 = tpu.dynamic_gather %add3A_1002[%gather3A_1089] in [0] : vector<16xf32>, vector<16xi32> -> vector<16xf32>
        %select_n3A_1091 = arith.select %eq3A_1075, %gather3A_1090, %add3A_1069 : vector<16xi1>, vector<16xf32>
        %add3A_1092 = arith.addf %select_n3A_1083, %select_n3A_1091 : vector<16xf32>
        %and3A_1093 = arith.constant 4 : i32
        %and3A_1094 = vector.broadcast %and3A_1093 : i32 to vector<16xi32>
        %and3A_1095 = arith.andi %iota3A, %and3A_1094 : vector<16xi32>
        %eq3A_1096 = arith.constant 0 : i32
        %eq3A_1097 = vector.broadcast %eq3A_1096 : i32 to vector<16xi32>
        %eq3A_1098 = arith.cmpi eq, %and3A_1095, %eq3A_1097 : vector<16xi32>
        %iota3A_1099 = tpu.iota {dimensions = array<i32: 0>} : vector<16xi32>
        %xor3A_1100 = arith.constant 4 : i32
        %xor3A_1101 = vector.broadcast %xor3A_1100 : i32 to vector<16xi32>
        %xor3A_1102 = arith.xori %iota3A_1099, %xor3A_1101 : vector<16xi32>
        %broadcast_in_dim3A_1103 = vector.shape_cast %xor3A_1102 : vector<16xi32> to vector<16x1xi32>
        %gather3A_1104 = vector.shape_cast %broadcast_in_dim3A_1103 : vector<16x1xi32> to vector<16xi32>
        %gather3A_1105 = tpu.dynamic_gather %add3A_1092[%gather3A_1104] in [0] : vector<16xf32>, vector<16xi32> -> vector<16xf32>
        %select_n3A_1106 = arith.select %eq3A_1098, %add3A_935, %gather3A_1105 : vector<16xi1>, vector<16xf32>
        %iota3A_1107 = tpu.iota {dimensions = array<i32: 0>} : vector<16xi32>
        %xor3A_1108 = arith.constant 4 : i32
        %xor3A_1109 = vector.broadcast %xor3A_1108 : i32 to vector<16xi32>
        %xor3A_1110 = arith.xori %iota3A_1107, %xor3A_1109 : vector<16xi32>
        %broadcast_in_dim3A_1111 = vector.shape_cast %xor3A_1110 : vector<16xi32> to vector<16x1xi32>
        %gather3A_1112 = vector.shape_cast %broadcast_in_dim3A_1111 : vector<16x1xi32> to vector<16xi32>
        %gather3A_1113 = tpu.dynamic_gather %add3A_935[%gather3A_1112] in [0] : vector<16xf32>, vector<16xi32> -> vector<16xf32>
        %select_n3A_1114 = arith.select %eq3A_1098, %gather3A_1113, %add3A_1092 : vector<16xi1>, vector<16xf32>
        %add3A_1115 = arith.addf %select_n3A_1106, %select_n3A_1114 : vector<16xf32>
        %mul3A_1116 = arith.constant 16 : i32
        %mul3A_1117 = arith.muli %scan3A_88, %mul3A_1116 : i32
        %add3A_1118 = arith.constant 3 : i32
        %add3A_1119 = arith.addi %mul3A_1117, %add3A_1118 : i32
        %get3A_1120 = arith.index_cast %add3A_1119 : i32 to index
        %get3A_1121 = arith.constant 0 : index
        %get3A_1122 = tpu.vector_load %arg9[%get3A_1120, %get3A_1121] {strides = array<i32>} : memref<128x128xf32, #tpu.memory_space<vmem>>, vector<16xf32>,
        %get3A_1123 = arith.index_cast %add3A_1119 : i32 to index
        %get3A_1124 = arith.constant 0 : index
        %get3A_1125 = tpu.vector_load %arg10[%get3A_1123, %get3A_1124] {strides = array<i32>} : memref<128x128xf32, #tpu.memory_space<vmem>>, vector<16xf32>,
        %mul3A_1126 = arith.mulf %get3A_1122, %get3A_1125 : vector<16xf32>
        %get3A_1127 = arith.index_cast %add3A_1119 : i32 to index
        %get3A_1128 = arith.constant 16 : index
        %get3A_1129 = tpu.vector_load %arg9[%get3A_1127, %get3A_1128] {strides = array<i32>} : memref<128x128xf32, #tpu.memory_space<vmem>>, vector<16xf32>,
        %get3A_1130 = arith.index_cast %add3A_1119 : i32 to index
        %get3A_1131 = arith.constant 16 : index
        %get3A_1132 = tpu.vector_load %arg10[%get3A_1130, %get3A_1131] {strides = array<i32>} : memref<128x128xf32, #tpu.memory_space<vmem>>, vector<16xf32>,
        %mul3A_1133 = arith.mulf %get3A_1129, %get3A_1132 : vector<16xf32>
        %add3A_1134 = arith.addf %mul3A_1126, %mul3A_1133 : vector<16xf32>
        %get3A_1135 = arith.index_cast %add3A_1119 : i32 to index
        %get3A_1136 = arith.constant 32 : index
        %get3A_1137 = tpu.vector_load %arg9[%get3A_1135, %get3A_1136] {strides = array<i32>} : memref<128x128xf32, #tpu.memory_space<vmem>>, vector<16xf32>,
        %get3A_1138 = arith.index_cast %add3A_1119 : i32 to index
        %get3A_1139 = arith.constant 32 : index
        %get3A_1140 = tpu.vector_load %arg10[%get3A_1138, %get3A_1139] {strides = array<i32>} : memref<128x128xf32, #tpu.memory_space<vmem>>, vector<16xf32>,
        %mul3A_1141 = arith.mulf %get3A_1137, %get3A_1140 : vector<16xf32>
        %add3A_1142 = arith.addf %add3A_1134, %mul3A_1141 : vector<16xf32>
        %get3A_1143 = arith.index_cast %add3A_1119 : i32 to index
        %get3A_1144 = arith.constant 48 : index
        %get3A_1145 = tpu.vector_load %arg9[%get3A_1143, %get3A_1144] {strides = array<i32>} : memref<128x128xf32, #tpu.memory_space<vmem>>, vector<16xf32>,
        %get3A_1146 = arith.index_cast %add3A_1119 : i32 to index
        %get3A_1147 = arith.constant 48 : index
        %get3A_1148 = tpu.vector_load %arg10[%get3A_1146, %get3A_1147] {strides = array<i32>} : memref<128x128xf32, #tpu.memory_space<vmem>>, vector<16xf32>,
        %mul3A_1149 = arith.mulf %get3A_1145, %get3A_1148 : vector<16xf32>
        %add3A_1150 = arith.addf %add3A_1142, %mul3A_1149 : vector<16xf32>
        %get3A_1151 = arith.index_cast %add3A_1119 : i32 to index
        %get3A_1152 = arith.constant 64 : index
        %get3A_1153 = tpu.vector_load %arg9[%get3A_1151, %get3A_1152] {strides = array<i32>} : memref<128x128xf32, #tpu.memory_space<vmem>>, vector<16xf32>,
        %get3A_1154 = arith.index_cast %add3A_1119 : i32 to index
        %get3A_1155 = arith.constant 64 : index
        %get3A_1156 = tpu.vector_load %arg10[%get3A_1154, %get3A_1155] {strides = array<i32>} : memref<128x128xf32, #tpu.memory_space<vmem>>, vector<16xf32>,
        %mul3A_1157 = arith.mulf %get3A_1153, %get3A_1156 : vector<16xf32>
        %add3A_1158 = arith.addf %add3A_1150, %mul3A_1157 : vector<16xf32>
        %get3A_1159 = arith.index_cast %add3A_1119 : i32 to index
        %get3A_1160 = arith.constant 80 : index
        %get3A_1161 = tpu.vector_load %arg9[%get3A_1159, %get3A_1160] {strides = array<i32>} : memref<128x128xf32, #tpu.memory_space<vmem>>, vector<16xf32>,
        %get3A_1162 = arith.index_cast %add3A_1119 : i32 to index
        %get3A_1163 = arith.constant 80 : index
        %get3A_1164 = tpu.vector_load %arg10[%get3A_1162, %get3A_1163] {strides = array<i32>} : memref<128x128xf32, #tpu.memory_space<vmem>>, vector<16xf32>,
        %mul3A_1165 = arith.mulf %get3A_1161, %get3A_1164 : vector<16xf32>
        %add3A_1166 = arith.addf %add3A_1158, %mul3A_1165 : vector<16xf32>
        %get3A_1167 = arith.index_cast %add3A_1119 : i32 to index
        %get3A_1168 = arith.constant 96 : index
        %get3A_1169 = tpu.vector_load %arg9[%get3A_1167, %get3A_1168] {strides = array<i32>} : memref<128x128xf32, #tpu.memory_space<vmem>>, vector<16xf32>,
        %get3A_1170 = arith.index_cast %add3A_1119 : i32 to index
        %get3A_1171 = arith.constant 96 : index
        %get3A_1172 = tpu.vector_load %arg10[%get3A_1170, %get3A_1171] {strides = array<i32>} : memref<128x128xf32, #tpu.memory_space<vmem>>, vector<16xf32>,
        %mul3A_1173 = arith.mulf %get3A_1169, %get3A_1172 : vector<16xf32>
        %add3A_1174 = arith.addf %add3A_1166, %mul3A_1173 : vector<16xf32>
        %get3A_1175 = arith.index_cast %add3A_1119 : i32 to index
        %get3A_1176 = arith.constant 112 : index
        %get3A_1177 = tpu.vector_load %arg9[%get3A_1175, %get3A_1176] {strides = array<i32>} : memref<128x128xf32, #tpu.memory_space<vmem>>, vector<16xf32>,
        %get3A_1178 = arith.index_cast %add3A_1119 : i32 to index
        %get3A_1179 = arith.constant 112 : index
        %get3A_1180 = tpu.vector_load %arg10[%get3A_1178, %get3A_1179] {strides = array<i32>} : memref<128x128xf32, #tpu.memory_space<vmem>>, vector<16xf32>,
        %mul3A_1181 = arith.mulf %get3A_1177, %get3A_1180 : vector<16xf32>
        %add3A_1182 = arith.addf %add3A_1174, %mul3A_1181 : vector<16xf32>
        %mul3A_1183 = arith.constant 16 : i32
        %mul3A_1184 = arith.muli %scan3A_88, %mul3A_1183 : i32
        %add3A_1185 = arith.constant 11 : i32
        %add3A_1186 = arith.addi %mul3A_1184, %add3A_1185 : i32
        %get3A_1187 = arith.index_cast %add3A_1186 : i32 to index
        %get3A_1188 = arith.constant 0 : index
        %get3A_1189 = tpu.vector_load %arg9[%get3A_1187, %get3A_1188] {strides = array<i32>} : memref<128x128xf32, #tpu.memory_space<vmem>>, vector<16xf32>,
        %get3A_1190 = arith.index_cast %add3A_1186 : i32 to index
        %get3A_1191 = arith.constant 0 : index
        %get3A_1192 = tpu.vector_load %arg10[%get3A_1190, %get3A_1191] {strides = array<i32>} : memref<128x128xf32, #tpu.memory_space<vmem>>, vector<16xf32>,
        %mul3A_1193 = arith.mulf %get3A_1189, %get3A_1192 : vector<16xf32>
        %get3A_1194 = arith.index_cast %add3A_1186 : i32 to index
        %get3A_1195 = arith.constant 16 : index
        %get3A_1196 = tpu.vector_load %arg9[%get3A_1194, %get3A_1195] {strides = array<i32>} : memref<128x128xf32, #tpu.memory_space<vmem>>, vector<16xf32>,
        %get3A_1197 = arith.index_cast %add3A_1186 : i32 to index
        %get3A_1198 = arith.constant 16 : index
        %get3A_1199 = tpu.vector_load %arg10[%get3A_1197, %get3A_1198] {strides = array<i32>} : memref<128x128xf32, #tpu.memory_space<vmem>>, vector<16xf32>,
        %mul3A_1200 = arith.mulf %get3A_1196, %get3A_1199 : vector<16xf32>
        %add3A_1201 = arith.addf %mul3A_1193, %mul3A_1200 : vector<16xf32>
        %get3A_1202 = arith.index_cast %add3A_1186 : i32 to index
        %get3A_1203 = arith.constant 32 : index
        %get3A_1204 = tpu.vector_load %arg9[%get3A_1202, %get3A_1203] {strides = array<i32>} : memref<128x128xf32, #tpu.memory_space<vmem>>, vector<16xf32>,
        %get3A_1205 = arith.index_cast %add3A_1186 : i32 to index
        %get3A_1206 = arith.constant 32 : index
        %get3A_1207 = tpu.vector_load %arg10[%get3A_1205, %get3A_1206] {strides = array<i32>} : memref<128x128xf32, #tpu.memory_space<vmem>>, vector<16xf32>,
        %mul3A_1208 = arith.mulf %get3A_1204, %get3A_1207 : vector<16xf32>
        %add3A_1209 = arith.addf %add3A_1201, %mul3A_1208 : vector<16xf32>
        %get3A_1210 = arith.index_cast %add3A_1186 : i32 to index
        %get3A_1211 = arith.constant 48 : index
        %get3A_1212 = tpu.vector_load %arg9[%get3A_1210, %get3A_1211] {strides = array<i32>} : memref<128x128xf32, #tpu.memory_space<vmem>>, vector<16xf32>,
        %get3A_1213 = arith.index_cast %add3A_1186 : i32 to index
        %get3A_1214 = arith.constant 48 : index
        %get3A_1215 = tpu.vector_load %arg10[%get3A_1213, %get3A_1214] {strides = array<i32>} : memref<128x128xf32, #tpu.memory_space<vmem>>, vector<16xf32>,
        %mul3A_1216 = arith.mulf %get3A_1212, %get3A_1215 : vector<16xf32>
        %add3A_1217 = arith.addf %add3A_1209, %mul3A_1216 : vector<16xf32>
        %get3A_1218 = arith.index_cast %add3A_1186 : i32 to index
        %get3A_1219 = arith.constant 64 : index
        %get3A_1220 = tpu.vector_load %arg9[%get3A_1218, %get3A_1219] {strides = array<i32>} : memref<128x128xf32, #tpu.memory_space<vmem>>, vector<16xf32>,
        %get3A_1221 = arith.index_cast %add3A_1186 : i32 to index
        %get3A_1222 = arith.constant 64 : index
        %get3A_1223 = tpu.vector_load %arg10[%get3A_1221, %get3A_1222] {strides = array<i32>} : memref<128x128xf32, #tpu.memory_space<vmem>>, vector<16xf32>,
        %mul3A_1224 = arith.mulf %get3A_1220, %get3A_1223 : vector<16xf32>
        %add3A_1225 = arith.addf %add3A_1217, %mul3A_1224 : vector<16xf32>
        %get3A_1226 = arith.index_cast %add3A_1186 : i32 to index
        %get3A_1227 = arith.constant 80 : index
        %get3A_1228 = tpu.vector_load %arg9[%get3A_1226, %get3A_1227] {strides = array<i32>} : memref<128x128xf32, #tpu.memory_space<vmem>>, vector<16xf32>,
        %get3A_1229 = arith.index_cast %add3A_1186 : i32 to index
        %get3A_1230 = arith.constant 80 : index
        %get3A_1231 = tpu.vector_load %arg10[%get3A_1229, %get3A_1230] {strides = array<i32>} : memref<128x128xf32, #tpu.memory_space<vmem>>, vector<16xf32>,
        %mul3A_1232 = arith.mulf %get3A_1228, %get3A_1231 : vector<16xf32>
        %add3A_1233 = arith.addf %add3A_1225, %mul3A_1232 : vector<16xf32>
        %get3A_1234 = arith.index_cast %add3A_1186 : i32 to index
        %get3A_1235 = arith.constant 96 : index
        %get3A_1236 = tpu.vector_load %arg9[%get3A_1234, %get3A_1235] {strides = array<i32>} : memref<128x128xf32, #tpu.memory_space<vmem>>, vector<16xf32>,
        %get3A_1237 = arith.index_cast %add3A_1186 : i32 to index
        %get3A_1238 = arith.constant 96 : index
        %get3A_1239 = tpu.vector_load %arg10[%get3A_1237, %get3A_1238] {strides = array<i32>} : memref<128x128xf32, #tpu.memory_space<vmem>>, vector<16xf32>,
        %mul3A_1240 = arith.mulf %get3A_1236, %get3A_1239 : vector<16xf32>
        %add3A_1241 = arith.addf %add3A_1233, %mul3A_1240 : vector<16xf32>
        %get3A_1242 = arith.index_cast %add3A_1186 : i32 to index
        %get3A_1243 = arith.constant 112 : index
        %get3A_1244 = tpu.vector_load %arg9[%get3A_1242, %get3A_1243] {strides = array<i32>} : memref<128x128xf32, #tpu.memory_space<vmem>>, vector<16xf32>,
        %get3A_1245 = arith.index_cast %add3A_1186 : i32 to index
        %get3A_1246 = arith.constant 112 : index
        %get3A_1247 = tpu.vector_load %arg10[%get3A_1245, %get3A_1246] {strides = array<i32>} : memref<128x128xf32, #tpu.memory_space<vmem>>, vector<16xf32>,
        %mul3A_1248 = arith.mulf %get3A_1244, %get3A_1247 : vector<16xf32>
        %add3A_1249 = arith.addf %add3A_1241, %mul3A_1248 : vector<16xf32>
        %and3A_1250 = arith.constant 8 : i32
        %and3A_1251 = vector.broadcast %and3A_1250 : i32 to vector<16xi32>
        %and3A_1252 = arith.andi %iota3A, %and3A_1251 : vector<16xi32>
        %eq3A_1253 = arith.constant 0 : i32
        %eq3A_1254 = vector.broadcast %eq3A_1253 : i32 to vector<16xi32>
        %eq3A_1255 = arith.cmpi eq, %and3A_1252, %eq3A_1254 : vector<16xi32>
        %iota3A_1256 = tpu.iota {dimensions = array<i32: 0>} : vector<16xi32>
        %xor3A_1257 = arith.constant 8 : i32
        %xor3A_1258 = vector.broadcast %xor3A_1257 : i32 to vector<16xi32>
        %xor3A_1259 = arith.xori %iota3A_1256, %xor3A_1258 : vector<16xi32>
        %broadcast_in_dim3A_1260 = vector.shape_cast %xor3A_1259 : vector<16xi32> to vector<16x1xi32>
        %gather3A_1261 = vector.shape_cast %broadcast_in_dim3A_1260 : vector<16x1xi32> to vector<16xi32>
        %gather3A_1262 = tpu.dynamic_gather %add3A_1249[%gather3A_1261] in [0] : vector<16xf32>, vector<16xi32> -> vector<16xf32>
        %select_n3A_1263 = arith.select %eq3A_1255, %add3A_1182, %gather3A_1262 : vector<16xi1>, vector<16xf32>
        %iota3A_1264 = tpu.iota {dimensions = array<i32: 0>} : vector<16xi32>
        %xor3A_1265 = arith.constant 8 : i32
        %xor3A_1266 = vector.broadcast %xor3A_1265 : i32 to vector<16xi32>
        %xor3A_1267 = arith.xori %iota3A_1264, %xor3A_1266 : vector<16xi32>
        %broadcast_in_dim3A_1268 = vector.shape_cast %xor3A_1267 : vector<16xi32> to vector<16x1xi32>
        %gather3A_1269 = vector.shape_cast %broadcast_in_dim3A_1268 : vector<16x1xi32> to vector<16xi32>
        %gather3A_1270 = tpu.dynamic_gather %add3A_1182[%gather3A_1269] in [0] : vector<16xf32>, vector<16xi32> -> vector<16xf32>
        %select_n3A_1271 = arith.select %eq3A_1255, %gather3A_1270, %add3A_1249 : vector<16xi1>, vector<16xf32>
        %add3A_1272 = arith.addf %select_n3A_1263, %select_n3A_1271 : vector<16xf32>
        %mul3A_1273 = arith.constant 16 : i32
        %mul3A_1274 = arith.muli %scan3A_88, %mul3A_1273 : i32
        %add3A_1275 = arith.constant 7 : i32
        %add3A_1276 = arith.addi %mul3A_1274, %add3A_1275 : i32
        %get3A_1277 = arith.index_cast %add3A_1276 : i32 to index
        %get3A_1278 = arith.constant 0 : index
        %get3A_1279 = tpu.vector_load %arg9[%get3A_1277, %get3A_1278] {strides = array<i32>} : memref<128x128xf32, #tpu.memory_space<vmem>>, vector<16xf32>,
        %get3A_1280 = arith.index_cast %add3A_1276 : i32 to index
        %get3A_1281 = arith.constant 0 : index
        %get3A_1282 = tpu.vector_load %arg10[%get3A_1280, %get3A_1281] {strides = array<i32>} : memref<128x128xf32, #tpu.memory_space<vmem>>, vector<16xf32>,
        %mul3A_1283 = arith.mulf %get3A_1279, %get3A_1282 : vector<16xf32>
        %get3A_1284 = arith.index_cast %add3A_1276 : i32 to index
        %get3A_1285 = arith.constant 16 : index
        %get3A_1286 = tpu.vector_load %arg9[%get3A_1284, %get3A_1285] {strides = array<i32>} : memref<128x128xf32, #tpu.memory_space<vmem>>, vector<16xf32>,
        %get3A_1287 = arith.index_cast %add3A_1276 : i32 to index
        %get3A_1288 = arith.constant 16 : index
        %get3A_1289 = tpu.vector_load %arg10[%get3A_1287, %get3A_1288] {strides = array<i32>} : memref<128x128xf32, #tpu.memory_space<vmem>>, vector<16xf32>,
        %mul3A_1290 = arith.mulf %get3A_1286, %get3A_1289 : vector<16xf32>
        %add3A_1291 = arith.addf %mul3A_1283, %mul3A_1290 : vector<16xf32>
        %get3A_1292 = arith.index_cast %add3A_1276 : i32 to index
        %get3A_1293 = arith.constant 32 : index
        %get3A_1294 = tpu.vector_load %arg9[%get3A_1292, %get3A_1293] {strides = array<i32>} : memref<128x128xf32, #tpu.memory_space<vmem>>, vector<16xf32>,
        %get3A_1295 = arith.index_cast %add3A_1276 : i32 to index
        %get3A_1296 = arith.constant 32 : index
        %get3A_1297 = tpu.vector_load %arg10[%get3A_1295, %get3A_1296] {strides = array<i32>} : memref<128x128xf32, #tpu.memory_space<vmem>>, vector<16xf32>,
        %mul3A_1298 = arith.mulf %get3A_1294, %get3A_1297 : vector<16xf32>
        %add3A_1299 = arith.addf %add3A_1291, %mul3A_1298 : vector<16xf32>
        %get3A_1300 = arith.index_cast %add3A_1276 : i32 to index
        %get3A_1301 = arith.constant 48 : index
        %get3A_1302 = tpu.vector_load %arg9[%get3A_1300, %get3A_1301] {strides = array<i32>} : memref<128x128xf32, #tpu.memory_space<vmem>>, vector<16xf32>,
        %get3A_1303 = arith.index_cast %add3A_1276 : i32 to index
        %get3A_1304 = arith.constant 48 : index
        %get3A_1305 = tpu.vector_load %arg10[%get3A_1303, %get3A_1304] {strides = array<i32>} : memref<128x128xf32, #tpu.memory_space<vmem>>, vector<16xf32>,
        %mul3A_1306 = arith.mulf %get3A_1302, %get3A_1305 : vector<16xf32>
        %add3A_1307 = arith.addf %add3A_1299, %mul3A_1306 : vector<16xf32>
        %get3A_1308 = arith.index_cast %add3A_1276 : i32 to index
        %get3A_1309 = arith.constant 64 : index
        %get3A_1310 = tpu.vector_load %arg9[%get3A_1308, %get3A_1309] {strides = array<i32>} : memref<128x128xf32, #tpu.memory_space<vmem>>, vector<16xf32>,
        %get3A_1311 = arith.index_cast %add3A_1276 : i32 to index
        %get3A_1312 = arith.constant 64 : index
        %get3A_1313 = tpu.vector_load %arg10[%get3A_1311, %get3A_1312] {strides = array<i32>} : memref<128x128xf32, #tpu.memory_space<vmem>>, vector<16xf32>,
        %mul3A_1314 = arith.mulf %get3A_1310, %get3A_1313 : vector<16xf32>
        %add3A_1315 = arith.addf %add3A_1307, %mul3A_1314 : vector<16xf32>
        %get3A_1316 = arith.index_cast %add3A_1276 : i32 to index
        %get3A_1317 = arith.constant 80 : index
        %get3A_1318 = tpu.vector_load %arg9[%get3A_1316, %get3A_1317] {strides = array<i32>} : memref<128x128xf32, #tpu.memory_space<vmem>>, vector<16xf32>,
        %get3A_1319 = arith.index_cast %add3A_1276 : i32 to index
        %get3A_1320 = arith.constant 80 : index
        %get3A_1321 = tpu.vector_load %arg10[%get3A_1319, %get3A_1320] {strides = array<i32>} : memref<128x128xf32, #tpu.memory_space<vmem>>, vector<16xf32>,
        %mul3A_1322 = arith.mulf %get3A_1318, %get3A_1321 : vector<16xf32>
        %add3A_1323 = arith.addf %add3A_1315, %mul3A_1322 : vector<16xf32>
        %get3A_1324 = arith.index_cast %add3A_1276 : i32 to index
        %get3A_1325 = arith.constant 96 : index
        %get3A_1326 = tpu.vector_load %arg9[%get3A_1324, %get3A_1325] {strides = array<i32>} : memref<128x128xf32, #tpu.memory_space<vmem>>, vector<16xf32>,
        %get3A_1327 = arith.index_cast %add3A_1276 : i32 to index
        %get3A_1328 = arith.constant 96 : index
        %get3A_1329 = tpu.vector_load %arg10[%get3A_1327, %get3A_1328] {strides = array<i32>} : memref<128x128xf32, #tpu.memory_space<vmem>>, vector<16xf32>,
        %mul3A_1330 = arith.mulf %get3A_1326, %get3A_1329 : vector<16xf32>
        %add3A_1331 = arith.addf %add3A_1323, %mul3A_1330 : vector<16xf32>
        %get3A_1332 = arith.index_cast %add3A_1276 : i32 to index
        %get3A_1333 = arith.constant 112 : index
        %get3A_1334 = tpu.vector_load %arg9[%get3A_1332, %get3A_1333] {strides = array<i32>} : memref<128x128xf32, #tpu.memory_space<vmem>>, vector<16xf32>,
        %get3A_1335 = arith.index_cast %add3A_1276 : i32 to index
        %get3A_1336 = arith.constant 112 : index
        %get3A_1337 = tpu.vector_load %arg10[%get3A_1335, %get3A_1336] {strides = array<i32>} : memref<128x128xf32, #tpu.memory_space<vmem>>, vector<16xf32>,
        %mul3A_1338 = arith.mulf %get3A_1334, %get3A_1337 : vector<16xf32>
        %add3A_1339 = arith.addf %add3A_1331, %mul3A_1338 : vector<16xf32>
        %mul3A_1340 = arith.constant 16 : i32
        %mul3A_1341 = arith.muli %scan3A_88, %mul3A_1340 : i32
        %add3A_1342 = arith.constant 15 : i32
        %add3A_1343 = arith.addi %mul3A_1341, %add3A_1342 : i32
        %get3A_1344 = arith.index_cast %add3A_1343 : i32 to index
        %get3A_1345 = arith.constant 0 : index
        %get3A_1346 = tpu.vector_load %arg9[%get3A_1344, %get3A_1345] {strides = array<i32>} : memref<128x128xf32, #tpu.memory_space<vmem>>, vector<16xf32>,
        %get3A_1347 = arith.index_cast %add3A_1343 : i32 to index
        %get3A_1348 = arith.constant 0 : index
        %get3A_1349 = tpu.vector_load %arg10[%get3A_1347, %get3A_1348] {strides = array<i32>} : memref<128x128xf32, #tpu.memory_space<vmem>>, vector<16xf32>,
        %mul3A_1350 = arith.mulf %get3A_1346, %get3A_1349 : vector<16xf32>
        %get3A_1351 = arith.index_cast %add3A_1343 : i32 to index
        %get3A_1352 = arith.constant 16 : index
        %get3A_1353 = tpu.vector_load %arg9[%get3A_1351, %get3A_1352] {strides = array<i32>} : memref<128x128xf32, #tpu.memory_space<vmem>>, vector<16xf32>,
        %get3A_1354 = arith.index_cast %add3A_1343 : i32 to index
        %get3A_1355 = arith.constant 16 : index
        %get3A_1356 = tpu.vector_load %arg10[%get3A_1354, %get3A_1355] {strides = array<i32>} : memref<128x128xf32, #tpu.memory_space<vmem>>, vector<16xf32>,
        %mul3A_1357 = arith.mulf %get3A_1353, %get3A_1356 : vector<16xf32>
        %add3A_1358 = arith.addf %mul3A_1350, %mul3A_1357 : vector<16xf32>
        %get3A_1359 = arith.index_cast %add3A_1343 : i32 to index
        %get3A_1360 = arith.constant 32 : index
        %get3A_1361 = tpu.vector_load %arg9[%get3A_1359, %get3A_1360] {strides = array<i32>} : memref<128x128xf32, #tpu.memory_space<vmem>>, vector<16xf32>,
        %get3A_1362 = arith.index_cast %add3A_1343 : i32 to index
        %get3A_1363 = arith.constant 32 : index
        %get3A_1364 = tpu.vector_load %arg10[%get3A_1362, %get3A_1363] {strides = array<i32>} : memref<128x128xf32, #tpu.memory_space<vmem>>, vector<16xf32>,
        %mul3A_1365 = arith.mulf %get3A_1361, %get3A_1364 : vector<16xf32>
        %add3A_1366 = arith.addf %add3A_1358, %mul3A_1365 : vector<16xf32>
        %get3A_1367 = arith.index_cast %add3A_1343 : i32 to index
        %get3A_1368 = arith.constant 48 : index
        %get3A_1369 = tpu.vector_load %arg9[%get3A_1367, %get3A_1368] {strides = array<i32>} : memref<128x128xf32, #tpu.memory_space<vmem>>, vector<16xf32>,
        %get3A_1370 = arith.index_cast %add3A_1343 : i32 to index
        %get3A_1371 = arith.constant 48 : index
        %get3A_1372 = tpu.vector_load %arg10[%get3A_1370, %get3A_1371] {strides = array<i32>} : memref<128x128xf32, #tpu.memory_space<vmem>>, vector<16xf32>,
        %mul3A_1373 = arith.mulf %get3A_1369, %get3A_1372 : vector<16xf32>
        %add3A_1374 = arith.addf %add3A_1366, %mul3A_1373 : vector<16xf32>
        %get3A_1375 = arith.index_cast %add3A_1343 : i32 to index
        %get3A_1376 = arith.constant 64 : index
        %get3A_1377 = tpu.vector_load %arg9[%get3A_1375, %get3A_1376] {strides = array<i32>} : memref<128x128xf32, #tpu.memory_space<vmem>>, vector<16xf32>,
        %get3A_1378 = arith.index_cast %add3A_1343 : i32 to index
        %get3A_1379 = arith.constant 64 : index
        %get3A_1380 = tpu.vector_load %arg10[%get3A_1378, %get3A_1379] {strides = array<i32>} : memref<128x128xf32, #tpu.memory_space<vmem>>, vector<16xf32>,
        %mul3A_1381 = arith.mulf %get3A_1377, %get3A_1380 : vector<16xf32>
        %add3A_1382 = arith.addf %add3A_1374, %mul3A_1381 : vector<16xf32>
        %get3A_1383 = arith.index_cast %add3A_1343 : i32 to index
        %get3A_1384 = arith.constant 80 : index
        %get3A_1385 = tpu.vector_load %arg9[%get3A_1383, %get3A_1384] {strides = array<i32>} : memref<128x128xf32, #tpu.memory_space<vmem>>, vector<16xf32>,
        %get3A_1386 = arith.index_cast %add3A_1343 : i32 to index
        %get3A_1387 = arith.constant 80 : index
        %get3A_1388 = tpu.vector_load %arg10[%get3A_1386, %get3A_1387] {strides = array<i32>} : memref<128x128xf32, #tpu.memory_space<vmem>>, vector<16xf32>,
        %mul3A_1389 = arith.mulf %get3A_1385, %get3A_1388 : vector<16xf32>
        %add3A_1390 = arith.addf %add3A_1382, %mul3A_1389 : vector<16xf32>
        %get3A_1391 = arith.index_cast %add3A_1343 : i32 to index
        %get3A_1392 = arith.constant 96 : index
        %get3A_1393 = tpu.vector_load %arg9[%get3A_1391, %get3A_1392] {strides = array<i32>} : memref<128x128xf32, #tpu.memory_space<vmem>>, vector<16xf32>,
        %get3A_1394 = arith.index_cast %add3A_1343 : i32 to index
        %get3A_1395 = arith.constant 96 : index
        %get3A_1396 = tpu.vector_load %arg10[%get3A_1394, %get3A_1395] {strides = array<i32>} : memref<128x128xf32, #tpu.memory_space<vmem>>, vector<16xf32>,
        %mul3A_1397 = arith.mulf %get3A_1393, %get3A_1396 : vector<16xf32>
        %add3A_1398 = arith.addf %add3A_1390, %mul3A_1397 : vector<16xf32>
        %get3A_1399 = arith.index_cast %add3A_1343 : i32 to index
        %get3A_1400 = arith.constant 112 : index
        %get3A_1401 = tpu.vector_load %arg9[%get3A_1399, %get3A_1400] {strides = array<i32>} : memref<128x128xf32, #tpu.memory_space<vmem>>, vector<16xf32>,
        %get3A_1402 = arith.index_cast %add3A_1343 : i32 to index
        %get3A_1403 = arith.constant 112 : index
        %get3A_1404 = tpu.vector_load %arg10[%get3A_1402, %get3A_1403] {strides = array<i32>} : memref<128x128xf32, #tpu.memory_space<vmem>>, vector<16xf32>,
        %mul3A_1405 = arith.mulf %get3A_1401, %get3A_1404 : vector<16xf32>
        %add3A_1406 = arith.addf %add3A_1398, %mul3A_1405 : vector<16xf32>
        %and3A_1407 = arith.constant 8 : i32
        %and3A_1408 = vector.broadcast %and3A_1407 : i32 to vector<16xi32>
        %and3A_1409 = arith.andi %iota3A, %and3A_1408 : vector<16xi32>
        %eq3A_1410 = arith.constant 0 : i32
        %eq3A_1411 = vector.broadcast %eq3A_1410 : i32 to vector<16xi32>
        %eq3A_1412 = arith.cmpi eq, %and3A_1409, %eq3A_1411 : vector<16xi32>
        %iota3A_1413 = tpu.iota {dimensions = array<i32: 0>} : vector<16xi32>
        %xor3A_1414 = arith.constant 8 : i32
        %xor3A_1415 = vector.broadcast %xor3A_1414 : i32 to vector<16xi32>
        %xor3A_1416 = arith.xori %iota3A_1413, %xor3A_1415 : vector<16xi32>
        %broadcast_in_dim3A_1417 = vector.shape_cast %xor3A_1416 : vector<16xi32> to vector<16x1xi32>
        %gather3A_1418 = vector.shape_cast %broadcast_in_dim3A_1417 : vector<16x1xi32> to vector<16xi32>
        %gather3A_1419 = tpu.dynamic_gather %add3A_1406[%gather3A_1418] in [0] : vector<16xf32>, vector<16xi32> -> vector<16xf32>
        %select_n3A_1420 = arith.select %eq3A_1412, %add3A_1339, %gather3A_1419 : vector<16xi1>, vector<16xf32>
        %iota3A_1421 = tpu.iota {dimensions = array<i32: 0>} : vector<16xi32>
        %xor3A_1422 = arith.constant 8 : i32
        %xor3A_1423 = vector.broadcast %xor3A_1422 : i32 to vector<16xi32>
        %xor3A_1424 = arith.xori %iota3A_1421, %xor3A_1423 : vector<16xi32>
        %broadcast_in_dim3A_1425 = vector.shape_cast %xor3A_1424 : vector<16xi32> to vector<16x1xi32>
        %gather3A_1426 = vector.shape_cast %broadcast_in_dim3A_1425 : vector<16x1xi32> to vector<16xi32>
        %gather3A_1427 = tpu.dynamic_gather %add3A_1339[%gather3A_1426] in [0] : vector<16xf32>, vector<16xi32> -> vector<16xf32>
        %select_n3A_1428 = arith.select %eq3A_1412, %gather3A_1427, %add3A_1406 : vector<16xi1>, vector<16xf32>
        %add3A_1429 = arith.addf %select_n3A_1420, %select_n3A_1428 : vector<16xf32>
        %and3A_1430 = arith.constant 4 : i32
        %and3A_1431 = vector.broadcast %and3A_1430 : i32 to vector<16xi32>
        %and3A_1432 = arith.andi %iota3A, %and3A_1431 : vector<16xi32>
        %eq3A_1433 = arith.constant 0 : i32
        %eq3A_1434 = vector.broadcast %eq3A_1433 : i32 to vector<16xi32>
        %eq3A_1435 = arith.cmpi eq, %and3A_1432, %eq3A_1434 : vector<16xi32>
        %iota3A_1436 = tpu.iota {dimensions = array<i32: 0>} : vector<16xi32>
        %xor3A_1437 = arith.constant 4 : i32
        %xor3A_1438 = vector.broadcast %xor3A_1437 : i32 to vector<16xi32>
        %xor3A_1439 = arith.xori %iota3A_1436, %xor3A_1438 : vector<16xi32>
        %broadcast_in_dim3A_1440 = vector.shape_cast %xor3A_1439 : vector<16xi32> to vector<16x1xi32>
        %gather3A_1441 = vector.shape_cast %broadcast_in_dim3A_1440 : vector<16x1xi32> to vector<16xi32>
        %gather3A_1442 = tpu.dynamic_gather %add3A_1429[%gather3A_1441] in [0] : vector<16xf32>, vector<16xi32> -> vector<16xf32>
        %select_n3A_1443 = arith.select %eq3A_1435, %add3A_1272, %gather3A_1442 : vector<16xi1>, vector<16xf32>
        %iota3A_1444 = tpu.iota {dimensions = array<i32: 0>} : vector<16xi32>
        %xor3A_1445 = arith.constant 4 : i32
        %xor3A_1446 = vector.broadcast %xor3A_1445 : i32 to vector<16xi32>
        %xor3A_1447 = arith.xori %iota3A_1444, %xor3A_1446 : vector<16xi32>
        %broadcast_in_dim3A_1448 = vector.shape_cast %xor3A_1447 : vector<16xi32> to vector<16x1xi32>
        %gather3A_1449 = vector.shape_cast %broadcast_in_dim3A_1448 : vector<16x1xi32> to vector<16xi32>
        %gather3A_1450 = tpu.dynamic_gather %add3A_1272[%gather3A_1449] in [0] : vector<16xf32>, vector<16xi32> -> vector<16xf32>
        %select_n3A_1451 = arith.select %eq3A_1435, %gather3A_1450, %add3A_1429 : vector<16xi1>, vector<16xf32>
        %add3A_1452 = arith.addf %select_n3A_1443, %select_n3A_1451 : vector<16xf32>
        %and3A_1453 = arith.constant 2 : i32
        %and3A_1454 = vector.broadcast %and3A_1453 : i32 to vector<16xi32>
        %and3A_1455 = arith.andi %iota3A, %and3A_1454 : vector<16xi32>
        %eq3A_1456 = arith.constant 0 : i32
        %eq3A_1457 = vector.broadcast %eq3A_1456 : i32 to vector<16xi32>
        %eq3A_1458 = arith.cmpi eq, %and3A_1455, %eq3A_1457 : vector<16xi32>
        %iota3A_1459 = tpu.iota {dimensions = array<i32: 0>} : vector<16xi32>
        %xor3A_1460 = arith.constant 2 : i32
        %xor3A_1461 = vector.broadcast %xor3A_1460 : i32 to vector<16xi32>
        %xor3A_1462 = arith.xori %iota3A_1459, %xor3A_1461 : vector<16xi32>
        %broadcast_in_dim3A_1463 = vector.shape_cast %xor3A_1462 : vector<16xi32> to vector<16x1xi32>
        %gather3A_1464 = vector.shape_cast %broadcast_in_dim3A_1463 : vector<16x1xi32> to vector<16xi32>
        %gather3A_1465 = tpu.dynamic_gather %add3A_1452[%gather3A_1464] in [0] : vector<16xf32>, vector<16xi32> -> vector<16xf32>
        %select_n3A_1466 = arith.select %eq3A_1458, %add3A_1115, %gather3A_1465 : vector<16xi1>, vector<16xf32>
        %iota3A_1467 = tpu.iota {dimensions = array<i32: 0>} : vector<16xi32>
        %xor3A_1468 = arith.constant 2 : i32
        %xor3A_1469 = vector.broadcast %xor3A_1468 : i32 to vector<16xi32>
        %xor3A_1470 = arith.xori %iota3A_1467, %xor3A_1469 : vector<16xi32>
        %broadcast_in_dim3A_1471 = vector.shape_cast %xor3A_1470 : vector<16xi32> to vector<16x1xi32>
        %gather3A_1472 = vector.shape_cast %broadcast_in_dim3A_1471 : vector<16x1xi32> to vector<16xi32>
        %gather3A_1473 = tpu.dynamic_gather %add3A_1115[%gather3A_1472] in [0] : vector<16xf32>, vector<16xi32> -> vector<16xf32>
        %select_n3A_1474 = arith.select %eq3A_1458, %gather3A_1473, %add3A_1452 : vector<16xi1>, vector<16xf32>
        %add3A_1475 = arith.addf %select_n3A_1466, %select_n3A_1474 : vector<16xf32>
        %and3A_1476 = arith.constant 1 : i32
        %and3A_1477 = vector.broadcast %and3A_1476 : i32 to vector<16xi32>
        %and3A_1478 = arith.andi %iota3A, %and3A_1477 : vector<16xi32>
        %eq3A_1479 = arith.constant 0 : i32
        %eq3A_1480 = vector.broadcast %eq3A_1479 : i32 to vector<16xi32>
        %eq3A_1481 = arith.cmpi eq, %and3A_1478, %eq3A_1480 : vector<16xi32>
        %iota3A_1482 = tpu.iota {dimensions = array<i32: 0>} : vector<16xi32>
        %xor3A_1483 = arith.constant 1 : i32
        %xor3A_1484 = vector.broadcast %xor3A_1483 : i32 to vector<16xi32>
        %xor3A_1485 = arith.xori %iota3A_1482, %xor3A_1484 : vector<16xi32>
        %broadcast_in_dim3A_1486 = vector.shape_cast %xor3A_1485 : vector<16xi32> to vector<16x1xi32>
        %gather3A_1487 = vector.shape_cast %broadcast_in_dim3A_1486 : vector<16x1xi32> to vector<16xi32>
        %gather3A_1488 = tpu.dynamic_gather %add3A_1475[%gather3A_1487] in [0] : vector<16xf32>, vector<16xi32> -> vector<16xf32>
        %select_n3A_1489 = arith.select %eq3A_1481, %add3A_778, %gather3A_1488 : vector<16xi1>, vector<16xf32>
        %iota3A_1490 = tpu.iota {dimensions = array<i32: 0>} : vector<16xi32>
        %xor3A_1491 = arith.constant 1 : i32
        %xor3A_1492 = vector.broadcast %xor3A_1491 : i32 to vector<16xi32>
        %xor3A_1493 = arith.xori %iota3A_1490, %xor3A_1492 : vector<16xi32>
        %broadcast_in_dim3A_1494 = vector.shape_cast %xor3A_1493 : vector<16xi32> to vector<16x1xi32>
        %gather3A_1495 = vector.shape_cast %broadcast_in_dim3A_1494 : vector<16x1xi32> to vector<16xi32>
        %gather3A_1496 = tpu.dynamic_gather %add3A_778[%gather3A_1495] in [0] : vector<16xf32>, vector<16xi32> -> vector<16xf32>
        %select_n3A_1497 = arith.select %eq3A_1481, %gather3A_1496, %add3A_1475 : vector<16xi1>, vector<16xf32>
        %add3A_1498 = arith.addf %select_n3A_1489, %select_n3A_1497 : vector<16xf32>
        %mul3A_1499 = arith.constant 128 : i32
        %mul3A_1500 = arith.muli %mul3A_34, %mul3A_1499 : i32
        %mul3A_1501 = arith.constant 16 : i32
        %mul3A_1502 = arith.muli %scan3A_88, %mul3A_1501 : i32
        %add3A_1503 = arith.addi %mul3A_1500, %mul3A_1502 : i32
        %swap3A = arith.index_cast %add3A_1503 : i32 to index
        %swap3A_1504 = tpu.vector_load %arg13[%swap3A] {strides = array<i32>} : memref<9984xf32, #tpu.memory_space<vmem>>, vector<16xf32>,
        tpu.vector_store %arg13[%swap3A], %add3A_1498 {strides = array<i32>} : memref<9984xf32, #tpu.memory_space<vmem>>, vector<16xf32>,
      }
      %scan3A_68 = arith.constant 8 : i32
      %lt3A_69 = arith.constant 38 : i32
      %lt3A_70 = arith.cmpi slt, %scan3A_32, %lt3A_69 : i32
      %convert_element_type3A_71 = arith.extui %lt3A_70 : i1 to i32
      %cond3A_72 = arith.constant 0 : i32
      %cond3A_73 = arith.cmpi ne, %convert_element_type3A_71, %cond3A_72 : i32
      scf.if %cond3A_73 {
        %add3A_88 = arith.constant 2 : i32
        %add3A_89 = arith.addi %mul3A_34, %add3A_88 : i32
        %mul3A_90 = arith.constant 128 : i32
        %mul3A_91 = arith.muli %add3A_89, %mul3A_90 : i32
        %dma_start3A_92 = tpu.memref_slice %arg7[%mul3A_91] : memref<9984xi32, #tpu.memory_space<vmem>> -> memref<128xi32, #tpu.memory_space<vmem>>
        %dma_start3A_93 = arith.constant 0 : i32
        %dma_start3A_94 = arith.constant 0 : i32
        %dma_start3A_95 = tpu.memref_slice %arg2[%dma_start3A_93, %dma_start3A_94] : memref<10000x128xf32, #tpu.memory_space<hbm>> -> memref<10000x128xf32, #tpu.memory_space<hbm>>
        tpu.enqueue_indirect_dma source(%dma_start3A_95 : memref<10000x128xf32, #tpu.memory_space<hbm>>) target(%arg9 : memref<128x128xf32, #tpu.memory_space<vmem>>) offsets(%dma_start3A_92 : memref<128xi32, #tpu.memory_space<vmem>>) semaphore(%arg14 : memref<!tpu.dma_semaphore, #tpu.memory_space<semaphore_mem>>)
        %add3A_96 = arith.constant 2 : i32
        %add3A_97 = arith.addi %mul3A_34, %add3A_96 : i32
        %mul3A_98 = arith.constant 128 : i32
        %mul3A_99 = arith.muli %add3A_97, %mul3A_98 : i32
        %dma_start3A_100 = tpu.memref_slice %arg8[%mul3A_99] : memref<9984xi32, #tpu.memory_space<vmem>> -> memref<128xi32, #tpu.memory_space<vmem>>
        %dma_start3A_101 = arith.constant 0 : i32
        %dma_start3A_102 = arith.constant 0 : i32
        %dma_start3A_103 = tpu.memref_slice %arg3[%dma_start3A_101, %dma_start3A_102] : memref<10000x128xf32, #tpu.memory_space<hbm>> -> memref<10000x128xf32, #tpu.memory_space<hbm>>
        tpu.enqueue_indirect_dma source(%dma_start3A_103 : memref<10000x128xf32, #tpu.memory_space<hbm>>) target(%arg10 : memref<128x128xf32, #tpu.memory_space<vmem>>) offsets(%dma_start3A_100 : memref<128xi32, #tpu.memory_space<vmem>>) semaphore(%arg14 : memref<!tpu.dma_semaphore, #tpu.memory_space<semaphore_mem>>)
      } else {
      }
      %dma_wait3A_74 = tpu.memref_slice %arg7[%mul3A_40] : memref<9984xi32, #tpu.memory_space<vmem>> -> memref<128xi32, #tpu.memory_space<vmem>>
      %dma_wait3A_75 = arith.constant 0 : i32
      %dma_wait3A_76 = arith.constant 0 : i32
      %dma_wait3A_77 = tpu.memref_slice %arg2[%dma_wait3A_75, %dma_wait3A_76] : memref<10000x128xf32, #tpu.memory_space<hbm>> -> memref<10000x128xf32, #tpu.memory_space<hbm>>
      tpu.wait_indirect_dma semaphore(%arg15 : memref<!tpu.dma_semaphore, #tpu.memory_space<semaphore_mem>>) src(%dma_wait3A_77 : memref<10000x128xf32, #tpu.memory_space<hbm>>) dst(%arg11 : memref<128x128xf32, #tpu.memory_space<vmem>>)
      %dma_wait3A_78 = tpu.memref_slice %arg8[%mul3A_46] : memref<9984xi32, #tpu.memory_space<vmem>> -> memref<128xi32, #tpu.memory_space<vmem>>
      %dma_wait3A_79 = arith.constant 0 : i32
      %dma_wait3A_80 = arith.constant 0 : i32
      %dma_wait3A_81 = tpu.memref_slice %arg3[%dma_wait3A_79, %dma_wait3A_80] : memref<10000x128xf32, #tpu.memory_space<hbm>> -> memref<10000x128xf32, #tpu.memory_space<hbm>>
      tpu.wait_indirect_dma semaphore(%arg15 : memref<!tpu.dma_semaphore, #tpu.memory_space<semaphore_mem>>) src(%dma_wait3A_81 : memref<10000x128xf32, #tpu.memory_space<hbm>>) dst(%arg12 : memref<128x128xf32, #tpu.memory_space<vmem>>)
      %scan3A_82 = arith.constant 0 : i32
      %scan3A_83 = arith.constant 0 : i32
      %scan3A_84 = arith.constant 8 : i32
      %scan3A_85 = arith.addi %scan3A_83, %scan3A_84 : i32
      %scan3A_86 = arith.constant 1 : i32
      scf.for %scan3A_88 = %scan3A_83 to %scan3A_85 step %scan3A_86  : i32 {
        %mul3A_89 = arith.constant 16 : i32
        %mul3A_90 = arith.muli %scan3A_88, %mul3A_89 : i32
        %add3A_91 = arith.constant 0 : i32
        %add3A_92 = arith.addi %mul3A_90, %add3A_91 : i32
        %get3A = arith.index_cast %add3A_92 : i32 to index
        %get3A_93 = arith.constant 0 : index
        %get3A_94 = tpu.vector_load %arg11[%get3A, %get3A_93] {strides = array<i32>} : memref<128x128xf32, #tpu.memory_space<vmem>>, vector<16xf32>,
        %get3A_95 = arith.index_cast %add3A_92 : i32 to index
        %get3A_96 = arith.constant 0 : index
        %get3A_97 = tpu.vector_load %arg12[%get3A_95, %get3A_96] {strides = array<i32>} : memref<128x128xf32, #tpu.memory_space<vmem>>, vector<16xf32>,
        %mul3A_98 = arith.mulf %get3A_94, %get3A_97 : vector<16xf32>
        %get3A_99 = arith.index_cast %add3A_92 : i32 to index
        %get3A_100 = arith.constant 16 : index
        %get3A_101 = tpu.vector_load %arg11[%get3A_99, %get3A_100] {strides = array<i32>} : memref<128x128xf32, #tpu.memory_space<vmem>>, vector<16xf32>,
        %get3A_102 = arith.index_cast %add3A_92 : i32 to index
        %get3A_103 = arith.constant 16 : index
        %get3A_104 = tpu.vector_load %arg12[%get3A_102, %get3A_103] {strides = array<i32>} : memref<128x128xf32, #tpu.memory_space<vmem>>, vector<16xf32>,
        %mul3A_105 = arith.mulf %get3A_101, %get3A_104 : vector<16xf32>
        %add3A_106 = arith.addf %mul3A_98, %mul3A_105 : vector<16xf32>
        %get3A_107 = arith.index_cast %add3A_92 : i32 to index
        %get3A_108 = arith.constant 32 : index
        %get3A_109 = tpu.vector_load %arg11[%get3A_107, %get3A_108] {strides = array<i32>} : memref<128x128xf32, #tpu.memory_space<vmem>>, vector<16xf32>,
        %get3A_110 = arith.index_cast %add3A_92 : i32 to index
        %get3A_111 = arith.constant 32 : index
        %get3A_112 = tpu.vector_load %arg12[%get3A_110, %get3A_111] {strides = array<i32>} : memref<128x128xf32, #tpu.memory_space<vmem>>, vector<16xf32>,
        %mul3A_113 = arith.mulf %get3A_109, %get3A_112 : vector<16xf32>
        %add3A_114 = arith.addf %add3A_106, %mul3A_113 : vector<16xf32>
        %get3A_115 = arith.index_cast %add3A_92 : i32 to index
        %get3A_116 = arith.constant 48 : index
        %get3A_117 = tpu.vector_load %arg11[%get3A_115, %get3A_116] {strides = array<i32>} : memref<128x128xf32, #tpu.memory_space<vmem>>, vector<16xf32>,
        %get3A_118 = arith.index_cast %add3A_92 : i32 to index
        %get3A_119 = arith.constant 48 : index
        %get3A_120 = tpu.vector_load %arg12[%get3A_118, %get3A_119] {strides = array<i32>} : memref<128x128xf32, #tpu.memory_space<vmem>>, vector<16xf32>,
        %mul3A_121 = arith.mulf %get3A_117, %get3A_120 : vector<16xf32>
        %add3A_122 = arith.addf %add3A_114, %mul3A_121 : vector<16xf32>
        %get3A_123 = arith.index_cast %add3A_92 : i32 to index
        %get3A_124 = arith.constant 64 : index
        %get3A_125 = tpu.vector_load %arg11[%get3A_123, %get3A_124] {strides = array<i32>} : memref<128x128xf32, #tpu.memory_space<vmem>>, vector<16xf32>,
        %get3A_126 = arith.index_cast %add3A_92 : i32 to index
        %get3A_127 = arith.constant 64 : index
        %get3A_128 = tpu.vector_load %arg12[%get3A_126, %get3A_127] {strides = array<i32>} : memref<128x128xf32, #tpu.memory_space<vmem>>, vector<16xf32>,
        %mul3A_129 = arith.mulf %get3A_125, %get3A_128 : vector<16xf32>
        %add3A_130 = arith.addf %add3A_122, %mul3A_129 : vector<16xf32>
        %get3A_131 = arith.index_cast %add3A_92 : i32 to index
        %get3A_132 = arith.constant 80 : index
        %get3A_133 = tpu.vector_load %arg11[%get3A_131, %get3A_132] {strides = array<i32>} : memref<128x128xf32, #tpu.memory_space<vmem>>, vector<16xf32>,
        %get3A_134 = arith.index_cast %add3A_92 : i32 to index
        %get3A_135 = arith.constant 80 : index
        %get3A_136 = tpu.vector_load %arg12[%get3A_134, %get3A_135] {strides = array<i32>} : memref<128x128xf32, #tpu.memory_space<vmem>>, vector<16xf32>,
        %mul3A_137 = arith.mulf %get3A_133, %get3A_136 : vector<16xf32>
        %add3A_138 = arith.addf %add3A_130, %mul3A_137 : vector<16xf32>
        %get3A_139 = arith.index_cast %add3A_92 : i32 to index
        %get3A_140 = arith.constant 96 : index
        %get3A_141 = tpu.vector_load %arg11[%get3A_139, %get3A_140] {strides = array<i32>} : memref<128x128xf32, #tpu.memory_space<vmem>>, vector<16xf32>,
        %get3A_142 = arith.index_cast %add3A_92 : i32 to index
        %get3A_143 = arith.constant 96 : index
        %get3A_144 = tpu.vector_load %arg12[%get3A_142, %get3A_143] {strides = array<i32>} : memref<128x128xf32, #tpu.memory_space<vmem>>, vector<16xf32>,
        %mul3A_145 = arith.mulf %get3A_141, %get3A_144 : vector<16xf32>
        %add3A_146 = arith.addf %add3A_138, %mul3A_145 : vector<16xf32>
        %get3A_147 = arith.index_cast %add3A_92 : i32 to index
        %get3A_148 = arith.constant 112 : index
        %get3A_149 = tpu.vector_load %arg11[%get3A_147, %get3A_148] {strides = array<i32>} : memref<128x128xf32, #tpu.memory_space<vmem>>, vector<16xf32>,
        %get3A_150 = arith.index_cast %add3A_92 : i32 to index
        %get3A_151 = arith.constant 112 : index
        %get3A_152 = tpu.vector_load %arg12[%get3A_150, %get3A_151] {strides = array<i32>} : memref<128x128xf32, #tpu.memory_space<vmem>>, vector<16xf32>,
        %mul3A_153 = arith.mulf %get3A_149, %get3A_152 : vector<16xf32>
        %add3A_154 = arith.addf %add3A_146, %mul3A_153 : vector<16xf32>
        %mul3A_155 = arith.constant 16 : i32
        %mul3A_156 = arith.muli %scan3A_88, %mul3A_155 : i32
        %add3A_157 = arith.constant 8 : i32
        %add3A_158 = arith.addi %mul3A_156, %add3A_157 : i32
        %get3A_159 = arith.index_cast %add3A_158 : i32 to index
        %get3A_160 = arith.constant 0 : index
        %get3A_161 = tpu.vector_load %arg11[%get3A_159, %get3A_160] {strides = array<i32>} : memref<128x128xf32, #tpu.memory_space<vmem>>, vector<16xf32>,
        %get3A_162 = arith.index_cast %add3A_158 : i32 to index
        %get3A_163 = arith.constant 0 : index
        %get3A_164 = tpu.vector_load %arg12[%get3A_162, %get3A_163] {strides = array<i32>} : memref<128x128xf32, #tpu.memory_space<vmem>>, vector<16xf32>,
        %mul3A_165 = arith.mulf %get3A_161, %get3A_164 : vector<16xf32>
        %get3A_166 = arith.index_cast %add3A_158 : i32 to index
        %get3A_167 = arith.constant 16 : index
        %get3A_168 = tpu.vector_load %arg11[%get3A_166, %get3A_167] {strides = array<i32>} : memref<128x128xf32, #tpu.memory_space<vmem>>, vector<16xf32>,
        %get3A_169 = arith.index_cast %add3A_158 : i32 to index
        %get3A_170 = arith.constant 16 : index
        %get3A_171 = tpu.vector_load %arg12[%get3A_169, %get3A_170] {strides = array<i32>} : memref<128x128xf32, #tpu.memory_space<vmem>>, vector<16xf32>,
        %mul3A_172 = arith.mulf %get3A_168, %get3A_171 : vector<16xf32>
        %add3A_173 = arith.addf %mul3A_165, %mul3A_172 : vector<16xf32>
        %get3A_174 = arith.index_cast %add3A_158 : i32 to index
        %get3A_175 = arith.constant 32 : index
        %get3A_176 = tpu.vector_load %arg11[%get3A_174, %get3A_175] {strides = array<i32>} : memref<128x128xf32, #tpu.memory_space<vmem>>, vector<16xf32>,
        %get3A_177 = arith.index_cast %add3A_158 : i32 to index
        %get3A_178 = arith.constant 32 : index
        %get3A_179 = tpu.vector_load %arg12[%get3A_177, %get3A_178] {strides = array<i32>} : memref<128x128xf32, #tpu.memory_space<vmem>>, vector<16xf32>,
        %mul3A_180 = arith.mulf %get3A_176, %get3A_179 : vector<16xf32>
        %add3A_181 = arith.addf %add3A_173, %mul3A_180 : vector<16xf32>
        %get3A_182 = arith.index_cast %add3A_158 : i32 to index
        %get3A_183 = arith.constant 48 : index
        %get3A_184 = tpu.vector_load %arg11[%get3A_182, %get3A_183] {strides = array<i32>} : memref<128x128xf32, #tpu.memory_space<vmem>>, vector<16xf32>,
        %get3A_185 = arith.index_cast %add3A_158 : i32 to index
        %get3A_186 = arith.constant 48 : index
        %get3A_187 = tpu.vector_load %arg12[%get3A_185, %get3A_186] {strides = array<i32>} : memref<128x128xf32, #tpu.memory_space<vmem>>, vector<16xf32>,
        %mul3A_188 = arith.mulf %get3A_184, %get3A_187 : vector<16xf32>
        %add3A_189 = arith.addf %add3A_181, %mul3A_188 : vector<16xf32>
        %get3A_190 = arith.index_cast %add3A_158 : i32 to index
        %get3A_191 = arith.constant 64 : index
        %get3A_192 = tpu.vector_load %arg11[%get3A_190, %get3A_191] {strides = array<i32>} : memref<128x128xf32, #tpu.memory_space<vmem>>, vector<16xf32>,
        %get3A_193 = arith.index_cast %add3A_158 : i32 to index
        %get3A_194 = arith.constant 64 : index
        %get3A_195 = tpu.vector_load %arg12[%get3A_193, %get3A_194] {strides = array<i32>} : memref<128x128xf32, #tpu.memory_space<vmem>>, vector<16xf32>,
        %mul3A_196 = arith.mulf %get3A_192, %get3A_195 : vector<16xf32>
        %add3A_197 = arith.addf %add3A_189, %mul3A_196 : vector<16xf32>
        %get3A_198 = arith.index_cast %add3A_158 : i32 to index
        %get3A_199 = arith.constant 80 : index
        %get3A_200 = tpu.vector_load %arg11[%get3A_198, %get3A_199] {strides = array<i32>} : memref<128x128xf32, #tpu.memory_space<vmem>>, vector<16xf32>,
        %get3A_201 = arith.index_cast %add3A_158 : i32 to index
        %get3A_202 = arith.constant 80 : index
        %get3A_203 = tpu.vector_load %arg12[%get3A_201, %get3A_202] {strides = array<i32>} : memref<128x128xf32, #tpu.memory_space<vmem>>, vector<16xf32>,
        %mul3A_204 = arith.mulf %get3A_200, %get3A_203 : vector<16xf32>
        %add3A_205 = arith.addf %add3A_197, %mul3A_204 : vector<16xf32>
        %get3A_206 = arith.index_cast %add3A_158 : i32 to index
        %get3A_207 = arith.constant 96 : index
        %get3A_208 = tpu.vector_load %arg11[%get3A_206, %get3A_207] {strides = array<i32>} : memref<128x128xf32, #tpu.memory_space<vmem>>, vector<16xf32>,
        %get3A_209 = arith.index_cast %add3A_158 : i32 to index
        %get3A_210 = arith.constant 96 : index
        %get3A_211 = tpu.vector_load %arg12[%get3A_209, %get3A_210] {strides = array<i32>} : memref<128x128xf32, #tpu.memory_space<vmem>>, vector<16xf32>,
        %mul3A_212 = arith.mulf %get3A_208, %get3A_211 : vector<16xf32>
        %add3A_213 = arith.addf %add3A_205, %mul3A_212 : vector<16xf32>
        %get3A_214 = arith.index_cast %add3A_158 : i32 to index
        %get3A_215 = arith.constant 112 : index
        %get3A_216 = tpu.vector_load %arg11[%get3A_214, %get3A_215] {strides = array<i32>} : memref<128x128xf32, #tpu.memory_space<vmem>>, vector<16xf32>,
        %get3A_217 = arith.index_cast %add3A_158 : i32 to index
        %get3A_218 = arith.constant 112 : index
        %get3A_219 = tpu.vector_load %arg12[%get3A_217, %get3A_218] {strides = array<i32>} : memref<128x128xf32, #tpu.memory_space<vmem>>, vector<16xf32>,
        %mul3A_220 = arith.mulf %get3A_216, %get3A_219 : vector<16xf32>
        %add3A_221 = arith.addf %add3A_213, %mul3A_220 : vector<16xf32>
        %and3A = arith.constant 8 : i32
        %and3A_222 = vector.broadcast %and3A : i32 to vector<16xi32>
        %and3A_223 = arith.andi %iota3A, %and3A_222 : vector<16xi32>
        %eq3A = arith.constant 0 : i32
        %eq3A_224 = vector.broadcast %eq3A : i32 to vector<16xi32>
        %eq3A_225 = arith.cmpi eq, %and3A_223, %eq3A_224 : vector<16xi32>
        %iota3A_226 = tpu.iota {dimensions = array<i32: 0>} : vector<16xi32>
        %xor3A = arith.constant 8 : i32
        %xor3A_227 = vector.broadcast %xor3A : i32 to vector<16xi32>
        %xor3A_228 = arith.xori %iota3A_226, %xor3A_227 : vector<16xi32>
        %broadcast_in_dim3A = vector.shape_cast %xor3A_228 : vector<16xi32> to vector<16x1xi32>
        %gather3A = vector.shape_cast %broadcast_in_dim3A : vector<16x1xi32> to vector<16xi32>
        %gather3A_229 = tpu.dynamic_gather %add3A_221[%gather3A] in [0] : vector<16xf32>, vector<16xi32> -> vector<16xf32>
        %select_n3A = arith.select %eq3A_225, %add3A_154, %gather3A_229 : vector<16xi1>, vector<16xf32>
        %iota3A_230 = tpu.iota {dimensions = array<i32: 0>} : vector<16xi32>
        %xor3A_231 = arith.constant 8 : i32
        %xor3A_232 = vector.broadcast %xor3A_231 : i32 to vector<16xi32>
        %xor3A_233 = arith.xori %iota3A_230, %xor3A_232 : vector<16xi32>
        %broadcast_in_dim3A_234 = vector.shape_cast %xor3A_233 : vector<16xi32> to vector<16x1xi32>
        %gather3A_235 = vector.shape_cast %broadcast_in_dim3A_234 : vector<16x1xi32> to vector<16xi32>
        %gather3A_236 = tpu.dynamic_gather %add3A_154[%gather3A_235] in [0] : vector<16xf32>, vector<16xi32> -> vector<16xf32>
        %select_n3A_237 = arith.select %eq3A_225, %gather3A_236, %add3A_221 : vector<16xi1>, vector<16xf32>
        %add3A_238 = arith.addf %select_n3A, %select_n3A_237 : vector<16xf32>
        %mul3A_239 = arith.constant 16 : i32
        %mul3A_240 = arith.muli %scan3A_88, %mul3A_239 : i32
        %add3A_241 = arith.constant 4 : i32
        %add3A_242 = arith.addi %mul3A_240, %add3A_241 : i32
        %get3A_243 = arith.index_cast %add3A_242 : i32 to index
        %get3A_244 = arith.constant 0 : index
        %get3A_245 = tpu.vector_load %arg11[%get3A_243, %get3A_244] {strides = array<i32>} : memref<128x128xf32, #tpu.memory_space<vmem>>, vector<16xf32>,
        %get3A_246 = arith.index_cast %add3A_242 : i32 to index
        %get3A_247 = arith.constant 0 : index
        %get3A_248 = tpu.vector_load %arg12[%get3A_246, %get3A_247] {strides = array<i32>} : memref<128x128xf32, #tpu.memory_space<vmem>>, vector<16xf32>,
        %mul3A_249 = arith.mulf %get3A_245, %get3A_248 : vector<16xf32>
        %get3A_250 = arith.index_cast %add3A_242 : i32 to index
        %get3A_251 = arith.constant 16 : index
        %get3A_252 = tpu.vector_load %arg11[%get3A_250, %get3A_251] {strides = array<i32>} : memref<128x128xf32, #tpu.memory_space<vmem>>, vector<16xf32>,
        %get3A_253 = arith.index_cast %add3A_242 : i32 to index
        %get3A_254 = arith.constant 16 : index
        %get3A_255 = tpu.vector_load %arg12[%get3A_253, %get3A_254] {strides = array<i32>} : memref<128x128xf32, #tpu.memory_space<vmem>>, vector<16xf32>,
        %mul3A_256 = arith.mulf %get3A_252, %get3A_255 : vector<16xf32>
        %add3A_257 = arith.addf %mul3A_249, %mul3A_256 : vector<16xf32>
        %get3A_258 = arith.index_cast %add3A_242 : i32 to index
        %get3A_259 = arith.constant 32 : index
        %get3A_260 = tpu.vector_load %arg11[%get3A_258, %get3A_259] {strides = array<i32>} : memref<128x128xf32, #tpu.memory_space<vmem>>, vector<16xf32>,
        %get3A_261 = arith.index_cast %add3A_242 : i32 to index
        %get3A_262 = arith.constant 32 : index
        %get3A_263 = tpu.vector_load %arg12[%get3A_261, %get3A_262] {strides = array<i32>} : memref<128x128xf32, #tpu.memory_space<vmem>>, vector<16xf32>,
        %mul3A_264 = arith.mulf %get3A_260, %get3A_263 : vector<16xf32>
        %add3A_265 = arith.addf %add3A_257, %mul3A_264 : vector<16xf32>
        %get3A_266 = arith.index_cast %add3A_242 : i32 to index
        %get3A_267 = arith.constant 48 : index
        %get3A_268 = tpu.vector_load %arg11[%get3A_266, %get3A_267] {strides = array<i32>} : memref<128x128xf32, #tpu.memory_space<vmem>>, vector<16xf32>,
        %get3A_269 = arith.index_cast %add3A_242 : i32 to index
        %get3A_270 = arith.constant 48 : index
        %get3A_271 = tpu.vector_load %arg12[%get3A_269, %get3A_270] {strides = array<i32>} : memref<128x128xf32, #tpu.memory_space<vmem>>, vector<16xf32>,
        %mul3A_272 = arith.mulf %get3A_268, %get3A_271 : vector<16xf32>
        %add3A_273 = arith.addf %add3A_265, %mul3A_272 : vector<16xf32>
        %get3A_274 = arith.index_cast %add3A_242 : i32 to index
        %get3A_275 = arith.constant 64 : index
        %get3A_276 = tpu.vector_load %arg11[%get3A_274, %get3A_275] {strides = array<i32>} : memref<128x128xf32, #tpu.memory_space<vmem>>, vector<16xf32>,
        %get3A_277 = arith.index_cast %add3A_242 : i32 to index
        %get3A_278 = arith.constant 64 : index
        %get3A_279 = tpu.vector_load %arg12[%get3A_277, %get3A_278] {strides = array<i32>} : memref<128x128xf32, #tpu.memory_space<vmem>>, vector<16xf32>,
        %mul3A_280 = arith.mulf %get3A_276, %get3A_279 : vector<16xf32>
        %add3A_281 = arith.addf %add3A_273, %mul3A_280 : vector<16xf32>
        %get3A_282 = arith.index_cast %add3A_242 : i32 to index
        %get3A_283 = arith.constant 80 : index
        %get3A_284 = tpu.vector_load %arg11[%get3A_282, %get3A_283] {strides = array<i32>} : memref<128x128xf32, #tpu.memory_space<vmem>>, vector<16xf32>,
        %get3A_285 = arith.index_cast %add3A_242 : i32 to index
        %get3A_286 = arith.constant 80 : index
        %get3A_287 = tpu.vector_load %arg12[%get3A_285, %get3A_286] {strides = array<i32>} : memref<128x128xf32, #tpu.memory_space<vmem>>, vector<16xf32>,
        %mul3A_288 = arith.mulf %get3A_284, %get3A_287 : vector<16xf32>
        %add3A_289 = arith.addf %add3A_281, %mul3A_288 : vector<16xf32>
        %get3A_290 = arith.index_cast %add3A_242 : i32 to index
        %get3A_291 = arith.constant 96 : index
        %get3A_292 = tpu.vector_load %arg11[%get3A_290, %get3A_291] {strides = array<i32>} : memref<128x128xf32, #tpu.memory_space<vmem>>, vector<16xf32>,
        %get3A_293 = arith.index_cast %add3A_242 : i32 to index
        %get3A_294 = arith.constant 96 : index
        %get3A_295 = tpu.vector_load %arg12[%get3A_293, %get3A_294] {strides = array<i32>} : memref<128x128xf32, #tpu.memory_space<vmem>>, vector<16xf32>,
        %mul3A_296 = arith.mulf %get3A_292, %get3A_295 : vector<16xf32>
        %add3A_297 = arith.addf %add3A_289, %mul3A_296 : vector<16xf32>
        %get3A_298 = arith.index_cast %add3A_242 : i32 to index
        %get3A_299 = arith.constant 112 : index
        %get3A_300 = tpu.vector_load %arg11[%get3A_298, %get3A_299] {strides = array<i32>} : memref<128x128xf32, #tpu.memory_space<vmem>>, vector<16xf32>,
        %get3A_301 = arith.index_cast %add3A_242 : i32 to index
        %get3A_302 = arith.constant 112 : index
        %get3A_303 = tpu.vector_load %arg12[%get3A_301, %get3A_302] {strides = array<i32>} : memref<128x128xf32, #tpu.memory_space<vmem>>, vector<16xf32>,
        %mul3A_304 = arith.mulf %get3A_300, %get3A_303 : vector<16xf32>
        %add3A_305 = arith.addf %add3A_297, %mul3A_304 : vector<16xf32>
        %mul3A_306 = arith.constant 16 : i32
        %mul3A_307 = arith.muli %scan3A_88, %mul3A_306 : i32
        %add3A_308 = arith.constant 12 : i32
        %add3A_309 = arith.addi %mul3A_307, %add3A_308 : i32
        %get3A_310 = arith.index_cast %add3A_309 : i32 to index
        %get3A_311 = arith.constant 0 : index
        %get3A_312 = tpu.vector_load %arg11[%get3A_310, %get3A_311] {strides = array<i32>} : memref<128x128xf32, #tpu.memory_space<vmem>>, vector<16xf32>,
        %get3A_313 = arith.index_cast %add3A_309 : i32 to index
        %get3A_314 = arith.constant 0 : index
        %get3A_315 = tpu.vector_load %arg12[%get3A_313, %get3A_314] {strides = array<i32>} : memref<128x128xf32, #tpu.memory_space<vmem>>, vector<16xf32>,
        %mul3A_316 = arith.mulf %get3A_312, %get3A_315 : vector<16xf32>
        %get3A_317 = arith.index_cast %add3A_309 : i32 to index
        %get3A_318 = arith.constant 16 : index
        %get3A_319 = tpu.vector_load %arg11[%get3A_317, %get3A_318] {strides = array<i32>} : memref<128x128xf32, #tpu.memory_space<vmem>>, vector<16xf32>,
        %get3A_320 = arith.index_cast %add3A_309 : i32 to index
        %get3A_321 = arith.constant 16 : index
        %get3A_322 = tpu.vector_load %arg12[%get3A_320, %get3A_321] {strides = array<i32>} : memref<128x128xf32, #tpu.memory_space<vmem>>, vector<16xf32>,
        %mul3A_323 = arith.mulf %get3A_319, %get3A_322 : vector<16xf32>
        %add3A_324 = arith.addf %mul3A_316, %mul3A_323 : vector<16xf32>
        %get3A_325 = arith.index_cast %add3A_309 : i32 to index
        %get3A_326 = arith.constant 32 : index
        %get3A_327 = tpu.vector_load %arg11[%get3A_325, %get3A_326] {strides = array<i32>} : memref<128x128xf32, #tpu.memory_space<vmem>>, vector<16xf32>,
        %get3A_328 = arith.index_cast %add3A_309 : i32 to index
        %get3A_329 = arith.constant 32 : index
        %get3A_330 = tpu.vector_load %arg12[%get3A_328, %get3A_329] {strides = array<i32>} : memref<128x128xf32, #tpu.memory_space<vmem>>, vector<16xf32>,
        %mul3A_331 = arith.mulf %get3A_327, %get3A_330 : vector<16xf32>
        %add3A_332 = arith.addf %add3A_324, %mul3A_331 : vector<16xf32>
        %get3A_333 = arith.index_cast %add3A_309 : i32 to index
        %get3A_334 = arith.constant 48 : index
        %get3A_335 = tpu.vector_load %arg11[%get3A_333, %get3A_334] {strides = array<i32>} : memref<128x128xf32, #tpu.memory_space<vmem>>, vector<16xf32>,
        %get3A_336 = arith.index_cast %add3A_309 : i32 to index
        %get3A_337 = arith.constant 48 : index
        %get3A_338 = tpu.vector_load %arg12[%get3A_336, %get3A_337] {strides = array<i32>} : memref<128x128xf32, #tpu.memory_space<vmem>>, vector<16xf32>,
        %mul3A_339 = arith.mulf %get3A_335, %get3A_338 : vector<16xf32>
        %add3A_340 = arith.addf %add3A_332, %mul3A_339 : vector<16xf32>
        %get3A_341 = arith.index_cast %add3A_309 : i32 to index
        %get3A_342 = arith.constant 64 : index
        %get3A_343 = tpu.vector_load %arg11[%get3A_341, %get3A_342] {strides = array<i32>} : memref<128x128xf32, #tpu.memory_space<vmem>>, vector<16xf32>,
        %get3A_344 = arith.index_cast %add3A_309 : i32 to index
        %get3A_345 = arith.constant 64 : index
        %get3A_346 = tpu.vector_load %arg12[%get3A_344, %get3A_345] {strides = array<i32>} : memref<128x128xf32, #tpu.memory_space<vmem>>, vector<16xf32>,
        %mul3A_347 = arith.mulf %get3A_343, %get3A_346 : vector<16xf32>
        %add3A_348 = arith.addf %add3A_340, %mul3A_347 : vector<16xf32>
        %get3A_349 = arith.index_cast %add3A_309 : i32 to index
        %get3A_350 = arith.constant 80 : index
        %get3A_351 = tpu.vector_load %arg11[%get3A_349, %get3A_350] {strides = array<i32>} : memref<128x128xf32, #tpu.memory_space<vmem>>, vector<16xf32>,
        %get3A_352 = arith.index_cast %add3A_309 : i32 to index
        %get3A_353 = arith.constant 80 : index
        %get3A_354 = tpu.vector_load %arg12[%get3A_352, %get3A_353] {strides = array<i32>} : memref<128x128xf32, #tpu.memory_space<vmem>>, vector<16xf32>,
        %mul3A_355 = arith.mulf %get3A_351, %get3A_354 : vector<16xf32>
        %add3A_356 = arith.addf %add3A_348, %mul3A_355 : vector<16xf32>
        %get3A_357 = arith.index_cast %add3A_309 : i32 to index
        %get3A_358 = arith.constant 96 : index
        %get3A_359 = tpu.vector_load %arg11[%get3A_357, %get3A_358] {strides = array<i32>} : memref<128x128xf32, #tpu.memory_space<vmem>>, vector<16xf32>,
        %get3A_360 = arith.index_cast %add3A_309 : i32 to index
        %get3A_361 = arith.constant 96 : index
        %get3A_362 = tpu.vector_load %arg12[%get3A_360, %get3A_361] {strides = array<i32>} : memref<128x128xf32, #tpu.memory_space<vmem>>, vector<16xf32>,
        %mul3A_363 = arith.mulf %get3A_359, %get3A_362 : vector<16xf32>
        %add3A_364 = arith.addf %add3A_356, %mul3A_363 : vector<16xf32>
        %get3A_365 = arith.index_cast %add3A_309 : i32 to index
        %get3A_366 = arith.constant 112 : index
        %get3A_367 = tpu.vector_load %arg11[%get3A_365, %get3A_366] {strides = array<i32>} : memref<128x128xf32, #tpu.memory_space<vmem>>, vector<16xf32>,
        %get3A_368 = arith.index_cast %add3A_309 : i32 to index
        %get3A_369 = arith.constant 112 : index
        %get3A_370 = tpu.vector_load %arg12[%get3A_368, %get3A_369] {strides = array<i32>} : memref<128x128xf32, #tpu.memory_space<vmem>>, vector<16xf32>,
        %mul3A_371 = arith.mulf %get3A_367, %get3A_370 : vector<16xf32>
        %add3A_372 = arith.addf %add3A_364, %mul3A_371 : vector<16xf32>
        %and3A_373 = arith.constant 8 : i32
        %and3A_374 = vector.broadcast %and3A_373 : i32 to vector<16xi32>
        %and3A_375 = arith.andi %iota3A, %and3A_374 : vector<16xi32>
        %eq3A_376 = arith.constant 0 : i32
        %eq3A_377 = vector.broadcast %eq3A_376 : i32 to vector<16xi32>
        %eq3A_378 = arith.cmpi eq, %and3A_375, %eq3A_377 : vector<16xi32>
        %iota3A_379 = tpu.iota {dimensions = array<i32: 0>} : vector<16xi32>
        %xor3A_380 = arith.constant 8 : i32
        %xor3A_381 = vector.broadcast %xor3A_380 : i32 to vector<16xi32>
        %xor3A_382 = arith.xori %iota3A_379, %xor3A_381 : vector<16xi32>
        %broadcast_in_dim3A_383 = vector.shape_cast %xor3A_382 : vector<16xi32> to vector<16x1xi32>
        %gather3A_384 = vector.shape_cast %broadcast_in_dim3A_383 : vector<16x1xi32> to vector<16xi32>
        %gather3A_385 = tpu.dynamic_gather %add3A_372[%gather3A_384] in [0] : vector<16xf32>, vector<16xi32> -> vector<16xf32>
        %select_n3A_386 = arith.select %eq3A_378, %add3A_305, %gather3A_385 : vector<16xi1>, vector<16xf32>
        %iota3A_387 = tpu.iota {dimensions = array<i32: 0>} : vector<16xi32>
        %xor3A_388 = arith.constant 8 : i32
        %xor3A_389 = vector.broadcast %xor3A_388 : i32 to vector<16xi32>
        %xor3A_390 = arith.xori %iota3A_387, %xor3A_389 : vector<16xi32>
        %broadcast_in_dim3A_391 = vector.shape_cast %xor3A_390 : vector<16xi32> to vector<16x1xi32>
        %gather3A_392 = vector.shape_cast %broadcast_in_dim3A_391 : vector<16x1xi32> to vector<16xi32>
        %gather3A_393 = tpu.dynamic_gather %add3A_305[%gather3A_392] in [0] : vector<16xf32>, vector<16xi32> -> vector<16xf32>
        %select_n3A_394 = arith.select %eq3A_378, %gather3A_393, %add3A_372 : vector<16xi1>, vector<16xf32>
        %add3A_395 = arith.addf %select_n3A_386, %select_n3A_394 : vector<16xf32>
        %and3A_396 = arith.constant 4 : i32
        %and3A_397 = vector.broadcast %and3A_396 : i32 to vector<16xi32>
        %and3A_398 = arith.andi %iota3A, %and3A_397 : vector<16xi32>
        %eq3A_399 = arith.constant 0 : i32
        %eq3A_400 = vector.broadcast %eq3A_399 : i32 to vector<16xi32>
        %eq3A_401 = arith.cmpi eq, %and3A_398, %eq3A_400 : vector<16xi32>
        %iota3A_402 = tpu.iota {dimensions = array<i32: 0>} : vector<16xi32>
        %xor3A_403 = arith.constant 4 : i32
        %xor3A_404 = vector.broadcast %xor3A_403 : i32 to vector<16xi32>
        %xor3A_405 = arith.xori %iota3A_402, %xor3A_404 : vector<16xi32>
        %broadcast_in_dim3A_406 = vector.shape_cast %xor3A_405 : vector<16xi32> to vector<16x1xi32>
        %gather3A_407 = vector.shape_cast %broadcast_in_dim3A_406 : vector<16x1xi32> to vector<16xi32>
        %gather3A_408 = tpu.dynamic_gather %add3A_395[%gather3A_407] in [0] : vector<16xf32>, vector<16xi32> -> vector<16xf32>
        %select_n3A_409 = arith.select %eq3A_401, %add3A_238, %gather3A_408 : vector<16xi1>, vector<16xf32>
        %iota3A_410 = tpu.iota {dimensions = array<i32: 0>} : vector<16xi32>
        %xor3A_411 = arith.constant 4 : i32
        %xor3A_412 = vector.broadcast %xor3A_411 : i32 to vector<16xi32>
        %xor3A_413 = arith.xori %iota3A_410, %xor3A_412 : vector<16xi32>
        %broadcast_in_dim3A_414 = vector.shape_cast %xor3A_413 : vector<16xi32> to vector<16x1xi32>
        %gather3A_415 = vector.shape_cast %broadcast_in_dim3A_414 : vector<16x1xi32> to vector<16xi32>
        %gather3A_416 = tpu.dynamic_gather %add3A_238[%gather3A_415] in [0] : vector<16xf32>, vector<16xi32> -> vector<16xf32>
        %select_n3A_417 = arith.select %eq3A_401, %gather3A_416, %add3A_395 : vector<16xi1>, vector<16xf32>
        %add3A_418 = arith.addf %select_n3A_409, %select_n3A_417 : vector<16xf32>
        %mul3A_419 = arith.constant 16 : i32
        %mul3A_420 = arith.muli %scan3A_88, %mul3A_419 : i32
        %add3A_421 = arith.constant 2 : i32
        %add3A_422 = arith.addi %mul3A_420, %add3A_421 : i32
        %get3A_423 = arith.index_cast %add3A_422 : i32 to index
        %get3A_424 = arith.constant 0 : index
        %get3A_425 = tpu.vector_load %arg11[%get3A_423, %get3A_424] {strides = array<i32>} : memref<128x128xf32, #tpu.memory_space<vmem>>, vector<16xf32>,
        %get3A_426 = arith.index_cast %add3A_422 : i32 to index
        %get3A_427 = arith.constant 0 : index
        %get3A_428 = tpu.vector_load %arg12[%get3A_426, %get3A_427] {strides = array<i32>} : memref<128x128xf32, #tpu.memory_space<vmem>>, vector<16xf32>,
        %mul3A_429 = arith.mulf %get3A_425, %get3A_428 : vector<16xf32>
        %get3A_430 = arith.index_cast %add3A_422 : i32 to index
        %get3A_431 = arith.constant 16 : index
        %get3A_432 = tpu.vector_load %arg11[%get3A_430, %get3A_431] {strides = array<i32>} : memref<128x128xf32, #tpu.memory_space<vmem>>, vector<16xf32>,
        %get3A_433 = arith.index_cast %add3A_422 : i32 to index
        %get3A_434 = arith.constant 16 : index
        %get3A_435 = tpu.vector_load %arg12[%get3A_433, %get3A_434] {strides = array<i32>} : memref<128x128xf32, #tpu.memory_space<vmem>>, vector<16xf32>,
        %mul3A_436 = arith.mulf %get3A_432, %get3A_435 : vector<16xf32>
        %add3A_437 = arith.addf %mul3A_429, %mul3A_436 : vector<16xf32>
        %get3A_438 = arith.index_cast %add3A_422 : i32 to index
        %get3A_439 = arith.constant 32 : index
        %get3A_440 = tpu.vector_load %arg11[%get3A_438, %get3A_439] {strides = array<i32>} : memref<128x128xf32, #tpu.memory_space<vmem>>, vector<16xf32>,
        %get3A_441 = arith.index_cast %add3A_422 : i32 to index
        %get3A_442 = arith.constant 32 : index
        %get3A_443 = tpu.vector_load %arg12[%get3A_441, %get3A_442] {strides = array<i32>} : memref<128x128xf32, #tpu.memory_space<vmem>>, vector<16xf32>,
        %mul3A_444 = arith.mulf %get3A_440, %get3A_443 : vector<16xf32>
        %add3A_445 = arith.addf %add3A_437, %mul3A_444 : vector<16xf32>
        %get3A_446 = arith.index_cast %add3A_422 : i32 to index
        %get3A_447 = arith.constant 48 : index
        %get3A_448 = tpu.vector_load %arg11[%get3A_446, %get3A_447] {strides = array<i32>} : memref<128x128xf32, #tpu.memory_space<vmem>>, vector<16xf32>,
        %get3A_449 = arith.index_cast %add3A_422 : i32 to index
        %get3A_450 = arith.constant 48 : index
        %get3A_451 = tpu.vector_load %arg12[%get3A_449, %get3A_450] {strides = array<i32>} : memref<128x128xf32, #tpu.memory_space<vmem>>, vector<16xf32>,
        %mul3A_452 = arith.mulf %get3A_448, %get3A_451 : vector<16xf32>
        %add3A_453 = arith.addf %add3A_445, %mul3A_452 : vector<16xf32>
        %get3A_454 = arith.index_cast %add3A_422 : i32 to index
        %get3A_455 = arith.constant 64 : index
        %get3A_456 = tpu.vector_load %arg11[%get3A_454, %get3A_455] {strides = array<i32>} : memref<128x128xf32, #tpu.memory_space<vmem>>, vector<16xf32>,
        %get3A_457 = arith.index_cast %add3A_422 : i32 to index
        %get3A_458 = arith.constant 64 : index
        %get3A_459 = tpu.vector_load %arg12[%get3A_457, %get3A_458] {strides = array<i32>} : memref<128x128xf32, #tpu.memory_space<vmem>>, vector<16xf32>,
        %mul3A_460 = arith.mulf %get3A_456, %get3A_459 : vector<16xf32>
        %add3A_461 = arith.addf %add3A_453, %mul3A_460 : vector<16xf32>
        %get3A_462 = arith.index_cast %add3A_422 : i32 to index
        %get3A_463 = arith.constant 80 : index
        %get3A_464 = tpu.vector_load %arg11[%get3A_462, %get3A_463] {strides = array<i32>} : memref<128x128xf32, #tpu.memory_space<vmem>>, vector<16xf32>,
        %get3A_465 = arith.index_cast %add3A_422 : i32 to index
        %get3A_466 = arith.constant 80 : index
        %get3A_467 = tpu.vector_load %arg12[%get3A_465, %get3A_466] {strides = array<i32>} : memref<128x128xf32, #tpu.memory_space<vmem>>, vector<16xf32>,
        %mul3A_468 = arith.mulf %get3A_464, %get3A_467 : vector<16xf32>
        %add3A_469 = arith.addf %add3A_461, %mul3A_468 : vector<16xf32>
        %get3A_470 = arith.index_cast %add3A_422 : i32 to index
        %get3A_471 = arith.constant 96 : index
        %get3A_472 = tpu.vector_load %arg11[%get3A_470, %get3A_471] {strides = array<i32>} : memref<128x128xf32, #tpu.memory_space<vmem>>, vector<16xf32>,
        %get3A_473 = arith.index_cast %add3A_422 : i32 to index
        %get3A_474 = arith.constant 96 : index
        %get3A_475 = tpu.vector_load %arg12[%get3A_473, %get3A_474] {strides = array<i32>} : memref<128x128xf32, #tpu.memory_space<vmem>>, vector<16xf32>,
        %mul3A_476 = arith.mulf %get3A_472, %get3A_475 : vector<16xf32>
        %add3A_477 = arith.addf %add3A_469, %mul3A_476 : vector<16xf32>
        %get3A_478 = arith.index_cast %add3A_422 : i32 to index
        %get3A_479 = arith.constant 112 : index
        %get3A_480 = tpu.vector_load %arg11[%get3A_478, %get3A_479] {strides = array<i32>} : memref<128x128xf32, #tpu.memory_space<vmem>>, vector<16xf32>,
        %get3A_481 = arith.index_cast %add3A_422 : i32 to index
        %get3A_482 = arith.constant 112 : index
        %get3A_483 = tpu.vector_load %arg12[%get3A_481, %get3A_482] {strides = array<i32>} : memref<128x128xf32, #tpu.memory_space<vmem>>, vector<16xf32>,
        %mul3A_484 = arith.mulf %get3A_480, %get3A_483 : vector<16xf32>
        %add3A_485 = arith.addf %add3A_477, %mul3A_484 : vector<16xf32>
        %mul3A_486 = arith.constant 16 : i32
        %mul3A_487 = arith.muli %scan3A_88, %mul3A_486 : i32
        %add3A_488 = arith.constant 10 : i32
        %add3A_489 = arith.addi %mul3A_487, %add3A_488 : i32
        %get3A_490 = arith.index_cast %add3A_489 : i32 to index
        %get3A_491 = arith.constant 0 : index
        %get3A_492 = tpu.vector_load %arg11[%get3A_490, %get3A_491] {strides = array<i32>} : memref<128x128xf32, #tpu.memory_space<vmem>>, vector<16xf32>,
        %get3A_493 = arith.index_cast %add3A_489 : i32 to index
        %get3A_494 = arith.constant 0 : index
        %get3A_495 = tpu.vector_load %arg12[%get3A_493, %get3A_494] {strides = array<i32>} : memref<128x128xf32, #tpu.memory_space<vmem>>, vector<16xf32>,
        %mul3A_496 = arith.mulf %get3A_492, %get3A_495 : vector<16xf32>
        %get3A_497 = arith.index_cast %add3A_489 : i32 to index
        %get3A_498 = arith.constant 16 : index
        %get3A_499 = tpu.vector_load %arg11[%get3A_497, %get3A_498] {strides = array<i32>} : memref<128x128xf32, #tpu.memory_space<vmem>>, vector<16xf32>,
        %get3A_500 = arith.index_cast %add3A_489 : i32 to index
        %get3A_501 = arith.constant 16 : index
        %get3A_502 = tpu.vector_load %arg12[%get3A_500, %get3A_501] {strides = array<i32>} : memref<128x128xf32, #tpu.memory_space<vmem>>, vector<16xf32>,
        %mul3A_503 = arith.mulf %get3A_499, %get3A_502 : vector<16xf32>
        %add3A_504 = arith.addf %mul3A_496, %mul3A_503 : vector<16xf32>
        %get3A_505 = arith.index_cast %add3A_489 : i32 to index
        %get3A_506 = arith.constant 32 : index
        %get3A_507 = tpu.vector_load %arg11[%get3A_505, %get3A_506] {strides = array<i32>} : memref<128x128xf32, #tpu.memory_space<vmem>>, vector<16xf32>,
        %get3A_508 = arith.index_cast %add3A_489 : i32 to index
        %get3A_509 = arith.constant 32 : index
        %get3A_510 = tpu.vector_load %arg12[%get3A_508, %get3A_509] {strides = array<i32>} : memref<128x128xf32, #tpu.memory_space<vmem>>, vector<16xf32>,
        %mul3A_511 = arith.mulf %get3A_507, %get3A_510 : vector<16xf32>
        %add3A_512 = arith.addf %add3A_504, %mul3A_511 : vector<16xf32>
        %get3A_513 = arith.index_cast %add3A_489 : i32 to index
        %get3A_514 = arith.constant 48 : index
        %get3A_515 = tpu.vector_load %arg11[%get3A_513, %get3A_514] {strides = array<i32>} : memref<128x128xf32, #tpu.memory_space<vmem>>, vector<16xf32>,
        %get3A_516 = arith.index_cast %add3A_489 : i32 to index
        %get3A_517 = arith.constant 48 : index
        %get3A_518 = tpu.vector_load %arg12[%get3A_516, %get3A_517] {strides = array<i32>} : memref<128x128xf32, #tpu.memory_space<vmem>>, vector<16xf32>,
        %mul3A_519 = arith.mulf %get3A_515, %get3A_518 : vector<16xf32>
        %add3A_520 = arith.addf %add3A_512, %mul3A_519 : vector<16xf32>
        %get3A_521 = arith.index_cast %add3A_489 : i32 to index
        %get3A_522 = arith.constant 64 : index
        %get3A_523 = tpu.vector_load %arg11[%get3A_521, %get3A_522] {strides = array<i32>} : memref<128x128xf32, #tpu.memory_space<vmem>>, vector<16xf32>,
        %get3A_524 = arith.index_cast %add3A_489 : i32 to index
        %get3A_525 = arith.constant 64 : index
        %get3A_526 = tpu.vector_load %arg12[%get3A_524, %get3A_525] {strides = array<i32>} : memref<128x128xf32, #tpu.memory_space<vmem>>, vector<16xf32>,
        %mul3A_527 = arith.mulf %get3A_523, %get3A_526 : vector<16xf32>
        %add3A_528 = arith.addf %add3A_520, %mul3A_527 : vector<16xf32>
        %get3A_529 = arith.index_cast %add3A_489 : i32 to index
        %get3A_530 = arith.constant 80 : index
        %get3A_531 = tpu.vector_load %arg11[%get3A_529, %get3A_530] {strides = array<i32>} : memref<128x128xf32, #tpu.memory_space<vmem>>, vector<16xf32>,
        %get3A_532 = arith.index_cast %add3A_489 : i32 to index
        %get3A_533 = arith.constant 80 : index
        %get3A_534 = tpu.vector_load %arg12[%get3A_532, %get3A_533] {strides = array<i32>} : memref<128x128xf32, #tpu.memory_space<vmem>>, vector<16xf32>,
        %mul3A_535 = arith.mulf %get3A_531, %get3A_534 : vector<16xf32>
        %add3A_536 = arith.addf %add3A_528, %mul3A_535 : vector<16xf32>
        %get3A_537 = arith.index_cast %add3A_489 : i32 to index
        %get3A_538 = arith.constant 96 : index
        %get3A_539 = tpu.vector_load %arg11[%get3A_537, %get3A_538] {strides = array<i32>} : memref<128x128xf32, #tpu.memory_space<vmem>>, vector<16xf32>,
        %get3A_540 = arith.index_cast %add3A_489 : i32 to index
        %get3A_541 = arith.constant 96 : index
        %get3A_542 = tpu.vector_load %arg12[%get3A_540, %get3A_541] {strides = array<i32>} : memref<128x128xf32, #tpu.memory_space<vmem>>, vector<16xf32>,
        %mul3A_543 = arith.mulf %get3A_539, %get3A_542 : vector<16xf32>
        %add3A_544 = arith.addf %add3A_536, %mul3A_543 : vector<16xf32>
        %get3A_545 = arith.index_cast %add3A_489 : i32 to index
        %get3A_546 = arith.constant 112 : index
        %get3A_547 = tpu.vector_load %arg11[%get3A_545, %get3A_546] {strides = array<i32>} : memref<128x128xf32, #tpu.memory_space<vmem>>, vector<16xf32>,
        %get3A_548 = arith.index_cast %add3A_489 : i32 to index
        %get3A_549 = arith.constant 112 : index
        %get3A_550 = tpu.vector_load %arg12[%get3A_548, %get3A_549] {strides = array<i32>} : memref<128x128xf32, #tpu.memory_space<vmem>>, vector<16xf32>,
        %mul3A_551 = arith.mulf %get3A_547, %get3A_550 : vector<16xf32>
        %add3A_552 = arith.addf %add3A_544, %mul3A_551 : vector<16xf32>
        %and3A_553 = arith.constant 8 : i32
        %and3A_554 = vector.broadcast %and3A_553 : i32 to vector<16xi32>
        %and3A_555 = arith.andi %iota3A, %and3A_554 : vector<16xi32>
        %eq3A_556 = arith.constant 0 : i32
        %eq3A_557 = vector.broadcast %eq3A_556 : i32 to vector<16xi32>
        %eq3A_558 = arith.cmpi eq, %and3A_555, %eq3A_557 : vector<16xi32>
        %iota3A_559 = tpu.iota {dimensions = array<i32: 0>} : vector<16xi32>
        %xor3A_560 = arith.constant 8 : i32
        %xor3A_561 = vector.broadcast %xor3A_560 : i32 to vector<16xi32>
        %xor3A_562 = arith.xori %iota3A_559, %xor3A_561 : vector<16xi32>
        %broadcast_in_dim3A_563 = vector.shape_cast %xor3A_562 : vector<16xi32> to vector<16x1xi32>
        %gather3A_564 = vector.shape_cast %broadcast_in_dim3A_563 : vector<16x1xi32> to vector<16xi32>
        %gather3A_565 = tpu.dynamic_gather %add3A_552[%gather3A_564] in [0] : vector<16xf32>, vector<16xi32> -> vector<16xf32>
        %select_n3A_566 = arith.select %eq3A_558, %add3A_485, %gather3A_565 : vector<16xi1>, vector<16xf32>
        %iota3A_567 = tpu.iota {dimensions = array<i32: 0>} : vector<16xi32>
        %xor3A_568 = arith.constant 8 : i32
        %xor3A_569 = vector.broadcast %xor3A_568 : i32 to vector<16xi32>
        %xor3A_570 = arith.xori %iota3A_567, %xor3A_569 : vector<16xi32>
        %broadcast_in_dim3A_571 = vector.shape_cast %xor3A_570 : vector<16xi32> to vector<16x1xi32>
        %gather3A_572 = vector.shape_cast %broadcast_in_dim3A_571 : vector<16x1xi32> to vector<16xi32>
        %gather3A_573 = tpu.dynamic_gather %add3A_485[%gather3A_572] in [0] : vector<16xf32>, vector<16xi32> -> vector<16xf32>
        %select_n3A_574 = arith.select %eq3A_558, %gather3A_573, %add3A_552 : vector<16xi1>, vector<16xf32>
        %add3A_575 = arith.addf %select_n3A_566, %select_n3A_574 : vector<16xf32>
        %mul3A_576 = arith.constant 16 : i32
        %mul3A_577 = arith.muli %scan3A_88, %mul3A_576 : i32
        %add3A_578 = arith.constant 6 : i32
        %add3A_579 = arith.addi %mul3A_577, %add3A_578 : i32
        %get3A_580 = arith.index_cast %add3A_579 : i32 to index
        %get3A_581 = arith.constant 0 : index
        %get3A_582 = tpu.vector_load %arg11[%get3A_580, %get3A_581] {strides = array<i32>} : memref<128x128xf32, #tpu.memory_space<vmem>>, vector<16xf32>,
        %get3A_583 = arith.index_cast %add3A_579 : i32 to index
        %get3A_584 = arith.constant 0 : index
        %get3A_585 = tpu.vector_load %arg12[%get3A_583, %get3A_584] {strides = array<i32>} : memref<128x128xf32, #tpu.memory_space<vmem>>, vector<16xf32>,
        %mul3A_586 = arith.mulf %get3A_582, %get3A_585 : vector<16xf32>
        %get3A_587 = arith.index_cast %add3A_579 : i32 to index
        %get3A_588 = arith.constant 16 : index
        %get3A_589 = tpu.vector_load %arg11[%get3A_587, %get3A_588] {strides = array<i32>} : memref<128x128xf32, #tpu.memory_space<vmem>>, vector<16xf32>,
        %get3A_590 = arith.index_cast %add3A_579 : i32 to index
        %get3A_591 = arith.constant 16 : index
        %get3A_592 = tpu.vector_load %arg12[%get3A_590, %get3A_591] {strides = array<i32>} : memref<128x128xf32, #tpu.memory_space<vmem>>, vector<16xf32>,
        %mul3A_593 = arith.mulf %get3A_589, %get3A_592 : vector<16xf32>
        %add3A_594 = arith.addf %mul3A_586, %mul3A_593 : vector<16xf32>
        %get3A_595 = arith.index_cast %add3A_579 : i32 to index
        %get3A_596 = arith.constant 32 : index
        %get3A_597 = tpu.vector_load %arg11[%get3A_595, %get3A_596] {strides = array<i32>} : memref<128x128xf32, #tpu.memory_space<vmem>>, vector<16xf32>,
        %get3A_598 = arith.index_cast %add3A_579 : i32 to index
        %get3A_599 = arith.constant 32 : index
        %get3A_600 = tpu.vector_load %arg12[%get3A_598, %get3A_599] {strides = array<i32>} : memref<128x128xf32, #tpu.memory_space<vmem>>, vector<16xf32>,
        %mul3A_601 = arith.mulf %get3A_597, %get3A_600 : vector<16xf32>
        %add3A_602 = arith.addf %add3A_594, %mul3A_601 : vector<16xf32>
        %get3A_603 = arith.index_cast %add3A_579 : i32 to index
        %get3A_604 = arith.constant 48 : index
        %get3A_605 = tpu.vector_load %arg11[%get3A_603, %get3A_604] {strides = array<i32>} : memref<128x128xf32, #tpu.memory_space<vmem>>, vector<16xf32>,
        %get3A_606 = arith.index_cast %add3A_579 : i32 to index
        %get3A_607 = arith.constant 48 : index
        %get3A_608 = tpu.vector_load %arg12[%get3A_606, %get3A_607] {strides = array<i32>} : memref<128x128xf32, #tpu.memory_space<vmem>>, vector<16xf32>,
        %mul3A_609 = arith.mulf %get3A_605, %get3A_608 : vector<16xf32>
        %add3A_610 = arith.addf %add3A_602, %mul3A_609 : vector<16xf32>
        %get3A_611 = arith.index_cast %add3A_579 : i32 to index
        %get3A_612 = arith.constant 64 : index
        %get3A_613 = tpu.vector_load %arg11[%get3A_611, %get3A_612] {strides = array<i32>} : memref<128x128xf32, #tpu.memory_space<vmem>>, vector<16xf32>,
        %get3A_614 = arith.index_cast %add3A_579 : i32 to index
        %get3A_615 = arith.constant 64 : index
        %get3A_616 = tpu.vector_load %arg12[%get3A_614, %get3A_615] {strides = array<i32>} : memref<128x128xf32, #tpu.memory_space<vmem>>, vector<16xf32>,
        %mul3A_617 = arith.mulf %get3A_613, %get3A_616 : vector<16xf32>
        %add3A_618 = arith.addf %add3A_610, %mul3A_617 : vector<16xf32>
        %get3A_619 = arith.index_cast %add3A_579 : i32 to index
        %get3A_620 = arith.constant 80 : index
        %get3A_621 = tpu.vector_load %arg11[%get3A_619, %get3A_620] {strides = array<i32>} : memref<128x128xf32, #tpu.memory_space<vmem>>, vector<16xf32>,
        %get3A_622 = arith.index_cast %add3A_579 : i32 to index
        %get3A_623 = arith.constant 80 : index
        %get3A_624 = tpu.vector_load %arg12[%get3A_622, %get3A_623] {strides = array<i32>} : memref<128x128xf32, #tpu.memory_space<vmem>>, vector<16xf32>,
        %mul3A_625 = arith.mulf %get3A_621, %get3A_624 : vector<16xf32>
        %add3A_626 = arith.addf %add3A_618, %mul3A_625 : vector<16xf32>
        %get3A_627 = arith.index_cast %add3A_579 : i32 to index
        %get3A_628 = arith.constant 96 : index
        %get3A_629 = tpu.vector_load %arg11[%get3A_627, %get3A_628] {strides = array<i32>} : memref<128x128xf32, #tpu.memory_space<vmem>>, vector<16xf32>,
        %get3A_630 = arith.index_cast %add3A_579 : i32 to index
        %get3A_631 = arith.constant 96 : index
        %get3A_632 = tpu.vector_load %arg12[%get3A_630, %get3A_631] {strides = array<i32>} : memref<128x128xf32, #tpu.memory_space<vmem>>, vector<16xf32>,
        %mul3A_633 = arith.mulf %get3A_629, %get3A_632 : vector<16xf32>
        %add3A_634 = arith.addf %add3A_626, %mul3A_633 : vector<16xf32>
        %get3A_635 = arith.index_cast %add3A_579 : i32 to index
        %get3A_636 = arith.constant 112 : index
        %get3A_637 = tpu.vector_load %arg11[%get3A_635, %get3A_636] {strides = array<i32>} : memref<128x128xf32, #tpu.memory_space<vmem>>, vector<16xf32>,
        %get3A_638 = arith.index_cast %add3A_579 : i32 to index
        %get3A_639 = arith.constant 112 : index
        %get3A_640 = tpu.vector_load %arg12[%get3A_638, %get3A_639] {strides = array<i32>} : memref<128x128xf32, #tpu.memory_space<vmem>>, vector<16xf32>,
        %mul3A_641 = arith.mulf %get3A_637, %get3A_640 : vector<16xf32>
        %add3A_642 = arith.addf %add3A_634, %mul3A_641 : vector<16xf32>
        %mul3A_643 = arith.constant 16 : i32
        %mul3A_644 = arith.muli %scan3A_88, %mul3A_643 : i32
        %add3A_645 = arith.constant 14 : i32
        %add3A_646 = arith.addi %mul3A_644, %add3A_645 : i32
        %get3A_647 = arith.index_cast %add3A_646 : i32 to index
        %get3A_648 = arith.constant 0 : index
        %get3A_649 = tpu.vector_load %arg11[%get3A_647, %get3A_648] {strides = array<i32>} : memref<128x128xf32, #tpu.memory_space<vmem>>, vector<16xf32>,
        %get3A_650 = arith.index_cast %add3A_646 : i32 to index
        %get3A_651 = arith.constant 0 : index
        %get3A_652 = tpu.vector_load %arg12[%get3A_650, %get3A_651] {strides = array<i32>} : memref<128x128xf32, #tpu.memory_space<vmem>>, vector<16xf32>,
        %mul3A_653 = arith.mulf %get3A_649, %get3A_652 : vector<16xf32>
        %get3A_654 = arith.index_cast %add3A_646 : i32 to index
        %get3A_655 = arith.constant 16 : index
        %get3A_656 = tpu.vector_load %arg11[%get3A_654, %get3A_655] {strides = array<i32>} : memref<128x128xf32, #tpu.memory_space<vmem>>, vector<16xf32>,
        %get3A_657 = arith.index_cast %add3A_646 : i32 to index
        %get3A_658 = arith.constant 16 : index
        %get3A_659 = tpu.vector_load %arg12[%get3A_657, %get3A_658] {strides = array<i32>} : memref<128x128xf32, #tpu.memory_space<vmem>>, vector<16xf32>,
        %mul3A_660 = arith.mulf %get3A_656, %get3A_659 : vector<16xf32>
        %add3A_661 = arith.addf %mul3A_653, %mul3A_660 : vector<16xf32>
        %get3A_662 = arith.index_cast %add3A_646 : i32 to index
        %get3A_663 = arith.constant 32 : index
        %get3A_664 = tpu.vector_load %arg11[%get3A_662, %get3A_663] {strides = array<i32>} : memref<128x128xf32, #tpu.memory_space<vmem>>, vector<16xf32>,
        %get3A_665 = arith.index_cast %add3A_646 : i32 to index
        %get3A_666 = arith.constant 32 : index
        %get3A_667 = tpu.vector_load %arg12[%get3A_665, %get3A_666] {strides = array<i32>} : memref<128x128xf32, #tpu.memory_space<vmem>>, vector<16xf32>,
        %mul3A_668 = arith.mulf %get3A_664, %get3A_667 : vector<16xf32>
        %add3A_669 = arith.addf %add3A_661, %mul3A_668 : vector<16xf32>
        %get3A_670 = arith.index_cast %add3A_646 : i32 to index
        %get3A_671 = arith.constant 48 : index
        %get3A_672 = tpu.vector_load %arg11[%get3A_670, %get3A_671] {strides = array<i32>} : memref<128x128xf32, #tpu.memory_space<vmem>>, vector<16xf32>,
        %get3A_673 = arith.index_cast %add3A_646 : i32 to index
        %get3A_674 = arith.constant 48 : index
        %get3A_675 = tpu.vector_load %arg12[%get3A_673, %get3A_674] {strides = array<i32>} : memref<128x128xf32, #tpu.memory_space<vmem>>, vector<16xf32>,
        %mul3A_676 = arith.mulf %get3A_672, %get3A_675 : vector<16xf32>
        %add3A_677 = arith.addf %add3A_669, %mul3A_676 : vector<16xf32>
        %get3A_678 = arith.index_cast %add3A_646 : i32 to index
        %get3A_679 = arith.constant 64 : index
        %get3A_680 = tpu.vector_load %arg11[%get3A_678, %get3A_679] {strides = array<i32>} : memref<128x128xf32, #tpu.memory_space<vmem>>, vector<16xf32>,
        %get3A_681 = arith.index_cast %add3A_646 : i32 to index
        %get3A_682 = arith.constant 64 : index
        %get3A_683 = tpu.vector_load %arg12[%get3A_681, %get3A_682] {strides = array<i32>} : memref<128x128xf32, #tpu.memory_space<vmem>>, vector<16xf32>,
        %mul3A_684 = arith.mulf %get3A_680, %get3A_683 : vector<16xf32>
        %add3A_685 = arith.addf %add3A_677, %mul3A_684 : vector<16xf32>
        %get3A_686 = arith.index_cast %add3A_646 : i32 to index
        %get3A_687 = arith.constant 80 : index
        %get3A_688 = tpu.vector_load %arg11[%get3A_686, %get3A_687] {strides = array<i32>} : memref<128x128xf32, #tpu.memory_space<vmem>>, vector<16xf32>,
        %get3A_689 = arith.index_cast %add3A_646 : i32 to index
        %get3A_690 = arith.constant 80 : index
        %get3A_691 = tpu.vector_load %arg12[%get3A_689, %get3A_690] {strides = array<i32>} : memref<128x128xf32, #tpu.memory_space<vmem>>, vector<16xf32>,
        %mul3A_692 = arith.mulf %get3A_688, %get3A_691 : vector<16xf32>
        %add3A_693 = arith.addf %add3A_685, %mul3A_692 : vector<16xf32>
        %get3A_694 = arith.index_cast %add3A_646 : i32 to index
        %get3A_695 = arith.constant 96 : index
        %get3A_696 = tpu.vector_load %arg11[%get3A_694, %get3A_695] {strides = array<i32>} : memref<128x128xf32, #tpu.memory_space<vmem>>, vector<16xf32>,
        %get3A_697 = arith.index_cast %add3A_646 : i32 to index
        %get3A_698 = arith.constant 96 : index
        %get3A_699 = tpu.vector_load %arg12[%get3A_697, %get3A_698] {strides = array<i32>} : memref<128x128xf32, #tpu.memory_space<vmem>>, vector<16xf32>,
        %mul3A_700 = arith.mulf %get3A_696, %get3A_699 : vector<16xf32>
        %add3A_701 = arith.addf %add3A_693, %mul3A_700 : vector<16xf32>
        %get3A_702 = arith.index_cast %add3A_646 : i32 to index
        %get3A_703 = arith.constant 112 : index
        %get3A_704 = tpu.vector_load %arg11[%get3A_702, %get3A_703] {strides = array<i32>} : memref<128x128xf32, #tpu.memory_space<vmem>>, vector<16xf32>,
        %get3A_705 = arith.index_cast %add3A_646 : i32 to index
        %get3A_706 = arith.constant 112 : index
        %get3A_707 = tpu.vector_load %arg12[%get3A_705, %get3A_706] {strides = array<i32>} : memref<128x128xf32, #tpu.memory_space<vmem>>, vector<16xf32>,
        %mul3A_708 = arith.mulf %get3A_704, %get3A_707 : vector<16xf32>
        %add3A_709 = arith.addf %add3A_701, %mul3A_708 : vector<16xf32>
        %and3A_710 = arith.constant 8 : i32
        %and3A_711 = vector.broadcast %and3A_710 : i32 to vector<16xi32>
        %and3A_712 = arith.andi %iota3A, %and3A_711 : vector<16xi32>
        %eq3A_713 = arith.constant 0 : i32
        %eq3A_714 = vector.broadcast %eq3A_713 : i32 to vector<16xi32>
        %eq3A_715 = arith.cmpi eq, %and3A_712, %eq3A_714 : vector<16xi32>
        %iota3A_716 = tpu.iota {dimensions = array<i32: 0>} : vector<16xi32>
        %xor3A_717 = arith.constant 8 : i32
        %xor3A_718 = vector.broadcast %xor3A_717 : i32 to vector<16xi32>
        %xor3A_719 = arith.xori %iota3A_716, %xor3A_718 : vector<16xi32>
        %broadcast_in_dim3A_720 = vector.shape_cast %xor3A_719 : vector<16xi32> to vector<16x1xi32>
        %gather3A_721 = vector.shape_cast %broadcast_in_dim3A_720 : vector<16x1xi32> to vector<16xi32>
        %gather3A_722 = tpu.dynamic_gather %add3A_709[%gather3A_721] in [0] : vector<16xf32>, vector<16xi32> -> vector<16xf32>
        %select_n3A_723 = arith.select %eq3A_715, %add3A_642, %gather3A_722 : vector<16xi1>, vector<16xf32>
        %iota3A_724 = tpu.iota {dimensions = array<i32: 0>} : vector<16xi32>
        %xor3A_725 = arith.constant 8 : i32
        %xor3A_726 = vector.broadcast %xor3A_725 : i32 to vector<16xi32>
        %xor3A_727 = arith.xori %iota3A_724, %xor3A_726 : vector<16xi32>
        %broadcast_in_dim3A_728 = vector.shape_cast %xor3A_727 : vector<16xi32> to vector<16x1xi32>
        %gather3A_729 = vector.shape_cast %broadcast_in_dim3A_728 : vector<16x1xi32> to vector<16xi32>
        %gather3A_730 = tpu.dynamic_gather %add3A_642[%gather3A_729] in [0] : vector<16xf32>, vector<16xi32> -> vector<16xf32>
        %select_n3A_731 = arith.select %eq3A_715, %gather3A_730, %add3A_709 : vector<16xi1>, vector<16xf32>
        %add3A_732 = arith.addf %select_n3A_723, %select_n3A_731 : vector<16xf32>
        %and3A_733 = arith.constant 4 : i32
        %and3A_734 = vector.broadcast %and3A_733 : i32 to vector<16xi32>
        %and3A_735 = arith.andi %iota3A, %and3A_734 : vector<16xi32>
        %eq3A_736 = arith.constant 0 : i32
        %eq3A_737 = vector.broadcast %eq3A_736 : i32 to vector<16xi32>
        %eq3A_738 = arith.cmpi eq, %and3A_735, %eq3A_737 : vector<16xi32>
        %iota3A_739 = tpu.iota {dimensions = array<i32: 0>} : vector<16xi32>
        %xor3A_740 = arith.constant 4 : i32
        %xor3A_741 = vector.broadcast %xor3A_740 : i32 to vector<16xi32>
        %xor3A_742 = arith.xori %iota3A_739, %xor3A_741 : vector<16xi32>
        %broadcast_in_dim3A_743 = vector.shape_cast %xor3A_742 : vector<16xi32> to vector<16x1xi32>
        %gather3A_744 = vector.shape_cast %broadcast_in_dim3A_743 : vector<16x1xi32> to vector<16xi32>
        %gather3A_745 = tpu.dynamic_gather %add3A_732[%gather3A_744] in [0] : vector<16xf32>, vector<16xi32> -> vector<16xf32>
        %select_n3A_746 = arith.select %eq3A_738, %add3A_575, %gather3A_745 : vector<16xi1>, vector<16xf32>
        %iota3A_747 = tpu.iota {dimensions = array<i32: 0>} : vector<16xi32>
        %xor3A_748 = arith.constant 4 : i32
        %xor3A_749 = vector.broadcast %xor3A_748 : i32 to vector<16xi32>
        %xor3A_750 = arith.xori %iota3A_747, %xor3A_749 : vector<16xi32>
        %broadcast_in_dim3A_751 = vector.shape_cast %xor3A_750 : vector<16xi32> to vector<16x1xi32>
        %gather3A_752 = vector.shape_cast %broadcast_in_dim3A_751 : vector<16x1xi32> to vector<16xi32>
        %gather3A_753 = tpu.dynamic_gather %add3A_575[%gather3A_752] in [0] : vector<16xf32>, vector<16xi32> -> vector<16xf32>
        %select_n3A_754 = arith.select %eq3A_738, %gather3A_753, %add3A_732 : vector<16xi1>, vector<16xf32>
        %add3A_755 = arith.addf %select_n3A_746, %select_n3A_754 : vector<16xf32>
        %and3A_756 = arith.constant 2 : i32
        %and3A_757 = vector.broadcast %and3A_756 : i32 to vector<16xi32>
        %and3A_758 = arith.andi %iota3A, %and3A_757 : vector<16xi32>
        %eq3A_759 = arith.constant 0 : i32
        %eq3A_760 = vector.broadcast %eq3A_759 : i32 to vector<16xi32>
        %eq3A_761 = arith.cmpi eq, %and3A_758, %eq3A_760 : vector<16xi32>
        %iota3A_762 = tpu.iota {dimensions = array<i32: 0>} : vector<16xi32>
        %xor3A_763 = arith.constant 2 : i32
        %xor3A_764 = vector.broadcast %xor3A_763 : i32 to vector<16xi32>
        %xor3A_765 = arith.xori %iota3A_762, %xor3A_764 : vector<16xi32>
        %broadcast_in_dim3A_766 = vector.shape_cast %xor3A_765 : vector<16xi32> to vector<16x1xi32>
        %gather3A_767 = vector.shape_cast %broadcast_in_dim3A_766 : vector<16x1xi32> to vector<16xi32>
        %gather3A_768 = tpu.dynamic_gather %add3A_755[%gather3A_767] in [0] : vector<16xf32>, vector<16xi32> -> vector<16xf32>
        %select_n3A_769 = arith.select %eq3A_761, %add3A_418, %gather3A_768 : vector<16xi1>, vector<16xf32>
        %iota3A_770 = tpu.iota {dimensions = array<i32: 0>} : vector<16xi32>
        %xor3A_771 = arith.constant 2 : i32
        %xor3A_772 = vector.broadcast %xor3A_771 : i32 to vector<16xi32>
        %xor3A_773 = arith.xori %iota3A_770, %xor3A_772 : vector<16xi32>
        %broadcast_in_dim3A_774 = vector.shape_cast %xor3A_773 : vector<16xi32> to vector<16x1xi32>
        %gather3A_775 = vector.shape_cast %broadcast_in_dim3A_774 : vector<16x1xi32> to vector<16xi32>
        %gather3A_776 = tpu.dynamic_gather %add3A_418[%gather3A_775] in [0] : vector<16xf32>, vector<16xi32> -> vector<16xf32>
        %select_n3A_777 = arith.select %eq3A_761, %gather3A_776, %add3A_755 : vector<16xi1>, vector<16xf32>
        %add3A_778 = arith.addf %select_n3A_769, %select_n3A_777 : vector<16xf32>
        %mul3A_779 = arith.constant 16 : i32
        %mul3A_780 = arith.muli %scan3A_88, %mul3A_779 : i32
        %add3A_781 = arith.constant 1 : i32
        %add3A_782 = arith.addi %mul3A_780, %add3A_781 : i32
        %get3A_783 = arith.index_cast %add3A_782 : i32 to index
        %get3A_784 = arith.constant 0 : index
        %get3A_785 = tpu.vector_load %arg11[%get3A_783, %get3A_784] {strides = array<i32>} : memref<128x128xf32, #tpu.memory_space<vmem>>, vector<16xf32>,
        %get3A_786 = arith.index_cast %add3A_782 : i32 to index
        %get3A_787 = arith.constant 0 : index
        %get3A_788 = tpu.vector_load %arg12[%get3A_786, %get3A_787] {strides = array<i32>} : memref<128x128xf32, #tpu.memory_space<vmem>>, vector<16xf32>,
        %mul3A_789 = arith.mulf %get3A_785, %get3A_788 : vector<16xf32>
        %get3A_790 = arith.index_cast %add3A_782 : i32 to index
        %get3A_791 = arith.constant 16 : index
        %get3A_792 = tpu.vector_load %arg11[%get3A_790, %get3A_791] {strides = array<i32>} : memref<128x128xf32, #tpu.memory_space<vmem>>, vector<16xf32>,
        %get3A_793 = arith.index_cast %add3A_782 : i32 to index
        %get3A_794 = arith.constant 16 : index
        %get3A_795 = tpu.vector_load %arg12[%get3A_793, %get3A_794] {strides = array<i32>} : memref<128x128xf32, #tpu.memory_space<vmem>>, vector<16xf32>,
        %mul3A_796 = arith.mulf %get3A_792, %get3A_795 : vector<16xf32>
        %add3A_797 = arith.addf %mul3A_789, %mul3A_796 : vector<16xf32>
        %get3A_798 = arith.index_cast %add3A_782 : i32 to index
        %get3A_799 = arith.constant 32 : index
        %get3A_800 = tpu.vector_load %arg11[%get3A_798, %get3A_799] {strides = array<i32>} : memref<128x128xf32, #tpu.memory_space<vmem>>, vector<16xf32>,
        %get3A_801 = arith.index_cast %add3A_782 : i32 to index
        %get3A_802 = arith.constant 32 : index
        %get3A_803 = tpu.vector_load %arg12[%get3A_801, %get3A_802] {strides = array<i32>} : memref<128x128xf32, #tpu.memory_space<vmem>>, vector<16xf32>,
        %mul3A_804 = arith.mulf %get3A_800, %get3A_803 : vector<16xf32>
        %add3A_805 = arith.addf %add3A_797, %mul3A_804 : vector<16xf32>
        %get3A_806 = arith.index_cast %add3A_782 : i32 to index
        %get3A_807 = arith.constant 48 : index
        %get3A_808 = tpu.vector_load %arg11[%get3A_806, %get3A_807] {strides = array<i32>} : memref<128x128xf32, #tpu.memory_space<vmem>>, vector<16xf32>,
        %get3A_809 = arith.index_cast %add3A_782 : i32 to index
        %get3A_810 = arith.constant 48 : index
        %get3A_811 = tpu.vector_load %arg12[%get3A_809, %get3A_810] {strides = array<i32>} : memref<128x128xf32, #tpu.memory_space<vmem>>, vector<16xf32>,
        %mul3A_812 = arith.mulf %get3A_808, %get3A_811 : vector<16xf32>
        %add3A_813 = arith.addf %add3A_805, %mul3A_812 : vector<16xf32>
        %get3A_814 = arith.index_cast %add3A_782 : i32 to index
        %get3A_815 = arith.constant 64 : index
        %get3A_816 = tpu.vector_load %arg11[%get3A_814, %get3A_815] {strides = array<i32>} : memref<128x128xf32, #tpu.memory_space<vmem>>, vector<16xf32>,
        %get3A_817 = arith.index_cast %add3A_782 : i32 to index
        %get3A_818 = arith.constant 64 : index
        %get3A_819 = tpu.vector_load %arg12[%get3A_817, %get3A_818] {strides = array<i32>} : memref<128x128xf32, #tpu.memory_space<vmem>>, vector<16xf32>,
        %mul3A_820 = arith.mulf %get3A_816, %get3A_819 : vector<16xf32>
        %add3A_821 = arith.addf %add3A_813, %mul3A_820 : vector<16xf32>
        %get3A_822 = arith.index_cast %add3A_782 : i32 to index
        %get3A_823 = arith.constant 80 : index
        %get3A_824 = tpu.vector_load %arg11[%get3A_822, %get3A_823] {strides = array<i32>} : memref<128x128xf32, #tpu.memory_space<vmem>>, vector<16xf32>,
        %get3A_825 = arith.index_cast %add3A_782 : i32 to index
        %get3A_826 = arith.constant 80 : index
        %get3A_827 = tpu.vector_load %arg12[%get3A_825, %get3A_826] {strides = array<i32>} : memref<128x128xf32, #tpu.memory_space<vmem>>, vector<16xf32>,
        %mul3A_828 = arith.mulf %get3A_824, %get3A_827 : vector<16xf32>
        %add3A_829 = arith.addf %add3A_821, %mul3A_828 : vector<16xf32>
        %get3A_830 = arith.index_cast %add3A_782 : i32 to index
        %get3A_831 = arith.constant 96 : index
        %get3A_832 = tpu.vector_load %arg11[%get3A_830, %get3A_831] {strides = array<i32>} : memref<128x128xf32, #tpu.memory_space<vmem>>, vector<16xf32>,
        %get3A_833 = arith.index_cast %add3A_782 : i32 to index
        %get3A_834 = arith.constant 96 : index
        %get3A_835 = tpu.vector_load %arg12[%get3A_833, %get3A_834] {strides = array<i32>} : memref<128x128xf32, #tpu.memory_space<vmem>>, vector<16xf32>,
        %mul3A_836 = arith.mulf %get3A_832, %get3A_835 : vector<16xf32>
        %add3A_837 = arith.addf %add3A_829, %mul3A_836 : vector<16xf32>
        %get3A_838 = arith.index_cast %add3A_782 : i32 to index
        %get3A_839 = arith.constant 112 : index
        %get3A_840 = tpu.vector_load %arg11[%get3A_838, %get3A_839] {strides = array<i32>} : memref<128x128xf32, #tpu.memory_space<vmem>>, vector<16xf32>,
        %get3A_841 = arith.index_cast %add3A_782 : i32 to index
        %get3A_842 = arith.constant 112 : index
        %get3A_843 = tpu.vector_load %arg12[%get3A_841, %get3A_842] {strides = array<i32>} : memref<128x128xf32, #tpu.memory_space<vmem>>, vector<16xf32>,
        %mul3A_844 = arith.mulf %get3A_840, %get3A_843 : vector<16xf32>
        %add3A_845 = arith.addf %add3A_837, %mul3A_844 : vector<16xf32>
        %mul3A_846 = arith.constant 16 : i32
        %mul3A_847 = arith.muli %scan3A_88, %mul3A_846 : i32
        %add3A_848 = arith.constant 9 : i32
        %add3A_849 = arith.addi %mul3A_847, %add3A_848 : i32
        %get3A_850 = arith.index_cast %add3A_849 : i32 to index
        %get3A_851 = arith.constant 0 : index
        %get3A_852 = tpu.vector_load %arg11[%get3A_850, %get3A_851] {strides = array<i32>} : memref<128x128xf32, #tpu.memory_space<vmem>>, vector<16xf32>,
        %get3A_853 = arith.index_cast %add3A_849 : i32 to index
        %get3A_854 = arith.constant 0 : index
        %get3A_855 = tpu.vector_load %arg12[%get3A_853, %get3A_854] {strides = array<i32>} : memref<128x128xf32, #tpu.memory_space<vmem>>, vector<16xf32>,
        %mul3A_856 = arith.mulf %get3A_852, %get3A_855 : vector<16xf32>
        %get3A_857 = arith.index_cast %add3A_849 : i32 to index
        %get3A_858 = arith.constant 16 : index
        %get3A_859 = tpu.vector_load %arg11[%get3A_857, %get3A_858] {strides = array<i32>} : memref<128x128xf32, #tpu.memory_space<vmem>>, vector<16xf32>,
        %get3A_860 = arith.index_cast %add3A_849 : i32 to index
        %get3A_861 = arith.constant 16 : index
        %get3A_862 = tpu.vector_load %arg12[%get3A_860, %get3A_861] {strides = array<i32>} : memref<128x128xf32, #tpu.memory_space<vmem>>, vector<16xf32>,
        %mul3A_863 = arith.mulf %get3A_859, %get3A_862 : vector<16xf32>
        %add3A_864 = arith.addf %mul3A_856, %mul3A_863 : vector<16xf32>
        %get3A_865 = arith.index_cast %add3A_849 : i32 to index
        %get3A_866 = arith.constant 32 : index
        %get3A_867 = tpu.vector_load %arg11[%get3A_865, %get3A_866] {strides = array<i32>} : memref<128x128xf32, #tpu.memory_space<vmem>>, vector<16xf32>,
        %get3A_868 = arith.index_cast %add3A_849 : i32 to index
        %get3A_869 = arith.constant 32 : index
        %get3A_870 = tpu.vector_load %arg12[%get3A_868, %get3A_869] {strides = array<i32>} : memref<128x128xf32, #tpu.memory_space<vmem>>, vector<16xf32>,
        %mul3A_871 = arith.mulf %get3A_867, %get3A_870 : vector<16xf32>
        %add3A_872 = arith.addf %add3A_864, %mul3A_871 : vector<16xf32>
        %get3A_873 = arith.index_cast %add3A_849 : i32 to index
        %get3A_874 = arith.constant 48 : index
        %get3A_875 = tpu.vector_load %arg11[%get3A_873, %get3A_874] {strides = array<i32>} : memref<128x128xf32, #tpu.memory_space<vmem>>, vector<16xf32>,
        %get3A_876 = arith.index_cast %add3A_849 : i32 to index
        %get3A_877 = arith.constant 48 : index
        %get3A_878 = tpu.vector_load %arg12[%get3A_876, %get3A_877] {strides = array<i32>} : memref<128x128xf32, #tpu.memory_space<vmem>>, vector<16xf32>,
        %mul3A_879 = arith.mulf %get3A_875, %get3A_878 : vector<16xf32>
        %add3A_880 = arith.addf %add3A_872, %mul3A_879 : vector<16xf32>
        %get3A_881 = arith.index_cast %add3A_849 : i32 to index
        %get3A_882 = arith.constant 64 : index
        %get3A_883 = tpu.vector_load %arg11[%get3A_881, %get3A_882] {strides = array<i32>} : memref<128x128xf32, #tpu.memory_space<vmem>>, vector<16xf32>,
        %get3A_884 = arith.index_cast %add3A_849 : i32 to index
        %get3A_885 = arith.constant 64 : index
        %get3A_886 = tpu.vector_load %arg12[%get3A_884, %get3A_885] {strides = array<i32>} : memref<128x128xf32, #tpu.memory_space<vmem>>, vector<16xf32>,
        %mul3A_887 = arith.mulf %get3A_883, %get3A_886 : vector<16xf32>
        %add3A_888 = arith.addf %add3A_880, %mul3A_887 : vector<16xf32>
        %get3A_889 = arith.index_cast %add3A_849 : i32 to index
        %get3A_890 = arith.constant 80 : index
        %get3A_891 = tpu.vector_load %arg11[%get3A_889, %get3A_890] {strides = array<i32>} : memref<128x128xf32, #tpu.memory_space<vmem>>, vector<16xf32>,
        %get3A_892 = arith.index_cast %add3A_849 : i32 to index
        %get3A_893 = arith.constant 80 : index
        %get3A_894 = tpu.vector_load %arg12[%get3A_892, %get3A_893] {strides = array<i32>} : memref<128x128xf32, #tpu.memory_space<vmem>>, vector<16xf32>,
        %mul3A_895 = arith.mulf %get3A_891, %get3A_894 : vector<16xf32>
        %add3A_896 = arith.addf %add3A_888, %mul3A_895 : vector<16xf32>
        %get3A_897 = arith.index_cast %add3A_849 : i32 to index
        %get3A_898 = arith.constant 96 : index
        %get3A_899 = tpu.vector_load %arg11[%get3A_897, %get3A_898] {strides = array<i32>} : memref<128x128xf32, #tpu.memory_space<vmem>>, vector<16xf32>,
        %get3A_900 = arith.index_cast %add3A_849 : i32 to index
        %get3A_901 = arith.constant 96 : index
        %get3A_902 = tpu.vector_load %arg12[%get3A_900, %get3A_901] {strides = array<i32>} : memref<128x128xf32, #tpu.memory_space<vmem>>, vector<16xf32>,
        %mul3A_903 = arith.mulf %get3A_899, %get3A_902 : vector<16xf32>
        %add3A_904 = arith.addf %add3A_896, %mul3A_903 : vector<16xf32>
        %get3A_905 = arith.index_cast %add3A_849 : i32 to index
        %get3A_906 = arith.constant 112 : index
        %get3A_907 = tpu.vector_load %arg11[%get3A_905, %get3A_906] {strides = array<i32>} : memref<128x128xf32, #tpu.memory_space<vmem>>, vector<16xf32>,
        %get3A_908 = arith.index_cast %add3A_849 : i32 to index
        %get3A_909 = arith.constant 112 : index
        %get3A_910 = tpu.vector_load %arg12[%get3A_908, %get3A_909] {strides = array<i32>} : memref<128x128xf32, #tpu.memory_space<vmem>>, vector<16xf32>,
        %mul3A_911 = arith.mulf %get3A_907, %get3A_910 : vector<16xf32>
        %add3A_912 = arith.addf %add3A_904, %mul3A_911 : vector<16xf32>
        %and3A_913 = arith.constant 8 : i32
        %and3A_914 = vector.broadcast %and3A_913 : i32 to vector<16xi32>
        %and3A_915 = arith.andi %iota3A, %and3A_914 : vector<16xi32>
        %eq3A_916 = arith.constant 0 : i32
        %eq3A_917 = vector.broadcast %eq3A_916 : i32 to vector<16xi32>
        %eq3A_918 = arith.cmpi eq, %and3A_915, %eq3A_917 : vector<16xi32>
        %iota3A_919 = tpu.iota {dimensions = array<i32: 0>} : vector<16xi32>
        %xor3A_920 = arith.constant 8 : i32
        %xor3A_921 = vector.broadcast %xor3A_920 : i32 to vector<16xi32>
        %xor3A_922 = arith.xori %iota3A_919, %xor3A_921 : vector<16xi32>
        %broadcast_in_dim3A_923 = vector.shape_cast %xor3A_922 : vector<16xi32> to vector<16x1xi32>
        %gather3A_924 = vector.shape_cast %broadcast_in_dim3A_923 : vector<16x1xi32> to vector<16xi32>
        %gather3A_925 = tpu.dynamic_gather %add3A_912[%gather3A_924] in [0] : vector<16xf32>, vector<16xi32> -> vector<16xf32>
        %select_n3A_926 = arith.select %eq3A_918, %add3A_845, %gather3A_925 : vector<16xi1>, vector<16xf32>
        %iota3A_927 = tpu.iota {dimensions = array<i32: 0>} : vector<16xi32>
        %xor3A_928 = arith.constant 8 : i32
        %xor3A_929 = vector.broadcast %xor3A_928 : i32 to vector<16xi32>
        %xor3A_930 = arith.xori %iota3A_927, %xor3A_929 : vector<16xi32>
        %broadcast_in_dim3A_931 = vector.shape_cast %xor3A_930 : vector<16xi32> to vector<16x1xi32>
        %gather3A_932 = vector.shape_cast %broadcast_in_dim3A_931 : vector<16x1xi32> to vector<16xi32>
        %gather3A_933 = tpu.dynamic_gather %add3A_845[%gather3A_932] in [0] : vector<16xf32>, vector<16xi32> -> vector<16xf32>
        %select_n3A_934 = arith.select %eq3A_918, %gather3A_933, %add3A_912 : vector<16xi1>, vector<16xf32>
        %add3A_935 = arith.addf %select_n3A_926, %select_n3A_934 : vector<16xf32>
        %mul3A_936 = arith.constant 16 : i32
        %mul3A_937 = arith.muli %scan3A_88, %mul3A_936 : i32
        %add3A_938 = arith.constant 5 : i32
        %add3A_939 = arith.addi %mul3A_937, %add3A_938 : i32
        %get3A_940 = arith.index_cast %add3A_939 : i32 to index
        %get3A_941 = arith.constant 0 : index
        %get3A_942 = tpu.vector_load %arg11[%get3A_940, %get3A_941] {strides = array<i32>} : memref<128x128xf32, #tpu.memory_space<vmem>>, vector<16xf32>,
        %get3A_943 = arith.index_cast %add3A_939 : i32 to index
        %get3A_944 = arith.constant 0 : index
        %get3A_945 = tpu.vector_load %arg12[%get3A_943, %get3A_944] {strides = array<i32>} : memref<128x128xf32, #tpu.memory_space<vmem>>, vector<16xf32>,
        %mul3A_946 = arith.mulf %get3A_942, %get3A_945 : vector<16xf32>
        %get3A_947 = arith.index_cast %add3A_939 : i32 to index
        %get3A_948 = arith.constant 16 : index
        %get3A_949 = tpu.vector_load %arg11[%get3A_947, %get3A_948] {strides = array<i32>} : memref<128x128xf32, #tpu.memory_space<vmem>>, vector<16xf32>,
        %get3A_950 = arith.index_cast %add3A_939 : i32 to index
        %get3A_951 = arith.constant 16 : index
        %get3A_952 = tpu.vector_load %arg12[%get3A_950, %get3A_951] {strides = array<i32>} : memref<128x128xf32, #tpu.memory_space<vmem>>, vector<16xf32>,
        %mul3A_953 = arith.mulf %get3A_949, %get3A_952 : vector<16xf32>
        %add3A_954 = arith.addf %mul3A_946, %mul3A_953 : vector<16xf32>
        %get3A_955 = arith.index_cast %add3A_939 : i32 to index
        %get3A_956 = arith.constant 32 : index
        %get3A_957 = tpu.vector_load %arg11[%get3A_955, %get3A_956] {strides = array<i32>} : memref<128x128xf32, #tpu.memory_space<vmem>>, vector<16xf32>,
        %get3A_958 = arith.index_cast %add3A_939 : i32 to index
        %get3A_959 = arith.constant 32 : index
        %get3A_960 = tpu.vector_load %arg12[%get3A_958, %get3A_959] {strides = array<i32>} : memref<128x128xf32, #tpu.memory_space<vmem>>, vector<16xf32>,
        %mul3A_961 = arith.mulf %get3A_957, %get3A_960 : vector<16xf32>
        %add3A_962 = arith.addf %add3A_954, %mul3A_961 : vector<16xf32>
        %get3A_963 = arith.index_cast %add3A_939 : i32 to index
        %get3A_964 = arith.constant 48 : index
        %get3A_965 = tpu.vector_load %arg11[%get3A_963, %get3A_964] {strides = array<i32>} : memref<128x128xf32, #tpu.memory_space<vmem>>, vector<16xf32>,
        %get3A_966 = arith.index_cast %add3A_939 : i32 to index
        %get3A_967 = arith.constant 48 : index
        %get3A_968 = tpu.vector_load %arg12[%get3A_966, %get3A_967] {strides = array<i32>} : memref<128x128xf32, #tpu.memory_space<vmem>>, vector<16xf32>,
        %mul3A_969 = arith.mulf %get3A_965, %get3A_968 : vector<16xf32>
        %add3A_970 = arith.addf %add3A_962, %mul3A_969 : vector<16xf32>
        %get3A_971 = arith.index_cast %add3A_939 : i32 to index
        %get3A_972 = arith.constant 64 : index
        %get3A_973 = tpu.vector_load %arg11[%get3A_971, %get3A_972] {strides = array<i32>} : memref<128x128xf32, #tpu.memory_space<vmem>>, vector<16xf32>,
        %get3A_974 = arith.index_cast %add3A_939 : i32 to index
        %get3A_975 = arith.constant 64 : index
        %get3A_976 = tpu.vector_load %arg12[%get3A_974, %get3A_975] {strides = array<i32>} : memref<128x128xf32, #tpu.memory_space<vmem>>, vector<16xf32>,
        %mul3A_977 = arith.mulf %get3A_973, %get3A_976 : vector<16xf32>
        %add3A_978 = arith.addf %add3A_970, %mul3A_977 : vector<16xf32>
        %get3A_979 = arith.index_cast %add3A_939 : i32 to index
        %get3A_980 = arith.constant 80 : index
        %get3A_981 = tpu.vector_load %arg11[%get3A_979, %get3A_980] {strides = array<i32>} : memref<128x128xf32, #tpu.memory_space<vmem>>, vector<16xf32>,
        %get3A_982 = arith.index_cast %add3A_939 : i32 to index
        %get3A_983 = arith.constant 80 : index
        %get3A_984 = tpu.vector_load %arg12[%get3A_982, %get3A_983] {strides = array<i32>} : memref<128x128xf32, #tpu.memory_space<vmem>>, vector<16xf32>,
        %mul3A_985 = arith.mulf %get3A_981, %get3A_984 : vector<16xf32>
        %add3A_986 = arith.addf %add3A_978, %mul3A_985 : vector<16xf32>
        %get3A_987 = arith.index_cast %add3A_939 : i32 to index
        %get3A_988 = arith.constant 96 : index
        %get3A_989 = tpu.vector_load %arg11[%get3A_987, %get3A_988] {strides = array<i32>} : memref<128x128xf32, #tpu.memory_space<vmem>>, vector<16xf32>,
        %get3A_990 = arith.index_cast %add3A_939 : i32 to index
        %get3A_991 = arith.constant 96 : index
        %get3A_992 = tpu.vector_load %arg12[%get3A_990, %get3A_991] {strides = array<i32>} : memref<128x128xf32, #tpu.memory_space<vmem>>, vector<16xf32>,
        %mul3A_993 = arith.mulf %get3A_989, %get3A_992 : vector<16xf32>
        %add3A_994 = arith.addf %add3A_986, %mul3A_993 : vector<16xf32>
        %get3A_995 = arith.index_cast %add3A_939 : i32 to index
        %get3A_996 = arith.constant 112 : index
        %get3A_997 = tpu.vector_load %arg11[%get3A_995, %get3A_996] {strides = array<i32>} : memref<128x128xf32, #tpu.memory_space<vmem>>, vector<16xf32>,
        %get3A_998 = arith.index_cast %add3A_939 : i32 to index
        %get3A_999 = arith.constant 112 : index
        %get3A_1000 = tpu.vector_load %arg12[%get3A_998, %get3A_999] {strides = array<i32>} : memref<128x128xf32, #tpu.memory_space<vmem>>, vector<16xf32>,
        %mul3A_1001 = arith.mulf %get3A_997, %get3A_1000 : vector<16xf32>
        %add3A_1002 = arith.addf %add3A_994, %mul3A_1001 : vector<16xf32>
        %mul3A_1003 = arith.constant 16 : i32
        %mul3A_1004 = arith.muli %scan3A_88, %mul3A_1003 : i32
        %add3A_1005 = arith.constant 13 : i32
        %add3A_1006 = arith.addi %mul3A_1004, %add3A_1005 : i32
        %get3A_1007 = arith.index_cast %add3A_1006 : i32 to index
        %get3A_1008 = arith.constant 0 : index
        %get3A_1009 = tpu.vector_load %arg11[%get3A_1007, %get3A_1008] {strides = array<i32>} : memref<128x128xf32, #tpu.memory_space<vmem>>, vector<16xf32>,
        %get3A_1010 = arith.index_cast %add3A_1006 : i32 to index
        %get3A_1011 = arith.constant 0 : index
        %get3A_1012 = tpu.vector_load %arg12[%get3A_1010, %get3A_1011] {strides = array<i32>} : memref<128x128xf32, #tpu.memory_space<vmem>>, vector<16xf32>,
        %mul3A_1013 = arith.mulf %get3A_1009, %get3A_1012 : vector<16xf32>
        %get3A_1014 = arith.index_cast %add3A_1006 : i32 to index
        %get3A_1015 = arith.constant 16 : index
        %get3A_1016 = tpu.vector_load %arg11[%get3A_1014, %get3A_1015] {strides = array<i32>} : memref<128x128xf32, #tpu.memory_space<vmem>>, vector<16xf32>,
        %get3A_1017 = arith.index_cast %add3A_1006 : i32 to index
        %get3A_1018 = arith.constant 16 : index
        %get3A_1019 = tpu.vector_load %arg12[%get3A_1017, %get3A_1018] {strides = array<i32>} : memref<128x128xf32, #tpu.memory_space<vmem>>, vector<16xf32>,
        %mul3A_1020 = arith.mulf %get3A_1016, %get3A_1019 : vector<16xf32>
        %add3A_1021 = arith.addf %mul3A_1013, %mul3A_1020 : vector<16xf32>
        %get3A_1022 = arith.index_cast %add3A_1006 : i32 to index
        %get3A_1023 = arith.constant 32 : index
        %get3A_1024 = tpu.vector_load %arg11[%get3A_1022, %get3A_1023] {strides = array<i32>} : memref<128x128xf32, #tpu.memory_space<vmem>>, vector<16xf32>,
        %get3A_1025 = arith.index_cast %add3A_1006 : i32 to index
        %get3A_1026 = arith.constant 32 : index
        %get3A_1027 = tpu.vector_load %arg12[%get3A_1025, %get3A_1026] {strides = array<i32>} : memref<128x128xf32, #tpu.memory_space<vmem>>, vector<16xf32>,
        %mul3A_1028 = arith.mulf %get3A_1024, %get3A_1027 : vector<16xf32>
        %add3A_1029 = arith.addf %add3A_1021, %mul3A_1028 : vector<16xf32>
        %get3A_1030 = arith.index_cast %add3A_1006 : i32 to index
        %get3A_1031 = arith.constant 48 : index
        %get3A_1032 = tpu.vector_load %arg11[%get3A_1030, %get3A_1031] {strides = array<i32>} : memref<128x128xf32, #tpu.memory_space<vmem>>, vector<16xf32>,
        %get3A_1033 = arith.index_cast %add3A_1006 : i32 to index
        %get3A_1034 = arith.constant 48 : index
        %get3A_1035 = tpu.vector_load %arg12[%get3A_1033, %get3A_1034] {strides = array<i32>} : memref<128x128xf32, #tpu.memory_space<vmem>>, vector<16xf32>,
        %mul3A_1036 = arith.mulf %get3A_1032, %get3A_1035 : vector<16xf32>
        %add3A_1037 = arith.addf %add3A_1029, %mul3A_1036 : vector<16xf32>
        %get3A_1038 = arith.index_cast %add3A_1006 : i32 to index
        %get3A_1039 = arith.constant 64 : index
        %get3A_1040 = tpu.vector_load %arg11[%get3A_1038, %get3A_1039] {strides = array<i32>} : memref<128x128xf32, #tpu.memory_space<vmem>>, vector<16xf32>,
        %get3A_1041 = arith.index_cast %add3A_1006 : i32 to index
        %get3A_1042 = arith.constant 64 : index
        %get3A_1043 = tpu.vector_load %arg12[%get3A_1041, %get3A_1042] {strides = array<i32>} : memref<128x128xf32, #tpu.memory_space<vmem>>, vector<16xf32>,
        %mul3A_1044 = arith.mulf %get3A_1040, %get3A_1043 : vector<16xf32>
        %add3A_1045 = arith.addf %add3A_1037, %mul3A_1044 : vector<16xf32>
        %get3A_1046 = arith.index_cast %add3A_1006 : i32 to index
        %get3A_1047 = arith.constant 80 : index
        %get3A_1048 = tpu.vector_load %arg11[%get3A_1046, %get3A_1047] {strides = array<i32>} : memref<128x128xf32, #tpu.memory_space<vmem>>, vector<16xf32>,
        %get3A_1049 = arith.index_cast %add3A_1006 : i32 to index
        %get3A_1050 = arith.constant 80 : index
        %get3A_1051 = tpu.vector_load %arg12[%get3A_1049, %get3A_1050] {strides = array<i32>} : memref<128x128xf32, #tpu.memory_space<vmem>>, vector<16xf32>,
        %mul3A_1052 = arith.mulf %get3A_1048, %get3A_1051 : vector<16xf32>
        %add3A_1053 = arith.addf %add3A_1045, %mul3A_1052 : vector<16xf32>
        %get3A_1054 = arith.index_cast %add3A_1006 : i32 to index
        %get3A_1055 = arith.constant 96 : index
        %get3A_1056 = tpu.vector_load %arg11[%get3A_1054, %get3A_1055] {strides = array<i32>} : memref<128x128xf32, #tpu.memory_space<vmem>>, vector<16xf32>,
        %get3A_1057 = arith.index_cast %add3A_1006 : i32 to index
        %get3A_1058 = arith.constant 96 : index
        %get3A_1059 = tpu.vector_load %arg12[%get3A_1057, %get3A_1058] {strides = array<i32>} : memref<128x128xf32, #tpu.memory_space<vmem>>, vector<16xf32>,
        %mul3A_1060 = arith.mulf %get3A_1056, %get3A_1059 : vector<16xf32>
        %add3A_1061 = arith.addf %add3A_1053, %mul3A_1060 : vector<16xf32>
        %get3A_1062 = arith.index_cast %add3A_1006 : i32 to index
        %get3A_1063 = arith.constant 112 : index
        %get3A_1064 = tpu.vector_load %arg11[%get3A_1062, %get3A_1063] {strides = array<i32>} : memref<128x128xf32, #tpu.memory_space<vmem>>, vector<16xf32>,
        %get3A_1065 = arith.index_cast %add3A_1006 : i32 to index
        %get3A_1066 = arith.constant 112 : index
        %get3A_1067 = tpu.vector_load %arg12[%get3A_1065, %get3A_1066] {strides = array<i32>} : memref<128x128xf32, #tpu.memory_space<vmem>>, vector<16xf32>,
        %mul3A_1068 = arith.mulf %get3A_1064, %get3A_1067 : vector<16xf32>
        %add3A_1069 = arith.addf %add3A_1061, %mul3A_1068 : vector<16xf32>
        %and3A_1070 = arith.constant 8 : i32
        %and3A_1071 = vector.broadcast %and3A_1070 : i32 to vector<16xi32>
        %and3A_1072 = arith.andi %iota3A, %and3A_1071 : vector<16xi32>
        %eq3A_1073 = arith.constant 0 : i32
        %eq3A_1074 = vector.broadcast %eq3A_1073 : i32 to vector<16xi32>
        %eq3A_1075 = arith.cmpi eq, %and3A_1072, %eq3A_1074 : vector<16xi32>
        %iota3A_1076 = tpu.iota {dimensions = array<i32: 0>} : vector<16xi32>
        %xor3A_1077 = arith.constant 8 : i32
        %xor3A_1078 = vector.broadcast %xor3A_1077 : i32 to vector<16xi32>
        %xor3A_1079 = arith.xori %iota3A_1076, %xor3A_1078 : vector<16xi32>
        %broadcast_in_dim3A_1080 = vector.shape_cast %xor3A_1079 : vector<16xi32> to vector<16x1xi32>
        %gather3A_1081 = vector.shape_cast %broadcast_in_dim3A_1080 : vector<16x1xi32> to vector<16xi32>
        %gather3A_1082 = tpu.dynamic_gather %add3A_1069[%gather3A_1081] in [0] : vector<16xf32>, vector<16xi32> -> vector<16xf32>
        %select_n3A_1083 = arith.select %eq3A_1075, %add3A_1002, %gather3A_1082 : vector<16xi1>, vector<16xf32>
        %iota3A_1084 = tpu.iota {dimensions = array<i32: 0>} : vector<16xi32>
        %xor3A_1085 = arith.constant 8 : i32
        %xor3A_1086 = vector.broadcast %xor3A_1085 : i32 to vector<16xi32>
        %xor3A_1087 = arith.xori %iota3A_1084, %xor3A_1086 : vector<16xi32>
        %broadcast_in_dim3A_1088 = vector.shape_cast %xor3A_1087 : vector<16xi32> to vector<16x1xi32>
        %gather3A_1089 = vector.shape_cast %broadcast_in_dim3A_1088 : vector<16x1xi32> to vector<16xi32>
        %gather3A_1090 = tpu.dynamic_gather %add3A_1002[%gather3A_1089] in [0] : vector<16xf32>, vector<16xi32> -> vector<16xf32>
        %select_n3A_1091 = arith.select %eq3A_1075, %gather3A_1090, %add3A_1069 : vector<16xi1>, vector<16xf32>
        %add3A_1092 = arith.addf %select_n3A_1083, %select_n3A_1091 : vector<16xf32>
        %and3A_1093 = arith.constant 4 : i32
        %and3A_1094 = vector.broadcast %and3A_1093 : i32 to vector<16xi32>
        %and3A_1095 = arith.andi %iota3A, %and3A_1094 : vector<16xi32>
        %eq3A_1096 = arith.constant 0 : i32
        %eq3A_1097 = vector.broadcast %eq3A_1096 : i32 to vector<16xi32>
        %eq3A_1098 = arith.cmpi eq, %and3A_1095, %eq3A_1097 : vector<16xi32>
        %iota3A_1099 = tpu.iota {dimensions = array<i32: 0>} : vector<16xi32>
        %xor3A_1100 = arith.constant 4 : i32
        %xor3A_1101 = vector.broadcast %xor3A_1100 : i32 to vector<16xi32>
        %xor3A_1102 = arith.xori %iota3A_1099, %xor3A_1101 : vector<16xi32>
        %broadcast_in_dim3A_1103 = vector.shape_cast %xor3A_1102 : vector<16xi32> to vector<16x1xi32>
        %gather3A_1104 = vector.shape_cast %broadcast_in_dim3A_1103 : vector<16x1xi32> to vector<16xi32>
        %gather3A_1105 = tpu.dynamic_gather %add3A_1092[%gather3A_1104] in [0] : vector<16xf32>, vector<16xi32> -> vector<16xf32>
        %select_n3A_1106 = arith.select %eq3A_1098, %add3A_935, %gather3A_1105 : vector<16xi1>, vector<16xf32>
        %iota3A_1107 = tpu.iota {dimensions = array<i32: 0>} : vector<16xi32>
        %xor3A_1108 = arith.constant 4 : i32
        %xor3A_1109 = vector.broadcast %xor3A_1108 : i32 to vector<16xi32>
        %xor3A_1110 = arith.xori %iota3A_1107, %xor3A_1109 : vector<16xi32>
        %broadcast_in_dim3A_1111 = vector.shape_cast %xor3A_1110 : vector<16xi32> to vector<16x1xi32>
        %gather3A_1112 = vector.shape_cast %broadcast_in_dim3A_1111 : vector<16x1xi32> to vector<16xi32>
        %gather3A_1113 = tpu.dynamic_gather %add3A_935[%gather3A_1112] in [0] : vector<16xf32>, vector<16xi32> -> vector<16xf32>
        %select_n3A_1114 = arith.select %eq3A_1098, %gather3A_1113, %add3A_1092 : vector<16xi1>, vector<16xf32>
        %add3A_1115 = arith.addf %select_n3A_1106, %select_n3A_1114 : vector<16xf32>
        %mul3A_1116 = arith.constant 16 : i32
        %mul3A_1117 = arith.muli %scan3A_88, %mul3A_1116 : i32
        %add3A_1118 = arith.constant 3 : i32
        %add3A_1119 = arith.addi %mul3A_1117, %add3A_1118 : i32
        %get3A_1120 = arith.index_cast %add3A_1119 : i32 to index
        %get3A_1121 = arith.constant 0 : index
        %get3A_1122 = tpu.vector_load %arg11[%get3A_1120, %get3A_1121] {strides = array<i32>} : memref<128x128xf32, #tpu.memory_space<vmem>>, vector<16xf32>,
        %get3A_1123 = arith.index_cast %add3A_1119 : i32 to index
        %get3A_1124 = arith.constant 0 : index
        %get3A_1125 = tpu.vector_load %arg12[%get3A_1123, %get3A_1124] {strides = array<i32>} : memref<128x128xf32, #tpu.memory_space<vmem>>, vector<16xf32>,
        %mul3A_1126 = arith.mulf %get3A_1122, %get3A_1125 : vector<16xf32>
        %get3A_1127 = arith.index_cast %add3A_1119 : i32 to index
        %get3A_1128 = arith.constant 16 : index
        %get3A_1129 = tpu.vector_load %arg11[%get3A_1127, %get3A_1128] {strides = array<i32>} : memref<128x128xf32, #tpu.memory_space<vmem>>, vector<16xf32>,
        %get3A_1130 = arith.index_cast %add3A_1119 : i32 to index
        %get3A_1131 = arith.constant 16 : index
        %get3A_1132 = tpu.vector_load %arg12[%get3A_1130, %get3A_1131] {strides = array<i32>} : memref<128x128xf32, #tpu.memory_space<vmem>>, vector<16xf32>,
        %mul3A_1133 = arith.mulf %get3A_1129, %get3A_1132 : vector<16xf32>
        %add3A_1134 = arith.addf %mul3A_1126, %mul3A_1133 : vector<16xf32>
        %get3A_1135 = arith.index_cast %add3A_1119 : i32 to index
        %get3A_1136 = arith.constant 32 : index
        %get3A_1137 = tpu.vector_load %arg11[%get3A_1135, %get3A_1136] {strides = array<i32>} : memref<128x128xf32, #tpu.memory_space<vmem>>, vector<16xf32>,
        %get3A_1138 = arith.index_cast %add3A_1119 : i32 to index
        %get3A_1139 = arith.constant 32 : index
        %get3A_1140 = tpu.vector_load %arg12[%get3A_1138, %get3A_1139] {strides = array<i32>} : memref<128x128xf32, #tpu.memory_space<vmem>>, vector<16xf32>,
        %mul3A_1141 = arith.mulf %get3A_1137, %get3A_1140 : vector<16xf32>
        %add3A_1142 = arith.addf %add3A_1134, %mul3A_1141 : vector<16xf32>
        %get3A_1143 = arith.index_cast %add3A_1119 : i32 to index
        %get3A_1144 = arith.constant 48 : index
        %get3A_1145 = tpu.vector_load %arg11[%get3A_1143, %get3A_1144] {strides = array<i32>} : memref<128x128xf32, #tpu.memory_space<vmem>>, vector<16xf32>,
        %get3A_1146 = arith.index_cast %add3A_1119 : i32 to index
        %get3A_1147 = arith.constant 48 : index
        %get3A_1148 = tpu.vector_load %arg12[%get3A_1146, %get3A_1147] {strides = array<i32>} : memref<128x128xf32, #tpu.memory_space<vmem>>, vector<16xf32>,
        %mul3A_1149 = arith.mulf %get3A_1145, %get3A_1148 : vector<16xf32>
        %add3A_1150 = arith.addf %add3A_1142, %mul3A_1149 : vector<16xf32>
        %get3A_1151 = arith.index_cast %add3A_1119 : i32 to index
        %get3A_1152 = arith.constant 64 : index
        %get3A_1153 = tpu.vector_load %arg11[%get3A_1151, %get3A_1152] {strides = array<i32>} : memref<128x128xf32, #tpu.memory_space<vmem>>, vector<16xf32>,
        %get3A_1154 = arith.index_cast %add3A_1119 : i32 to index
        %get3A_1155 = arith.constant 64 : index
        %get3A_1156 = tpu.vector_load %arg12[%get3A_1154, %get3A_1155] {strides = array<i32>} : memref<128x128xf32, #tpu.memory_space<vmem>>, vector<16xf32>,
        %mul3A_1157 = arith.mulf %get3A_1153, %get3A_1156 : vector<16xf32>
        %add3A_1158 = arith.addf %add3A_1150, %mul3A_1157 : vector<16xf32>
        %get3A_1159 = arith.index_cast %add3A_1119 : i32 to index
        %get3A_1160 = arith.constant 80 : index
        %get3A_1161 = tpu.vector_load %arg11[%get3A_1159, %get3A_1160] {strides = array<i32>} : memref<128x128xf32, #tpu.memory_space<vmem>>, vector<16xf32>,
        %get3A_1162 = arith.index_cast %add3A_1119 : i32 to index
        %get3A_1163 = arith.constant 80 : index
        %get3A_1164 = tpu.vector_load %arg12[%get3A_1162, %get3A_1163] {strides = array<i32>} : memref<128x128xf32, #tpu.memory_space<vmem>>, vector<16xf32>,
        %mul3A_1165 = arith.mulf %get3A_1161, %get3A_1164 : vector<16xf32>
        %add3A_1166 = arith.addf %add3A_1158, %mul3A_1165 : vector<16xf32>
        %get3A_1167 = arith.index_cast %add3A_1119 : i32 to index
        %get3A_1168 = arith.constant 96 : index
        %get3A_1169 = tpu.vector_load %arg11[%get3A_1167, %get3A_1168] {strides = array<i32>} : memref<128x128xf32, #tpu.memory_space<vmem>>, vector<16xf32>,
        %get3A_1170 = arith.index_cast %add3A_1119 : i32 to index
        %get3A_1171 = arith.constant 96 : index
        %get3A_1172 = tpu.vector_load %arg12[%get3A_1170, %get3A_1171] {strides = array<i32>} : memref<128x128xf32, #tpu.memory_space<vmem>>, vector<16xf32>,
        %mul3A_1173 = arith.mulf %get3A_1169, %get3A_1172 : vector<16xf32>
        %add3A_1174 = arith.addf %add3A_1166, %mul3A_1173 : vector<16xf32>
        %get3A_1175 = arith.index_cast %add3A_1119 : i32 to index
        %get3A_1176 = arith.constant 112 : index
        %get3A_1177 = tpu.vector_load %arg11[%get3A_1175, %get3A_1176] {strides = array<i32>} : memref<128x128xf32, #tpu.memory_space<vmem>>, vector<16xf32>,
        %get3A_1178 = arith.index_cast %add3A_1119 : i32 to index
        %get3A_1179 = arith.constant 112 : index
        %get3A_1180 = tpu.vector_load %arg12[%get3A_1178, %get3A_1179] {strides = array<i32>} : memref<128x128xf32, #tpu.memory_space<vmem>>, vector<16xf32>,
        %mul3A_1181 = arith.mulf %get3A_1177, %get3A_1180 : vector<16xf32>
        %add3A_1182 = arith.addf %add3A_1174, %mul3A_1181 : vector<16xf32>
        %mul3A_1183 = arith.constant 16 : i32
        %mul3A_1184 = arith.muli %scan3A_88, %mul3A_1183 : i32
        %add3A_1185 = arith.constant 11 : i32
        %add3A_1186 = arith.addi %mul3A_1184, %add3A_1185 : i32
        %get3A_1187 = arith.index_cast %add3A_1186 : i32 to index
        %get3A_1188 = arith.constant 0 : index
        %get3A_1189 = tpu.vector_load %arg11[%get3A_1187, %get3A_1188] {strides = array<i32>} : memref<128x128xf32, #tpu.memory_space<vmem>>, vector<16xf32>,
        %get3A_1190 = arith.index_cast %add3A_1186 : i32 to index
        %get3A_1191 = arith.constant 0 : index
        %get3A_1192 = tpu.vector_load %arg12[%get3A_1190, %get3A_1191] {strides = array<i32>} : memref<128x128xf32, #tpu.memory_space<vmem>>, vector<16xf32>,
        %mul3A_1193 = arith.mulf %get3A_1189, %get3A_1192 : vector<16xf32>
        %get3A_1194 = arith.index_cast %add3A_1186 : i32 to index
        %get3A_1195 = arith.constant 16 : index
        %get3A_1196 = tpu.vector_load %arg11[%get3A_1194, %get3A_1195] {strides = array<i32>} : memref<128x128xf32, #tpu.memory_space<vmem>>, vector<16xf32>,
        %get3A_1197 = arith.index_cast %add3A_1186 : i32 to index
        %get3A_1198 = arith.constant 16 : index
        %get3A_1199 = tpu.vector_load %arg12[%get3A_1197, %get3A_1198] {strides = array<i32>} : memref<128x128xf32, #tpu.memory_space<vmem>>, vector<16xf32>,
        %mul3A_1200 = arith.mulf %get3A_1196, %get3A_1199 : vector<16xf32>
        %add3A_1201 = arith.addf %mul3A_1193, %mul3A_1200 : vector<16xf32>
        %get3A_1202 = arith.index_cast %add3A_1186 : i32 to index
        %get3A_1203 = arith.constant 32 : index
        %get3A_1204 = tpu.vector_load %arg11[%get3A_1202, %get3A_1203] {strides = array<i32>} : memref<128x128xf32, #tpu.memory_space<vmem>>, vector<16xf32>,
        %get3A_1205 = arith.index_cast %add3A_1186 : i32 to index
        %get3A_1206 = arith.constant 32 : index
        %get3A_1207 = tpu.vector_load %arg12[%get3A_1205, %get3A_1206] {strides = array<i32>} : memref<128x128xf32, #tpu.memory_space<vmem>>, vector<16xf32>,
        %mul3A_1208 = arith.mulf %get3A_1204, %get3A_1207 : vector<16xf32>
        %add3A_1209 = arith.addf %add3A_1201, %mul3A_1208 : vector<16xf32>
        %get3A_1210 = arith.index_cast %add3A_1186 : i32 to index
        %get3A_1211 = arith.constant 48 : index
        %get3A_1212 = tpu.vector_load %arg11[%get3A_1210, %get3A_1211] {strides = array<i32>} : memref<128x128xf32, #tpu.memory_space<vmem>>, vector<16xf32>,
        %get3A_1213 = arith.index_cast %add3A_1186 : i32 to index
        %get3A_1214 = arith.constant 48 : index
        %get3A_1215 = tpu.vector_load %arg12[%get3A_1213, %get3A_1214] {strides = array<i32>} : memref<128x128xf32, #tpu.memory_space<vmem>>, vector<16xf32>,
        %mul3A_1216 = arith.mulf %get3A_1212, %get3A_1215 : vector<16xf32>
        %add3A_1217 = arith.addf %add3A_1209, %mul3A_1216 : vector<16xf32>
        %get3A_1218 = arith.index_cast %add3A_1186 : i32 to index
        %get3A_1219 = arith.constant 64 : index
        %get3A_1220 = tpu.vector_load %arg11[%get3A_1218, %get3A_1219] {strides = array<i32>} : memref<128x128xf32, #tpu.memory_space<vmem>>, vector<16xf32>,
        %get3A_1221 = arith.index_cast %add3A_1186 : i32 to index
        %get3A_1222 = arith.constant 64 : index
        %get3A_1223 = tpu.vector_load %arg12[%get3A_1221, %get3A_1222] {strides = array<i32>} : memref<128x128xf32, #tpu.memory_space<vmem>>, vector<16xf32>,
        %mul3A_1224 = arith.mulf %get3A_1220, %get3A_1223 : vector<16xf32>
        %add3A_1225 = arith.addf %add3A_1217, %mul3A_1224 : vector<16xf32>
        %get3A_1226 = arith.index_cast %add3A_1186 : i32 to index
        %get3A_1227 = arith.constant 80 : index
        %get3A_1228 = tpu.vector_load %arg11[%get3A_1226, %get3A_1227] {strides = array<i32>} : memref<128x128xf32, #tpu.memory_space<vmem>>, vector<16xf32>,
        %get3A_1229 = arith.index_cast %add3A_1186 : i32 to index
        %get3A_1230 = arith.constant 80 : index
        %get3A_1231 = tpu.vector_load %arg12[%get3A_1229, %get3A_1230] {strides = array<i32>} : memref<128x128xf32, #tpu.memory_space<vmem>>, vector<16xf32>,
        %mul3A_1232 = arith.mulf %get3A_1228, %get3A_1231 : vector<16xf32>
        %add3A_1233 = arith.addf %add3A_1225, %mul3A_1232 : vector<16xf32>
        %get3A_1234 = arith.index_cast %add3A_1186 : i32 to index
        %get3A_1235 = arith.constant 96 : index
        %get3A_1236 = tpu.vector_load %arg11[%get3A_1234, %get3A_1235] {strides = array<i32>} : memref<128x128xf32, #tpu.memory_space<vmem>>, vector<16xf32>,
        %get3A_1237 = arith.index_cast %add3A_1186 : i32 to index
        %get3A_1238 = arith.constant 96 : index
        %get3A_1239 = tpu.vector_load %arg12[%get3A_1237, %get3A_1238] {strides = array<i32>} : memref<128x128xf32, #tpu.memory_space<vmem>>, vector<16xf32>,
        %mul3A_1240 = arith.mulf %get3A_1236, %get3A_1239 : vector<16xf32>
        %add3A_1241 = arith.addf %add3A_1233, %mul3A_1240 : vector<16xf32>
        %get3A_1242 = arith.index_cast %add3A_1186 : i32 to index
        %get3A_1243 = arith.constant 112 : index
        %get3A_1244 = tpu.vector_load %arg11[%get3A_1242, %get3A_1243] {strides = array<i32>} : memref<128x128xf32, #tpu.memory_space<vmem>>, vector<16xf32>,
        %get3A_1245 = arith.index_cast %add3A_1186 : i32 to index
        %get3A_1246 = arith.constant 112 : index
        %get3A_1247 = tpu.vector_load %arg12[%get3A_1245, %get3A_1246] {strides = array<i32>} : memref<128x128xf32, #tpu.memory_space<vmem>>, vector<16xf32>,
        %mul3A_1248 = arith.mulf %get3A_1244, %get3A_1247 : vector<16xf32>
        %add3A_1249 = arith.addf %add3A_1241, %mul3A_1248 : vector<16xf32>
        %and3A_1250 = arith.constant 8 : i32
        %and3A_1251 = vector.broadcast %and3A_1250 : i32 to vector<16xi32>
        %and3A_1252 = arith.andi %iota3A, %and3A_1251 : vector<16xi32>
        %eq3A_1253 = arith.constant 0 : i32
        %eq3A_1254 = vector.broadcast %eq3A_1253 : i32 to vector<16xi32>
        %eq3A_1255 = arith.cmpi eq, %and3A_1252, %eq3A_1254 : vector<16xi32>
        %iota3A_1256 = tpu.iota {dimensions = array<i32: 0>} : vector<16xi32>
        %xor3A_1257 = arith.constant 8 : i32
        %xor3A_1258 = vector.broadcast %xor3A_1257 : i32 to vector<16xi32>
        %xor3A_1259 = arith.xori %iota3A_1256, %xor3A_1258 : vector<16xi32>
        %broadcast_in_dim3A_1260 = vector.shape_cast %xor3A_1259 : vector<16xi32> to vector<16x1xi32>
        %gather3A_1261 = vector.shape_cast %broadcast_in_dim3A_1260 : vector<16x1xi32> to vector<16xi32>
        %gather3A_1262 = tpu.dynamic_gather %add3A_1249[%gather3A_1261] in [0] : vector<16xf32>, vector<16xi32> -> vector<16xf32>
        %select_n3A_1263 = arith.select %eq3A_1255, %add3A_1182, %gather3A_1262 : vector<16xi1>, vector<16xf32>
        %iota3A_1264 = tpu.iota {dimensions = array<i32: 0>} : vector<16xi32>
        %xor3A_1265 = arith.constant 8 : i32
        %xor3A_1266 = vector.broadcast %xor3A_1265 : i32 to vector<16xi32>
        %xor3A_1267 = arith.xori %iota3A_1264, %xor3A_1266 : vector<16xi32>
        %broadcast_in_dim3A_1268 = vector.shape_cast %xor3A_1267 : vector<16xi32> to vector<16x1xi32>
        %gather3A_1269 = vector.shape_cast %broadcast_in_dim3A_1268 : vector<16x1xi32> to vector<16xi32>
        %gather3A_1270 = tpu.dynamic_gather %add3A_1182[%gather3A_1269] in [0] : vector<16xf32>, vector<16xi32> -> vector<16xf32>
        %select_n3A_1271 = arith.select %eq3A_1255, %gather3A_1270, %add3A_1249 : vector<16xi1>, vector<16xf32>
        %add3A_1272 = arith.addf %select_n3A_1263, %select_n3A_1271 : vector<16xf32>
        %mul3A_1273 = arith.constant 16 : i32
        %mul3A_1274 = arith.muli %scan3A_88, %mul3A_1273 : i32
        %add3A_1275 = arith.constant 7 : i32
        %add3A_1276 = arith.addi %mul3A_1274, %add3A_1275 : i32
        %get3A_1277 = arith.index_cast %add3A_1276 : i32 to index
        %get3A_1278 = arith.constant 0 : index
        %get3A_1279 = tpu.vector_load %arg11[%get3A_1277, %get3A_1278] {strides = array<i32>} : memref<128x128xf32, #tpu.memory_space<vmem>>, vector<16xf32>,
        %get3A_1280 = arith.index_cast %add3A_1276 : i32 to index
        %get3A_1281 = arith.constant 0 : index
        %get3A_1282 = tpu.vector_load %arg12[%get3A_1280, %get3A_1281] {strides = array<i32>} : memref<128x128xf32, #tpu.memory_space<vmem>>, vector<16xf32>,
        %mul3A_1283 = arith.mulf %get3A_1279, %get3A_1282 : vector<16xf32>
        %get3A_1284 = arith.index_cast %add3A_1276 : i32 to index
        %get3A_1285 = arith.constant 16 : index
        %get3A_1286 = tpu.vector_load %arg11[%get3A_1284, %get3A_1285] {strides = array<i32>} : memref<128x128xf32, #tpu.memory_space<vmem>>, vector<16xf32>,
        %get3A_1287 = arith.index_cast %add3A_1276 : i32 to index
        %get3A_1288 = arith.constant 16 : index
        %get3A_1289 = tpu.vector_load %arg12[%get3A_1287, %get3A_1288] {strides = array<i32>} : memref<128x128xf32, #tpu.memory_space<vmem>>, vector<16xf32>,
        %mul3A_1290 = arith.mulf %get3A_1286, %get3A_1289 : vector<16xf32>
        %add3A_1291 = arith.addf %mul3A_1283, %mul3A_1290 : vector<16xf32>
        %get3A_1292 = arith.index_cast %add3A_1276 : i32 to index
        %get3A_1293 = arith.constant 32 : index
        %get3A_1294 = tpu.vector_load %arg11[%get3A_1292, %get3A_1293] {strides = array<i32>} : memref<128x128xf32, #tpu.memory_space<vmem>>, vector<16xf32>,
        %get3A_1295 = arith.index_cast %add3A_1276 : i32 to index
        %get3A_1296 = arith.constant 32 : index
        %get3A_1297 = tpu.vector_load %arg12[%get3A_1295, %get3A_1296] {strides = array<i32>} : memref<128x128xf32, #tpu.memory_space<vmem>>, vector<16xf32>,
        %mul3A_1298 = arith.mulf %get3A_1294, %get3A_1297 : vector<16xf32>
        %add3A_1299 = arith.addf %add3A_1291, %mul3A_1298 : vector<16xf32>
        %get3A_1300 = arith.index_cast %add3A_1276 : i32 to index
        %get3A_1301 = arith.constant 48 : index
        %get3A_1302 = tpu.vector_load %arg11[%get3A_1300, %get3A_1301] {strides = array<i32>} : memref<128x128xf32, #tpu.memory_space<vmem>>, vector<16xf32>,
        %get3A_1303 = arith.index_cast %add3A_1276 : i32 to index
        %get3A_1304 = arith.constant 48 : index
        %get3A_1305 = tpu.vector_load %arg12[%get3A_1303, %get3A_1304] {strides = array<i32>} : memref<128x128xf32, #tpu.memory_space<vmem>>, vector<16xf32>,
        %mul3A_1306 = arith.mulf %get3A_1302, %get3A_1305 : vector<16xf32>
        %add3A_1307 = arith.addf %add3A_1299, %mul3A_1306 : vector<16xf32>
        %get3A_1308 = arith.index_cast %add3A_1276 : i32 to index
        %get3A_1309 = arith.constant 64 : index
        %get3A_1310 = tpu.vector_load %arg11[%get3A_1308, %get3A_1309] {strides = array<i32>} : memref<128x128xf32, #tpu.memory_space<vmem>>, vector<16xf32>,
        %get3A_1311 = arith.index_cast %add3A_1276 : i32 to index
        %get3A_1312 = arith.constant 64 : index
        %get3A_1313 = tpu.vector_load %arg12[%get3A_1311, %get3A_1312] {strides = array<i32>} : memref<128x128xf32, #tpu.memory_space<vmem>>, vector<16xf32>,
        %mul3A_1314 = arith.mulf %get3A_1310, %get3A_1313 : vector<16xf32>
        %add3A_1315 = arith.addf %add3A_1307, %mul3A_1314 : vector<16xf32>
        %get3A_1316 = arith.index_cast %add3A_1276 : i32 to index
        %get3A_1317 = arith.constant 80 : index
        %get3A_1318 = tpu.vector_load %arg11[%get3A_1316, %get3A_1317] {strides = array<i32>} : memref<128x128xf32, #tpu.memory_space<vmem>>, vector<16xf32>,
        %get3A_1319 = arith.index_cast %add3A_1276 : i32 to index
        %get3A_1320 = arith.constant 80 : index
        %get3A_1321 = tpu.vector_load %arg12[%get3A_1319, %get3A_1320] {strides = array<i32>} : memref<128x128xf32, #tpu.memory_space<vmem>>, vector<16xf32>,
        %mul3A_1322 = arith.mulf %get3A_1318, %get3A_1321 : vector<16xf32>
        %add3A_1323 = arith.addf %add3A_1315, %mul3A_1322 : vector<16xf32>
        %get3A_1324 = arith.index_cast %add3A_1276 : i32 to index
        %get3A_1325 = arith.constant 96 : index
        %get3A_1326 = tpu.vector_load %arg11[%get3A_1324, %get3A_1325] {strides = array<i32>} : memref<128x128xf32, #tpu.memory_space<vmem>>, vector<16xf32>,
        %get3A_1327 = arith.index_cast %add3A_1276 : i32 to index
        %get3A_1328 = arith.constant 96 : index
        %get3A_1329 = tpu.vector_load %arg12[%get3A_1327, %get3A_1328] {strides = array<i32>} : memref<128x128xf32, #tpu.memory_space<vmem>>, vector<16xf32>,
        %mul3A_1330 = arith.mulf %get3A_1326, %get3A_1329 : vector<16xf32>
        %add3A_1331 = arith.addf %add3A_1323, %mul3A_1330 : vector<16xf32>
        %get3A_1332 = arith.index_cast %add3A_1276 : i32 to index
        %get3A_1333 = arith.constant 112 : index
        %get3A_1334 = tpu.vector_load %arg11[%get3A_1332, %get3A_1333] {strides = array<i32>} : memref<128x128xf32, #tpu.memory_space<vmem>>, vector<16xf32>,
        %get3A_1335 = arith.index_cast %add3A_1276 : i32 to index
        %get3A_1336 = arith.constant 112 : index
        %get3A_1337 = tpu.vector_load %arg12[%get3A_1335, %get3A_1336] {strides = array<i32>} : memref<128x128xf32, #tpu.memory_space<vmem>>, vector<16xf32>,
        %mul3A_1338 = arith.mulf %get3A_1334, %get3A_1337 : vector<16xf32>
        %add3A_1339 = arith.addf %add3A_1331, %mul3A_1338 : vector<16xf32>
        %mul3A_1340 = arith.constant 16 : i32
        %mul3A_1341 = arith.muli %scan3A_88, %mul3A_1340 : i32
        %add3A_1342 = arith.constant 15 : i32
        %add3A_1343 = arith.addi %mul3A_1341, %add3A_1342 : i32
        %get3A_1344 = arith.index_cast %add3A_1343 : i32 to index
        %get3A_1345 = arith.constant 0 : index
        %get3A_1346 = tpu.vector_load %arg11[%get3A_1344, %get3A_1345] {strides = array<i32>} : memref<128x128xf32, #tpu.memory_space<vmem>>, vector<16xf32>,
        %get3A_1347 = arith.index_cast %add3A_1343 : i32 to index
        %get3A_1348 = arith.constant 0 : index
        %get3A_1349 = tpu.vector_load %arg12[%get3A_1347, %get3A_1348] {strides = array<i32>} : memref<128x128xf32, #tpu.memory_space<vmem>>, vector<16xf32>,
        %mul3A_1350 = arith.mulf %get3A_1346, %get3A_1349 : vector<16xf32>
        %get3A_1351 = arith.index_cast %add3A_1343 : i32 to index
        %get3A_1352 = arith.constant 16 : index
        %get3A_1353 = tpu.vector_load %arg11[%get3A_1351, %get3A_1352] {strides = array<i32>} : memref<128x128xf32, #tpu.memory_space<vmem>>, vector<16xf32>,
        %get3A_1354 = arith.index_cast %add3A_1343 : i32 to index
        %get3A_1355 = arith.constant 16 : index
        %get3A_1356 = tpu.vector_load %arg12[%get3A_1354, %get3A_1355] {strides = array<i32>} : memref<128x128xf32, #tpu.memory_space<vmem>>, vector<16xf32>,
        %mul3A_1357 = arith.mulf %get3A_1353, %get3A_1356 : vector<16xf32>
        %add3A_1358 = arith.addf %mul3A_1350, %mul3A_1357 : vector<16xf32>
        %get3A_1359 = arith.index_cast %add3A_1343 : i32 to index
        %get3A_1360 = arith.constant 32 : index
        %get3A_1361 = tpu.vector_load %arg11[%get3A_1359, %get3A_1360] {strides = array<i32>} : memref<128x128xf32, #tpu.memory_space<vmem>>, vector<16xf32>,
        %get3A_1362 = arith.index_cast %add3A_1343 : i32 to index
        %get3A_1363 = arith.constant 32 : index
        %get3A_1364 = tpu.vector_load %arg12[%get3A_1362, %get3A_1363] {strides = array<i32>} : memref<128x128xf32, #tpu.memory_space<vmem>>, vector<16xf32>,
        %mul3A_1365 = arith.mulf %get3A_1361, %get3A_1364 : vector<16xf32>
        %add3A_1366 = arith.addf %add3A_1358, %mul3A_1365 : vector<16xf32>
        %get3A_1367 = arith.index_cast %add3A_1343 : i32 to index
        %get3A_1368 = arith.constant 48 : index
        %get3A_1369 = tpu.vector_load %arg11[%get3A_1367, %get3A_1368] {strides = array<i32>} : memref<128x128xf32, #tpu.memory_space<vmem>>, vector<16xf32>,
        %get3A_1370 = arith.index_cast %add3A_1343 : i32 to index
        %get3A_1371 = arith.constant 48 : index
        %get3A_1372 = tpu.vector_load %arg12[%get3A_1370, %get3A_1371] {strides = array<i32>} : memref<128x128xf32, #tpu.memory_space<vmem>>, vector<16xf32>,
        %mul3A_1373 = arith.mulf %get3A_1369, %get3A_1372 : vector<16xf32>
        %add3A_1374 = arith.addf %add3A_1366, %mul3A_1373 : vector<16xf32>
        %get3A_1375 = arith.index_cast %add3A_1343 : i32 to index
        %get3A_1376 = arith.constant 64 : index
        %get3A_1377 = tpu.vector_load %arg11[%get3A_1375, %get3A_1376] {strides = array<i32>} : memref<128x128xf32, #tpu.memory_space<vmem>>, vector<16xf32>,
        %get3A_1378 = arith.index_cast %add3A_1343 : i32 to index
        %get3A_1379 = arith.constant 64 : index
        %get3A_1380 = tpu.vector_load %arg12[%get3A_1378, %get3A_1379] {strides = array<i32>} : memref<128x128xf32, #tpu.memory_space<vmem>>, vector<16xf32>,
        %mul3A_1381 = arith.mulf %get3A_1377, %get3A_1380 : vector<16xf32>
        %add3A_1382 = arith.addf %add3A_1374, %mul3A_1381 : vector<16xf32>
        %get3A_1383 = arith.index_cast %add3A_1343 : i32 to index
        %get3A_1384 = arith.constant 80 : index
        %get3A_1385 = tpu.vector_load %arg11[%get3A_1383, %get3A_1384] {strides = array<i32>} : memref<128x128xf32, #tpu.memory_space<vmem>>, vector<16xf32>,
        %get3A_1386 = arith.index_cast %add3A_1343 : i32 to index
        %get3A_1387 = arith.constant 80 : index
        %get3A_1388 = tpu.vector_load %arg12[%get3A_1386, %get3A_1387] {strides = array<i32>} : memref<128x128xf32, #tpu.memory_space<vmem>>, vector<16xf32>,
        %mul3A_1389 = arith.mulf %get3A_1385, %get3A_1388 : vector<16xf32>
        %add3A_1390 = arith.addf %add3A_1382, %mul3A_1389 : vector<16xf32>
        %get3A_1391 = arith.index_cast %add3A_1343 : i32 to index
        %get3A_1392 = arith.constant 96 : index
        %get3A_1393 = tpu.vector_load %arg11[%get3A_1391, %get3A_1392] {strides = array<i32>} : memref<128x128xf32, #tpu.memory_space<vmem>>, vector<16xf32>,
        %get3A_1394 = arith.index_cast %add3A_1343 : i32 to index
        %get3A_1395 = arith.constant 96 : index
        %get3A_1396 = tpu.vector_load %arg12[%get3A_1394, %get3A_1395] {strides = array<i32>} : memref<128x128xf32, #tpu.memory_space<vmem>>, vector<16xf32>,
        %mul3A_1397 = arith.mulf %get3A_1393, %get3A_1396 : vector<16xf32>
        %add3A_1398 = arith.addf %add3A_1390, %mul3A_1397 : vector<16xf32>
        %get3A_1399 = arith.index_cast %add3A_1343 : i32 to index
        %get3A_1400 = arith.constant 112 : index
        %get3A_1401 = tpu.vector_load %arg11[%get3A_1399, %get3A_1400] {strides = array<i32>} : memref<128x128xf32, #tpu.memory_space<vmem>>, vector<16xf32>,
        %get3A_1402 = arith.index_cast %add3A_1343 : i32 to index
        %get3A_1403 = arith.constant 112 : index
        %get3A_1404 = tpu.vector_load %arg12[%get3A_1402, %get3A_1403] {strides = array<i32>} : memref<128x128xf32, #tpu.memory_space<vmem>>, vector<16xf32>,
        %mul3A_1405 = arith.mulf %get3A_1401, %get3A_1404 : vector<16xf32>
        %add3A_1406 = arith.addf %add3A_1398, %mul3A_1405 : vector<16xf32>
        %and3A_1407 = arith.constant 8 : i32
        %and3A_1408 = vector.broadcast %and3A_1407 : i32 to vector<16xi32>
        %and3A_1409 = arith.andi %iota3A, %and3A_1408 : vector<16xi32>
        %eq3A_1410 = arith.constant 0 : i32
        %eq3A_1411 = vector.broadcast %eq3A_1410 : i32 to vector<16xi32>
        %eq3A_1412 = arith.cmpi eq, %and3A_1409, %eq3A_1411 : vector<16xi32>
        %iota3A_1413 = tpu.iota {dimensions = array<i32: 0>} : vector<16xi32>
        %xor3A_1414 = arith.constant 8 : i32
        %xor3A_1415 = vector.broadcast %xor3A_1414 : i32 to vector<16xi32>
        %xor3A_1416 = arith.xori %iota3A_1413, %xor3A_1415 : vector<16xi32>
        %broadcast_in_dim3A_1417 = vector.shape_cast %xor3A_1416 : vector<16xi32> to vector<16x1xi32>
        %gather3A_1418 = vector.shape_cast %broadcast_in_dim3A_1417 : vector<16x1xi32> to vector<16xi32>
        %gather3A_1419 = tpu.dynamic_gather %add3A_1406[%gather3A_1418] in [0] : vector<16xf32>, vector<16xi32> -> vector<16xf32>
        %select_n3A_1420 = arith.select %eq3A_1412, %add3A_1339, %gather3A_1419 : vector<16xi1>, vector<16xf32>
        %iota3A_1421 = tpu.iota {dimensions = array<i32: 0>} : vector<16xi32>
        %xor3A_1422 = arith.constant 8 : i32
        %xor3A_1423 = vector.broadcast %xor3A_1422 : i32 to vector<16xi32>
        %xor3A_1424 = arith.xori %iota3A_1421, %xor3A_1423 : vector<16xi32>
        %broadcast_in_dim3A_1425 = vector.shape_cast %xor3A_1424 : vector<16xi32> to vector<16x1xi32>
        %gather3A_1426 = vector.shape_cast %broadcast_in_dim3A_1425 : vector<16x1xi32> to vector<16xi32>
        %gather3A_1427 = tpu.dynamic_gather %add3A_1339[%gather3A_1426] in [0] : vector<16xf32>, vector<16xi32> -> vector<16xf32>
        %select_n3A_1428 = arith.select %eq3A_1412, %gather3A_1427, %add3A_1406 : vector<16xi1>, vector<16xf32>
        %add3A_1429 = arith.addf %select_n3A_1420, %select_n3A_1428 : vector<16xf32>
        %and3A_1430 = arith.constant 4 : i32
        %and3A_1431 = vector.broadcast %and3A_1430 : i32 to vector<16xi32>
        %and3A_1432 = arith.andi %iota3A, %and3A_1431 : vector<16xi32>
        %eq3A_1433 = arith.constant 0 : i32
        %eq3A_1434 = vector.broadcast %eq3A_1433 : i32 to vector<16xi32>
        %eq3A_1435 = arith.cmpi eq, %and3A_1432, %eq3A_1434 : vector<16xi32>
        %iota3A_1436 = tpu.iota {dimensions = array<i32: 0>} : vector<16xi32>
        %xor3A_1437 = arith.constant 4 : i32
        %xor3A_1438 = vector.broadcast %xor3A_1437 : i32 to vector<16xi32>
        %xor3A_1439 = arith.xori %iota3A_1436, %xor3A_1438 : vector<16xi32>
        %broadcast_in_dim3A_1440 = vector.shape_cast %xor3A_1439 : vector<16xi32> to vector<16x1xi32>
        %gather3A_1441 = vector.shape_cast %broadcast_in_dim3A_1440 : vector<16x1xi32> to vector<16xi32>
        %gather3A_1442 = tpu.dynamic_gather %add3A_1429[%gather3A_1441] in [0] : vector<16xf32>, vector<16xi32> -> vector<16xf32>
        %select_n3A_1443 = arith.select %eq3A_1435, %add3A_1272, %gather3A_1442 : vector<16xi1>, vector<16xf32>
        %iota3A_1444 = tpu.iota {dimensions = array<i32: 0>} : vector<16xi32>
        %xor3A_1445 = arith.constant 4 : i32
        %xor3A_1446 = vector.broadcast %xor3A_1445 : i32 to vector<16xi32>
        %xor3A_1447 = arith.xori %iota3A_1444, %xor3A_1446 : vector<16xi32>
        %broadcast_in_dim3A_1448 = vector.shape_cast %xor3A_1447 : vector<16xi32> to vector<16x1xi32>
        %gather3A_1449 = vector.shape_cast %broadcast_in_dim3A_1448 : vector<16x1xi32> to vector<16xi32>
        %gather3A_1450 = tpu.dynamic_gather %add3A_1272[%gather3A_1449] in [0] : vector<16xf32>, vector<16xi32> -> vector<16xf32>
        %select_n3A_1451 = arith.select %eq3A_1435, %gather3A_1450, %add3A_1429 : vector<16xi1>, vector<16xf32>
        %add3A_1452 = arith.addf %select_n3A_1443, %select_n3A_1451 : vector<16xf32>
        %and3A_1453 = arith.constant 2 : i32
        %and3A_1454 = vector.broadcast %and3A_1453 : i32 to vector<16xi32>
        %and3A_1455 = arith.andi %iota3A, %and3A_1454 : vector<16xi32>
        %eq3A_1456 = arith.constant 0 : i32
        %eq3A_1457 = vector.broadcast %eq3A_1456 : i32 to vector<16xi32>
        %eq3A_1458 = arith.cmpi eq, %and3A_1455, %eq3A_1457 : vector<16xi32>
        %iota3A_1459 = tpu.iota {dimensions = array<i32: 0>} : vector<16xi32>
        %xor3A_1460 = arith.constant 2 : i32
        %xor3A_1461 = vector.broadcast %xor3A_1460 : i32 to vector<16xi32>
        %xor3A_1462 = arith.xori %iota3A_1459, %xor3A_1461 : vector<16xi32>
        %broadcast_in_dim3A_1463 = vector.shape_cast %xor3A_1462 : vector<16xi32> to vector<16x1xi32>
        %gather3A_1464 = vector.shape_cast %broadcast_in_dim3A_1463 : vector<16x1xi32> to vector<16xi32>
        %gather3A_1465 = tpu.dynamic_gather %add3A_1452[%gather3A_1464] in [0] : vector<16xf32>, vector<16xi32> -> vector<16xf32>
        %select_n3A_1466 = arith.select %eq3A_1458, %add3A_1115, %gather3A_1465 : vector<16xi1>, vector<16xf32>
        %iota3A_1467 = tpu.iota {dimensions = array<i32: 0>} : vector<16xi32>
        %xor3A_1468 = arith.constant 2 : i32
        %xor3A_1469 = vector.broadcast %xor3A_1468 : i32 to vector<16xi32>
        %xor3A_1470 = arith.xori %iota3A_1467, %xor3A_1469 : vector<16xi32>
        %broadcast_in_dim3A_1471 = vector.shape_cast %xor3A_1470 : vector<16xi32> to vector<16x1xi32>
        %gather3A_1472 = vector.shape_cast %broadcast_in_dim3A_1471 : vector<16x1xi32> to vector<16xi32>
        %gather3A_1473 = tpu.dynamic_gather %add3A_1115[%gather3A_1472] in [0] : vector<16xf32>, vector<16xi32> -> vector<16xf32>
        %select_n3A_1474 = arith.select %eq3A_1458, %gather3A_1473, %add3A_1452 : vector<16xi1>, vector<16xf32>
        %add3A_1475 = arith.addf %select_n3A_1466, %select_n3A_1474 : vector<16xf32>
        %and3A_1476 = arith.constant 1 : i32
        %and3A_1477 = vector.broadcast %and3A_1476 : i32 to vector<16xi32>
        %and3A_1478 = arith.andi %iota3A, %and3A_1477 : vector<16xi32>
        %eq3A_1479 = arith.constant 0 : i32
        %eq3A_1480 = vector.broadcast %eq3A_1479 : i32 to vector<16xi32>
        %eq3A_1481 = arith.cmpi eq, %and3A_1478, %eq3A_1480 : vector<16xi32>
        %iota3A_1482 = tpu.iota {dimensions = array<i32: 0>} : vector<16xi32>
        %xor3A_1483 = arith.constant 1 : i32
        %xor3A_1484 = vector.broadcast %xor3A_1483 : i32 to vector<16xi32>
        %xor3A_1485 = arith.xori %iota3A_1482, %xor3A_1484 : vector<16xi32>
        %broadcast_in_dim3A_1486 = vector.shape_cast %xor3A_1485 : vector<16xi32> to vector<16x1xi32>
        %gather3A_1487 = vector.shape_cast %broadcast_in_dim3A_1486 : vector<16x1xi32> to vector<16xi32>
        %gather3A_1488 = tpu.dynamic_gather %add3A_1475[%gather3A_1487] in [0] : vector<16xf32>, vector<16xi32> -> vector<16xf32>
        %select_n3A_1489 = arith.select %eq3A_1481, %add3A_778, %gather3A_1488 : vector<16xi1>, vector<16xf32>
        %iota3A_1490 = tpu.iota {dimensions = array<i32: 0>} : vector<16xi32>
        %xor3A_1491 = arith.constant 1 : i32
        %xor3A_1492 = vector.broadcast %xor3A_1491 : i32 to vector<16xi32>
        %xor3A_1493 = arith.xori %iota3A_1490, %xor3A_1492 : vector<16xi32>
        %broadcast_in_dim3A_1494 = vector.shape_cast %xor3A_1493 : vector<16xi32> to vector<16x1xi32>
        %gather3A_1495 = vector.shape_cast %broadcast_in_dim3A_1494 : vector<16x1xi32> to vector<16xi32>
        %gather3A_1496 = tpu.dynamic_gather %add3A_778[%gather3A_1495] in [0] : vector<16xf32>, vector<16xi32> -> vector<16xf32>
        %select_n3A_1497 = arith.select %eq3A_1481, %gather3A_1496, %add3A_1475 : vector<16xi1>, vector<16xf32>
        %add3A_1498 = arith.addf %select_n3A_1489, %select_n3A_1497 : vector<16xf32>
        %mul3A_1499 = arith.constant 128 : i32
        %mul3A_1500 = arith.muli %add3A_38, %mul3A_1499 : i32
        %mul3A_1501 = arith.constant 16 : i32
        %mul3A_1502 = arith.muli %scan3A_88, %mul3A_1501 : i32
        %add3A_1503 = arith.addi %mul3A_1500, %mul3A_1502 : i32
        %swap3A = arith.index_cast %add3A_1503 : i32 to index
        %swap3A_1504 = tpu.vector_load %arg13[%swap3A] {strides = array<i32>} : memref<9984xf32, #tpu.memory_space<vmem>>, vector<16xf32>,
        tpu.vector_store %arg13[%swap3A], %add3A_1498 {strides = array<i32>} : memref<9984xf32, #tpu.memory_space<vmem>>, vector<16xf32>,
      }
      %scan3A_87 = arith.constant 8 : i32
    }
    %scan3A_27 = arith.constant 39 : i32
    %mul3A_28 = arith.constant 128 : i32
    %mul3A_29 = arith.muli %mul3A_2, %mul3A_28 : i32
    "tpu.region"() ({
      %run_scoped3A = tpu.sem_alloc : memref<!tpu.dma_semaphore, #tpu.memory_space<semaphore_mem>>
      %dma_start3A_32 = tpu.memref_slice %arg6[%mul3A_29] : memref<320000xf32, #tpu.memory_space<hbm>> -> memref<9984xf32, #tpu.memory_space<hbm>>
      %dma_start3A_33 = tpu.memref_slice %arg6[%mul3A_29] : memref<320000xf32, #tpu.memory_space<hbm>> -> memref<9984xf32, #tpu.memory_space<hbm>>
      tpu.enqueue_dma source(%arg13 : memref<9984xf32, #tpu.memory_space<vmem>>) target(%dma_start3A_33 : memref<9984xf32, #tpu.memory_space<hbm>>) target_semaphore(%run_scoped3A : memref<!tpu.dma_semaphore, #tpu.memory_space<semaphore_mem>>)
      %dma_wait3A_34 = tpu.memref_slice %arg6[%mul3A_29] : memref<320000xf32, #tpu.memory_space<hbm>> -> memref<9984xf32, #tpu.memory_space<hbm>>
      %dma_wait3A_35 = tpu.memref_slice %arg6[%mul3A_29] : memref<320000xf32, #tpu.memory_space<hbm>> -> memref<9984xf32, #tpu.memory_space<hbm>>
      tpu.wait_dma2 semaphore(%run_scoped3A : memref<!tpu.dma_semaphore, #tpu.memory_space<semaphore_mem>>) src(%arg13 : memref<9984xf32, #tpu.memory_space<vmem>>) dst(%dma_wait3A_35 : memref<9984xf32, #tpu.memory_space<hbm>>)
      tpu.yield
    }) : () -> ()
    %lt3A = arith.constant 4 : i32
    %lt3A_30 = arith.cmpi slt, %add3A, %lt3A : i32
    %convert_element_type3A = arith.extui %lt3A_30 : i1 to i32
    %cond3A = arith.constant 0 : i32
    %cond3A_31 = arith.cmpi ne, %convert_element_type3A, %cond3A : i32
    scf.if %cond3A_31 {
      %add3A_32 = arith.constant 2496 : i32
      %add3A_33 = arith.addi %add3A_32, %add3A : i32
      %mul3A_34 = arith.constant 128 : i32
      %mul3A_35 = arith.muli %add3A_33, %mul3A_34 : i32
      "tpu.region"() ({
        %run_scoped3A = tpu.sem_alloc : memref<!tpu.dma_semaphore, #tpu.memory_space<semaphore_mem>>
        %dma_start3A_66 = arith.constant 0 : i32
        %dma_start3A_67 = tpu.memref_slice %arg7[%dma_start3A_66] : memref<9984xi32, #tpu.memory_space<vmem>> -> memref<128xi32, #tpu.memory_space<vmem>>
        %dma_start3A_68 = tpu.memref_slice %arg4[%mul3A_35] : memref<320000xi32, #tpu.memory_space<hbm>> -> memref<128xi32, #tpu.memory_space<hbm>>
        %dma_start3A_69 = arith.constant 0 : i32
        %dma_start3A_70 = tpu.memref_slice %arg7[%dma_start3A_69] : memref<9984xi32, #tpu.memory_space<vmem>> -> memref<128xi32, #tpu.memory_space<vmem>>
        %dma_start3A_71 = tpu.memref_slice %arg4[%mul3A_35] : memref<320000xi32, #tpu.memory_space<hbm>> -> memref<128xi32, #tpu.memory_space<hbm>>
        tpu.enqueue_dma source(%dma_start3A_71 : memref<128xi32, #tpu.memory_space<hbm>>) target(%dma_start3A_70 : memref<128xi32, #tpu.memory_space<vmem>>) target_semaphore(%run_scoped3A : memref<!tpu.dma_semaphore, #tpu.memory_space<semaphore_mem>>)
        %dma_wait3A_72 = arith.constant 0 : i32
        %dma_wait3A_73 = tpu.memref_slice %arg7[%dma_wait3A_72] : memref<9984xi32, #tpu.memory_space<vmem>> -> memref<128xi32, #tpu.memory_space<vmem>>
        %dma_wait3A_74 = tpu.memref_slice %arg4[%mul3A_35] : memref<320000xi32, #tpu.memory_space<hbm>> -> memref<128xi32, #tpu.memory_space<hbm>>
        %dma_wait3A_75 = arith.constant 0 : i32
        %dma_wait3A_76 = tpu.memref_slice %arg7[%dma_wait3A_75] : memref<9984xi32, #tpu.memory_space<vmem>> -> memref<128xi32, #tpu.memory_space<vmem>>
        %dma_wait3A_77 = tpu.memref_slice %arg4[%mul3A_35] : memref<320000xi32, #tpu.memory_space<hbm>> -> memref<128xi32, #tpu.memory_space<hbm>>
        tpu.wait_dma2 semaphore(%run_scoped3A : memref<!tpu.dma_semaphore, #tpu.memory_space<semaphore_mem>>) src(%dma_wait3A_77 : memref<128xi32, #tpu.memory_space<hbm>>) dst(%dma_wait3A_76 : memref<128xi32, #tpu.memory_space<vmem>>)
        tpu.yield
      }) : () -> ()
      %mul3A_36 = arith.constant 128 : i32
      %mul3A_37 = arith.muli %add3A_33, %mul3A_36 : i32
      "tpu.region"() ({
        %run_scoped3A = tpu.sem_alloc : memref<!tpu.dma_semaphore, #tpu.memory_space<semaphore_mem>>
        %dma_start3A_66 = arith.constant 0 : i32
        %dma_start3A_67 = tpu.memref_slice %arg8[%dma_start3A_66] : memref<9984xi32, #tpu.memory_space<vmem>> -> memref<128xi32, #tpu.memory_space<vmem>>
        %dma_start3A_68 = tpu.memref_slice %arg5[%mul3A_37] : memref<320000xi32, #tpu.memory_space<hbm>> -> memref<128xi32, #tpu.memory_space<hbm>>
        %dma_start3A_69 = arith.constant 0 : i32
        %dma_start3A_70 = tpu.memref_slice %arg8[%dma_start3A_69] : memref<9984xi32, #tpu.memory_space<vmem>> -> memref<128xi32, #tpu.memory_space<vmem>>
        %dma_start3A_71 = tpu.memref_slice %arg5[%mul3A_37] : memref<320000xi32, #tpu.memory_space<hbm>> -> memref<128xi32, #tpu.memory_space<hbm>>
        tpu.enqueue_dma source(%dma_start3A_71 : memref<128xi32, #tpu.memory_space<hbm>>) target(%dma_start3A_70 : memref<128xi32, #tpu.memory_space<vmem>>) target_semaphore(%run_scoped3A : memref<!tpu.dma_semaphore, #tpu.memory_space<semaphore_mem>>)
        %dma_wait3A_72 = arith.constant 0 : i32
        %dma_wait3A_73 = tpu.memref_slice %arg8[%dma_wait3A_72] : memref<9984xi32, #tpu.memory_space<vmem>> -> memref<128xi32, #tpu.memory_space<vmem>>
        %dma_wait3A_74 = tpu.memref_slice %arg5[%mul3A_37] : memref<320000xi32, #tpu.memory_space<hbm>> -> memref<128xi32, #tpu.memory_space<hbm>>
        %dma_wait3A_75 = arith.constant 0 : i32
        %dma_wait3A_76 = tpu.memref_slice %arg8[%dma_wait3A_75] : memref<9984xi32, #tpu.memory_space<vmem>> -> memref<128xi32, #tpu.memory_space<vmem>>
        %dma_wait3A_77 = tpu.memref_slice %arg5[%mul3A_37] : memref<320000xi32, #tpu.memory_space<hbm>> -> memref<128xi32, #tpu.memory_space<hbm>>
        tpu.wait_dma2 semaphore(%run_scoped3A : memref<!tpu.dma_semaphore, #tpu.memory_space<semaphore_mem>>) src(%dma_wait3A_77 : memref<128xi32, #tpu.memory_space<hbm>>) dst(%dma_wait3A_76 : memref<128xi32, #tpu.memory_space<vmem>>)
        tpu.yield
      }) : () -> ()
      %dma_start3A_38 = arith.constant 0 : i32
      %dma_start3A_39 = tpu.memref_slice %arg7[%dma_start3A_38] : memref<9984xi32, #tpu.memory_space<vmem>> -> memref<128xi32, #tpu.memory_space<vmem>>
      %dma_start3A_40 = arith.constant 0 : i32
      %dma_start3A_41 = arith.constant 0 : i32
      %dma_start3A_42 = tpu.memref_slice %arg2[%dma_start3A_40, %dma_start3A_41] : memref<10000x128xf32, #tpu.memory_space<hbm>> -> memref<10000x128xf32, #tpu.memory_space<hbm>>
      tpu.enqueue_indirect_dma source(%dma_start3A_42 : memref<10000x128xf32, #tpu.memory_space<hbm>>) target(%arg9 : memref<128x128xf32, #tpu.memory_space<vmem>>) offsets(%dma_start3A_39 : memref<128xi32, #tpu.memory_space<vmem>>) semaphore(%arg14 : memref<!tpu.dma_semaphore, #tpu.memory_space<semaphore_mem>>)
      %dma_start3A_43 = arith.constant 0 : i32
      %dma_start3A_44 = tpu.memref_slice %arg8[%dma_start3A_43] : memref<9984xi32, #tpu.memory_space<vmem>> -> memref<128xi32, #tpu.memory_space<vmem>>
      %dma_start3A_45 = arith.constant 0 : i32
      %dma_start3A_46 = arith.constant 0 : i32
      %dma_start3A_47 = tpu.memref_slice %arg3[%dma_start3A_45, %dma_start3A_46] : memref<10000x128xf32, #tpu.memory_space<hbm>> -> memref<10000x128xf32, #tpu.memory_space<hbm>>
      tpu.enqueue_indirect_dma source(%dma_start3A_47 : memref<10000x128xf32, #tpu.memory_space<hbm>>) target(%arg10 : memref<128x128xf32, #tpu.memory_space<vmem>>) offsets(%dma_start3A_44 : memref<128xi32, #tpu.memory_space<vmem>>) semaphore(%arg14 : memref<!tpu.dma_semaphore, #tpu.memory_space<semaphore_mem>>)
      %dma_wait3A_48 = arith.constant 0 : i32
      %dma_wait3A_49 = tpu.memref_slice %arg7[%dma_wait3A_48] : memref<9984xi32, #tpu.memory_space<vmem>> -> memref<128xi32, #tpu.memory_space<vmem>>
      %dma_wait3A_50 = arith.constant 0 : i32
      %dma_wait3A_51 = arith.constant 0 : i32
      %dma_wait3A_52 = tpu.memref_slice %arg2[%dma_wait3A_50, %dma_wait3A_51] : memref<10000x128xf32, #tpu.memory_space<hbm>> -> memref<10000x128xf32, #tpu.memory_space<hbm>>
      tpu.wait_indirect_dma semaphore(%arg14 : memref<!tpu.dma_semaphore, #tpu.memory_space<semaphore_mem>>) src(%dma_wait3A_52 : memref<10000x128xf32, #tpu.memory_space<hbm>>) dst(%arg9 : memref<128x128xf32, #tpu.memory_space<vmem>>)
      %dma_wait3A_53 = arith.constant 0 : i32
      %dma_wait3A_54 = tpu.memref_slice %arg8[%dma_wait3A_53] : memref<9984xi32, #tpu.memory_space<vmem>> -> memref<128xi32, #tpu.memory_space<vmem>>
      %dma_wait3A_55 = arith.constant 0 : i32
      %dma_wait3A_56 = arith.constant 0 : i32
      %dma_wait3A_57 = tpu.memref_slice %arg3[%dma_wait3A_55, %dma_wait3A_56] : memref<10000x128xf32, #tpu.memory_space<hbm>> -> memref<10000x128xf32, #tpu.memory_space<hbm>>
      tpu.wait_indirect_dma semaphore(%arg14 : memref<!tpu.dma_semaphore, #tpu.memory_space<semaphore_mem>>) src(%dma_wait3A_57 : memref<10000x128xf32, #tpu.memory_space<hbm>>) dst(%arg10 : memref<128x128xf32, #tpu.memory_space<vmem>>)
      %scan3A_58 = arith.constant 0 : i32
      %scan3A_59 = arith.constant 0 : i32
      %scan3A_60 = arith.constant 8 : i32
      %scan3A_61 = arith.addi %scan3A_59, %scan3A_60 : i32
      %scan3A_62 = arith.constant 1 : i32
      scf.for %scan3A_66 = %scan3A_59 to %scan3A_61 step %scan3A_62  : i32 {
        %mul3A_67 = arith.constant 16 : i32
        %mul3A_68 = arith.muli %scan3A_66, %mul3A_67 : i32
        %add3A_69 = arith.constant 0 : i32
        %add3A_70 = arith.addi %mul3A_68, %add3A_69 : i32
        %get3A = arith.index_cast %add3A_70 : i32 to index
        %get3A_71 = arith.constant 0 : index
        %get3A_72 = tpu.vector_load %arg9[%get3A, %get3A_71] {strides = array<i32>} : memref<128x128xf32, #tpu.memory_space<vmem>>, vector<16xf32>,
        %get3A_73 = arith.index_cast %add3A_70 : i32 to index
        %get3A_74 = arith.constant 0 : index
        %get3A_75 = tpu.vector_load %arg10[%get3A_73, %get3A_74] {strides = array<i32>} : memref<128x128xf32, #tpu.memory_space<vmem>>, vector<16xf32>,
        %mul3A_76 = arith.mulf %get3A_72, %get3A_75 : vector<16xf32>
        %get3A_77 = arith.index_cast %add3A_70 : i32 to index
        %get3A_78 = arith.constant 16 : index
        %get3A_79 = tpu.vector_load %arg9[%get3A_77, %get3A_78] {strides = array<i32>} : memref<128x128xf32, #tpu.memory_space<vmem>>, vector<16xf32>,
        %get3A_80 = arith.index_cast %add3A_70 : i32 to index
        %get3A_81 = arith.constant 16 : index
        %get3A_82 = tpu.vector_load %arg10[%get3A_80, %get3A_81] {strides = array<i32>} : memref<128x128xf32, #tpu.memory_space<vmem>>, vector<16xf32>,
        %mul3A_83 = arith.mulf %get3A_79, %get3A_82 : vector<16xf32>
        %add3A_84 = arith.addf %mul3A_76, %mul3A_83 : vector<16xf32>
        %get3A_85 = arith.index_cast %add3A_70 : i32 to index
        %get3A_86 = arith.constant 32 : index
        %get3A_87 = tpu.vector_load %arg9[%get3A_85, %get3A_86] {strides = array<i32>} : memref<128x128xf32, #tpu.memory_space<vmem>>, vector<16xf32>,
        %get3A_88 = arith.index_cast %add3A_70 : i32 to index
        %get3A_89 = arith.constant 32 : index
        %get3A_90 = tpu.vector_load %arg10[%get3A_88, %get3A_89] {strides = array<i32>} : memref<128x128xf32, #tpu.memory_space<vmem>>, vector<16xf32>,
        %mul3A_91 = arith.mulf %get3A_87, %get3A_90 : vector<16xf32>
        %add3A_92 = arith.addf %add3A_84, %mul3A_91 : vector<16xf32>
        %get3A_93 = arith.index_cast %add3A_70 : i32 to index
        %get3A_94 = arith.constant 48 : index
        %get3A_95 = tpu.vector_load %arg9[%get3A_93, %get3A_94] {strides = array<i32>} : memref<128x128xf32, #tpu.memory_space<vmem>>, vector<16xf32>,
        %get3A_96 = arith.index_cast %add3A_70 : i32 to index
        %get3A_97 = arith.constant 48 : index
        %get3A_98 = tpu.vector_load %arg10[%get3A_96, %get3A_97] {strides = array<i32>} : memref<128x128xf32, #tpu.memory_space<vmem>>, vector<16xf32>,
        %mul3A_99 = arith.mulf %get3A_95, %get3A_98 : vector<16xf32>
        %add3A_100 = arith.addf %add3A_92, %mul3A_99 : vector<16xf32>
        %get3A_101 = arith.index_cast %add3A_70 : i32 to index
        %get3A_102 = arith.constant 64 : index
        %get3A_103 = tpu.vector_load %arg9[%get3A_101, %get3A_102] {strides = array<i32>} : memref<128x128xf32, #tpu.memory_space<vmem>>, vector<16xf32>,
        %get3A_104 = arith.index_cast %add3A_70 : i32 to index
        %get3A_105 = arith.constant 64 : index
        %get3A_106 = tpu.vector_load %arg10[%get3A_104, %get3A_105] {strides = array<i32>} : memref<128x128xf32, #tpu.memory_space<vmem>>, vector<16xf32>,
        %mul3A_107 = arith.mulf %get3A_103, %get3A_106 : vector<16xf32>
        %add3A_108 = arith.addf %add3A_100, %mul3A_107 : vector<16xf32>
        %get3A_109 = arith.index_cast %add3A_70 : i32 to index
        %get3A_110 = arith.constant 80 : index
        %get3A_111 = tpu.vector_load %arg9[%get3A_109, %get3A_110] {strides = array<i32>} : memref<128x128xf32, #tpu.memory_space<vmem>>, vector<16xf32>,
        %get3A_112 = arith.index_cast %add3A_70 : i32 to index
        %get3A_113 = arith.constant 80 : index
        %get3A_114 = tpu.vector_load %arg10[%get3A_112, %get3A_113] {strides = array<i32>} : memref<128x128xf32, #tpu.memory_space<vmem>>, vector<16xf32>,
        %mul3A_115 = arith.mulf %get3A_111, %get3A_114 : vector<16xf32>
        %add3A_116 = arith.addf %add3A_108, %mul3A_115 : vector<16xf32>
        %get3A_117 = arith.index_cast %add3A_70 : i32 to index
        %get3A_118 = arith.constant 96 : index
        %get3A_119 = tpu.vector_load %arg9[%get3A_117, %get3A_118] {strides = array<i32>} : memref<128x128xf32, #tpu.memory_space<vmem>>, vector<16xf32>,
        %get3A_120 = arith.index_cast %add3A_70 : i32 to index
        %get3A_121 = arith.constant 96 : index
        %get3A_122 = tpu.vector_load %arg10[%get3A_120, %get3A_121] {strides = array<i32>} : memref<128x128xf32, #tpu.memory_space<vmem>>, vector<16xf32>,
        %mul3A_123 = arith.mulf %get3A_119, %get3A_122 : vector<16xf32>
        %add3A_124 = arith.addf %add3A_116, %mul3A_123 : vector<16xf32>
        %get3A_125 = arith.index_cast %add3A_70 : i32 to index
        %get3A_126 = arith.constant 112 : index
        %get3A_127 = tpu.vector_load %arg9[%get3A_125, %get3A_126] {strides = array<i32>} : memref<128x128xf32, #tpu.memory_space<vmem>>, vector<16xf32>,
        %get3A_128 = arith.index_cast %add3A_70 : i32 to index
        %get3A_129 = arith.constant 112 : index
        %get3A_130 = tpu.vector_load %arg10[%get3A_128, %get3A_129] {strides = array<i32>} : memref<128x128xf32, #tpu.memory_space<vmem>>, vector<16xf32>,
        %mul3A_131 = arith.mulf %get3A_127, %get3A_130 : vector<16xf32>
        %add3A_132 = arith.addf %add3A_124, %mul3A_131 : vector<16xf32>
        %mul3A_133 = arith.constant 16 : i32
        %mul3A_134 = arith.muli %scan3A_66, %mul3A_133 : i32
        %add3A_135 = arith.constant 8 : i32
        %add3A_136 = arith.addi %mul3A_134, %add3A_135 : i32
        %get3A_137 = arith.index_cast %add3A_136 : i32 to index
        %get3A_138 = arith.constant 0 : index
        %get3A_139 = tpu.vector_load %arg9[%get3A_137, %get3A_138] {strides = array<i32>} : memref<128x128xf32, #tpu.memory_space<vmem>>, vector<16xf32>,
        %get3A_140 = arith.index_cast %add3A_136 : i32 to index
        %get3A_141 = arith.constant 0 : index
        %get3A_142 = tpu.vector_load %arg10[%get3A_140, %get3A_141] {strides = array<i32>} : memref<128x128xf32, #tpu.memory_space<vmem>>, vector<16xf32>,
        %mul3A_143 = arith.mulf %get3A_139, %get3A_142 : vector<16xf32>
        %get3A_144 = arith.index_cast %add3A_136 : i32 to index
        %get3A_145 = arith.constant 16 : index
        %get3A_146 = tpu.vector_load %arg9[%get3A_144, %get3A_145] {strides = array<i32>} : memref<128x128xf32, #tpu.memory_space<vmem>>, vector<16xf32>,
        %get3A_147 = arith.index_cast %add3A_136 : i32 to index
        %get3A_148 = arith.constant 16 : index
        %get3A_149 = tpu.vector_load %arg10[%get3A_147, %get3A_148] {strides = array<i32>} : memref<128x128xf32, #tpu.memory_space<vmem>>, vector<16xf32>,
        %mul3A_150 = arith.mulf %get3A_146, %get3A_149 : vector<16xf32>
        %add3A_151 = arith.addf %mul3A_143, %mul3A_150 : vector<16xf32>
        %get3A_152 = arith.index_cast %add3A_136 : i32 to index
        %get3A_153 = arith.constant 32 : index
        %get3A_154 = tpu.vector_load %arg9[%get3A_152, %get3A_153] {strides = array<i32>} : memref<128x128xf32, #tpu.memory_space<vmem>>, vector<16xf32>,
        %get3A_155 = arith.index_cast %add3A_136 : i32 to index
        %get3A_156 = arith.constant 32 : index
        %get3A_157 = tpu.vector_load %arg10[%get3A_155, %get3A_156] {strides = array<i32>} : memref<128x128xf32, #tpu.memory_space<vmem>>, vector<16xf32>,
        %mul3A_158 = arith.mulf %get3A_154, %get3A_157 : vector<16xf32>
        %add3A_159 = arith.addf %add3A_151, %mul3A_158 : vector<16xf32>
        %get3A_160 = arith.index_cast %add3A_136 : i32 to index
        %get3A_161 = arith.constant 48 : index
        %get3A_162 = tpu.vector_load %arg9[%get3A_160, %get3A_161] {strides = array<i32>} : memref<128x128xf32, #tpu.memory_space<vmem>>, vector<16xf32>,
        %get3A_163 = arith.index_cast %add3A_136 : i32 to index
        %get3A_164 = arith.constant 48 : index
        %get3A_165 = tpu.vector_load %arg10[%get3A_163, %get3A_164] {strides = array<i32>} : memref<128x128xf32, #tpu.memory_space<vmem>>, vector<16xf32>,
        %mul3A_166 = arith.mulf %get3A_162, %get3A_165 : vector<16xf32>
        %add3A_167 = arith.addf %add3A_159, %mul3A_166 : vector<16xf32>
        %get3A_168 = arith.index_cast %add3A_136 : i32 to index
        %get3A_169 = arith.constant 64 : index
        %get3A_170 = tpu.vector_load %arg9[%get3A_168, %get3A_169] {strides = array<i32>} : memref<128x128xf32, #tpu.memory_space<vmem>>, vector<16xf32>,
        %get3A_171 = arith.index_cast %add3A_136 : i32 to index
        %get3A_172 = arith.constant 64 : index
        %get3A_173 = tpu.vector_load %arg10[%get3A_171, %get3A_172] {strides = array<i32>} : memref<128x128xf32, #tpu.memory_space<vmem>>, vector<16xf32>,
        %mul3A_174 = arith.mulf %get3A_170, %get3A_173 : vector<16xf32>
        %add3A_175 = arith.addf %add3A_167, %mul3A_174 : vector<16xf32>
        %get3A_176 = arith.index_cast %add3A_136 : i32 to index
        %get3A_177 = arith.constant 80 : index
        %get3A_178 = tpu.vector_load %arg9[%get3A_176, %get3A_177] {strides = array<i32>} : memref<128x128xf32, #tpu.memory_space<vmem>>, vector<16xf32>,
        %get3A_179 = arith.index_cast %add3A_136 : i32 to index
        %get3A_180 = arith.constant 80 : index
        %get3A_181 = tpu.vector_load %arg10[%get3A_179, %get3A_180] {strides = array<i32>} : memref<128x128xf32, #tpu.memory_space<vmem>>, vector<16xf32>,
        %mul3A_182 = arith.mulf %get3A_178, %get3A_181 : vector<16xf32>
        %add3A_183 = arith.addf %add3A_175, %mul3A_182 : vector<16xf32>
        %get3A_184 = arith.index_cast %add3A_136 : i32 to index
        %get3A_185 = arith.constant 96 : index
        %get3A_186 = tpu.vector_load %arg9[%get3A_184, %get3A_185] {strides = array<i32>} : memref<128x128xf32, #tpu.memory_space<vmem>>, vector<16xf32>,
        %get3A_187 = arith.index_cast %add3A_136 : i32 to index
        %get3A_188 = arith.constant 96 : index
        %get3A_189 = tpu.vector_load %arg10[%get3A_187, %get3A_188] {strides = array<i32>} : memref<128x128xf32, #tpu.memory_space<vmem>>, vector<16xf32>,
        %mul3A_190 = arith.mulf %get3A_186, %get3A_189 : vector<16xf32>
        %add3A_191 = arith.addf %add3A_183, %mul3A_190 : vector<16xf32>
        %get3A_192 = arith.index_cast %add3A_136 : i32 to index
        %get3A_193 = arith.constant 112 : index
        %get3A_194 = tpu.vector_load %arg9[%get3A_192, %get3A_193] {strides = array<i32>} : memref<128x128xf32, #tpu.memory_space<vmem>>, vector<16xf32>,
        %get3A_195 = arith.index_cast %add3A_136 : i32 to index
        %get3A_196 = arith.constant 112 : index
        %get3A_197 = tpu.vector_load %arg10[%get3A_195, %get3A_196] {strides = array<i32>} : memref<128x128xf32, #tpu.memory_space<vmem>>, vector<16xf32>,
        %mul3A_198 = arith.mulf %get3A_194, %get3A_197 : vector<16xf32>
        %add3A_199 = arith.addf %add3A_191, %mul3A_198 : vector<16xf32>
        %and3A = arith.constant 8 : i32
        %and3A_200 = vector.broadcast %and3A : i32 to vector<16xi32>
        %and3A_201 = arith.andi %iota3A, %and3A_200 : vector<16xi32>
        %eq3A = arith.constant 0 : i32
        %eq3A_202 = vector.broadcast %eq3A : i32 to vector<16xi32>
        %eq3A_203 = arith.cmpi eq, %and3A_201, %eq3A_202 : vector<16xi32>
        %iota3A_204 = tpu.iota {dimensions = array<i32: 0>} : vector<16xi32>
        %xor3A = arith.constant 8 : i32
        %xor3A_205 = vector.broadcast %xor3A : i32 to vector<16xi32>
        %xor3A_206 = arith.xori %iota3A_204, %xor3A_205 : vector<16xi32>
        %broadcast_in_dim3A = vector.shape_cast %xor3A_206 : vector<16xi32> to vector<16x1xi32>
        %gather3A = vector.shape_cast %broadcast_in_dim3A : vector<16x1xi32> to vector<16xi32>
        %gather3A_207 = tpu.dynamic_gather %add3A_199[%gather3A] in [0] : vector<16xf32>, vector<16xi32> -> vector<16xf32>
        %select_n3A = arith.select %eq3A_203, %add3A_132, %gather3A_207 : vector<16xi1>, vector<16xf32>
        %iota3A_208 = tpu.iota {dimensions = array<i32: 0>} : vector<16xi32>
        %xor3A_209 = arith.constant 8 : i32
        %xor3A_210 = vector.broadcast %xor3A_209 : i32 to vector<16xi32>
        %xor3A_211 = arith.xori %iota3A_208, %xor3A_210 : vector<16xi32>
        %broadcast_in_dim3A_212 = vector.shape_cast %xor3A_211 : vector<16xi32> to vector<16x1xi32>
        %gather3A_213 = vector.shape_cast %broadcast_in_dim3A_212 : vector<16x1xi32> to vector<16xi32>
        %gather3A_214 = tpu.dynamic_gather %add3A_132[%gather3A_213] in [0] : vector<16xf32>, vector<16xi32> -> vector<16xf32>
        %select_n3A_215 = arith.select %eq3A_203, %gather3A_214, %add3A_199 : vector<16xi1>, vector<16xf32>
        %add3A_216 = arith.addf %select_n3A, %select_n3A_215 : vector<16xf32>
        %mul3A_217 = arith.constant 16 : i32
        %mul3A_218 = arith.muli %scan3A_66, %mul3A_217 : i32
        %add3A_219 = arith.constant 4 : i32
        %add3A_220 = arith.addi %mul3A_218, %add3A_219 : i32
        %get3A_221 = arith.index_cast %add3A_220 : i32 to index
        %get3A_222 = arith.constant 0 : index
        %get3A_223 = tpu.vector_load %arg9[%get3A_221, %get3A_222] {strides = array<i32>} : memref<128x128xf32, #tpu.memory_space<vmem>>, vector<16xf32>,
        %get3A_224 = arith.index_cast %add3A_220 : i32 to index
        %get3A_225 = arith.constant 0 : index
        %get3A_226 = tpu.vector_load %arg10[%get3A_224, %get3A_225] {strides = array<i32>} : memref<128x128xf32, #tpu.memory_space<vmem>>, vector<16xf32>,
        %mul3A_227 = arith.mulf %get3A_223, %get3A_226 : vector<16xf32>
        %get3A_228 = arith.index_cast %add3A_220 : i32 to index
        %get3A_229 = arith.constant 16 : index
        %get3A_230 = tpu.vector_load %arg9[%get3A_228, %get3A_229] {strides = array<i32>} : memref<128x128xf32, #tpu.memory_space<vmem>>, vector<16xf32>,
        %get3A_231 = arith.index_cast %add3A_220 : i32 to index
        %get3A_232 = arith.constant 16 : index
        %get3A_233 = tpu.vector_load %arg10[%get3A_231, %get3A_232] {strides = array<i32>} : memref<128x128xf32, #tpu.memory_space<vmem>>, vector<16xf32>,
        %mul3A_234 = arith.mulf %get3A_230, %get3A_233 : vector<16xf32>
        %add3A_235 = arith.addf %mul3A_227, %mul3A_234 : vector<16xf32>
        %get3A_236 = arith.index_cast %add3A_220 : i32 to index
        %get3A_237 = arith.constant 32 : index
        %get3A_238 = tpu.vector_load %arg9[%get3A_236, %get3A_237] {strides = array<i32>} : memref<128x128xf32, #tpu.memory_space<vmem>>, vector<16xf32>,
        %get3A_239 = arith.index_cast %add3A_220 : i32 to index
        %get3A_240 = arith.constant 32 : index
        %get3A_241 = tpu.vector_load %arg10[%get3A_239, %get3A_240] {strides = array<i32>} : memref<128x128xf32, #tpu.memory_space<vmem>>, vector<16xf32>,
        %mul3A_242 = arith.mulf %get3A_238, %get3A_241 : vector<16xf32>
        %add3A_243 = arith.addf %add3A_235, %mul3A_242 : vector<16xf32>
        %get3A_244 = arith.index_cast %add3A_220 : i32 to index
        %get3A_245 = arith.constant 48 : index
        %get3A_246 = tpu.vector_load %arg9[%get3A_244, %get3A_245] {strides = array<i32>} : memref<128x128xf32, #tpu.memory_space<vmem>>, vector<16xf32>,
        %get3A_247 = arith.index_cast %add3A_220 : i32 to index
        %get3A_248 = arith.constant 48 : index
        %get3A_249 = tpu.vector_load %arg10[%get3A_247, %get3A_248] {strides = array<i32>} : memref<128x128xf32, #tpu.memory_space<vmem>>, vector<16xf32>,
        %mul3A_250 = arith.mulf %get3A_246, %get3A_249 : vector<16xf32>
        %add3A_251 = arith.addf %add3A_243, %mul3A_250 : vector<16xf32>
        %get3A_252 = arith.index_cast %add3A_220 : i32 to index
        %get3A_253 = arith.constant 64 : index
        %get3A_254 = tpu.vector_load %arg9[%get3A_252, %get3A_253] {strides = array<i32>} : memref<128x128xf32, #tpu.memory_space<vmem>>, vector<16xf32>,
        %get3A_255 = arith.index_cast %add3A_220 : i32 to index
        %get3A_256 = arith.constant 64 : index
        %get3A_257 = tpu.vector_load %arg10[%get3A_255, %get3A_256] {strides = array<i32>} : memref<128x128xf32, #tpu.memory_space<vmem>>, vector<16xf32>,
        %mul3A_258 = arith.mulf %get3A_254, %get3A_257 : vector<16xf32>
        %add3A_259 = arith.addf %add3A_251, %mul3A_258 : vector<16xf32>
        %get3A_260 = arith.index_cast %add3A_220 : i32 to index
        %get3A_261 = arith.constant 80 : index
        %get3A_262 = tpu.vector_load %arg9[%get3A_260, %get3A_261] {strides = array<i32>} : memref<128x128xf32, #tpu.memory_space<vmem>>, vector<16xf32>,
        %get3A_263 = arith.index_cast %add3A_220 : i32 to index
        %get3A_264 = arith.constant 80 : index
        %get3A_265 = tpu.vector_load %arg10[%get3A_263, %get3A_264] {strides = array<i32>} : memref<128x128xf32, #tpu.memory_space<vmem>>, vector<16xf32>,
        %mul3A_266 = arith.mulf %get3A_262, %get3A_265 : vector<16xf32>
        %add3A_267 = arith.addf %add3A_259, %mul3A_266 : vector<16xf32>
        %get3A_268 = arith.index_cast %add3A_220 : i32 to index
        %get3A_269 = arith.constant 96 : index
        %get3A_270 = tpu.vector_load %arg9[%get3A_268, %get3A_269] {strides = array<i32>} : memref<128x128xf32, #tpu.memory_space<vmem>>, vector<16xf32>,
        %get3A_271 = arith.index_cast %add3A_220 : i32 to index
        %get3A_272 = arith.constant 96 : index
        %get3A_273 = tpu.vector_load %arg10[%get3A_271, %get3A_272] {strides = array<i32>} : memref<128x128xf32, #tpu.memory_space<vmem>>, vector<16xf32>,
        %mul3A_274 = arith.mulf %get3A_270, %get3A_273 : vector<16xf32>
        %add3A_275 = arith.addf %add3A_267, %mul3A_274 : vector<16xf32>
        %get3A_276 = arith.index_cast %add3A_220 : i32 to index
        %get3A_277 = arith.constant 112 : index
        %get3A_278 = tpu.vector_load %arg9[%get3A_276, %get3A_277] {strides = array<i32>} : memref<128x128xf32, #tpu.memory_space<vmem>>, vector<16xf32>,
        %get3A_279 = arith.index_cast %add3A_220 : i32 to index
        %get3A_280 = arith.constant 112 : index
        %get3A_281 = tpu.vector_load %arg10[%get3A_279, %get3A_280] {strides = array<i32>} : memref<128x128xf32, #tpu.memory_space<vmem>>, vector<16xf32>,
        %mul3A_282 = arith.mulf %get3A_278, %get3A_281 : vector<16xf32>
        %add3A_283 = arith.addf %add3A_275, %mul3A_282 : vector<16xf32>
        %mul3A_284 = arith.constant 16 : i32
        %mul3A_285 = arith.muli %scan3A_66, %mul3A_284 : i32
        %add3A_286 = arith.constant 12 : i32
        %add3A_287 = arith.addi %mul3A_285, %add3A_286 : i32
        %get3A_288 = arith.index_cast %add3A_287 : i32 to index
        %get3A_289 = arith.constant 0 : index
        %get3A_290 = tpu.vector_load %arg9[%get3A_288, %get3A_289] {strides = array<i32>} : memref<128x128xf32, #tpu.memory_space<vmem>>, vector<16xf32>,
        %get3A_291 = arith.index_cast %add3A_287 : i32 to index
        %get3A_292 = arith.constant 0 : index
        %get3A_293 = tpu.vector_load %arg10[%get3A_291, %get3A_292] {strides = array<i32>} : memref<128x128xf32, #tpu.memory_space<vmem>>, vector<16xf32>,
        %mul3A_294 = arith.mulf %get3A_290, %get3A_293 : vector<16xf32>
        %get3A_295 = arith.index_cast %add3A_287 : i32 to index
        %get3A_296 = arith.constant 16 : index
        %get3A_297 = tpu.vector_load %arg9[%get3A_295, %get3A_296] {strides = array<i32>} : memref<128x128xf32, #tpu.memory_space<vmem>>, vector<16xf32>,
        %get3A_298 = arith.index_cast %add3A_287 : i32 to index
        %get3A_299 = arith.constant 16 : index
        %get3A_300 = tpu.vector_load %arg10[%get3A_298, %get3A_299] {strides = array<i32>} : memref<128x128xf32, #tpu.memory_space<vmem>>, vector<16xf32>,
        %mul3A_301 = arith.mulf %get3A_297, %get3A_300 : vector<16xf32>
        %add3A_302 = arith.addf %mul3A_294, %mul3A_301 : vector<16xf32>
        %get3A_303 = arith.index_cast %add3A_287 : i32 to index
        %get3A_304 = arith.constant 32 : index
        %get3A_305 = tpu.vector_load %arg9[%get3A_303, %get3A_304] {strides = array<i32>} : memref<128x128xf32, #tpu.memory_space<vmem>>, vector<16xf32>,
        %get3A_306 = arith.index_cast %add3A_287 : i32 to index
        %get3A_307 = arith.constant 32 : index
        %get3A_308 = tpu.vector_load %arg10[%get3A_306, %get3A_307] {strides = array<i32>} : memref<128x128xf32, #tpu.memory_space<vmem>>, vector<16xf32>,
        %mul3A_309 = arith.mulf %get3A_305, %get3A_308 : vector<16xf32>
        %add3A_310 = arith.addf %add3A_302, %mul3A_309 : vector<16xf32>
        %get3A_311 = arith.index_cast %add3A_287 : i32 to index
        %get3A_312 = arith.constant 48 : index
        %get3A_313 = tpu.vector_load %arg9[%get3A_311, %get3A_312] {strides = array<i32>} : memref<128x128xf32, #tpu.memory_space<vmem>>, vector<16xf32>,
        %get3A_314 = arith.index_cast %add3A_287 : i32 to index
        %get3A_315 = arith.constant 48 : index
        %get3A_316 = tpu.vector_load %arg10[%get3A_314, %get3A_315] {strides = array<i32>} : memref<128x128xf32, #tpu.memory_space<vmem>>, vector<16xf32>,
        %mul3A_317 = arith.mulf %get3A_313, %get3A_316 : vector<16xf32>
        %add3A_318 = arith.addf %add3A_310, %mul3A_317 : vector<16xf32>
        %get3A_319 = arith.index_cast %add3A_287 : i32 to index
        %get3A_320 = arith.constant 64 : index
        %get3A_321 = tpu.vector_load %arg9[%get3A_319, %get3A_320] {strides = array<i32>} : memref<128x128xf32, #tpu.memory_space<vmem>>, vector<16xf32>,
        %get3A_322 = arith.index_cast %add3A_287 : i32 to index
        %get3A_323 = arith.constant 64 : index
        %get3A_324 = tpu.vector_load %arg10[%get3A_322, %get3A_323] {strides = array<i32>} : memref<128x128xf32, #tpu.memory_space<vmem>>, vector<16xf32>,
        %mul3A_325 = arith.mulf %get3A_321, %get3A_324 : vector<16xf32>
        %add3A_326 = arith.addf %add3A_318, %mul3A_325 : vector<16xf32>
        %get3A_327 = arith.index_cast %add3A_287 : i32 to index
        %get3A_328 = arith.constant 80 : index
        %get3A_329 = tpu.vector_load %arg9[%get3A_327, %get3A_328] {strides = array<i32>} : memref<128x128xf32, #tpu.memory_space<vmem>>, vector<16xf32>,
        %get3A_330 = arith.index_cast %add3A_287 : i32 to index
        %get3A_331 = arith.constant 80 : index
        %get3A_332 = tpu.vector_load %arg10[%get3A_330, %get3A_331] {strides = array<i32>} : memref<128x128xf32, #tpu.memory_space<vmem>>, vector<16xf32>,
        %mul3A_333 = arith.mulf %get3A_329, %get3A_332 : vector<16xf32>
        %add3A_334 = arith.addf %add3A_326, %mul3A_333 : vector<16xf32>
        %get3A_335 = arith.index_cast %add3A_287 : i32 to index
        %get3A_336 = arith.constant 96 : index
        %get3A_337 = tpu.vector_load %arg9[%get3A_335, %get3A_336] {strides = array<i32>} : memref<128x128xf32, #tpu.memory_space<vmem>>, vector<16xf32>,
        %get3A_338 = arith.index_cast %add3A_287 : i32 to index
        %get3A_339 = arith.constant 96 : index
        %get3A_340 = tpu.vector_load %arg10[%get3A_338, %get3A_339] {strides = array<i32>} : memref<128x128xf32, #tpu.memory_space<vmem>>, vector<16xf32>,
        %mul3A_341 = arith.mulf %get3A_337, %get3A_340 : vector<16xf32>
        %add3A_342 = arith.addf %add3A_334, %mul3A_341 : vector<16xf32>
        %get3A_343 = arith.index_cast %add3A_287 : i32 to index
        %get3A_344 = arith.constant 112 : index
        %get3A_345 = tpu.vector_load %arg9[%get3A_343, %get3A_344] {strides = array<i32>} : memref<128x128xf32, #tpu.memory_space<vmem>>, vector<16xf32>,
        %get3A_346 = arith.index_cast %add3A_287 : i32 to index
        %get3A_347 = arith.constant 112 : index
        %get3A_348 = tpu.vector_load %arg10[%get3A_346, %get3A_347] {strides = array<i32>} : memref<128x128xf32, #tpu.memory_space<vmem>>, vector<16xf32>,
        %mul3A_349 = arith.mulf %get3A_345, %get3A_348 : vector<16xf32>
        %add3A_350 = arith.addf %add3A_342, %mul3A_349 : vector<16xf32>
        %and3A_351 = arith.constant 8 : i32
        %and3A_352 = vector.broadcast %and3A_351 : i32 to vector<16xi32>
        %and3A_353 = arith.andi %iota3A, %and3A_352 : vector<16xi32>
        %eq3A_354 = arith.constant 0 : i32
        %eq3A_355 = vector.broadcast %eq3A_354 : i32 to vector<16xi32>
        %eq3A_356 = arith.cmpi eq, %and3A_353, %eq3A_355 : vector<16xi32>
        %iota3A_357 = tpu.iota {dimensions = array<i32: 0>} : vector<16xi32>
        %xor3A_358 = arith.constant 8 : i32
        %xor3A_359 = vector.broadcast %xor3A_358 : i32 to vector<16xi32>
        %xor3A_360 = arith.xori %iota3A_357, %xor3A_359 : vector<16xi32>
        %broadcast_in_dim3A_361 = vector.shape_cast %xor3A_360 : vector<16xi32> to vector<16x1xi32>
        %gather3A_362 = vector.shape_cast %broadcast_in_dim3A_361 : vector<16x1xi32> to vector<16xi32>
        %gather3A_363 = tpu.dynamic_gather %add3A_350[%gather3A_362] in [0] : vector<16xf32>, vector<16xi32> -> vector<16xf32>
        %select_n3A_364 = arith.select %eq3A_356, %add3A_283, %gather3A_363 : vector<16xi1>, vector<16xf32>
        %iota3A_365 = tpu.iota {dimensions = array<i32: 0>} : vector<16xi32>
        %xor3A_366 = arith.constant 8 : i32
        %xor3A_367 = vector.broadcast %xor3A_366 : i32 to vector<16xi32>
        %xor3A_368 = arith.xori %iota3A_365, %xor3A_367 : vector<16xi32>
        %broadcast_in_dim3A_369 = vector.shape_cast %xor3A_368 : vector<16xi32> to vector<16x1xi32>
        %gather3A_370 = vector.shape_cast %broadcast_in_dim3A_369 : vector<16x1xi32> to vector<16xi32>
        %gather3A_371 = tpu.dynamic_gather %add3A_283[%gather3A_370] in [0] : vector<16xf32>, vector<16xi32> -> vector<16xf32>
        %select_n3A_372 = arith.select %eq3A_356, %gather3A_371, %add3A_350 : vector<16xi1>, vector<16xf32>
        %add3A_373 = arith.addf %select_n3A_364, %select_n3A_372 : vector<16xf32>
        %and3A_374 = arith.constant 4 : i32
        %and3A_375 = vector.broadcast %and3A_374 : i32 to vector<16xi32>
        %and3A_376 = arith.andi %iota3A, %and3A_375 : vector<16xi32>
        %eq3A_377 = arith.constant 0 : i32
        %eq3A_378 = vector.broadcast %eq3A_377 : i32 to vector<16xi32>
        %eq3A_379 = arith.cmpi eq, %and3A_376, %eq3A_378 : vector<16xi32>
        %iota3A_380 = tpu.iota {dimensions = array<i32: 0>} : vector<16xi32>
        %xor3A_381 = arith.constant 4 : i32
        %xor3A_382 = vector.broadcast %xor3A_381 : i32 to vector<16xi32>
        %xor3A_383 = arith.xori %iota3A_380, %xor3A_382 : vector<16xi32>
        %broadcast_in_dim3A_384 = vector.shape_cast %xor3A_383 : vector<16xi32> to vector<16x1xi32>
        %gather3A_385 = vector.shape_cast %broadcast_in_dim3A_384 : vector<16x1xi32> to vector<16xi32>
        %gather3A_386 = tpu.dynamic_gather %add3A_373[%gather3A_385] in [0] : vector<16xf32>, vector<16xi32> -> vector<16xf32>
        %select_n3A_387 = arith.select %eq3A_379, %add3A_216, %gather3A_386 : vector<16xi1>, vector<16xf32>
        %iota3A_388 = tpu.iota {dimensions = array<i32: 0>} : vector<16xi32>
        %xor3A_389 = arith.constant 4 : i32
        %xor3A_390 = vector.broadcast %xor3A_389 : i32 to vector<16xi32>
        %xor3A_391 = arith.xori %iota3A_388, %xor3A_390 : vector<16xi32>
        %broadcast_in_dim3A_392 = vector.shape_cast %xor3A_391 : vector<16xi32> to vector<16x1xi32>
        %gather3A_393 = vector.shape_cast %broadcast_in_dim3A_392 : vector<16x1xi32> to vector<16xi32>
        %gather3A_394 = tpu.dynamic_gather %add3A_216[%gather3A_393] in [0] : vector<16xf32>, vector<16xi32> -> vector<16xf32>
        %select_n3A_395 = arith.select %eq3A_379, %gather3A_394, %add3A_373 : vector<16xi1>, vector<16xf32>
        %add3A_396 = arith.addf %select_n3A_387, %select_n3A_395 : vector<16xf32>
        %mul3A_397 = arith.constant 16 : i32
        %mul3A_398 = arith.muli %scan3A_66, %mul3A_397 : i32
        %add3A_399 = arith.constant 2 : i32
        %add3A_400 = arith.addi %mul3A_398, %add3A_399 : i32
        %get3A_401 = arith.index_cast %add3A_400 : i32 to index
        %get3A_402 = arith.constant 0 : index
        %get3A_403 = tpu.vector_load %arg9[%get3A_401, %get3A_402] {strides = array<i32>} : memref<128x128xf32, #tpu.memory_space<vmem>>, vector<16xf32>,
        %get3A_404 = arith.index_cast %add3A_400 : i32 to index
        %get3A_405 = arith.constant 0 : index
        %get3A_406 = tpu.vector_load %arg10[%get3A_404, %get3A_405] {strides = array<i32>} : memref<128x128xf32, #tpu.memory_space<vmem>>, vector<16xf32>,
        %mul3A_407 = arith.mulf %get3A_403, %get3A_406 : vector<16xf32>
        %get3A_408 = arith.index_cast %add3A_400 : i32 to index
        %get3A_409 = arith.constant 16 : index
        %get3A_410 = tpu.vector_load %arg9[%get3A_408, %get3A_409] {strides = array<i32>} : memref<128x128xf32, #tpu.memory_space<vmem>>, vector<16xf32>,
        %get3A_411 = arith.index_cast %add3A_400 : i32 to index
        %get3A_412 = arith.constant 16 : index
        %get3A_413 = tpu.vector_load %arg10[%get3A_411, %get3A_412] {strides = array<i32>} : memref<128x128xf32, #tpu.memory_space<vmem>>, vector<16xf32>,
        %mul3A_414 = arith.mulf %get3A_410, %get3A_413 : vector<16xf32>
        %add3A_415 = arith.addf %mul3A_407, %mul3A_414 : vector<16xf32>
        %get3A_416 = arith.index_cast %add3A_400 : i32 to index
        %get3A_417 = arith.constant 32 : index
        %get3A_418 = tpu.vector_load %arg9[%get3A_416, %get3A_417] {strides = array<i32>} : memref<128x128xf32, #tpu.memory_space<vmem>>, vector<16xf32>,
        %get3A_419 = arith.index_cast %add3A_400 : i32 to index
        %get3A_420 = arith.constant 32 : index
        %get3A_421 = tpu.vector_load %arg10[%get3A_419, %get3A_420] {strides = array<i32>} : memref<128x128xf32, #tpu.memory_space<vmem>>, vector<16xf32>,
        %mul3A_422 = arith.mulf %get3A_418, %get3A_421 : vector<16xf32>
        %add3A_423 = arith.addf %add3A_415, %mul3A_422 : vector<16xf32>
        %get3A_424 = arith.index_cast %add3A_400 : i32 to index
        %get3A_425 = arith.constant 48 : index
        %get3A_426 = tpu.vector_load %arg9[%get3A_424, %get3A_425] {strides = array<i32>} : memref<128x128xf32, #tpu.memory_space<vmem>>, vector<16xf32>,
        %get3A_427 = arith.index_cast %add3A_400 : i32 to index
        %get3A_428 = arith.constant 48 : index
        %get3A_429 = tpu.vector_load %arg10[%get3A_427, %get3A_428] {strides = array<i32>} : memref<128x128xf32, #tpu.memory_space<vmem>>, vector<16xf32>,
        %mul3A_430 = arith.mulf %get3A_426, %get3A_429 : vector<16xf32>
        %add3A_431 = arith.addf %add3A_423, %mul3A_430 : vector<16xf32>
        %get3A_432 = arith.index_cast %add3A_400 : i32 to index
        %get3A_433 = arith.constant 64 : index
        %get3A_434 = tpu.vector_load %arg9[%get3A_432, %get3A_433] {strides = array<i32>} : memref<128x128xf32, #tpu.memory_space<vmem>>, vector<16xf32>,
        %get3A_435 = arith.index_cast %add3A_400 : i32 to index
        %get3A_436 = arith.constant 64 : index
        %get3A_437 = tpu.vector_load %arg10[%get3A_435, %get3A_436] {strides = array<i32>} : memref<128x128xf32, #tpu.memory_space<vmem>>, vector<16xf32>,
        %mul3A_438 = arith.mulf %get3A_434, %get3A_437 : vector<16xf32>
        %add3A_439 = arith.addf %add3A_431, %mul3A_438 : vector<16xf32>
        %get3A_440 = arith.index_cast %add3A_400 : i32 to index
        %get3A_441 = arith.constant 80 : index
        %get3A_442 = tpu.vector_load %arg9[%get3A_440, %get3A_441] {strides = array<i32>} : memref<128x128xf32, #tpu.memory_space<vmem>>, vector<16xf32>,
        %get3A_443 = arith.index_cast %add3A_400 : i32 to index
        %get3A_444 = arith.constant 80 : index
        %get3A_445 = tpu.vector_load %arg10[%get3A_443, %get3A_444] {strides = array<i32>} : memref<128x128xf32, #tpu.memory_space<vmem>>, vector<16xf32>,
        %mul3A_446 = arith.mulf %get3A_442, %get3A_445 : vector<16xf32>
        %add3A_447 = arith.addf %add3A_439, %mul3A_446 : vector<16xf32>
        %get3A_448 = arith.index_cast %add3A_400 : i32 to index
        %get3A_449 = arith.constant 96 : index
        %get3A_450 = tpu.vector_load %arg9[%get3A_448, %get3A_449] {strides = array<i32>} : memref<128x128xf32, #tpu.memory_space<vmem>>, vector<16xf32>,
        %get3A_451 = arith.index_cast %add3A_400 : i32 to index
        %get3A_452 = arith.constant 96 : index
        %get3A_453 = tpu.vector_load %arg10[%get3A_451, %get3A_452] {strides = array<i32>} : memref<128x128xf32, #tpu.memory_space<vmem>>, vector<16xf32>,
        %mul3A_454 = arith.mulf %get3A_450, %get3A_453 : vector<16xf32>
        %add3A_455 = arith.addf %add3A_447, %mul3A_454 : vector<16xf32>
        %get3A_456 = arith.index_cast %add3A_400 : i32 to index
        %get3A_457 = arith.constant 112 : index
        %get3A_458 = tpu.vector_load %arg9[%get3A_456, %get3A_457] {strides = array<i32>} : memref<128x128xf32, #tpu.memory_space<vmem>>, vector<16xf32>,
        %get3A_459 = arith.index_cast %add3A_400 : i32 to index
        %get3A_460 = arith.constant 112 : index
        %get3A_461 = tpu.vector_load %arg10[%get3A_459, %get3A_460] {strides = array<i32>} : memref<128x128xf32, #tpu.memory_space<vmem>>, vector<16xf32>,
        %mul3A_462 = arith.mulf %get3A_458, %get3A_461 : vector<16xf32>
        %add3A_463 = arith.addf %add3A_455, %mul3A_462 : vector<16xf32>
        %mul3A_464 = arith.constant 16 : i32
        %mul3A_465 = arith.muli %scan3A_66, %mul3A_464 : i32
        %add3A_466 = arith.constant 10 : i32
        %add3A_467 = arith.addi %mul3A_465, %add3A_466 : i32
        %get3A_468 = arith.index_cast %add3A_467 : i32 to index
        %get3A_469 = arith.constant 0 : index
        %get3A_470 = tpu.vector_load %arg9[%get3A_468, %get3A_469] {strides = array<i32>} : memref<128x128xf32, #tpu.memory_space<vmem>>, vector<16xf32>,
        %get3A_471 = arith.index_cast %add3A_467 : i32 to index
        %get3A_472 = arith.constant 0 : index
        %get3A_473 = tpu.vector_load %arg10[%get3A_471, %get3A_472] {strides = array<i32>} : memref<128x128xf32, #tpu.memory_space<vmem>>, vector<16xf32>,
        %mul3A_474 = arith.mulf %get3A_470, %get3A_473 : vector<16xf32>
        %get3A_475 = arith.index_cast %add3A_467 : i32 to index
        %get3A_476 = arith.constant 16 : index
        %get3A_477 = tpu.vector_load %arg9[%get3A_475, %get3A_476] {strides = array<i32>} : memref<128x128xf32, #tpu.memory_space<vmem>>, vector<16xf32>,
        %get3A_478 = arith.index_cast %add3A_467 : i32 to index
        %get3A_479 = arith.constant 16 : index
        %get3A_480 = tpu.vector_load %arg10[%get3A_478, %get3A_479] {strides = array<i32>} : memref<128x128xf32, #tpu.memory_space<vmem>>, vector<16xf32>,
        %mul3A_481 = arith.mulf %get3A_477, %get3A_480 : vector<16xf32>
        %add3A_482 = arith.addf %mul3A_474, %mul3A_481 : vector<16xf32>
        %get3A_483 = arith.index_cast %add3A_467 : i32 to index
        %get3A_484 = arith.constant 32 : index
        %get3A_485 = tpu.vector_load %arg9[%get3A_483, %get3A_484] {strides = array<i32>} : memref<128x128xf32, #tpu.memory_space<vmem>>, vector<16xf32>,
        %get3A_486 = arith.index_cast %add3A_467 : i32 to index
        %get3A_487 = arith.constant 32 : index
        %get3A_488 = tpu.vector_load %arg10[%get3A_486, %get3A_487] {strides = array<i32>} : memref<128x128xf32, #tpu.memory_space<vmem>>, vector<16xf32>,
        %mul3A_489 = arith.mulf %get3A_485, %get3A_488 : vector<16xf32>
        %add3A_490 = arith.addf %add3A_482, %mul3A_489 : vector<16xf32>
        %get3A_491 = arith.index_cast %add3A_467 : i32 to index
        %get3A_492 = arith.constant 48 : index
        %get3A_493 = tpu.vector_load %arg9[%get3A_491, %get3A_492] {strides = array<i32>} : memref<128x128xf32, #tpu.memory_space<vmem>>, vector<16xf32>,
        %get3A_494 = arith.index_cast %add3A_467 : i32 to index
        %get3A_495 = arith.constant 48 : index
        %get3A_496 = tpu.vector_load %arg10[%get3A_494, %get3A_495] {strides = array<i32>} : memref<128x128xf32, #tpu.memory_space<vmem>>, vector<16xf32>,
        %mul3A_497 = arith.mulf %get3A_493, %get3A_496 : vector<16xf32>
        %add3A_498 = arith.addf %add3A_490, %mul3A_497 : vector<16xf32>
        %get3A_499 = arith.index_cast %add3A_467 : i32 to index
        %get3A_500 = arith.constant 64 : index
        %get3A_501 = tpu.vector_load %arg9[%get3A_499, %get3A_500] {strides = array<i32>} : memref<128x128xf32, #tpu.memory_space<vmem>>, vector<16xf32>,
        %get3A_502 = arith.index_cast %add3A_467 : i32 to index
        %get3A_503 = arith.constant 64 : index
        %get3A_504 = tpu.vector_load %arg10[%get3A_502, %get3A_503] {strides = array<i32>} : memref<128x128xf32, #tpu.memory_space<vmem>>, vector<16xf32>,
        %mul3A_505 = arith.mulf %get3A_501, %get3A_504 : vector<16xf32>
        %add3A_506 = arith.addf %add3A_498, %mul3A_505 : vector<16xf32>
        %get3A_507 = arith.index_cast %add3A_467 : i32 to index
        %get3A_508 = arith.constant 80 : index
        %get3A_509 = tpu.vector_load %arg9[%get3A_507, %get3A_508] {strides = array<i32>} : memref<128x128xf32, #tpu.memory_space<vmem>>, vector<16xf32>,
        %get3A_510 = arith.index_cast %add3A_467 : i32 to index
        %get3A_511 = arith.constant 80 : index
        %get3A_512 = tpu.vector_load %arg10[%get3A_510, %get3A_511] {strides = array<i32>} : memref<128x128xf32, #tpu.memory_space<vmem>>, vector<16xf32>,
        %mul3A_513 = arith.mulf %get3A_509, %get3A_512 : vector<16xf32>
        %add3A_514 = arith.addf %add3A_506, %mul3A_513 : vector<16xf32>
        %get3A_515 = arith.index_cast %add3A_467 : i32 to index
        %get3A_516 = arith.constant 96 : index
        %get3A_517 = tpu.vector_load %arg9[%get3A_515, %get3A_516] {strides = array<i32>} : memref<128x128xf32, #tpu.memory_space<vmem>>, vector<16xf32>,
        %get3A_518 = arith.index_cast %add3A_467 : i32 to index
        %get3A_519 = arith.constant 96 : index
        %get3A_520 = tpu.vector_load %arg10[%get3A_518, %get3A_519] {strides = array<i32>} : memref<128x128xf32, #tpu.memory_space<vmem>>, vector<16xf32>,
        %mul3A_521 = arith.mulf %get3A_517, %get3A_520 : vector<16xf32>
        %add3A_522 = arith.addf %add3A_514, %mul3A_521 : vector<16xf32>
        %get3A_523 = arith.index_cast %add3A_467 : i32 to index
        %get3A_524 = arith.constant 112 : index
        %get3A_525 = tpu.vector_load %arg9[%get3A_523, %get3A_524] {strides = array<i32>} : memref<128x128xf32, #tpu.memory_space<vmem>>, vector<16xf32>,
        %get3A_526 = arith.index_cast %add3A_467 : i32 to index
        %get3A_527 = arith.constant 112 : index
        %get3A_528 = tpu.vector_load %arg10[%get3A_526, %get3A_527] {strides = array<i32>} : memref<128x128xf32, #tpu.memory_space<vmem>>, vector<16xf32>,
        %mul3A_529 = arith.mulf %get3A_525, %get3A_528 : vector<16xf32>
        %add3A_530 = arith.addf %add3A_522, %mul3A_529 : vector<16xf32>
        %and3A_531 = arith.constant 8 : i32
        %and3A_532 = vector.broadcast %and3A_531 : i32 to vector<16xi32>
        %and3A_533 = arith.andi %iota3A, %and3A_532 : vector<16xi32>
        %eq3A_534 = arith.constant 0 : i32
        %eq3A_535 = vector.broadcast %eq3A_534 : i32 to vector<16xi32>
        %eq3A_536 = arith.cmpi eq, %and3A_533, %eq3A_535 : vector<16xi32>
        %iota3A_537 = tpu.iota {dimensions = array<i32: 0>} : vector<16xi32>
        %xor3A_538 = arith.constant 8 : i32
        %xor3A_539 = vector.broadcast %xor3A_538 : i32 to vector<16xi32>
        %xor3A_540 = arith.xori %iota3A_537, %xor3A_539 : vector<16xi32>
        %broadcast_in_dim3A_541 = vector.shape_cast %xor3A_540 : vector<16xi32> to vector<16x1xi32>
        %gather3A_542 = vector.shape_cast %broadcast_in_dim3A_541 : vector<16x1xi32> to vector<16xi32>
        %gather3A_543 = tpu.dynamic_gather %add3A_530[%gather3A_542] in [0] : vector<16xf32>, vector<16xi32> -> vector<16xf32>
        %select_n3A_544 = arith.select %eq3A_536, %add3A_463, %gather3A_543 : vector<16xi1>, vector<16xf32>
        %iota3A_545 = tpu.iota {dimensions = array<i32: 0>} : vector<16xi32>
        %xor3A_546 = arith.constant 8 : i32
        %xor3A_547 = vector.broadcast %xor3A_546 : i32 to vector<16xi32>
        %xor3A_548 = arith.xori %iota3A_545, %xor3A_547 : vector<16xi32>
        %broadcast_in_dim3A_549 = vector.shape_cast %xor3A_548 : vector<16xi32> to vector<16x1xi32>
        %gather3A_550 = vector.shape_cast %broadcast_in_dim3A_549 : vector<16x1xi32> to vector<16xi32>
        %gather3A_551 = tpu.dynamic_gather %add3A_463[%gather3A_550] in [0] : vector<16xf32>, vector<16xi32> -> vector<16xf32>
        %select_n3A_552 = arith.select %eq3A_536, %gather3A_551, %add3A_530 : vector<16xi1>, vector<16xf32>
        %add3A_553 = arith.addf %select_n3A_544, %select_n3A_552 : vector<16xf32>
        %mul3A_554 = arith.constant 16 : i32
        %mul3A_555 = arith.muli %scan3A_66, %mul3A_554 : i32
        %add3A_556 = arith.constant 6 : i32
        %add3A_557 = arith.addi %mul3A_555, %add3A_556 : i32
        %get3A_558 = arith.index_cast %add3A_557 : i32 to index
        %get3A_559 = arith.constant 0 : index
        %get3A_560 = tpu.vector_load %arg9[%get3A_558, %get3A_559] {strides = array<i32>} : memref<128x128xf32, #tpu.memory_space<vmem>>, vector<16xf32>,
        %get3A_561 = arith.index_cast %add3A_557 : i32 to index
        %get3A_562 = arith.constant 0 : index
        %get3A_563 = tpu.vector_load %arg10[%get3A_561, %get3A_562] {strides = array<i32>} : memref<128x128xf32, #tpu.memory_space<vmem>>, vector<16xf32>,
        %mul3A_564 = arith.mulf %get3A_560, %get3A_563 : vector<16xf32>
        %get3A_565 = arith.index_cast %add3A_557 : i32 to index
        %get3A_566 = arith.constant 16 : index
        %get3A_567 = tpu.vector_load %arg9[%get3A_565, %get3A_566] {strides = array<i32>} : memref<128x128xf32, #tpu.memory_space<vmem>>, vector<16xf32>,
        %get3A_568 = arith.index_cast %add3A_557 : i32 to index
        %get3A_569 = arith.constant 16 : index
        %get3A_570 = tpu.vector_load %arg10[%get3A_568, %get3A_569] {strides = array<i32>} : memref<128x128xf32, #tpu.memory_space<vmem>>, vector<16xf32>,
        %mul3A_571 = arith.mulf %get3A_567, %get3A_570 : vector<16xf32>
        %add3A_572 = arith.addf %mul3A_564, %mul3A_571 : vector<16xf32>
        %get3A_573 = arith.index_cast %add3A_557 : i32 to index
        %get3A_574 = arith.constant 32 : index
        %get3A_575 = tpu.vector_load %arg9[%get3A_573, %get3A_574] {strides = array<i32>} : memref<128x128xf32, #tpu.memory_space<vmem>>, vector<16xf32>,
        %get3A_576 = arith.index_cast %add3A_557 : i32 to index
        %get3A_577 = arith.constant 32 : index
        %get3A_578 = tpu.vector_load %arg10[%get3A_576, %get3A_577] {strides = array<i32>} : memref<128x128xf32, #tpu.memory_space<vmem>>, vector<16xf32>,
        %mul3A_579 = arith.mulf %get3A_575, %get3A_578 : vector<16xf32>
        %add3A_580 = arith.addf %add3A_572, %mul3A_579 : vector<16xf32>
        %get3A_581 = arith.index_cast %add3A_557 : i32 to index
        %get3A_582 = arith.constant 48 : index
        %get3A_583 = tpu.vector_load %arg9[%get3A_581, %get3A_582] {strides = array<i32>} : memref<128x128xf32, #tpu.memory_space<vmem>>, vector<16xf32>,
        %get3A_584 = arith.index_cast %add3A_557 : i32 to index
        %get3A_585 = arith.constant 48 : index
        %get3A_586 = tpu.vector_load %arg10[%get3A_584, %get3A_585] {strides = array<i32>} : memref<128x128xf32, #tpu.memory_space<vmem>>, vector<16xf32>,
        %mul3A_587 = arith.mulf %get3A_583, %get3A_586 : vector<16xf32>
        %add3A_588 = arith.addf %add3A_580, %mul3A_587 : vector<16xf32>
        %get3A_589 = arith.index_cast %add3A_557 : i32 to index
        %get3A_590 = arith.constant 64 : index
        %get3A_591 = tpu.vector_load %arg9[%get3A_589, %get3A_590] {strides = array<i32>} : memref<128x128xf32, #tpu.memory_space<vmem>>, vector<16xf32>,
        %get3A_592 = arith.index_cast %add3A_557 : i32 to index
        %get3A_593 = arith.constant 64 : index
        %get3A_594 = tpu.vector_load %arg10[%get3A_592, %get3A_593] {strides = array<i32>} : memref<128x128xf32, #tpu.memory_space<vmem>>, vector<16xf32>,
        %mul3A_595 = arith.mulf %get3A_591, %get3A_594 : vector<16xf32>
        %add3A_596 = arith.addf %add3A_588, %mul3A_595 : vector<16xf32>
        %get3A_597 = arith.index_cast %add3A_557 : i32 to index
        %get3A_598 = arith.constant 80 : index
        %get3A_599 = tpu.vector_load %arg9[%get3A_597, %get3A_598] {strides = array<i32>} : memref<128x128xf32, #tpu.memory_space<vmem>>, vector<16xf32>,
        %get3A_600 = arith.index_cast %add3A_557 : i32 to index
        %get3A_601 = arith.constant 80 : index
        %get3A_602 = tpu.vector_load %arg10[%get3A_600, %get3A_601] {strides = array<i32>} : memref<128x128xf32, #tpu.memory_space<vmem>>, vector<16xf32>,
        %mul3A_603 = arith.mulf %get3A_599, %get3A_602 : vector<16xf32>
        %add3A_604 = arith.addf %add3A_596, %mul3A_603 : vector<16xf32>
        %get3A_605 = arith.index_cast %add3A_557 : i32 to index
        %get3A_606 = arith.constant 96 : index
        %get3A_607 = tpu.vector_load %arg9[%get3A_605, %get3A_606] {strides = array<i32>} : memref<128x128xf32, #tpu.memory_space<vmem>>, vector<16xf32>,
        %get3A_608 = arith.index_cast %add3A_557 : i32 to index
        %get3A_609 = arith.constant 96 : index
        %get3A_610 = tpu.vector_load %arg10[%get3A_608, %get3A_609] {strides = array<i32>} : memref<128x128xf32, #tpu.memory_space<vmem>>, vector<16xf32>,
        %mul3A_611 = arith.mulf %get3A_607, %get3A_610 : vector<16xf32>
        %add3A_612 = arith.addf %add3A_604, %mul3A_611 : vector<16xf32>
        %get3A_613 = arith.index_cast %add3A_557 : i32 to index
        %get3A_614 = arith.constant 112 : index
        %get3A_615 = tpu.vector_load %arg9[%get3A_613, %get3A_614] {strides = array<i32>} : memref<128x128xf32, #tpu.memory_space<vmem>>, vector<16xf32>,
        %get3A_616 = arith.index_cast %add3A_557 : i32 to index
        %get3A_617 = arith.constant 112 : index
        %get3A_618 = tpu.vector_load %arg10[%get3A_616, %get3A_617] {strides = array<i32>} : memref<128x128xf32, #tpu.memory_space<vmem>>, vector<16xf32>,
        %mul3A_619 = arith.mulf %get3A_615, %get3A_618 : vector<16xf32>
        %add3A_620 = arith.addf %add3A_612, %mul3A_619 : vector<16xf32>
        %mul3A_621 = arith.constant 16 : i32
        %mul3A_622 = arith.muli %scan3A_66, %mul3A_621 : i32
        %add3A_623 = arith.constant 14 : i32
        %add3A_624 = arith.addi %mul3A_622, %add3A_623 : i32
        %get3A_625 = arith.index_cast %add3A_624 : i32 to index
        %get3A_626 = arith.constant 0 : index
        %get3A_627 = tpu.vector_load %arg9[%get3A_625, %get3A_626] {strides = array<i32>} : memref<128x128xf32, #tpu.memory_space<vmem>>, vector<16xf32>,
        %get3A_628 = arith.index_cast %add3A_624 : i32 to index
        %get3A_629 = arith.constant 0 : index
        %get3A_630 = tpu.vector_load %arg10[%get3A_628, %get3A_629] {strides = array<i32>} : memref<128x128xf32, #tpu.memory_space<vmem>>, vector<16xf32>,
        %mul3A_631 = arith.mulf %get3A_627, %get3A_630 : vector<16xf32>
        %get3A_632 = arith.index_cast %add3A_624 : i32 to index
        %get3A_633 = arith.constant 16 : index
        %get3A_634 = tpu.vector_load %arg9[%get3A_632, %get3A_633] {strides = array<i32>} : memref<128x128xf32, #tpu.memory_space<vmem>>, vector<16xf32>,
        %get3A_635 = arith.index_cast %add3A_624 : i32 to index
        %get3A_636 = arith.constant 16 : index
        %get3A_637 = tpu.vector_load %arg10[%get3A_635, %get3A_636] {strides = array<i32>} : memref<128x128xf32, #tpu.memory_space<vmem>>, vector<16xf32>,
        %mul3A_638 = arith.mulf %get3A_634, %get3A_637 : vector<16xf32>
        %add3A_639 = arith.addf %mul3A_631, %mul3A_638 : vector<16xf32>
        %get3A_640 = arith.index_cast %add3A_624 : i32 to index
        %get3A_641 = arith.constant 32 : index
        %get3A_642 = tpu.vector_load %arg9[%get3A_640, %get3A_641] {strides = array<i32>} : memref<128x128xf32, #tpu.memory_space<vmem>>, vector<16xf32>,
        %get3A_643 = arith.index_cast %add3A_624 : i32 to index
        %get3A_644 = arith.constant 32 : index
        %get3A_645 = tpu.vector_load %arg10[%get3A_643, %get3A_644] {strides = array<i32>} : memref<128x128xf32, #tpu.memory_space<vmem>>, vector<16xf32>,
        %mul3A_646 = arith.mulf %get3A_642, %get3A_645 : vector<16xf32>
        %add3A_647 = arith.addf %add3A_639, %mul3A_646 : vector<16xf32>
        %get3A_648 = arith.index_cast %add3A_624 : i32 to index
        %get3A_649 = arith.constant 48 : index
        %get3A_650 = tpu.vector_load %arg9[%get3A_648, %get3A_649] {strides = array<i32>} : memref<128x128xf32, #tpu.memory_space<vmem>>, vector<16xf32>,
        %get3A_651 = arith.index_cast %add3A_624 : i32 to index
        %get3A_652 = arith.constant 48 : index
        %get3A_653 = tpu.vector_load %arg10[%get3A_651, %get3A_652] {strides = array<i32>} : memref<128x128xf32, #tpu.memory_space<vmem>>, vector<16xf32>,
        %mul3A_654 = arith.mulf %get3A_650, %get3A_653 : vector<16xf32>
        %add3A_655 = arith.addf %add3A_647, %mul3A_654 : vector<16xf32>
        %get3A_656 = arith.index_cast %add3A_624 : i32 to index
        %get3A_657 = arith.constant 64 : index
        %get3A_658 = tpu.vector_load %arg9[%get3A_656, %get3A_657] {strides = array<i32>} : memref<128x128xf32, #tpu.memory_space<vmem>>, vector<16xf32>,
        %get3A_659 = arith.index_cast %add3A_624 : i32 to index
        %get3A_660 = arith.constant 64 : index
        %get3A_661 = tpu.vector_load %arg10[%get3A_659, %get3A_660] {strides = array<i32>} : memref<128x128xf32, #tpu.memory_space<vmem>>, vector<16xf32>,
        %mul3A_662 = arith.mulf %get3A_658, %get3A_661 : vector<16xf32>
        %add3A_663 = arith.addf %add3A_655, %mul3A_662 : vector<16xf32>
        %get3A_664 = arith.index_cast %add3A_624 : i32 to index
        %get3A_665 = arith.constant 80 : index
        %get3A_666 = tpu.vector_load %arg9[%get3A_664, %get3A_665] {strides = array<i32>} : memref<128x128xf32, #tpu.memory_space<vmem>>, vector<16xf32>,
        %get3A_667 = arith.index_cast %add3A_624 : i32 to index
        %get3A_668 = arith.constant 80 : index
        %get3A_669 = tpu.vector_load %arg10[%get3A_667, %get3A_668] {strides = array<i32>} : memref<128x128xf32, #tpu.memory_space<vmem>>, vector<16xf32>,
        %mul3A_670 = arith.mulf %get3A_666, %get3A_669 : vector<16xf32>
        %add3A_671 = arith.addf %add3A_663, %mul3A_670 : vector<16xf32>
        %get3A_672 = arith.index_cast %add3A_624 : i32 to index
        %get3A_673 = arith.constant 96 : index
        %get3A_674 = tpu.vector_load %arg9[%get3A_672, %get3A_673] {strides = array<i32>} : memref<128x128xf32, #tpu.memory_space<vmem>>, vector<16xf32>,
        %get3A_675 = arith.index_cast %add3A_624 : i32 to index
        %get3A_676 = arith.constant 96 : index
        %get3A_677 = tpu.vector_load %arg10[%get3A_675, %get3A_676] {strides = array<i32>} : memref<128x128xf32, #tpu.memory_space<vmem>>, vector<16xf32>,
        %mul3A_678 = arith.mulf %get3A_674, %get3A_677 : vector<16xf32>
        %add3A_679 = arith.addf %add3A_671, %mul3A_678 : vector<16xf32>
        %get3A_680 = arith.index_cast %add3A_624 : i32 to index
        %get3A_681 = arith.constant 112 : index
        %get3A_682 = tpu.vector_load %arg9[%get3A_680, %get3A_681] {strides = array<i32>} : memref<128x128xf32, #tpu.memory_space<vmem>>, vector<16xf32>,
        %get3A_683 = arith.index_cast %add3A_624 : i32 to index
        %get3A_684 = arith.constant 112 : index
        %get3A_685 = tpu.vector_load %arg10[%get3A_683, %get3A_684] {strides = array<i32>} : memref<128x128xf32, #tpu.memory_space<vmem>>, vector<16xf32>,
        %mul3A_686 = arith.mulf %get3A_682, %get3A_685 : vector<16xf32>
        %add3A_687 = arith.addf %add3A_679, %mul3A_686 : vector<16xf32>
        %and3A_688 = arith.constant 8 : i32
        %and3A_689 = vector.broadcast %and3A_688 : i32 to vector<16xi32>
        %and3A_690 = arith.andi %iota3A, %and3A_689 : vector<16xi32>
        %eq3A_691 = arith.constant 0 : i32
        %eq3A_692 = vector.broadcast %eq3A_691 : i32 to vector<16xi32>
        %eq3A_693 = arith.cmpi eq, %and3A_690, %eq3A_692 : vector<16xi32>
        %iota3A_694 = tpu.iota {dimensions = array<i32: 0>} : vector<16xi32>
        %xor3A_695 = arith.constant 8 : i32
        %xor3A_696 = vector.broadcast %xor3A_695 : i32 to vector<16xi32>
        %xor3A_697 = arith.xori %iota3A_694, %xor3A_696 : vector<16xi32>
        %broadcast_in_dim3A_698 = vector.shape_cast %xor3A_697 : vector<16xi32> to vector<16x1xi32>
        %gather3A_699 = vector.shape_cast %broadcast_in_dim3A_698 : vector<16x1xi32> to vector<16xi32>
        %gather3A_700 = tpu.dynamic_gather %add3A_687[%gather3A_699] in [0] : vector<16xf32>, vector<16xi32> -> vector<16xf32>
        %select_n3A_701 = arith.select %eq3A_693, %add3A_620, %gather3A_700 : vector<16xi1>, vector<16xf32>
        %iota3A_702 = tpu.iota {dimensions = array<i32: 0>} : vector<16xi32>
        %xor3A_703 = arith.constant 8 : i32
        %xor3A_704 = vector.broadcast %xor3A_703 : i32 to vector<16xi32>
        %xor3A_705 = arith.xori %iota3A_702, %xor3A_704 : vector<16xi32>
        %broadcast_in_dim3A_706 = vector.shape_cast %xor3A_705 : vector<16xi32> to vector<16x1xi32>
        %gather3A_707 = vector.shape_cast %broadcast_in_dim3A_706 : vector<16x1xi32> to vector<16xi32>
        %gather3A_708 = tpu.dynamic_gather %add3A_620[%gather3A_707] in [0] : vector<16xf32>, vector<16xi32> -> vector<16xf32>
        %select_n3A_709 = arith.select %eq3A_693, %gather3A_708, %add3A_687 : vector<16xi1>, vector<16xf32>
        %add3A_710 = arith.addf %select_n3A_701, %select_n3A_709 : vector<16xf32>
        %and3A_711 = arith.constant 4 : i32
        %and3A_712 = vector.broadcast %and3A_711 : i32 to vector<16xi32>
        %and3A_713 = arith.andi %iota3A, %and3A_712 : vector<16xi32>
        %eq3A_714 = arith.constant 0 : i32
        %eq3A_715 = vector.broadcast %eq3A_714 : i32 to vector<16xi32>
        %eq3A_716 = arith.cmpi eq, %and3A_713, %eq3A_715 : vector<16xi32>
        %iota3A_717 = tpu.iota {dimensions = array<i32: 0>} : vector<16xi32>
        %xor3A_718 = arith.constant 4 : i32
        %xor3A_719 = vector.broadcast %xor3A_718 : i32 to vector<16xi32>
        %xor3A_720 = arith.xori %iota3A_717, %xor3A_719 : vector<16xi32>
        %broadcast_in_dim3A_721 = vector.shape_cast %xor3A_720 : vector<16xi32> to vector<16x1xi32>
        %gather3A_722 = vector.shape_cast %broadcast_in_dim3A_721 : vector<16x1xi32> to vector<16xi32>
        %gather3A_723 = tpu.dynamic_gather %add3A_710[%gather3A_722] in [0] : vector<16xf32>, vector<16xi32> -> vector<16xf32>
        %select_n3A_724 = arith.select %eq3A_716, %add3A_553, %gather3A_723 : vector<16xi1>, vector<16xf32>
        %iota3A_725 = tpu.iota {dimensions = array<i32: 0>} : vector<16xi32>
        %xor3A_726 = arith.constant 4 : i32
        %xor3A_727 = vector.broadcast %xor3A_726 : i32 to vector<16xi32>
        %xor3A_728 = arith.xori %iota3A_725, %xor3A_727 : vector<16xi32>
        %broadcast_in_dim3A_729 = vector.shape_cast %xor3A_728 : vector<16xi32> to vector<16x1xi32>
        %gather3A_730 = vector.shape_cast %broadcast_in_dim3A_729 : vector<16x1xi32> to vector<16xi32>
        %gather3A_731 = tpu.dynamic_gather %add3A_553[%gather3A_730] in [0] : vector<16xf32>, vector<16xi32> -> vector<16xf32>
        %select_n3A_732 = arith.select %eq3A_716, %gather3A_731, %add3A_710 : vector<16xi1>, vector<16xf32>
        %add3A_733 = arith.addf %select_n3A_724, %select_n3A_732 : vector<16xf32>
        %and3A_734 = arith.constant 2 : i32
        %and3A_735 = vector.broadcast %and3A_734 : i32 to vector<16xi32>
        %and3A_736 = arith.andi %iota3A, %and3A_735 : vector<16xi32>
        %eq3A_737 = arith.constant 0 : i32
        %eq3A_738 = vector.broadcast %eq3A_737 : i32 to vector<16xi32>
        %eq3A_739 = arith.cmpi eq, %and3A_736, %eq3A_738 : vector<16xi32>
        %iota3A_740 = tpu.iota {dimensions = array<i32: 0>} : vector<16xi32>
        %xor3A_741 = arith.constant 2 : i32
        %xor3A_742 = vector.broadcast %xor3A_741 : i32 to vector<16xi32>
        %xor3A_743 = arith.xori %iota3A_740, %xor3A_742 : vector<16xi32>
        %broadcast_in_dim3A_744 = vector.shape_cast %xor3A_743 : vector<16xi32> to vector<16x1xi32>
        %gather3A_745 = vector.shape_cast %broadcast_in_dim3A_744 : vector<16x1xi32> to vector<16xi32>
        %gather3A_746 = tpu.dynamic_gather %add3A_733[%gather3A_745] in [0] : vector<16xf32>, vector<16xi32> -> vector<16xf32>
        %select_n3A_747 = arith.select %eq3A_739, %add3A_396, %gather3A_746 : vector<16xi1>, vector<16xf32>
        %iota3A_748 = tpu.iota {dimensions = array<i32: 0>} : vector<16xi32>
        %xor3A_749 = arith.constant 2 : i32
        %xor3A_750 = vector.broadcast %xor3A_749 : i32 to vector<16xi32>
        %xor3A_751 = arith.xori %iota3A_748, %xor3A_750 : vector<16xi32>
        %broadcast_in_dim3A_752 = vector.shape_cast %xor3A_751 : vector<16xi32> to vector<16x1xi32>
        %gather3A_753 = vector.shape_cast %broadcast_in_dim3A_752 : vector<16x1xi32> to vector<16xi32>
        %gather3A_754 = tpu.dynamic_gather %add3A_396[%gather3A_753] in [0] : vector<16xf32>, vector<16xi32> -> vector<16xf32>
        %select_n3A_755 = arith.select %eq3A_739, %gather3A_754, %add3A_733 : vector<16xi1>, vector<16xf32>
        %add3A_756 = arith.addf %select_n3A_747, %select_n3A_755 : vector<16xf32>
        %mul3A_757 = arith.constant 16 : i32
        %mul3A_758 = arith.muli %scan3A_66, %mul3A_757 : i32
        %add3A_759 = arith.constant 1 : i32
        %add3A_760 = arith.addi %mul3A_758, %add3A_759 : i32
        %get3A_761 = arith.index_cast %add3A_760 : i32 to index
        %get3A_762 = arith.constant 0 : index
        %get3A_763 = tpu.vector_load %arg9[%get3A_761, %get3A_762] {strides = array<i32>} : memref<128x128xf32, #tpu.memory_space<vmem>>, vector<16xf32>,
        %get3A_764 = arith.index_cast %add3A_760 : i32 to index
        %get3A_765 = arith.constant 0 : index
        %get3A_766 = tpu.vector_load %arg10[%get3A_764, %get3A_765] {strides = array<i32>} : memref<128x128xf32, #tpu.memory_space<vmem>>, vector<16xf32>,
        %mul3A_767 = arith.mulf %get3A_763, %get3A_766 : vector<16xf32>
        %get3A_768 = arith.index_cast %add3A_760 : i32 to index
        %get3A_769 = arith.constant 16 : index
        %get3A_770 = tpu.vector_load %arg9[%get3A_768, %get3A_769] {strides = array<i32>} : memref<128x128xf32, #tpu.memory_space<vmem>>, vector<16xf32>,
        %get3A_771 = arith.index_cast %add3A_760 : i32 to index
        %get3A_772 = arith.constant 16 : index
        %get3A_773 = tpu.vector_load %arg10[%get3A_771, %get3A_772] {strides = array<i32>} : memref<128x128xf32, #tpu.memory_space<vmem>>, vector<16xf32>,
        %mul3A_774 = arith.mulf %get3A_770, %get3A_773 : vector<16xf32>
        %add3A_775 = arith.addf %mul3A_767, %mul3A_774 : vector<16xf32>
        %get3A_776 = arith.index_cast %add3A_760 : i32 to index
        %get3A_777 = arith.constant 32 : index
        %get3A_778 = tpu.vector_load %arg9[%get3A_776, %get3A_777] {strides = array<i32>} : memref<128x128xf32, #tpu.memory_space<vmem>>, vector<16xf32>,
        %get3A_779 = arith.index_cast %add3A_760 : i32 to index
        %get3A_780 = arith.constant 32 : index
        %get3A_781 = tpu.vector_load %arg10[%get3A_779, %get3A_780] {strides = array<i32>} : memref<128x128xf32, #tpu.memory_space<vmem>>, vector<16xf32>,
        %mul3A_782 = arith.mulf %get3A_778, %get3A_781 : vector<16xf32>
        %add3A_783 = arith.addf %add3A_775, %mul3A_782 : vector<16xf32>
        %get3A_784 = arith.index_cast %add3A_760 : i32 to index
        %get3A_785 = arith.constant 48 : index
        %get3A_786 = tpu.vector_load %arg9[%get3A_784, %get3A_785] {strides = array<i32>} : memref<128x128xf32, #tpu.memory_space<vmem>>, vector<16xf32>,
        %get3A_787 = arith.index_cast %add3A_760 : i32 to index
        %get3A_788 = arith.constant 48 : index
        %get3A_789 = tpu.vector_load %arg10[%get3A_787, %get3A_788] {strides = array<i32>} : memref<128x128xf32, #tpu.memory_space<vmem>>, vector<16xf32>,
        %mul3A_790 = arith.mulf %get3A_786, %get3A_789 : vector<16xf32>
        %add3A_791 = arith.addf %add3A_783, %mul3A_790 : vector<16xf32>
        %get3A_792 = arith.index_cast %add3A_760 : i32 to index
        %get3A_793 = arith.constant 64 : index
        %get3A_794 = tpu.vector_load %arg9[%get3A_792, %get3A_793] {strides = array<i32>} : memref<128x128xf32, #tpu.memory_space<vmem>>, vector<16xf32>,
        %get3A_795 = arith.index_cast %add3A_760 : i32 to index
        %get3A_796 = arith.constant 64 : index
        %get3A_797 = tpu.vector_load %arg10[%get3A_795, %get3A_796] {strides = array<i32>} : memref<128x128xf32, #tpu.memory_space<vmem>>, vector<16xf32>,
        %mul3A_798 = arith.mulf %get3A_794, %get3A_797 : vector<16xf32>
        %add3A_799 = arith.addf %add3A_791, %mul3A_798 : vector<16xf32>
        %get3A_800 = arith.index_cast %add3A_760 : i32 to index
        %get3A_801 = arith.constant 80 : index
        %get3A_802 = tpu.vector_load %arg9[%get3A_800, %get3A_801] {strides = array<i32>} : memref<128x128xf32, #tpu.memory_space<vmem>>, vector<16xf32>,
        %get3A_803 = arith.index_cast %add3A_760 : i32 to index
        %get3A_804 = arith.constant 80 : index
        %get3A_805 = tpu.vector_load %arg10[%get3A_803, %get3A_804] {strides = array<i32>} : memref<128x128xf32, #tpu.memory_space<vmem>>, vector<16xf32>,
        %mul3A_806 = arith.mulf %get3A_802, %get3A_805 : vector<16xf32>
        %add3A_807 = arith.addf %add3A_799, %mul3A_806 : vector<16xf32>
        %get3A_808 = arith.index_cast %add3A_760 : i32 to index
        %get3A_809 = arith.constant 96 : index
        %get3A_810 = tpu.vector_load %arg9[%get3A_808, %get3A_809] {strides = array<i32>} : memref<128x128xf32, #tpu.memory_space<vmem>>, vector<16xf32>,
        %get3A_811 = arith.index_cast %add3A_760 : i32 to index
        %get3A_812 = arith.constant 96 : index
        %get3A_813 = tpu.vector_load %arg10[%get3A_811, %get3A_812] {strides = array<i32>} : memref<128x128xf32, #tpu.memory_space<vmem>>, vector<16xf32>,
        %mul3A_814 = arith.mulf %get3A_810, %get3A_813 : vector<16xf32>
        %add3A_815 = arith.addf %add3A_807, %mul3A_814 : vector<16xf32>
        %get3A_816 = arith.index_cast %add3A_760 : i32 to index
        %get3A_817 = arith.constant 112 : index
        %get3A_818 = tpu.vector_load %arg9[%get3A_816, %get3A_817] {strides = array<i32>} : memref<128x128xf32, #tpu.memory_space<vmem>>, vector<16xf32>,
        %get3A_819 = arith.index_cast %add3A_760 : i32 to index
        %get3A_820 = arith.constant 112 : index
        %get3A_821 = tpu.vector_load %arg10[%get3A_819, %get3A_820] {strides = array<i32>} : memref<128x128xf32, #tpu.memory_space<vmem>>, vector<16xf32>,
        %mul3A_822 = arith.mulf %get3A_818, %get3A_821 : vector<16xf32>
        %add3A_823 = arith.addf %add3A_815, %mul3A_822 : vector<16xf32>
        %mul3A_824 = arith.constant 16 : i32
        %mul3A_825 = arith.muli %scan3A_66, %mul3A_824 : i32
        %add3A_826 = arith.constant 9 : i32
        %add3A_827 = arith.addi %mul3A_825, %add3A_826 : i32
        %get3A_828 = arith.index_cast %add3A_827 : i32 to index
        %get3A_829 = arith.constant 0 : index
        %get3A_830 = tpu.vector_load %arg9[%get3A_828, %get3A_829] {strides = array<i32>} : memref<128x128xf32, #tpu.memory_space<vmem>>, vector<16xf32>,
        %get3A_831 = arith.index_cast %add3A_827 : i32 to index
        %get3A_832 = arith.constant 0 : index
        %get3A_833 = tpu.vector_load %arg10[%get3A_831, %get3A_832] {strides = array<i32>} : memref<128x128xf32, #tpu.memory_space<vmem>>, vector<16xf32>,
        %mul3A_834 = arith.mulf %get3A_830, %get3A_833 : vector<16xf32>
        %get3A_835 = arith.index_cast %add3A_827 : i32 to index
        %get3A_836 = arith.constant 16 : index
        %get3A_837 = tpu.vector_load %arg9[%get3A_835, %get3A_836] {strides = array<i32>} : memref<128x128xf32, #tpu.memory_space<vmem>>, vector<16xf32>,
        %get3A_838 = arith.index_cast %add3A_827 : i32 to index
        %get3A_839 = arith.constant 16 : index
        %get3A_840 = tpu.vector_load %arg10[%get3A_838, %get3A_839] {strides = array<i32>} : memref<128x128xf32, #tpu.memory_space<vmem>>, vector<16xf32>,
        %mul3A_841 = arith.mulf %get3A_837, %get3A_840 : vector<16xf32>
        %add3A_842 = arith.addf %mul3A_834, %mul3A_841 : vector<16xf32>
        %get3A_843 = arith.index_cast %add3A_827 : i32 to index
        %get3A_844 = arith.constant 32 : index
        %get3A_845 = tpu.vector_load %arg9[%get3A_843, %get3A_844] {strides = array<i32>} : memref<128x128xf32, #tpu.memory_space<vmem>>, vector<16xf32>,
        %get3A_846 = arith.index_cast %add3A_827 : i32 to index
        %get3A_847 = arith.constant 32 : index
        %get3A_848 = tpu.vector_load %arg10[%get3A_846, %get3A_847] {strides = array<i32>} : memref<128x128xf32, #tpu.memory_space<vmem>>, vector<16xf32>,
        %mul3A_849 = arith.mulf %get3A_845, %get3A_848 : vector<16xf32>
        %add3A_850 = arith.addf %add3A_842, %mul3A_849 : vector<16xf32>
        %get3A_851 = arith.index_cast %add3A_827 : i32 to index
        %get3A_852 = arith.constant 48 : index
        %get3A_853 = tpu.vector_load %arg9[%get3A_851, %get3A_852] {strides = array<i32>} : memref<128x128xf32, #tpu.memory_space<vmem>>, vector<16xf32>,
        %get3A_854 = arith.index_cast %add3A_827 : i32 to index
        %get3A_855 = arith.constant 48 : index
        %get3A_856 = tpu.vector_load %arg10[%get3A_854, %get3A_855] {strides = array<i32>} : memref<128x128xf32, #tpu.memory_space<vmem>>, vector<16xf32>,
        %mul3A_857 = arith.mulf %get3A_853, %get3A_856 : vector<16xf32>
        %add3A_858 = arith.addf %add3A_850, %mul3A_857 : vector<16xf32>
        %get3A_859 = arith.index_cast %add3A_827 : i32 to index
        %get3A_860 = arith.constant 64 : index
        %get3A_861 = tpu.vector_load %arg9[%get3A_859, %get3A_860] {strides = array<i32>} : memref<128x128xf32, #tpu.memory_space<vmem>>, vector<16xf32>,
        %get3A_862 = arith.index_cast %add3A_827 : i32 to index
        %get3A_863 = arith.constant 64 : index
        %get3A_864 = tpu.vector_load %arg10[%get3A_862, %get3A_863] {strides = array<i32>} : memref<128x128xf32, #tpu.memory_space<vmem>>, vector<16xf32>,
        %mul3A_865 = arith.mulf %get3A_861, %get3A_864 : vector<16xf32>
        %add3A_866 = arith.addf %add3A_858, %mul3A_865 : vector<16xf32>
        %get3A_867 = arith.index_cast %add3A_827 : i32 to index
        %get3A_868 = arith.constant 80 : index
        %get3A_869 = tpu.vector_load %arg9[%get3A_867, %get3A_868] {strides = array<i32>} : memref<128x128xf32, #tpu.memory_space<vmem>>, vector<16xf32>,
        %get3A_870 = arith.index_cast %add3A_827 : i32 to index
        %get3A_871 = arith.constant 80 : index
        %get3A_872 = tpu.vector_load %arg10[%get3A_870, %get3A_871] {strides = array<i32>} : memref<128x128xf32, #tpu.memory_space<vmem>>, vector<16xf32>,
        %mul3A_873 = arith.mulf %get3A_869, %get3A_872 : vector<16xf32>
        %add3A_874 = arith.addf %add3A_866, %mul3A_873 : vector<16xf32>
        %get3A_875 = arith.index_cast %add3A_827 : i32 to index
        %get3A_876 = arith.constant 96 : index
        %get3A_877 = tpu.vector_load %arg9[%get3A_875, %get3A_876] {strides = array<i32>} : memref<128x128xf32, #tpu.memory_space<vmem>>, vector<16xf32>,
        %get3A_878 = arith.index_cast %add3A_827 : i32 to index
        %get3A_879 = arith.constant 96 : index
        %get3A_880 = tpu.vector_load %arg10[%get3A_878, %get3A_879] {strides = array<i32>} : memref<128x128xf32, #tpu.memory_space<vmem>>, vector<16xf32>,
        %mul3A_881 = arith.mulf %get3A_877, %get3A_880 : vector<16xf32>
        %add3A_882 = arith.addf %add3A_874, %mul3A_881 : vector<16xf32>
        %get3A_883 = arith.index_cast %add3A_827 : i32 to index
        %get3A_884 = arith.constant 112 : index
        %get3A_885 = tpu.vector_load %arg9[%get3A_883, %get3A_884] {strides = array<i32>} : memref<128x128xf32, #tpu.memory_space<vmem>>, vector<16xf32>,
        %get3A_886 = arith.index_cast %add3A_827 : i32 to index
        %get3A_887 = arith.constant 112 : index
        %get3A_888 = tpu.vector_load %arg10[%get3A_886, %get3A_887] {strides = array<i32>} : memref<128x128xf32, #tpu.memory_space<vmem>>, vector<16xf32>,
        %mul3A_889 = arith.mulf %get3A_885, %get3A_888 : vector<16xf32>
        %add3A_890 = arith.addf %add3A_882, %mul3A_889 : vector<16xf32>
        %and3A_891 = arith.constant 8 : i32
        %and3A_892 = vector.broadcast %and3A_891 : i32 to vector<16xi32>
        %and3A_893 = arith.andi %iota3A, %and3A_892 : vector<16xi32>
        %eq3A_894 = arith.constant 0 : i32
        %eq3A_895 = vector.broadcast %eq3A_894 : i32 to vector<16xi32>
        %eq3A_896 = arith.cmpi eq, %and3A_893, %eq3A_895 : vector<16xi32>
        %iota3A_897 = tpu.iota {dimensions = array<i32: 0>} : vector<16xi32>
        %xor3A_898 = arith.constant 8 : i32
        %xor3A_899 = vector.broadcast %xor3A_898 : i32 to vector<16xi32>
        %xor3A_900 = arith.xori %iota3A_897, %xor3A_899 : vector<16xi32>
        %broadcast_in_dim3A_901 = vector.shape_cast %xor3A_900 : vector<16xi32> to vector<16x1xi32>
        %gather3A_902 = vector.shape_cast %broadcast_in_dim3A_901 : vector<16x1xi32> to vector<16xi32>
        %gather3A_903 = tpu.dynamic_gather %add3A_890[%gather3A_902] in [0] : vector<16xf32>, vector<16xi32> -> vector<16xf32>
        %select_n3A_904 = arith.select %eq3A_896, %add3A_823, %gather3A_903 : vector<16xi1>, vector<16xf32>
        %iota3A_905 = tpu.iota {dimensions = array<i32: 0>} : vector<16xi32>
        %xor3A_906 = arith.constant 8 : i32
        %xor3A_907 = vector.broadcast %xor3A_906 : i32 to vector<16xi32>
        %xor3A_908 = arith.xori %iota3A_905, %xor3A_907 : vector<16xi32>
        %broadcast_in_dim3A_909 = vector.shape_cast %xor3A_908 : vector<16xi32> to vector<16x1xi32>
        %gather3A_910 = vector.shape_cast %broadcast_in_dim3A_909 : vector<16x1xi32> to vector<16xi32>
        %gather3A_911 = tpu.dynamic_gather %add3A_823[%gather3A_910] in [0] : vector<16xf32>, vector<16xi32> -> vector<16xf32>
        %select_n3A_912 = arith.select %eq3A_896, %gather3A_911, %add3A_890 : vector<16xi1>, vector<16xf32>
        %add3A_913 = arith.addf %select_n3A_904, %select_n3A_912 : vector<16xf32>
        %mul3A_914 = arith.constant 16 : i32
        %mul3A_915 = arith.muli %scan3A_66, %mul3A_914 : i32
        %add3A_916 = arith.constant 5 : i32
        %add3A_917 = arith.addi %mul3A_915, %add3A_916 : i32
        %get3A_918 = arith.index_cast %add3A_917 : i32 to index
        %get3A_919 = arith.constant 0 : index
        %get3A_920 = tpu.vector_load %arg9[%get3A_918, %get3A_919] {strides = array<i32>} : memref<128x128xf32, #tpu.memory_space<vmem>>, vector<16xf32>,
        %get3A_921 = arith.index_cast %add3A_917 : i32 to index
        %get3A_922 = arith.constant 0 : index
        %get3A_923 = tpu.vector_load %arg10[%get3A_921, %get3A_922] {strides = array<i32>} : memref<128x128xf32, #tpu.memory_space<vmem>>, vector<16xf32>,
        %mul3A_924 = arith.mulf %get3A_920, %get3A_923 : vector<16xf32>
        %get3A_925 = arith.index_cast %add3A_917 : i32 to index
        %get3A_926 = arith.constant 16 : index
        %get3A_927 = tpu.vector_load %arg9[%get3A_925, %get3A_926] {strides = array<i32>} : memref<128x128xf32, #tpu.memory_space<vmem>>, vector<16xf32>,
        %get3A_928 = arith.index_cast %add3A_917 : i32 to index
        %get3A_929 = arith.constant 16 : index
        %get3A_930 = tpu.vector_load %arg10[%get3A_928, %get3A_929] {strides = array<i32>} : memref<128x128xf32, #tpu.memory_space<vmem>>, vector<16xf32>,
        %mul3A_931 = arith.mulf %get3A_927, %get3A_930 : vector<16xf32>
        %add3A_932 = arith.addf %mul3A_924, %mul3A_931 : vector<16xf32>
        %get3A_933 = arith.index_cast %add3A_917 : i32 to index
        %get3A_934 = arith.constant 32 : index
        %get3A_935 = tpu.vector_load %arg9[%get3A_933, %get3A_934] {strides = array<i32>} : memref<128x128xf32, #tpu.memory_space<vmem>>, vector<16xf32>,
        %get3A_936 = arith.index_cast %add3A_917 : i32 to index
        %get3A_937 = arith.constant 32 : index
        %get3A_938 = tpu.vector_load %arg10[%get3A_936, %get3A_937] {strides = array<i32>} : memref<128x128xf32, #tpu.memory_space<vmem>>, vector<16xf32>,
        %mul3A_939 = arith.mulf %get3A_935, %get3A_938 : vector<16xf32>
        %add3A_940 = arith.addf %add3A_932, %mul3A_939 : vector<16xf32>
        %get3A_941 = arith.index_cast %add3A_917 : i32 to index
        %get3A_942 = arith.constant 48 : index
        %get3A_943 = tpu.vector_load %arg9[%get3A_941, %get3A_942] {strides = array<i32>} : memref<128x128xf32, #tpu.memory_space<vmem>>, vector<16xf32>,
        %get3A_944 = arith.index_cast %add3A_917 : i32 to index
        %get3A_945 = arith.constant 48 : index
        %get3A_946 = tpu.vector_load %arg10[%get3A_944, %get3A_945] {strides = array<i32>} : memref<128x128xf32, #tpu.memory_space<vmem>>, vector<16xf32>,
        %mul3A_947 = arith.mulf %get3A_943, %get3A_946 : vector<16xf32>
        %add3A_948 = arith.addf %add3A_940, %mul3A_947 : vector<16xf32>
        %get3A_949 = arith.index_cast %add3A_917 : i32 to index
        %get3A_950 = arith.constant 64 : index
        %get3A_951 = tpu.vector_load %arg9[%get3A_949, %get3A_950] {strides = array<i32>} : memref<128x128xf32, #tpu.memory_space<vmem>>, vector<16xf32>,
        %get3A_952 = arith.index_cast %add3A_917 : i32 to index
        %get3A_953 = arith.constant 64 : index
        %get3A_954 = tpu.vector_load %arg10[%get3A_952, %get3A_953] {strides = array<i32>} : memref<128x128xf32, #tpu.memory_space<vmem>>, vector<16xf32>,
        %mul3A_955 = arith.mulf %get3A_951, %get3A_954 : vector<16xf32>
        %add3A_956 = arith.addf %add3A_948, %mul3A_955 : vector<16xf32>
        %get3A_957 = arith.index_cast %add3A_917 : i32 to index
        %get3A_958 = arith.constant 80 : index
        %get3A_959 = tpu.vector_load %arg9[%get3A_957, %get3A_958] {strides = array<i32>} : memref<128x128xf32, #tpu.memory_space<vmem>>, vector<16xf32>,
        %get3A_960 = arith.index_cast %add3A_917 : i32 to index
        %get3A_961 = arith.constant 80 : index
        %get3A_962 = tpu.vector_load %arg10[%get3A_960, %get3A_961] {strides = array<i32>} : memref<128x128xf32, #tpu.memory_space<vmem>>, vector<16xf32>,
        %mul3A_963 = arith.mulf %get3A_959, %get3A_962 : vector<16xf32>
        %add3A_964 = arith.addf %add3A_956, %mul3A_963 : vector<16xf32>
        %get3A_965 = arith.index_cast %add3A_917 : i32 to index
        %get3A_966 = arith.constant 96 : index
        %get3A_967 = tpu.vector_load %arg9[%get3A_965, %get3A_966] {strides = array<i32>} : memref<128x128xf32, #tpu.memory_space<vmem>>, vector<16xf32>,
        %get3A_968 = arith.index_cast %add3A_917 : i32 to index
        %get3A_969 = arith.constant 96 : index
        %get3A_970 = tpu.vector_load %arg10[%get3A_968, %get3A_969] {strides = array<i32>} : memref<128x128xf32, #tpu.memory_space<vmem>>, vector<16xf32>,
        %mul3A_971 = arith.mulf %get3A_967, %get3A_970 : vector<16xf32>
        %add3A_972 = arith.addf %add3A_964, %mul3A_971 : vector<16xf32>
        %get3A_973 = arith.index_cast %add3A_917 : i32 to index
        %get3A_974 = arith.constant 112 : index
        %get3A_975 = tpu.vector_load %arg9[%get3A_973, %get3A_974] {strides = array<i32>} : memref<128x128xf32, #tpu.memory_space<vmem>>, vector<16xf32>,
        %get3A_976 = arith.index_cast %add3A_917 : i32 to index
        %get3A_977 = arith.constant 112 : index
        %get3A_978 = tpu.vector_load %arg10[%get3A_976, %get3A_977] {strides = array<i32>} : memref<128x128xf32, #tpu.memory_space<vmem>>, vector<16xf32>,
        %mul3A_979 = arith.mulf %get3A_975, %get3A_978 : vector<16xf32>
        %add3A_980 = arith.addf %add3A_972, %mul3A_979 : vector<16xf32>
        %mul3A_981 = arith.constant 16 : i32
        %mul3A_982 = arith.muli %scan3A_66, %mul3A_981 : i32
        %add3A_983 = arith.constant 13 : i32
        %add3A_984 = arith.addi %mul3A_982, %add3A_983 : i32
        %get3A_985 = arith.index_cast %add3A_984 : i32 to index
        %get3A_986 = arith.constant 0 : index
        %get3A_987 = tpu.vector_load %arg9[%get3A_985, %get3A_986] {strides = array<i32>} : memref<128x128xf32, #tpu.memory_space<vmem>>, vector<16xf32>,
        %get3A_988 = arith.index_cast %add3A_984 : i32 to index
        %get3A_989 = arith.constant 0 : index
        %get3A_990 = tpu.vector_load %arg10[%get3A_988, %get3A_989] {strides = array<i32>} : memref<128x128xf32, #tpu.memory_space<vmem>>, vector<16xf32>,
        %mul3A_991 = arith.mulf %get3A_987, %get3A_990 : vector<16xf32>
        %get3A_992 = arith.index_cast %add3A_984 : i32 to index
        %get3A_993 = arith.constant 16 : index
        %get3A_994 = tpu.vector_load %arg9[%get3A_992, %get3A_993] {strides = array<i32>} : memref<128x128xf32, #tpu.memory_space<vmem>>, vector<16xf32>,
        %get3A_995 = arith.index_cast %add3A_984 : i32 to index
        %get3A_996 = arith.constant 16 : index
        %get3A_997 = tpu.vector_load %arg10[%get3A_995, %get3A_996] {strides = array<i32>} : memref<128x128xf32, #tpu.memory_space<vmem>>, vector<16xf32>,
        %mul3A_998 = arith.mulf %get3A_994, %get3A_997 : vector<16xf32>
        %add3A_999 = arith.addf %mul3A_991, %mul3A_998 : vector<16xf32>
        %get3A_1000 = arith.index_cast %add3A_984 : i32 to index
        %get3A_1001 = arith.constant 32 : index
        %get3A_1002 = tpu.vector_load %arg9[%get3A_1000, %get3A_1001] {strides = array<i32>} : memref<128x128xf32, #tpu.memory_space<vmem>>, vector<16xf32>,
        %get3A_1003 = arith.index_cast %add3A_984 : i32 to index
        %get3A_1004 = arith.constant 32 : index
        %get3A_1005 = tpu.vector_load %arg10[%get3A_1003, %get3A_1004] {strides = array<i32>} : memref<128x128xf32, #tpu.memory_space<vmem>>, vector<16xf32>,
        %mul3A_1006 = arith.mulf %get3A_1002, %get3A_1005 : vector<16xf32>
        %add3A_1007 = arith.addf %add3A_999, %mul3A_1006 : vector<16xf32>
        %get3A_1008 = arith.index_cast %add3A_984 : i32 to index
        %get3A_1009 = arith.constant 48 : index
        %get3A_1010 = tpu.vector_load %arg9[%get3A_1008, %get3A_1009] {strides = array<i32>} : memref<128x128xf32, #tpu.memory_space<vmem>>, vector<16xf32>,
        %get3A_1011 = arith.index_cast %add3A_984 : i32 to index
        %get3A_1012 = arith.constant 48 : index
        %get3A_1013 = tpu.vector_load %arg10[%get3A_1011, %get3A_1012] {strides = array<i32>} : memref<128x128xf32, #tpu.memory_space<vmem>>, vector<16xf32>,
        %mul3A_1014 = arith.mulf %get3A_1010, %get3A_1013 : vector<16xf32>
        %add3A_1015 = arith.addf %add3A_1007, %mul3A_1014 : vector<16xf32>
        %get3A_1016 = arith.index_cast %add3A_984 : i32 to index
        %get3A_1017 = arith.constant 64 : index
        %get3A_1018 = tpu.vector_load %arg9[%get3A_1016, %get3A_1017] {strides = array<i32>} : memref<128x128xf32, #tpu.memory_space<vmem>>, vector<16xf32>,
        %get3A_1019 = arith.index_cast %add3A_984 : i32 to index
        %get3A_1020 = arith.constant 64 : index
        %get3A_1021 = tpu.vector_load %arg10[%get3A_1019, %get3A_1020] {strides = array<i32>} : memref<128x128xf32, #tpu.memory_space<vmem>>, vector<16xf32>,
        %mul3A_1022 = arith.mulf %get3A_1018, %get3A_1021 : vector<16xf32>
        %add3A_1023 = arith.addf %add3A_1015, %mul3A_1022 : vector<16xf32>
        %get3A_1024 = arith.index_cast %add3A_984 : i32 to index
        %get3A_1025 = arith.constant 80 : index
        %get3A_1026 = tpu.vector_load %arg9[%get3A_1024, %get3A_1025] {strides = array<i32>} : memref<128x128xf32, #tpu.memory_space<vmem>>, vector<16xf32>,
        %get3A_1027 = arith.index_cast %add3A_984 : i32 to index
        %get3A_1028 = arith.constant 80 : index
        %get3A_1029 = tpu.vector_load %arg10[%get3A_1027, %get3A_1028] {strides = array<i32>} : memref<128x128xf32, #tpu.memory_space<vmem>>, vector<16xf32>,
        %mul3A_1030 = arith.mulf %get3A_1026, %get3A_1029 : vector<16xf32>
        %add3A_1031 = arith.addf %add3A_1023, %mul3A_1030 : vector<16xf32>
        %get3A_1032 = arith.index_cast %add3A_984 : i32 to index
        %get3A_1033 = arith.constant 96 : index
        %get3A_1034 = tpu.vector_load %arg9[%get3A_1032, %get3A_1033] {strides = array<i32>} : memref<128x128xf32, #tpu.memory_space<vmem>>, vector<16xf32>,
        %get3A_1035 = arith.index_cast %add3A_984 : i32 to index
        %get3A_1036 = arith.constant 96 : index
        %get3A_1037 = tpu.vector_load %arg10[%get3A_1035, %get3A_1036] {strides = array<i32>} : memref<128x128xf32, #tpu.memory_space<vmem>>, vector<16xf32>,
        %mul3A_1038 = arith.mulf %get3A_1034, %get3A_1037 : vector<16xf32>
        %add3A_1039 = arith.addf %add3A_1031, %mul3A_1038 : vector<16xf32>
        %get3A_1040 = arith.index_cast %add3A_984 : i32 to index
        %get3A_1041 = arith.constant 112 : index
        %get3A_1042 = tpu.vector_load %arg9[%get3A_1040, %get3A_1041] {strides = array<i32>} : memref<128x128xf32, #tpu.memory_space<vmem>>, vector<16xf32>,
        %get3A_1043 = arith.index_cast %add3A_984 : i32 to index
        %get3A_1044 = arith.constant 112 : index
        %get3A_1045 = tpu.vector_load %arg10[%get3A_1043, %get3A_1044] {strides = array<i32>} : memref<128x128xf32, #tpu.memory_space<vmem>>, vector<16xf32>,
        %mul3A_1046 = arith.mulf %get3A_1042, %get3A_1045 : vector<16xf32>
        %add3A_1047 = arith.addf %add3A_1039, %mul3A_1046 : vector<16xf32>
        %and3A_1048 = arith.constant 8 : i32
        %and3A_1049 = vector.broadcast %and3A_1048 : i32 to vector<16xi32>
        %and3A_1050 = arith.andi %iota3A, %and3A_1049 : vector<16xi32>
        %eq3A_1051 = arith.constant 0 : i32
        %eq3A_1052 = vector.broadcast %eq3A_1051 : i32 to vector<16xi32>
        %eq3A_1053 = arith.cmpi eq, %and3A_1050, %eq3A_1052 : vector<16xi32>
        %iota3A_1054 = tpu.iota {dimensions = array<i32: 0>} : vector<16xi32>
        %xor3A_1055 = arith.constant 8 : i32
        %xor3A_1056 = vector.broadcast %xor3A_1055 : i32 to vector<16xi32>
        %xor3A_1057 = arith.xori %iota3A_1054, %xor3A_1056 : vector<16xi32>
        %broadcast_in_dim3A_1058 = vector.shape_cast %xor3A_1057 : vector<16xi32> to vector<16x1xi32>
        %gather3A_1059 = vector.shape_cast %broadcast_in_dim3A_1058 : vector<16x1xi32> to vector<16xi32>
        %gather3A_1060 = tpu.dynamic_gather %add3A_1047[%gather3A_1059] in [0] : vector<16xf32>, vector<16xi32> -> vector<16xf32>
        %select_n3A_1061 = arith.select %eq3A_1053, %add3A_980, %gather3A_1060 : vector<16xi1>, vector<16xf32>
        %iota3A_1062 = tpu.iota {dimensions = array<i32: 0>} : vector<16xi32>
        %xor3A_1063 = arith.constant 8 : i32
        %xor3A_1064 = vector.broadcast %xor3A_1063 : i32 to vector<16xi32>
        %xor3A_1065 = arith.xori %iota3A_1062, %xor3A_1064 : vector<16xi32>
        %broadcast_in_dim3A_1066 = vector.shape_cast %xor3A_1065 : vector<16xi32> to vector<16x1xi32>
        %gather3A_1067 = vector.shape_cast %broadcast_in_dim3A_1066 : vector<16x1xi32> to vector<16xi32>
        %gather3A_1068 = tpu.dynamic_gather %add3A_980[%gather3A_1067] in [0] : vector<16xf32>, vector<16xi32> -> vector<16xf32>
        %select_n3A_1069 = arith.select %eq3A_1053, %gather3A_1068, %add3A_1047 : vector<16xi1>, vector<16xf32>
        %add3A_1070 = arith.addf %select_n3A_1061, %select_n3A_1069 : vector<16xf32>
        %and3A_1071 = arith.constant 4 : i32
        %and3A_1072 = vector.broadcast %and3A_1071 : i32 to vector<16xi32>
        %and3A_1073 = arith.andi %iota3A, %and3A_1072 : vector<16xi32>
        %eq3A_1074 = arith.constant 0 : i32
        %eq3A_1075 = vector.broadcast %eq3A_1074 : i32 to vector<16xi32>
        %eq3A_1076 = arith.cmpi eq, %and3A_1073, %eq3A_1075 : vector<16xi32>
        %iota3A_1077 = tpu.iota {dimensions = array<i32: 0>} : vector<16xi32>
        %xor3A_1078 = arith.constant 4 : i32
        %xor3A_1079 = vector.broadcast %xor3A_1078 : i32 to vector<16xi32>
        %xor3A_1080 = arith.xori %iota3A_1077, %xor3A_1079 : vector<16xi32>
        %broadcast_in_dim3A_1081 = vector.shape_cast %xor3A_1080 : vector<16xi32> to vector<16x1xi32>
        %gather3A_1082 = vector.shape_cast %broadcast_in_dim3A_1081 : vector<16x1xi32> to vector<16xi32>
        %gather3A_1083 = tpu.dynamic_gather %add3A_1070[%gather3A_1082] in [0] : vector<16xf32>, vector<16xi32> -> vector<16xf32>
        %select_n3A_1084 = arith.select %eq3A_1076, %add3A_913, %gather3A_1083 : vector<16xi1>, vector<16xf32>
        %iota3A_1085 = tpu.iota {dimensions = array<i32: 0>} : vector<16xi32>
        %xor3A_1086 = arith.constant 4 : i32
        %xor3A_1087 = vector.broadcast %xor3A_1086 : i32 to vector<16xi32>
        %xor3A_1088 = arith.xori %iota3A_1085, %xor3A_1087 : vector<16xi32>
        %broadcast_in_dim3A_1089 = vector.shape_cast %xor3A_1088 : vector<16xi32> to vector<16x1xi32>
        %gather3A_1090 = vector.shape_cast %broadcast_in_dim3A_1089 : vector<16x1xi32> to vector<16xi32>
        %gather3A_1091 = tpu.dynamic_gather %add3A_913[%gather3A_1090] in [0] : vector<16xf32>, vector<16xi32> -> vector<16xf32>
        %select_n3A_1092 = arith.select %eq3A_1076, %gather3A_1091, %add3A_1070 : vector<16xi1>, vector<16xf32>
        %add3A_1093 = arith.addf %select_n3A_1084, %select_n3A_1092 : vector<16xf32>
        %mul3A_1094 = arith.constant 16 : i32
        %mul3A_1095 = arith.muli %scan3A_66, %mul3A_1094 : i32
        %add3A_1096 = arith.constant 3 : i32
        %add3A_1097 = arith.addi %mul3A_1095, %add3A_1096 : i32
        %get3A_1098 = arith.index_cast %add3A_1097 : i32 to index
        %get3A_1099 = arith.constant 0 : index
        %get3A_1100 = tpu.vector_load %arg9[%get3A_1098, %get3A_1099] {strides = array<i32>} : memref<128x128xf32, #tpu.memory_space<vmem>>, vector<16xf32>,
        %get3A_1101 = arith.index_cast %add3A_1097 : i32 to index
        %get3A_1102 = arith.constant 0 : index
        %get3A_1103 = tpu.vector_load %arg10[%get3A_1101, %get3A_1102] {strides = array<i32>} : memref<128x128xf32, #tpu.memory_space<vmem>>, vector<16xf32>,
        %mul3A_1104 = arith.mulf %get3A_1100, %get3A_1103 : vector<16xf32>
        %get3A_1105 = arith.index_cast %add3A_1097 : i32 to index
        %get3A_1106 = arith.constant 16 : index
        %get3A_1107 = tpu.vector_load %arg9[%get3A_1105, %get3A_1106] {strides = array<i32>} : memref<128x128xf32, #tpu.memory_space<vmem>>, vector<16xf32>,
        %get3A_1108 = arith.index_cast %add3A_1097 : i32 to index
        %get3A_1109 = arith.constant 16 : index
        %get3A_1110 = tpu.vector_load %arg10[%get3A_1108, %get3A_1109] {strides = array<i32>} : memref<128x128xf32, #tpu.memory_space<vmem>>, vector<16xf32>,
        %mul3A_1111 = arith.mulf %get3A_1107, %get3A_1110 : vector<16xf32>
        %add3A_1112 = arith.addf %mul3A_1104, %mul3A_1111 : vector<16xf32>
        %get3A_1113 = arith.index_cast %add3A_1097 : i32 to index
        %get3A_1114 = arith.constant 32 : index
        %get3A_1115 = tpu.vector_load %arg9[%get3A_1113, %get3A_1114] {strides = array<i32>} : memref<128x128xf32, #tpu.memory_space<vmem>>, vector<16xf32>,
        %get3A_1116 = arith.index_cast %add3A_1097 : i32 to index
        %get3A_1117 = arith.constant 32 : index
        %get3A_1118 = tpu.vector_load %arg10[%get3A_1116, %get3A_1117] {strides = array<i32>} : memref<128x128xf32, #tpu.memory_space<vmem>>, vector<16xf32>,
        %mul3A_1119 = arith.mulf %get3A_1115, %get3A_1118 : vector<16xf32>
        %add3A_1120 = arith.addf %add3A_1112, %mul3A_1119 : vector<16xf32>
        %get3A_1121 = arith.index_cast %add3A_1097 : i32 to index
        %get3A_1122 = arith.constant 48 : index
        %get3A_1123 = tpu.vector_load %arg9[%get3A_1121, %get3A_1122] {strides = array<i32>} : memref<128x128xf32, #tpu.memory_space<vmem>>, vector<16xf32>,
        %get3A_1124 = arith.index_cast %add3A_1097 : i32 to index
        %get3A_1125 = arith.constant 48 : index
        %get3A_1126 = tpu.vector_load %arg10[%get3A_1124, %get3A_1125] {strides = array<i32>} : memref<128x128xf32, #tpu.memory_space<vmem>>, vector<16xf32>,
        %mul3A_1127 = arith.mulf %get3A_1123, %get3A_1126 : vector<16xf32>
        %add3A_1128 = arith.addf %add3A_1120, %mul3A_1127 : vector<16xf32>
        %get3A_1129 = arith.index_cast %add3A_1097 : i32 to index
        %get3A_1130 = arith.constant 64 : index
        %get3A_1131 = tpu.vector_load %arg9[%get3A_1129, %get3A_1130] {strides = array<i32>} : memref<128x128xf32, #tpu.memory_space<vmem>>, vector<16xf32>,
        %get3A_1132 = arith.index_cast %add3A_1097 : i32 to index
        %get3A_1133 = arith.constant 64 : index
        %get3A_1134 = tpu.vector_load %arg10[%get3A_1132, %get3A_1133] {strides = array<i32>} : memref<128x128xf32, #tpu.memory_space<vmem>>, vector<16xf32>,
        %mul3A_1135 = arith.mulf %get3A_1131, %get3A_1134 : vector<16xf32>
        %add3A_1136 = arith.addf %add3A_1128, %mul3A_1135 : vector<16xf32>
        %get3A_1137 = arith.index_cast %add3A_1097 : i32 to index
        %get3A_1138 = arith.constant 80 : index
        %get3A_1139 = tpu.vector_load %arg9[%get3A_1137, %get3A_1138] {strides = array<i32>} : memref<128x128xf32, #tpu.memory_space<vmem>>, vector<16xf32>,
        %get3A_1140 = arith.index_cast %add3A_1097 : i32 to index
        %get3A_1141 = arith.constant 80 : index
        %get3A_1142 = tpu.vector_load %arg10[%get3A_1140, %get3A_1141] {strides = array<i32>} : memref<128x128xf32, #tpu.memory_space<vmem>>, vector<16xf32>,
        %mul3A_1143 = arith.mulf %get3A_1139, %get3A_1142 : vector<16xf32>
        %add3A_1144 = arith.addf %add3A_1136, %mul3A_1143 : vector<16xf32>
        %get3A_1145 = arith.index_cast %add3A_1097 : i32 to index
        %get3A_1146 = arith.constant 96 : index
        %get3A_1147 = tpu.vector_load %arg9[%get3A_1145, %get3A_1146] {strides = array<i32>} : memref<128x128xf32, #tpu.memory_space<vmem>>, vector<16xf32>,
        %get3A_1148 = arith.index_cast %add3A_1097 : i32 to index
        %get3A_1149 = arith.constant 96 : index
        %get3A_1150 = tpu.vector_load %arg10[%get3A_1148, %get3A_1149] {strides = array<i32>} : memref<128x128xf32, #tpu.memory_space<vmem>>, vector<16xf32>,
        %mul3A_1151 = arith.mulf %get3A_1147, %get3A_1150 : vector<16xf32>
        %add3A_1152 = arith.addf %add3A_1144, %mul3A_1151 : vector<16xf32>
        %get3A_1153 = arith.index_cast %add3A_1097 : i32 to index
        %get3A_1154 = arith.constant 112 : index
        %get3A_1155 = tpu.vector_load %arg9[%get3A_1153, %get3A_1154] {strides = array<i32>} : memref<128x128xf32, #tpu.memory_space<vmem>>, vector<16xf32>,
        %get3A_1156 = arith.index_cast %add3A_1097 : i32 to index
        %get3A_1157 = arith.constant 112 : index
        %get3A_1158 = tpu.vector_load %arg10[%get3A_1156, %get3A_1157] {strides = array<i32>} : memref<128x128xf32, #tpu.memory_space<vmem>>, vector<16xf32>,
        %mul3A_1159 = arith.mulf %get3A_1155, %get3A_1158 : vector<16xf32>
        %add3A_1160 = arith.addf %add3A_1152, %mul3A_1159 : vector<16xf32>
        %mul3A_1161 = arith.constant 16 : i32
        %mul3A_1162 = arith.muli %scan3A_66, %mul3A_1161 : i32
        %add3A_1163 = arith.constant 11 : i32
        %add3A_1164 = arith.addi %mul3A_1162, %add3A_1163 : i32
        %get3A_1165 = arith.index_cast %add3A_1164 : i32 to index
        %get3A_1166 = arith.constant 0 : index
        %get3A_1167 = tpu.vector_load %arg9[%get3A_1165, %get3A_1166] {strides = array<i32>} : memref<128x128xf32, #tpu.memory_space<vmem>>, vector<16xf32>,
        %get3A_1168 = arith.index_cast %add3A_1164 : i32 to index
        %get3A_1169 = arith.constant 0 : index
        %get3A_1170 = tpu.vector_load %arg10[%get3A_1168, %get3A_1169] {strides = array<i32>} : memref<128x128xf32, #tpu.memory_space<vmem>>, vector<16xf32>,
        %mul3A_1171 = arith.mulf %get3A_1167, %get3A_1170 : vector<16xf32>
        %get3A_1172 = arith.index_cast %add3A_1164 : i32 to index
        %get3A_1173 = arith.constant 16 : index
        %get3A_1174 = tpu.vector_load %arg9[%get3A_1172, %get3A_1173] {strides = array<i32>} : memref<128x128xf32, #tpu.memory_space<vmem>>, vector<16xf32>,
        %get3A_1175 = arith.index_cast %add3A_1164 : i32 to index
        %get3A_1176 = arith.constant 16 : index
        %get3A_1177 = tpu.vector_load %arg10[%get3A_1175, %get3A_1176] {strides = array<i32>} : memref<128x128xf32, #tpu.memory_space<vmem>>, vector<16xf32>,
        %mul3A_1178 = arith.mulf %get3A_1174, %get3A_1177 : vector<16xf32>
        %add3A_1179 = arith.addf %mul3A_1171, %mul3A_1178 : vector<16xf32>
        %get3A_1180 = arith.index_cast %add3A_1164 : i32 to index
        %get3A_1181 = arith.constant 32 : index
        %get3A_1182 = tpu.vector_load %arg9[%get3A_1180, %get3A_1181] {strides = array<i32>} : memref<128x128xf32, #tpu.memory_space<vmem>>, vector<16xf32>,
        %get3A_1183 = arith.index_cast %add3A_1164 : i32 to index
        %get3A_1184 = arith.constant 32 : index
        %get3A_1185 = tpu.vector_load %arg10[%get3A_1183, %get3A_1184] {strides = array<i32>} : memref<128x128xf32, #tpu.memory_space<vmem>>, vector<16xf32>,
        %mul3A_1186 = arith.mulf %get3A_1182, %get3A_1185 : vector<16xf32>
        %add3A_1187 = arith.addf %add3A_1179, %mul3A_1186 : vector<16xf32>
        %get3A_1188 = arith.index_cast %add3A_1164 : i32 to index
        %get3A_1189 = arith.constant 48 : index
        %get3A_1190 = tpu.vector_load %arg9[%get3A_1188, %get3A_1189] {strides = array<i32>} : memref<128x128xf32, #tpu.memory_space<vmem>>, vector<16xf32>,
        %get3A_1191 = arith.index_cast %add3A_1164 : i32 to index
        %get3A_1192 = arith.constant 48 : index
        %get3A_1193 = tpu.vector_load %arg10[%get3A_1191, %get3A_1192] {strides = array<i32>} : memref<128x128xf32, #tpu.memory_space<vmem>>, vector<16xf32>,
        %mul3A_1194 = arith.mulf %get3A_1190, %get3A_1193 : vector<16xf32>
        %add3A_1195 = arith.addf %add3A_1187, %mul3A_1194 : vector<16xf32>
        %get3A_1196 = arith.index_cast %add3A_1164 : i32 to index
        %get3A_1197 = arith.constant 64 : index
        %get3A_1198 = tpu.vector_load %arg9[%get3A_1196, %get3A_1197] {strides = array<i32>} : memref<128x128xf32, #tpu.memory_space<vmem>>, vector<16xf32>,
        %get3A_1199 = arith.index_cast %add3A_1164 : i32 to index
        %get3A_1200 = arith.constant 64 : index
        %get3A_1201 = tpu.vector_load %arg10[%get3A_1199, %get3A_1200] {strides = array<i32>} : memref<128x128xf32, #tpu.memory_space<vmem>>, vector<16xf32>,
        %mul3A_1202 = arith.mulf %get3A_1198, %get3A_1201 : vector<16xf32>
        %add3A_1203 = arith.addf %add3A_1195, %mul3A_1202 : vector<16xf32>
        %get3A_1204 = arith.index_cast %add3A_1164 : i32 to index
        %get3A_1205 = arith.constant 80 : index
        %get3A_1206 = tpu.vector_load %arg9[%get3A_1204, %get3A_1205] {strides = array<i32>} : memref<128x128xf32, #tpu.memory_space<vmem>>, vector<16xf32>,
        %get3A_1207 = arith.index_cast %add3A_1164 : i32 to index
        %get3A_1208 = arith.constant 80 : index
        %get3A_1209 = tpu.vector_load %arg10[%get3A_1207, %get3A_1208] {strides = array<i32>} : memref<128x128xf32, #tpu.memory_space<vmem>>, vector<16xf32>,
        %mul3A_1210 = arith.mulf %get3A_1206, %get3A_1209 : vector<16xf32>
        %add3A_1211 = arith.addf %add3A_1203, %mul3A_1210 : vector<16xf32>
        %get3A_1212 = arith.index_cast %add3A_1164 : i32 to index
        %get3A_1213 = arith.constant 96 : index
        %get3A_1214 = tpu.vector_load %arg9[%get3A_1212, %get3A_1213] {strides = array<i32>} : memref<128x128xf32, #tpu.memory_space<vmem>>, vector<16xf32>,
        %get3A_1215 = arith.index_cast %add3A_1164 : i32 to index
        %get3A_1216 = arith.constant 96 : index
        %get3A_1217 = tpu.vector_load %arg10[%get3A_1215, %get3A_1216] {strides = array<i32>} : memref<128x128xf32, #tpu.memory_space<vmem>>, vector<16xf32>,
        %mul3A_1218 = arith.mulf %get3A_1214, %get3A_1217 : vector<16xf32>
        %add3A_1219 = arith.addf %add3A_1211, %mul3A_1218 : vector<16xf32>
        %get3A_1220 = arith.index_cast %add3A_1164 : i32 to index
        %get3A_1221 = arith.constant 112 : index
        %get3A_1222 = tpu.vector_load %arg9[%get3A_1220, %get3A_1221] {strides = array<i32>} : memref<128x128xf32, #tpu.memory_space<vmem>>, vector<16xf32>,
        %get3A_1223 = arith.index_cast %add3A_1164 : i32 to index
        %get3A_1224 = arith.constant 112 : index
        %get3A_1225 = tpu.vector_load %arg10[%get3A_1223, %get3A_1224] {strides = array<i32>} : memref<128x128xf32, #tpu.memory_space<vmem>>, vector<16xf32>,
        %mul3A_1226 = arith.mulf %get3A_1222, %get3A_1225 : vector<16xf32>
        %add3A_1227 = arith.addf %add3A_1219, %mul3A_1226 : vector<16xf32>
        %and3A_1228 = arith.constant 8 : i32
        %and3A_1229 = vector.broadcast %and3A_1228 : i32 to vector<16xi32>
        %and3A_1230 = arith.andi %iota3A, %and3A_1229 : vector<16xi32>
        %eq3A_1231 = arith.constant 0 : i32
        %eq3A_1232 = vector.broadcast %eq3A_1231 : i32 to vector<16xi32>
        %eq3A_1233 = arith.cmpi eq, %and3A_1230, %eq3A_1232 : vector<16xi32>
        %iota3A_1234 = tpu.iota {dimensions = array<i32: 0>} : vector<16xi32>
        %xor3A_1235 = arith.constant 8 : i32
        %xor3A_1236 = vector.broadcast %xor3A_1235 : i32 to vector<16xi32>
        %xor3A_1237 = arith.xori %iota3A_1234, %xor3A_1236 : vector<16xi32>
        %broadcast_in_dim3A_1238 = vector.shape_cast %xor3A_1237 : vector<16xi32> to vector<16x1xi32>
        %gather3A_1239 = vector.shape_cast %broadcast_in_dim3A_1238 : vector<16x1xi32> to vector<16xi32>
        %gather3A_1240 = tpu.dynamic_gather %add3A_1227[%gather3A_1239] in [0] : vector<16xf32>, vector<16xi32> -> vector<16xf32>
        %select_n3A_1241 = arith.select %eq3A_1233, %add3A_1160, %gather3A_1240 : vector<16xi1>, vector<16xf32>
        %iota3A_1242 = tpu.iota {dimensions = array<i32: 0>} : vector<16xi32>
        %xor3A_1243 = arith.constant 8 : i32
        %xor3A_1244 = vector.broadcast %xor3A_1243 : i32 to vector<16xi32>
        %xor3A_1245 = arith.xori %iota3A_1242, %xor3A_1244 : vector<16xi32>
        %broadcast_in_dim3A_1246 = vector.shape_cast %xor3A_1245 : vector<16xi32> to vector<16x1xi32>
        %gather3A_1247 = vector.shape_cast %broadcast_in_dim3A_1246 : vector<16x1xi32> to vector<16xi32>
        %gather3A_1248 = tpu.dynamic_gather %add3A_1160[%gather3A_1247] in [0] : vector<16xf32>, vector<16xi32> -> vector<16xf32>
        %select_n3A_1249 = arith.select %eq3A_1233, %gather3A_1248, %add3A_1227 : vector<16xi1>, vector<16xf32>
        %add3A_1250 = arith.addf %select_n3A_1241, %select_n3A_1249 : vector<16xf32>
        %mul3A_1251 = arith.constant 16 : i32
        %mul3A_1252 = arith.muli %scan3A_66, %mul3A_1251 : i32
        %add3A_1253 = arith.constant 7 : i32
        %add3A_1254 = arith.addi %mul3A_1252, %add3A_1253 : i32
        %get3A_1255 = arith.index_cast %add3A_1254 : i32 to index
        %get3A_1256 = arith.constant 0 : index
        %get3A_1257 = tpu.vector_load %arg9[%get3A_1255, %get3A_1256] {strides = array<i32>} : memref<128x128xf32, #tpu.memory_space<vmem>>, vector<16xf32>,
        %get3A_1258 = arith.index_cast %add3A_1254 : i32 to index
        %get3A_1259 = arith.constant 0 : index
        %get3A_1260 = tpu.vector_load %arg10[%get3A_1258, %get3A_1259] {strides = array<i32>} : memref<128x128xf32, #tpu.memory_space<vmem>>, vector<16xf32>,
        %mul3A_1261 = arith.mulf %get3A_1257, %get3A_1260 : vector<16xf32>
        %get3A_1262 = arith.index_cast %add3A_1254 : i32 to index
        %get3A_1263 = arith.constant 16 : index
        %get3A_1264 = tpu.vector_load %arg9[%get3A_1262, %get3A_1263] {strides = array<i32>} : memref<128x128xf32, #tpu.memory_space<vmem>>, vector<16xf32>,
        %get3A_1265 = arith.index_cast %add3A_1254 : i32 to index
        %get3A_1266 = arith.constant 16 : index
        %get3A_1267 = tpu.vector_load %arg10[%get3A_1265, %get3A_1266] {strides = array<i32>} : memref<128x128xf32, #tpu.memory_space<vmem>>, vector<16xf32>,
        %mul3A_1268 = arith.mulf %get3A_1264, %get3A_1267 : vector<16xf32>
        %add3A_1269 = arith.addf %mul3A_1261, %mul3A_1268 : vector<16xf32>
        %get3A_1270 = arith.index_cast %add3A_1254 : i32 to index
        %get3A_1271 = arith.constant 32 : index
        %get3A_1272 = tpu.vector_load %arg9[%get3A_1270, %get3A_1271] {strides = array<i32>} : memref<128x128xf32, #tpu.memory_space<vmem>>, vector<16xf32>,
        %get3A_1273 = arith.index_cast %add3A_1254 : i32 to index
        %get3A_1274 = arith.constant 32 : index
        %get3A_1275 = tpu.vector_load %arg10[%get3A_1273, %get3A_1274] {strides = array<i32>} : memref<128x128xf32, #tpu.memory_space<vmem>>, vector<16xf32>,
        %mul3A_1276 = arith.mulf %get3A_1272, %get3A_1275 : vector<16xf32>
        %add3A_1277 = arith.addf %add3A_1269, %mul3A_1276 : vector<16xf32>
        %get3A_1278 = arith.index_cast %add3A_1254 : i32 to index
        %get3A_1279 = arith.constant 48 : index
        %get3A_1280 = tpu.vector_load %arg9[%get3A_1278, %get3A_1279] {strides = array<i32>} : memref<128x128xf32, #tpu.memory_space<vmem>>, vector<16xf32>,
        %get3A_1281 = arith.index_cast %add3A_1254 : i32 to index
        %get3A_1282 = arith.constant 48 : index
        %get3A_1283 = tpu.vector_load %arg10[%get3A_1281, %get3A_1282] {strides = array<i32>} : memref<128x128xf32, #tpu.memory_space<vmem>>, vector<16xf32>,
        %mul3A_1284 = arith.mulf %get3A_1280, %get3A_1283 : vector<16xf32>
        %add3A_1285 = arith.addf %add3A_1277, %mul3A_1284 : vector<16xf32>
        %get3A_1286 = arith.index_cast %add3A_1254 : i32 to index
        %get3A_1287 = arith.constant 64 : index
        %get3A_1288 = tpu.vector_load %arg9[%get3A_1286, %get3A_1287] {strides = array<i32>} : memref<128x128xf32, #tpu.memory_space<vmem>>, vector<16xf32>,
        %get3A_1289 = arith.index_cast %add3A_1254 : i32 to index
        %get3A_1290 = arith.constant 64 : index
        %get3A_1291 = tpu.vector_load %arg10[%get3A_1289, %get3A_1290] {strides = array<i32>} : memref<128x128xf32, #tpu.memory_space<vmem>>, vector<16xf32>,
        %mul3A_1292 = arith.mulf %get3A_1288, %get3A_1291 : vector<16xf32>
        %add3A_1293 = arith.addf %add3A_1285, %mul3A_1292 : vector<16xf32>
        %get3A_1294 = arith.index_cast %add3A_1254 : i32 to index
        %get3A_1295 = arith.constant 80 : index
        %get3A_1296 = tpu.vector_load %arg9[%get3A_1294, %get3A_1295] {strides = array<i32>} : memref<128x128xf32, #tpu.memory_space<vmem>>, vector<16xf32>,
        %get3A_1297 = arith.index_cast %add3A_1254 : i32 to index
        %get3A_1298 = arith.constant 80 : index
        %get3A_1299 = tpu.vector_load %arg10[%get3A_1297, %get3A_1298] {strides = array<i32>} : memref<128x128xf32, #tpu.memory_space<vmem>>, vector<16xf32>,
        %mul3A_1300 = arith.mulf %get3A_1296, %get3A_1299 : vector<16xf32>
        %add3A_1301 = arith.addf %add3A_1293, %mul3A_1300 : vector<16xf32>
        %get3A_1302 = arith.index_cast %add3A_1254 : i32 to index
        %get3A_1303 = arith.constant 96 : index
        %get3A_1304 = tpu.vector_load %arg9[%get3A_1302, %get3A_1303] {strides = array<i32>} : memref<128x128xf32, #tpu.memory_space<vmem>>, vector<16xf32>,
        %get3A_1305 = arith.index_cast %add3A_1254 : i32 to index
        %get3A_1306 = arith.constant 96 : index
        %get3A_1307 = tpu.vector_load %arg10[%get3A_1305, %get3A_1306] {strides = array<i32>} : memref<128x128xf32, #tpu.memory_space<vmem>>, vector<16xf32>,
        %mul3A_1308 = arith.mulf %get3A_1304, %get3A_1307 : vector<16xf32>
        %add3A_1309 = arith.addf %add3A_1301, %mul3A_1308 : vector<16xf32>
        %get3A_1310 = arith.index_cast %add3A_1254 : i32 to index
        %get3A_1311 = arith.constant 112 : index
        %get3A_1312 = tpu.vector_load %arg9[%get3A_1310, %get3A_1311] {strides = array<i32>} : memref<128x128xf32, #tpu.memory_space<vmem>>, vector<16xf32>,
        %get3A_1313 = arith.index_cast %add3A_1254 : i32 to index
        %get3A_1314 = arith.constant 112 : index
        %get3A_1315 = tpu.vector_load %arg10[%get3A_1313, %get3A_1314] {strides = array<i32>} : memref<128x128xf32, #tpu.memory_space<vmem>>, vector<16xf32>,
        %mul3A_1316 = arith.mulf %get3A_1312, %get3A_1315 : vector<16xf32>
        %add3A_1317 = arith.addf %add3A_1309, %mul3A_1316 : vector<16xf32>
        %mul3A_1318 = arith.constant 16 : i32
        %mul3A_1319 = arith.muli %scan3A_66, %mul3A_1318 : i32
        %add3A_1320 = arith.constant 15 : i32
        %add3A_1321 = arith.addi %mul3A_1319, %add3A_1320 : i32
        %get3A_1322 = arith.index_cast %add3A_1321 : i32 to index
        %get3A_1323 = arith.constant 0 : index
        %get3A_1324 = tpu.vector_load %arg9[%get3A_1322, %get3A_1323] {strides = array<i32>} : memref<128x128xf32, #tpu.memory_space<vmem>>, vector<16xf32>,
        %get3A_1325 = arith.index_cast %add3A_1321 : i32 to index
        %get3A_1326 = arith.constant 0 : index
        %get3A_1327 = tpu.vector_load %arg10[%get3A_1325, %get3A_1326] {strides = array<i32>} : memref<128x128xf32, #tpu.memory_space<vmem>>, vector<16xf32>,
        %mul3A_1328 = arith.mulf %get3A_1324, %get3A_1327 : vector<16xf32>
        %get3A_1329 = arith.index_cast %add3A_1321 : i32 to index
        %get3A_1330 = arith.constant 16 : index
        %get3A_1331 = tpu.vector_load %arg9[%get3A_1329, %get3A_1330] {strides = array<i32>} : memref<128x128xf32, #tpu.memory_space<vmem>>, vector<16xf32>,
        %get3A_1332 = arith.index_cast %add3A_1321 : i32 to index
        %get3A_1333 = arith.constant 16 : index
        %get3A_1334 = tpu.vector_load %arg10[%get3A_1332, %get3A_1333] {strides = array<i32>} : memref<128x128xf32, #tpu.memory_space<vmem>>, vector<16xf32>,
        %mul3A_1335 = arith.mulf %get3A_1331, %get3A_1334 : vector<16xf32>
        %add3A_1336 = arith.addf %mul3A_1328, %mul3A_1335 : vector<16xf32>
        %get3A_1337 = arith.index_cast %add3A_1321 : i32 to index
        %get3A_1338 = arith.constant 32 : index
        %get3A_1339 = tpu.vector_load %arg9[%get3A_1337, %get3A_1338] {strides = array<i32>} : memref<128x128xf32, #tpu.memory_space<vmem>>, vector<16xf32>,
        %get3A_1340 = arith.index_cast %add3A_1321 : i32 to index
        %get3A_1341 = arith.constant 32 : index
        %get3A_1342 = tpu.vector_load %arg10[%get3A_1340, %get3A_1341] {strides = array<i32>} : memref<128x128xf32, #tpu.memory_space<vmem>>, vector<16xf32>,
        %mul3A_1343 = arith.mulf %get3A_1339, %get3A_1342 : vector<16xf32>
        %add3A_1344 = arith.addf %add3A_1336, %mul3A_1343 : vector<16xf32>
        %get3A_1345 = arith.index_cast %add3A_1321 : i32 to index
        %get3A_1346 = arith.constant 48 : index
        %get3A_1347 = tpu.vector_load %arg9[%get3A_1345, %get3A_1346] {strides = array<i32>} : memref<128x128xf32, #tpu.memory_space<vmem>>, vector<16xf32>,
        %get3A_1348 = arith.index_cast %add3A_1321 : i32 to index
        %get3A_1349 = arith.constant 48 : index
        %get3A_1350 = tpu.vector_load %arg10[%get3A_1348, %get3A_1349] {strides = array<i32>} : memref<128x128xf32, #tpu.memory_space<vmem>>, vector<16xf32>,
        %mul3A_1351 = arith.mulf %get3A_1347, %get3A_1350 : vector<16xf32>
        %add3A_1352 = arith.addf %add3A_1344, %mul3A_1351 : vector<16xf32>
        %get3A_1353 = arith.index_cast %add3A_1321 : i32 to index
        %get3A_1354 = arith.constant 64 : index
        %get3A_1355 = tpu.vector_load %arg9[%get3A_1353, %get3A_1354] {strides = array<i32>} : memref<128x128xf32, #tpu.memory_space<vmem>>, vector<16xf32>,
        %get3A_1356 = arith.index_cast %add3A_1321 : i32 to index
        %get3A_1357 = arith.constant 64 : index
        %get3A_1358 = tpu.vector_load %arg10[%get3A_1356, %get3A_1357] {strides = array<i32>} : memref<128x128xf32, #tpu.memory_space<vmem>>, vector<16xf32>,
        %mul3A_1359 = arith.mulf %get3A_1355, %get3A_1358 : vector<16xf32>
        %add3A_1360 = arith.addf %add3A_1352, %mul3A_1359 : vector<16xf32>
        %get3A_1361 = arith.index_cast %add3A_1321 : i32 to index
        %get3A_1362 = arith.constant 80 : index
        %get3A_1363 = tpu.vector_load %arg9[%get3A_1361, %get3A_1362] {strides = array<i32>} : memref<128x128xf32, #tpu.memory_space<vmem>>, vector<16xf32>,
        %get3A_1364 = arith.index_cast %add3A_1321 : i32 to index
        %get3A_1365 = arith.constant 80 : index
        %get3A_1366 = tpu.vector_load %arg10[%get3A_1364, %get3A_1365] {strides = array<i32>} : memref<128x128xf32, #tpu.memory_space<vmem>>, vector<16xf32>,
        %mul3A_1367 = arith.mulf %get3A_1363, %get3A_1366 : vector<16xf32>
        %add3A_1368 = arith.addf %add3A_1360, %mul3A_1367 : vector<16xf32>
        %get3A_1369 = arith.index_cast %add3A_1321 : i32 to index
        %get3A_1370 = arith.constant 96 : index
        %get3A_1371 = tpu.vector_load %arg9[%get3A_1369, %get3A_1370] {strides = array<i32>} : memref<128x128xf32, #tpu.memory_space<vmem>>, vector<16xf32>,
        %get3A_1372 = arith.index_cast %add3A_1321 : i32 to index
        %get3A_1373 = arith.constant 96 : index
        %get3A_1374 = tpu.vector_load %arg10[%get3A_1372, %get3A_1373] {strides = array<i32>} : memref<128x128xf32, #tpu.memory_space<vmem>>, vector<16xf32>,
        %mul3A_1375 = arith.mulf %get3A_1371, %get3A_1374 : vector<16xf32>
        %add3A_1376 = arith.addf %add3A_1368, %mul3A_1375 : vector<16xf32>
        %get3A_1377 = arith.index_cast %add3A_1321 : i32 to index
        %get3A_1378 = arith.constant 112 : index
        %get3A_1379 = tpu.vector_load %arg9[%get3A_1377, %get3A_1378] {strides = array<i32>} : memref<128x128xf32, #tpu.memory_space<vmem>>, vector<16xf32>,
        %get3A_1380 = arith.index_cast %add3A_1321 : i32 to index
        %get3A_1381 = arith.constant 112 : index
        %get3A_1382 = tpu.vector_load %arg10[%get3A_1380, %get3A_1381] {strides = array<i32>} : memref<128x128xf32, #tpu.memory_space<vmem>>, vector<16xf32>,
        %mul3A_1383 = arith.mulf %get3A_1379, %get3A_1382 : vector<16xf32>
        %add3A_1384 = arith.addf %add3A_1376, %mul3A_1383 : vector<16xf32>
        %and3A_1385 = arith.constant 8 : i32
        %and3A_1386 = vector.broadcast %and3A_1385 : i32 to vector<16xi32>
        %and3A_1387 = arith.andi %iota3A, %and3A_1386 : vector<16xi32>
        %eq3A_1388 = arith.constant 0 : i32
        %eq3A_1389 = vector.broadcast %eq3A_1388 : i32 to vector<16xi32>
        %eq3A_1390 = arith.cmpi eq, %and3A_1387, %eq3A_1389 : vector<16xi32>
        %iota3A_1391 = tpu.iota {dimensions = array<i32: 0>} : vector<16xi32>
        %xor3A_1392 = arith.constant 8 : i32
        %xor3A_1393 = vector.broadcast %xor3A_1392 : i32 to vector<16xi32>
        %xor3A_1394 = arith.xori %iota3A_1391, %xor3A_1393 : vector<16xi32>
        %broadcast_in_dim3A_1395 = vector.shape_cast %xor3A_1394 : vector<16xi32> to vector<16x1xi32>
        %gather3A_1396 = vector.shape_cast %broadcast_in_dim3A_1395 : vector<16x1xi32> to vector<16xi32>
        %gather3A_1397 = tpu.dynamic_gather %add3A_1384[%gather3A_1396] in [0] : vector<16xf32>, vector<16xi32> -> vector<16xf32>
        %select_n3A_1398 = arith.select %eq3A_1390, %add3A_1317, %gather3A_1397 : vector<16xi1>, vector<16xf32>
        %iota3A_1399 = tpu.iota {dimensions = array<i32: 0>} : vector<16xi32>
        %xor3A_1400 = arith.constant 8 : i32
        %xor3A_1401 = vector.broadcast %xor3A_1400 : i32 to vector<16xi32>
        %xor3A_1402 = arith.xori %iota3A_1399, %xor3A_1401 : vector<16xi32>
        %broadcast_in_dim3A_1403 = vector.shape_cast %xor3A_1402 : vector<16xi32> to vector<16x1xi32>
        %gather3A_1404 = vector.shape_cast %broadcast_in_dim3A_1403 : vector<16x1xi32> to vector<16xi32>
        %gather3A_1405 = tpu.dynamic_gather %add3A_1317[%gather3A_1404] in [0] : vector<16xf32>, vector<16xi32> -> vector<16xf32>
        %select_n3A_1406 = arith.select %eq3A_1390, %gather3A_1405, %add3A_1384 : vector<16xi1>, vector<16xf32>
        %add3A_1407 = arith.addf %select_n3A_1398, %select_n3A_1406 : vector<16xf32>
        %and3A_1408 = arith.constant 4 : i32
        %and3A_1409 = vector.broadcast %and3A_1408 : i32 to vector<16xi32>
        %and3A_1410 = arith.andi %iota3A, %and3A_1409 : vector<16xi32>
        %eq3A_1411 = arith.constant 0 : i32
        %eq3A_1412 = vector.broadcast %eq3A_1411 : i32 to vector<16xi32>
        %eq3A_1413 = arith.cmpi eq, %and3A_1410, %eq3A_1412 : vector<16xi32>
        %iota3A_1414 = tpu.iota {dimensions = array<i32: 0>} : vector<16xi32>
        %xor3A_1415 = arith.constant 4 : i32
        %xor3A_1416 = vector.broadcast %xor3A_1415 : i32 to vector<16xi32>
        %xor3A_1417 = arith.xori %iota3A_1414, %xor3A_1416 : vector<16xi32>
        %broadcast_in_dim3A_1418 = vector.shape_cast %xor3A_1417 : vector<16xi32> to vector<16x1xi32>
        %gather3A_1419 = vector.shape_cast %broadcast_in_dim3A_1418 : vector<16x1xi32> to vector<16xi32>
        %gather3A_1420 = tpu.dynamic_gather %add3A_1407[%gather3A_1419] in [0] : vector<16xf32>, vector<16xi32> -> vector<16xf32>
        %select_n3A_1421 = arith.select %eq3A_1413, %add3A_1250, %gather3A_1420 : vector<16xi1>, vector<16xf32>
        %iota3A_1422 = tpu.iota {dimensions = array<i32: 0>} : vector<16xi32>
        %xor3A_1423 = arith.constant 4 : i32
        %xor3A_1424 = vector.broadcast %xor3A_1423 : i32 to vector<16xi32>
        %xor3A_1425 = arith.xori %iota3A_1422, %xor3A_1424 : vector<16xi32>
        %broadcast_in_dim3A_1426 = vector.shape_cast %xor3A_1425 : vector<16xi32> to vector<16x1xi32>
        %gather3A_1427 = vector.shape_cast %broadcast_in_dim3A_1426 : vector<16x1xi32> to vector<16xi32>
        %gather3A_1428 = tpu.dynamic_gather %add3A_1250[%gather3A_1427] in [0] : vector<16xf32>, vector<16xi32> -> vector<16xf32>
        %select_n3A_1429 = arith.select %eq3A_1413, %gather3A_1428, %add3A_1407 : vector<16xi1>, vector<16xf32>
        %add3A_1430 = arith.addf %select_n3A_1421, %select_n3A_1429 : vector<16xf32>
        %and3A_1431 = arith.constant 2 : i32
        %and3A_1432 = vector.broadcast %and3A_1431 : i32 to vector<16xi32>
        %and3A_1433 = arith.andi %iota3A, %and3A_1432 : vector<16xi32>
        %eq3A_1434 = arith.constant 0 : i32
        %eq3A_1435 = vector.broadcast %eq3A_1434 : i32 to vector<16xi32>
        %eq3A_1436 = arith.cmpi eq, %and3A_1433, %eq3A_1435 : vector<16xi32>
        %iota3A_1437 = tpu.iota {dimensions = array<i32: 0>} : vector<16xi32>
        %xor3A_1438 = arith.constant 2 : i32
        %xor3A_1439 = vector.broadcast %xor3A_1438 : i32 to vector<16xi32>
        %xor3A_1440 = arith.xori %iota3A_1437, %xor3A_1439 : vector<16xi32>
        %broadcast_in_dim3A_1441 = vector.shape_cast %xor3A_1440 : vector<16xi32> to vector<16x1xi32>
        %gather3A_1442 = vector.shape_cast %broadcast_in_dim3A_1441 : vector<16x1xi32> to vector<16xi32>
        %gather3A_1443 = tpu.dynamic_gather %add3A_1430[%gather3A_1442] in [0] : vector<16xf32>, vector<16xi32> -> vector<16xf32>
        %select_n3A_1444 = arith.select %eq3A_1436, %add3A_1093, %gather3A_1443 : vector<16xi1>, vector<16xf32>
        %iota3A_1445 = tpu.iota {dimensions = array<i32: 0>} : vector<16xi32>
        %xor3A_1446 = arith.constant 2 : i32
        %xor3A_1447 = vector.broadcast %xor3A_1446 : i32 to vector<16xi32>
        %xor3A_1448 = arith.xori %iota3A_1445, %xor3A_1447 : vector<16xi32>
        %broadcast_in_dim3A_1449 = vector.shape_cast %xor3A_1448 : vector<16xi32> to vector<16x1xi32>
        %gather3A_1450 = vector.shape_cast %broadcast_in_dim3A_1449 : vector<16x1xi32> to vector<16xi32>
        %gather3A_1451 = tpu.dynamic_gather %add3A_1093[%gather3A_1450] in [0] : vector<16xf32>, vector<16xi32> -> vector<16xf32>
        %select_n3A_1452 = arith.select %eq3A_1436, %gather3A_1451, %add3A_1430 : vector<16xi1>, vector<16xf32>
        %add3A_1453 = arith.addf %select_n3A_1444, %select_n3A_1452 : vector<16xf32>
        %and3A_1454 = arith.constant 1 : i32
        %and3A_1455 = vector.broadcast %and3A_1454 : i32 to vector<16xi32>
        %and3A_1456 = arith.andi %iota3A, %and3A_1455 : vector<16xi32>
        %eq3A_1457 = arith.constant 0 : i32
        %eq3A_1458 = vector.broadcast %eq3A_1457 : i32 to vector<16xi32>
        %eq3A_1459 = arith.cmpi eq, %and3A_1456, %eq3A_1458 : vector<16xi32>
        %iota3A_1460 = tpu.iota {dimensions = array<i32: 0>} : vector<16xi32>
        %xor3A_1461 = arith.constant 1 : i32
        %xor3A_1462 = vector.broadcast %xor3A_1461 : i32 to vector<16xi32>
        %xor3A_1463 = arith.xori %iota3A_1460, %xor3A_1462 : vector<16xi32>
        %broadcast_in_dim3A_1464 = vector.shape_cast %xor3A_1463 : vector<16xi32> to vector<16x1xi32>
        %gather3A_1465 = vector.shape_cast %broadcast_in_dim3A_1464 : vector<16x1xi32> to vector<16xi32>
        %gather3A_1466 = tpu.dynamic_gather %add3A_1453[%gather3A_1465] in [0] : vector<16xf32>, vector<16xi32> -> vector<16xf32>
        %select_n3A_1467 = arith.select %eq3A_1459, %add3A_756, %gather3A_1466 : vector<16xi1>, vector<16xf32>
        %iota3A_1468 = tpu.iota {dimensions = array<i32: 0>} : vector<16xi32>
        %xor3A_1469 = arith.constant 1 : i32
        %xor3A_1470 = vector.broadcast %xor3A_1469 : i32 to vector<16xi32>
        %xor3A_1471 = arith.xori %iota3A_1468, %xor3A_1470 : vector<16xi32>
        %broadcast_in_dim3A_1472 = vector.shape_cast %xor3A_1471 : vector<16xi32> to vector<16x1xi32>
        %gather3A_1473 = vector.shape_cast %broadcast_in_dim3A_1472 : vector<16x1xi32> to vector<16xi32>
        %gather3A_1474 = tpu.dynamic_gather %add3A_756[%gather3A_1473] in [0] : vector<16xf32>, vector<16xi32> -> vector<16xf32>
        %select_n3A_1475 = arith.select %eq3A_1459, %gather3A_1474, %add3A_1453 : vector<16xi1>, vector<16xf32>
        %add3A_1476 = arith.addf %select_n3A_1467, %select_n3A_1475 : vector<16xf32>
        %mul3A_1477 = arith.constant 16 : i32
        %mul3A_1478 = arith.muli %scan3A_66, %mul3A_1477 : i32
        %add3A_1479 = arith.constant 0 : i32
        %add3A_1480 = arith.addi %add3A_1479, %mul3A_1478 : i32
        %swap3A = arith.index_cast %add3A_1480 : i32 to index
        %swap3A_1481 = tpu.vector_load %arg13[%swap3A] {strides = array<i32>} : memref<9984xf32, #tpu.memory_space<vmem>>, vector<16xf32>,
        tpu.vector_store %arg13[%swap3A], %add3A_1476 {strides = array<i32>} : memref<9984xf32, #tpu.memory_space<vmem>>, vector<16xf32>,
      }
      %scan3A_63 = arith.constant 8 : i32
      %mul3A_64 = arith.constant 128 : i32
      %mul3A_65 = arith.muli %add3A_33, %mul3A_64 : i32
      "tpu.region"() ({
        %run_scoped3A = tpu.sem_alloc : memref<!tpu.dma_semaphore, #tpu.memory_space<semaphore_mem>>
        %dma_start3A_66 = arith.constant 0 : i32
        %dma_start3A_67 = tpu.memref_slice %arg13[%dma_start3A_66] : memref<9984xf32, #tpu.memory_space<vmem>> -> memref<128xf32, #tpu.memory_space<vmem>>
        %dma_start3A_68 = tpu.memref_slice %arg6[%mul3A_65] : memref<320000xf32, #tpu.memory_space<hbm>> -> memref<128xf32, #tpu.memory_space<hbm>>
        %dma_start3A_69 = tpu.memref_slice %arg6[%mul3A_65] : memref<320000xf32, #tpu.memory_space<hbm>> -> memref<128xf32, #tpu.memory_space<hbm>>
        %dma_start3A_70 = arith.constant 0 : i32
        %dma_start3A_71 = tpu.memref_slice %arg13[%dma_start3A_70] : memref<9984xf32, #tpu.memory_space<vmem>> -> memref<128xf32, #tpu.memory_space<vmem>>
        tpu.enqueue_dma source(%dma_start3A_71 : memref<128xf32, #tpu.memory_space<vmem>>) target(%dma_start3A_69 : memref<128xf32, #tpu.memory_space<hbm>>) target_semaphore(%run_scoped3A : memref<!tpu.dma_semaphore, #tpu.memory_space<semaphore_mem>>)
        %dma_wait3A_72 = arith.constant 0 : i32
        %dma_wait3A_73 = tpu.memref_slice %arg13[%dma_wait3A_72] : memref<9984xf32, #tpu.memory_space<vmem>> -> memref<128xf32, #tpu.memory_space<vmem>>
        %dma_wait3A_74 = tpu.memref_slice %arg6[%mul3A_65] : memref<320000xf32, #tpu.memory_space<hbm>> -> memref<128xf32, #tpu.memory_space<hbm>>
        %dma_wait3A_75 = tpu.memref_slice %arg6[%mul3A_65] : memref<320000xf32, #tpu.memory_space<hbm>> -> memref<128xf32, #tpu.memory_space<hbm>>
        %dma_wait3A_76 = arith.constant 0 : i32
        %dma_wait3A_77 = tpu.memref_slice %arg13[%dma_wait3A_76] : memref<9984xf32, #tpu.memory_space<vmem>> -> memref<128xf32, #tpu.memory_space<vmem>>
        tpu.wait_dma2 semaphore(%run_scoped3A : memref<!tpu.dma_semaphore, #tpu.memory_space<semaphore_mem>>) src(%dma_wait3A_77 : memref<128xf32, #tpu.memory_space<vmem>>) dst(%dma_wait3A_75 : memref<128xf32, #tpu.memory_space<hbm>>)
        tpu.yield
      }) : () -> ()
    } else {
    }
    return
  }
}

</mosaic_0001>

<sc_bundles>
// kernel: kernel.3.cloned.1.call-start
scs
__scs_entry_jumppad:
0x0: {  	(pc) =	sbr.rel $0x88, $3  }
0x1: {  	(tag) =	ssettag $0x0;
	lr =	simm.s32 $0x1  }
0x2: {  	[smem:$0x3F9E] =	sst lr;
	_ =	strace $0xD0000000  }
0x3: {  	_ = 	snop  }
0x4: {  	_ = 	snop  }
0x5: {  	_ = 	snop  }
0x6: {  	_ = 	snop  }
0x7: {  	_ = 	snop  }
__scs_overlays_trampoline_lowered:
0x8: {  	[smem:$0x3FAD] =	sst s0  }
0x9: {  	[smem:$0x3FAE] =	sst s1  }
0xa: {  	[smem:$0x3FAF] =	sst s2  }
0xb: {  	[smem:$0x3FB0] =	sst s3  }
0xc: {  	[smem:$0x3FB1] =	sst s4  }
0xd: {  	[smem:$0x3FB2] =	sst s5  }
0xe: {  	[smem:$0x3FB3] =	sst s6  }
0xf: {  	[smem:$0x3FB4] =	sst s7  }
0x10: {  	[smem:$0x3FB5] =	sst s8  }
0x11: {  	[smem:$0x3FB6] =	sst s9;
	s0 =	simm.s32 @!p0 $0x0  }
0x12: {  	s1 =	sld [smem:$0x3F9C];
	s0 =	simm.s32 @p0 $0x1  }
0x13: {  	[smem:$0x3FB7] =	sst s0;
	s0 =	simm.s32 @!p1 $0x0  }
0x14: {  	s2 =	sld [smem:$0x3F9B];
	s0 =	simm.s32 @p1 $0x1  }
0x15: {  	[smem:$0x3FB8] =	sst s0;
	s0 =	simm.s32 @!p2 $0x0  }
0x16: {  	s3 =	sld [smem:$0x3FDB];
	s0 =	simm.s32 @p2 $0x1  }
0x17: {  	s4 =	simm.s32 $0x1BF5;
	[smem:$0x3FBA] =	sst s0  }
0x18: {  	s0 =	sld [smem:$0x3F9D];
	_ =	swait.ge [sflag:s4], $0x0  }
0x19: {  	s7 =	sld [smem:$0x3F9E]  }
0x1a: {  	s8 =	sadd.s32 $0xFFFFE003, lr  }
0x1b: {  	s9 =	sadd.s32 $0xFFFFFEF7, lr;
	s5 =	simm.s32 $0xFFFFFFFF;
	p2 =	slt.u32 s8, $0xFFFFF086  }
0x1c: {  	p1 =	slt.u32 s9, $0xF7A;
	s5 =	simm.s32 @!p2 $0x0  }
0x1d: {  	s5 =	simm.s32 @p1 $0x1;
	p0 =	seq.s32 s7, s2  }
0x1e: {  	s7 =	smul.u32 @!p0 $0xF7A, s2;
	p2 =	seq.s32 @!p0 s5, $0x0  }
0x1f: {  	s9 =	smul.u32 $0xF7A, s1;
	s8 =	simm.s32 @!p0 $0x1BF5;
	p2 =	por !p2, p0  }
0x20: {  	[sflag:s8] =	ssyncset.s32 @!p0 $0xFFFFF086;
	s6 =	sadd.s32 @!p0 s3, s7;
	s7 =	simm.s32 @!p0 $0x108  }
0x21: {  	s3 =	sadd.s32 s3, s9;
	s6 =	sadd.s32 @!p0 $0x88, s6;
	s7 =	simm.s32 @p2 $0x1082  }
0x22: {  	[simem:s7], [sflag:s8] =	dma.local @!p0 [hbm:s6], $0xF7A  }
0x23: {  	s9 =	sor.u32 $0xD0000000, s2;
	s6 =	simm.s32 $0x108;
	_ =	swait.ge @!p0 [sflag:s8], $0x0  }
0x24: {  	s3 =	sadd.s32 $0x88, s3;
	s6 =	simm.s32 @!p1 $0x1082;
	[sflag:s4] =	ssyncset.s32 $0xFFFFF086  }
0x25: {  	[simem:s6], [sflag:s4] =	dma.local [hbm:s3], $0xF7A  }
0x26: {  	[smem:$0x3F9E] =	sst s1;
	(tag) =	ssettag s2;
	_ =	strace s9  }
0x27: {  	s1 =	sld [smem:$0x3FAE]  }
0x28: {  	s2 =	sld [smem:$0x3FAF]  }
0x29: {  	s4 =	sld [smem:$0x3FB1]  }
0x2a: {  	p0 =	seq.s32 s5, $0x0;
	s5 =	sld [smem:$0x3FB2]  }
0x2b: {  	s6 =	sld [smem:$0x3FB3]  }
0x2c: {  	s7 =	sld [smem:$0x3FB4]  }
0x2d: {  	s3 =	simm.s32 $0x108;
	s8 =	sld [smem:$0x3FB5]  }
0x2e: {  	s3 =	simm.s32 @!p0 $0x1082;
	s9 =	sld [smem:$0x3FB6]  }
0x2f: {  	lr =	sadd.s32 s0, s3;
	s0 =	sld [smem:$0x3FAD]  }
0x30: {  	s3 =	sld [smem:$0x3FB0]  }
0x31: {  	[smem:$0x3FB9] =	sst s10  }
0x32: {  	s10 =	sld [smem:$0x3FB7];
	_ =	sdelay $0x3  }
0x33: {  	p0 =	seq.s32 s10, $0x1;
	s10 =	sld [smem:$0x3FB9];
	_ =	sdelay $0x3  }
0x34: {  	[smem:$0x3FB9] =	sst s10  }
0x35: {  	s10 =	sld [smem:$0x3FB8];
	_ =	sdelay $0x3  }
0x36: {  	p1 =	seq.s32 s10, $0x1;
	s10 =	sld [smem:$0x3FB9];
	_ =	sdelay $0x3  }
0x37: {  	[smem:$0x3FB9] =	sst s10  }
0x38: {  	s10 =	sld [smem:$0x3FBA]  }
0x39: {  	_ = 	snop;
	(pc) =	sbr.ind lr, $3  }
0x3a: {  	_ = 	snop  }
0x3b: {  	_ = 	snop  }
0x3c: {  	p2 =	seq.s32 s10, $0x1;
	s10 =	sld [smem:$0x3FB9]  }
0x3d: {  	_ =	shalt  }
0x3e: {  	_ =	shalt  }
0x3f: {  	_ =	shalt  }
0x40: {  	_ =	shalt  }
0x41: {  	_ =	shalt  }
0x42: {  	_ =	shalt  }
0x43: {  	_ =	shalt  }
0x44: {  	_ =	shalt  }
0x45: {  	_ =	shalt  }
0x46: {  	_ =	shalt  }
0x47: {  	_ =	shalt  }
0x48: {  	_ =	shalt  }
0x49: {  	_ =	shalt  }
0x4a: {  	_ =	shalt  }
0x4b: {  	_ =	shalt  }
0x4c: {  	_ =	shalt  }
0x4d: {  	_ =	shalt  }
0x4e: {  	_ =	shalt  }
0x4f: {  	_ =	shalt  }
0x50: {  	_ =	shalt  }
0x51: {  	_ =	shalt  }
0x52: {  	_ =	shalt  }
0x53: {  	_ =	shalt  }
0x54: {  	_ =	shalt  }
0x55: {  	_ =	shalt  }
0x56: {  	_ =	shalt  }
0x57: {  	_ =	shalt  }
0x58: {  	_ =	shalt  }
0x59: {  	_ =	shalt  }
0x5a: {  	_ =	shalt  }
0x5b: {  	_ =	shalt  }
0x5c: {  	_ =	shalt  }
0x5d: {  	_ =	shalt  }
0x5e: {  	_ =	shalt  }
0x5f: {  	_ =	shalt  }
0x60: {  	_ =	shalt  }
0x61: {  	_ =	shalt  }
0x62: {  	_ =	shalt  }
0x63: {  	_ =	shalt  }
0x64: {  	_ =	shalt  }
0x65: {  	_ =	shalt  }
0x66: {  	_ =	shalt  }
0x67: {  	_ =	shalt  }
0x68: {  	_ =	shalt  }
0x69: {  	_ =	shalt  }
0x6a: {  	_ =	shalt  }
0x6b: {  	_ =	shalt  }
0x6c: {  	_ =	shalt  }
0x6d: {  	_ =	shalt  }
0x6e: {  	_ =	shalt  }
0x6f: {  	_ =	shalt  }
0x70: {  	_ =	shalt  }
0x71: {  	_ =	shalt  }
0x72: {  	_ =	shalt  }
0x73: {  	_ =	shalt  }
0x74: {  	_ =	shalt  }
0x75: {  	_ =	shalt  }
0x76: {  	_ =	shalt  }
0x77: {  	_ =	shalt  }
0x78: {  	_ =	shalt  }
0x79: {  	_ =	shalt  }
0x7a: {  	_ =	shalt  }
0x7b: {  	_ =	shalt  }
0x7c: {  	_ =	shalt  }
0x7d: {  	_ =	shalt  }
0x7e: {  	_ =	shalt  }
0x7f: {  	_ =	shalt  }
0x80: {  	_ =	shalt  }
0x81: {  	_ =	shalt  }
0x82: {  	_ =	shalt  }
0x83: {  	_ =	shalt  }
0x84: {  	_ =	shalt  }
0x85: {  	_ =	shalt  }
0x86: {  	_ =	shalt  }
0x87: {  	_ =	shalt  }
.Lfunc_end0:
.L_simem_size_0:
called_computation_lowered:
.L_overlay_start_0:
0x88: {  	s2 =	sld [smem:$0x3FD9]  }
0x89: {  	s3 =	sld [smem:$0x3FFE];
	_ =	sdelay $0x1  }
0x8a: {  	s1 =	srdreg.scid  }
0x8b: {  	s0 =	sand.u32 $0x1, s1  }
0x8c: {  	s17 =	sshll.u32 s0, $0xA;
	s2 =	sadd.s32 s3, s2  }
0x8d: {  	s2 =	sadd.s32 s2, s17  }
0x8e: {  	[smem:$0x3FC5] =	sst s2  }
0x8f: {  	_ = 	snop  }
0x90: {  	s2 =	sld [smem:$0x3FC9]  }
0x91: {  	s18 =	sld [smem:$0x3FC8]  }
0x92: {  	s4 =	sld [smem:$0x3FD0];
	(tm) =	ssettm $0x1  }
0x93: {  	s5 =	sld [smem:$0x3FFB];
	_ =	sdelay $0x3  }
0x94: {  	_ =	strace s5  }
0x95: {  	s5 =	sld [smem:$0x3FFC];
	_ =	sdelay $0x3  }
0x96: {  	_ =	strace s5  }
0x97: {  	s5 =	sld [smem:$0x3FFD];
	_ =	sdelay $0x3  }
0x98: {  	_ =	strace s5  }
0x99: {  	_ =	strace $0x8FFFFFFF  }
0x9a: {  	s19 =	sld [smem:$0x3FDB];
	_ =	sdelay $0x1  }
0x9b: {  	s6 =	simm.s32 $_scs_section_size  }
0x9c: {  	s7 =	simm.s32 $_size__tile_overlayer_lowered;
	s8 =	simm.s32 $_tile_overlayer_lowered  }
0x9d: {  	s22 =	simm.s32 $0x1BFF;
	s21 =	sshll.u32 s8, $0x1;
	s5 =	sadd.s32 s6, s19  }
0x9e: {  	s9 =	simm.s32 $0x0;
	s20 =	sshll.u32 s7, $0x1;
	s7 =	sadd.s32 s21, s5  }
0x9f: {  	[timem:s9], [sflag:s22] =	dma.local [hbm:s7], s20  }
0xa0: {  	_ =	swait.ge [sflag:s22], s20  }
0xa1: {  	s6 =	ssub.s32 $0x0, s20;
	[sflag:s22] =	ssyncset.done $0x0  }
0xa2: {  	[sflag:s22] =	ssyncadd.s32 s6;
	_ =	sdelay $0x1  }
0xa3: {  	s23 =	simm.s32 $0x1B8B  }
0xa4: {  	_ =	swait.ge [sflag:s23], $0x1  }
0xa5: {  	[sflag:s23] =	ssyncset.done $0x0  }
0xa6: {  	s25 =	simm.s32 $0x1B8E;
	s24 =	sld [smem:$0x3FFE];
	[sflag:s23] =	ssyncadd.s32 $0xFFFFFFFF  }
0xa7: {  	s26 =	simm.s32 $execute0_lowered;
	[smem:$0x3FD2] =	sst s25  }
0xa8: {  	s7 =	sshll.u32 s26, $0x1;
	_ =	strace $0x80000046;
	[dreg:$0x1] =	wrdreg $0xFFFFFFFF  }
0xa9: {  	s28 =	simm.s32 $_size_execute0_lowered;
	s5 =	sadd.s32 s5, s7;
	[dreg:$0x0] =	wrdreg $0x0  }
0xaa: {  	s7 =	sshll.u32 s28, $0x1;
	[dreg:$0x2] =	wrdreg s5  }
0xab: {  	[dreg:$0x3] =	wrdreg s7  }
0xac: {  	[dreg:$0x4] =	wrdreg $0xC0  }
0xad: {  	_ =	task [dreg:s9], $0x5FFFF  }
0xae: {  	[dreg:$0x1] =	wrdreg $0xFFFFFFFF  }
0xaf: {  	[dreg:$0x0] =	wrdreg $0x60  }
0xb0: {  	[dreg:$0x2] =	wrdreg s2  }
0xb1: {  	[dreg:$0x3] =	wrdreg s18  }
0xb2: {  	[dreg:$0x4] =	wrdreg s24  }
0xb3: {  	[dreg:$0x5] =	wrdreg s4  }
0xb4: {  	[dreg:$0x6] =	wrdreg $0x9  }
0xb5: {  	_ =	task.clear_ibuf [dreg:s9], $0x7FFFF;
	_ =	strace $0x90000046  }
0xb6: {  	s29 =	simm.s32 $0x9;
	_ =	strace $0x80000048  }
0xb7: {  	_ =	swait.ge [sflag:s29], $0x1  }
0xb8: {  	[sflag:s29] =	ssyncadd.s32 $0xFFFFFFFF  }
0xb9: {  	_ =	strace $0x90000048  }
0xba: {  	_ =	sfence  }
0xbb: {  	s30 =	sld [smem:$0x0];
	_ =	sdelay $0x2  }
0xbc: {  	s31 =	sshll.u32 s1, $0xD;
	s1 =	sshrl.u32 s1, $0x2  }
0xbd: {  	s3 =	sand.u32 $0x4000, s31;
	s1 =	sadd.s32 s1, s30  }
0xbe: {  	s0 =	sor.u32 s3, s0;
	s1 =	sshll.u32 s1, $0x11  }
0xbf: {  	s0 =	sor.u32 s1, s0  }
0xc0: {  	s0 =	sadd.s32 $0x8F2B, s0  }
0xc1: {  	[sflag:s0] =	ssyncadd.remote.s32 $0x1  }
0xc2: {  	_ =	sfence.sel $0xFFFF  }
0xc3: {  	[dreg:$0x0] =	wrdreg $0xFFFFFFFF;
	(pc) =	sbr.abs _section_cstart, $3  }
0xc4: {  	[dreg:$0x1] =	wrdreg $0xFFFFFFFF  }
0xc5: {  	_ =	task.clear_ibuf [dreg:s9], $0x2FFFF;
	_ =	strace $0x9FFFFFFF  }
0xc6: {  	(tm) =	ssettm $0x7FFFFFFF  }
0xc7: {  	_ =	shalt  }
tec
execute0_lowered:
.L_overlay_start_1:
0x0: {  	(tag) =	ssettag $0x1  }
0x1: {  	v0 =	vimm.s32 $0x76543210  }
0x2: {  	v1 =	vimm.s32 $0xFEDCBA98;
	v2 =	vimm.s32 $0xBA98FEDC;
	v3 =	vimm.s32 $0x32107654  }
0x3: {  	v4 =	vimm.s32 $0xDCFE98BA;
	v5 =	vimm.s32 $0x54761032;
	vm0 =	vcmask $0x2F20  }
0x4: {  	s0 =	rddreg [dreg:$0x0];
	vm1 =	vcmask $0xF00;
	vm2 =	vcmask $0x1710;
	vm3 =	vcmask $0x700  }
0x5: {  	s1 =	rddreg [dreg:$0x1];
	v62 =	vimm.s32 $0xEFCDAB89;
	v63 =	vimm.s32 $0x67452301;
	vm4 =	vcmask $0x300  }
0x6: {  	s9 =	rddreg [dreg:$0x2];
	v0 =	vunpack.c.l.s4.s8 v0;
	v1 =	vunpack.c.l.s4.s8 v1;
	v2 =	vunpack.c.l.s4.s8 v2  }
0x7: {  	s10 =	rddreg [dreg:$0x3];
	v3 =	vunpack.c.l.s4.s8 v3;
	v4 =	vunpack.c.l.s4.s8 v4;
	v60 =	vunpack.c.l.s4.s8 v5  }
0x8: {  	s2 =	rddreg [dreg:$0x4];
	vm0 =	vmor vm1, vm0;
	vm1 =	vmor vm3, vm2;
	vm2 =	vcmask $0x2720  }
0x9: {  	s5 =	srdreg.scid;
	s3 =	stileid.u32;
	vm3 =	vcmask $0xB08;
	vm1 =	vmor vm1, vm2;
	vm2 =	vcmask $0x3730  }
0xa: {  	s4 =	simm.s32 $0x0;
	s13 =	simm.s32 $0x1;
	s14 =	simm.s32 $0x80;
	vm3 =	vmor vm4, vm3;
	vm4 =	vcmask $0x1310;
	v0 =	vunpack.c.0.s8.s32 v0  }
0xb: {  	s15 =	simm.s32 $0x4E00;
	s16 =	simm.s32 $0x8E00;
	s17 =	simm.s32 $0xCE00;
	v1 =	vunpack.c.0.s8.s32 v1;
	v2 =	vunpack.c.0.s8.s32 v2;
	v3 =	vunpack.c.0.s8.s32 v3  }
0xc: {  	s18 =	simm.s32 $0x10E00;
	s19 =	simm.s32 $0x2;
	s20 =	simm.s32 $0x14E00;
	v61 =	vunpack.c.0.s8.s32 v4;
	v4 =	vunpack.c.l.s4.s8 v63;
	vm3 =	vmor vm3, vm4  }
0xd: {  	s21 =	simm.s32 $0x3;
	s5 =	sand.u32 $0x1, s5;
	s6 =	sshll.u32 s3, $0x1;
	vm4 =	vcmask $0x1B18;
	v59 =	vcombine.low v3, v2;
	v3 =	vunpack.c.l.s4.s8 v62  }
0xe: {  	s22 =	simm.s32 $0x0;
	[smem:$0x7FF] =	sst s4;
	s6 =	sor.u32 s5, s6;
	vm1 =	vmor vm1, vm2;
	vm2 =	vmor vm3, vm4;
	v2 =	vunpack.c.0.s8.s32 v60  }
0xf: {  	s8 =	sadd.s32 $0x9E00, s9;
	s5 =	ssub.s32 $0x2, s5;
	s7 =	smul.u32 $0x4E0, s6;
	vm3 =	vcmask $0x2320;
	v4 =	vunpack.c.0.s8.s32 v4;
	v3 =	vunpack.c.0.s8.s32 v3  }
.Ltmp0:
0x10: {  	p0 =	sgt.u32 s3, $0x1;
	s11 =	sshrl.u32 s5, $0x1;
	vm4 =	vcmask $0x2B28;
	v1 =	vand.u32 $0xF, v1;
	v2 =	vcombine.low v2, v61;
	(pc) =	sbr.rel .LBB2_1-.Ltmp0, $4  }
0x11: {  	_ =	strace $0x80000047;
	s6 =	sshll.u32 s6, $0x4;
	s11 =	ssub.s32 s5, s11;
	vm3 =	vmor vm2, vm3;
	v11 =	vand.u32 $0xF, v59;
	v3 =	vcombine.low v4, v3  }
0x12: {  	s12 =	sor.u32 $0x9C00, s6;
	s5 =	sadd.s32 s8, s7;
	s6 =	sadd.s32 s9, s7;
	vm3 =	vmor vm3, vm4;
	vm4 =	vcmask $0x3330;
	[tilespmem:$0x1FFD0] =	vst v11;
	v7 =	vand.u32 $0xF, v2  }
0x13: {  	s7 =	sadd.s32 s10, s7;
	s8 =	sadd.s32 s8, s12;
	s9 =	sadd.s32 s9, s12;
	vm3 =	vmor vm3, vm4;
	vm4 =	vcmask $0x3B38;
	[tilespmem:$0x1FFE0] =	vst v7;
	v4 =	vand.u32 $0xF, v3  }
0x14: {  	s10 =	sadd.s32 s10, s12;
	s11 =	smax.u32 s11, $0x1;
	s12 =	simm.s32 $0x2700;
	vm2 =	vmmov $0xff;
	v27 =	vcombine.low v1, v0;
	vm3 =	vmor vm3, vm4;
	[tilespmem:$0x1FFF0] =	vst v4  }
.LBB2_11:
0x15: {  	s22 =	sadd.s32 $0x1, s22  }
0x16: {  	p1 =	sne.s32 s22, s11  }
.Ltmp1:
0x17: {  	_ = 	snop;
	(pc) =	sbr.rel @!p1 .LBB2_12-.Ltmp1, $1  }
0x18: {  	_ =	sdelay $0x3  }
.LBB2_1:
0x19: {  	[tilespmem:s4], [sflag:$0x1] =	stream.linear.gather [hbm4b:s5+s4], $0x2700, $0x38;
	[tilespmem:$0x17500] =	vst v63  }
0x1a: {  	_ = 	snop  }
0x1b: {  	[tilespmem:s12], [sflag:$0x1] =	stream.linear.gather [hbm4b:s6+s4], $0x2700, $0x38;
	[tilespmem:$0x17500] =	vst v63  }
0x1c: {  	_ =	swait.ge [sflag:s13], $0x2700  }
0x1d: {  	[sflag:s13] =	ssyncset.done $0x0  }
0x1e: {  	[sflag:s13] =	ssyncadd.s32 $0xFFFFD900  }
0x1f: {  	_ =	swait.ge [sflag:s13], $0x2700  }
0x20: {  	[sflag:s13] =	ssyncset.done $0x0  }
0x21: {  	[sflag:s13] =	ssyncadd.s32 $0xFFFFD900  }
0x22: {  	[tilespmem:s15], [sflag:$0x1] =	stream.indirect.gather [hbm4b:s0+s14], $0x80, s4, s14, $0xb8;
	[tilespmem:$0x17500] =	vst v63  }
0x23: {  	s23 =	simm.s32 $0x0  }
0x24: {  	[tilespmem:s16], [sflag:$0x1] =	stream.indirect.gather [hbm4b:s1+s14], $0x80, s12, s14, $0xb8;
	[tilespmem:$0x17500] =	vst v63  }
.LBB2_2:
0x25: {  	s25 =	sshll.u32 s23, $0x8  }
0x26: {  	s24 =	sor.u32 $0x80, s25  }
0x27: {  	[tilespmem:s17], [sflag:$0x2] =	stream.indirect.gather [hbm4b:s0+s14], $0x80, s24, s14, $0xb8;
	[tilespmem:$0x17500] =	vst v63  }
0x28: {  	s26 =	sadd.s32 $0x2780, s25  }
0x29: {  	[tilespmem:s18], [sflag:$0x2] =	stream.indirect.gather [hbm4b:s1+s14], $0x80, s26, s14, $0xb8;
	[tilespmem:$0x17500] =	vst v63  }
0x2a: {  	_ =	swait.ge [sflag:s13], $0x4000  }
0x2b: {  	[sflag:s13] =	ssyncset.done $0x0  }
0x2c: {  	s31 =	sand.u32 $0x3FFFFF00, s25;
	[sflag:s13] =	ssyncadd.s32 $0xFFFFC000  }
0x2d: {  	s28 =	sadd.s32 $0x14E00, s31;
	_ =	swait.ge [sflag:s13], $0x4000  }
0x2e: {  	v0 =	vmov s28;
	[sflag:s13] =	ssyncset.done $0x0  }
0x2f: {  	s26 =	simm.s32 $0x0;
	[tilespmem:$0x1FFC0] =	vst v0;
	v39 =	vld [tilespmem:$0x1FFD0];
	[sflag:s13] =	ssyncadd.s32 $0xFFFFC000  }
.LBB2_3:
0x30: {  	s28 =	sshll.u32 s26, $0xB  }
0x31: {  	v31 =	vld [tilespmem:s28+$0x4E00]  }
0x32: {  	v25 =	vld [tilespmem:s28+$0x8E00]  }
0x33: {  	v26 =	vld [tilespmem:s28+$0x4E10]  }
0x34: {  	v62 =	vld [tilespmem:s28+$0x8F30];
	_ =	sdelay $0x4  }
0x35: {  	[tilespmem:$0x1F950] =	vst v62;
	v62 =	vld [tilespmem:s28+$0x4F70];
	_ =	sdelay $0x4  }
0x36: {  	[tilespmem:$0x1FA20] =	vst v62;
	v62 =	vld [tilespmem:s28+$0x5340];
	_ =	sdelay $0x4  }
0x37: {  	[tilespmem:$0x1F960] =	vst v62;
	v62 =	vld [tilespmem:s28+$0x9340];
	_ =	sdelay $0x4  }
0x38: {  	[tilespmem:$0x1F970] =	vst v62;
	v62 =	vld [tilespmem:s28+$0x5350];
	_ =	sdelay $0x4  }
0x39: {  	[tilespmem:$0x1F9A0] =	vst v62;
	v62 =	vld [tilespmem:s28+$0x9350];
	_ =	sdelay $0x4  }
0x3a: {  	[tilespmem:$0x1F9B0] =	vst v62;
	v62 =	vld [tilespmem:s28+$0x5360];
	_ =	sdelay $0x4  }
0x3b: {  	[tilespmem:$0x1FA00] =	vst v62;
	v62 =	vld [tilespmem:s28+$0x9360];
	_ =	sdelay $0x4  }
0x3c: {  	[tilespmem:$0x1FA10] =	vst v62;
	v62 =	vld [tilespmem:s28+$0x5370];
	_ =	sdelay $0x4  }
0x3d: {  	[tilespmem:$0x1FA40] =	vst v62;
	v62 =	vld [tilespmem:s28+$0x9370];
	_ =	sdelay $0x4  }
0x3e: {  	[tilespmem:$0x1FA50] =	vst v62;
	v62 =	vld [tilespmem:s28+$0x5100];
	_ =	sdelay $0x4  }
0x3f: {  	[tilespmem:$0x1FA60] =	vst v62;
	v62 =	vld [tilespmem:s28+$0x9100];
	_ =	sdelay $0x4  }
0x40: {  	[tilespmem:$0x1FA70] =	vst v62;
	v62 =	vld [tilespmem:s28+$0x5110];
	_ =	sdelay $0x4  }
0x41: {  	[tilespmem:$0x1FA80] =	vst v62;
	v62 =	vld [tilespmem:s28+$0x9110];
	_ =	sdelay $0x4  }
0x42: {  	[tilespmem:$0x1FA90] =	vst v62;
	v62 =	vld [tilespmem:s28+$0x5120];
	_ =	sdelay $0x4  }
0x43: {  	[tilespmem:$0x1FAE0] =	vst v62;
	v62 =	vld [tilespmem:s28+$0x9120];
	_ =	sdelay $0x4  }
0x44: {  	[tilespmem:$0x1FAF0] =	vst v62;
	v62 =	vld [tilespmem:s28+$0x5130];
	_ =	sdelay $0x4  }
0x45: {  	[tilespmem:$0x1FB20] =	vst v62;
	v62 =	vld [tilespmem:s28+$0x9130];
	_ =	sdelay $0x4  }
0x46: {  	[tilespmem:$0x1FB30] =	vst v62;
	v62 =	vld [tilespmem:s28+$0x5140];
	_ =	sdelay $0x4  }
0x47: {  	[tilespmem:$0x1FB60] =	vst v62;
	v62 =	vld [tilespmem:s28+$0x9140];
	_ =	sdelay $0x4  }
0x48: {  	[tilespmem:$0x1FB70] =	vst v62;
	v62 =	vld [tilespmem:s28+$0x5150];
	_ =	sdelay $0x4  }
0x49: {  	[tilespmem:$0x1FBA0] =	vst v62;
	v62 =	vld [tilespmem:s28+$0x9150];
	_ =	sdelay $0x4  }
0x4a: {  	[tilespmem:$0x1FBB0] =	vst v62;
	v62 =	vld [tilespmem:s28+$0x5160];
	_ =	sdelay $0x4  }
0x4b: {  	[tilespmem:$0x1FBC0] =	vst v62;
	v62 =	vld [tilespmem:s28+$0x9160];
	_ =	sdelay $0x4  }
0x4c: {  	[tilespmem:$0x1FBD0] =	vst v62;
	v62 =	vld [tilespmem:s28+$0x5170];
	_ =	sdelay $0x4  }
0x4d: {  	[tilespmem:$0x1FD20] =	vst v62;
	v62 =	vld [tilespmem:s28+$0x9170];
	_ =	sdelay $0x1  }
0x4e: {  	v22 =	vld [tilespmem:s28+$0x8E10]  }
0x4f: {  	v33 =	vld [tilespmem:s28+$0x4E20]  }
0x50: {  	v29 =	vld [tilespmem:s28+$0x8E20]  }
0x51: {  	[tilespmem:$0x1FD30] =	vst v62;
	v62 =	vld [tilespmem:s28+$0x5500]  }
0x52: {  	v0 =	vld [tilespmem:s28+$0x4E30]  }
0x53: {  	v35 =	vld [tilespmem:s28+$0x8E30]  }
0x54: {  	v47 =	vld [tilespmem:s28+$0x4E40]  }
0x55: {  	v45 =	vld [tilespmem:s28+$0x8E40]  }
0x56: {  	[tilespmem:$0x1FAA0] =	vst v62;
	v62 =	vld [tilespmem:s28+$0x9500]  }
0x57: {  	v44 =	vld [tilespmem:s28+$0x4E50]  }
0x58: {  	v49 =	vld [tilespmem:s28+$0x8E50]  }
0x59: {  	v1 =	vld [tilespmem:s28+$0x4E60]  }
0x5a: {  	v17 =	vld [tilespmem:s28+$0x8E60]  }
0x5b: {  	[tilespmem:$0x1FAB0] =	vst v62;
	v62 =	vld [tilespmem:s28+$0x5510]  }
0x5c: {  	v18 =	vld [tilespmem:s28+$0x4E70]  }
0x5d: {  	v19 =	vld [tilespmem:s28+$0x8E70]  }
0x5e: {  	v12 =	vld [tilespmem:s28+$0x5200]  }
0x5f: {  	v11 =	vld [tilespmem:s28+$0x9200]  }
0x60: {  	[tilespmem:$0x1FAC0] =	vst v62;
	v62 =	vld [tilespmem:s28+$0x9510]  }
0x61: {  	v10 =	vld [tilespmem:s28+$0x5210]  }
0x62: {  	v9 =	vld [tilespmem:s28+$0x9210]  }
0x63: {  	v15 =	vld [tilespmem:s28+$0x5220]  }
0x64: {  	v13 =	vld [tilespmem:s28+$0x9220]  }
0x65: {  	[tilespmem:$0x1FAD0] =	vst v62;
	v62 =	vld [tilespmem:s28+$0x5520]  }
0x66: {  	v60 =	vld [tilespmem:s28+$0x5230]  }
0x67: {  	v23 =	vld [tilespmem:s28+$0x9230]  }
0x68: {  	v24 =	vld [tilespmem:s28+$0x5240]  }
0x69: {  	v21 =	vld [tilespmem:s28+$0x9240]  }
0x6a: {  	[tilespmem:$0x1FB00] =	vst v62;
	v62 =	vld [tilespmem:s28+$0x9520]  }
0x6b: {  	v55 =	vld [tilespmem:s28+$0x5250]  }
0x6c: {  	v53 =	vld [tilespmem:s28+$0x9250]  }
0x6d: {  	v20 =	vld [tilespmem:s28+$0x5260]  }
0x6e: {  	v30 =	vld [tilespmem:s28+$0x9260]  }
0x6f: {  	[tilespmem:$0x1FB10] =	vst v62;
	v62 =	vld [tilespmem:s28+$0x5530]  }
0x70: {  	v32 =	vld [tilespmem:s28+$0x5270]  }
0x71: {  	v34 =	vld [tilespmem:s28+$0x9270]  }
0x72: {  	v46 =	vld [tilespmem:s28+$0x5030]  }
0x73: {  	v43 =	vld [tilespmem:s28+$0x9030]  }
0x74: {  	[tilespmem:$0x1FB40] =	vst v62;
	v62 =	vld [tilespmem:s28+$0x9530]  }
0x75: {  	v56 =	vld [tilespmem:s28+$0x5040]  }
0x76: {  	v51 =	vld [tilespmem:s28+$0x9040]  }
0x77: {  	v36 =	vld [tilespmem:s28+$0x5050]  }
0x78: {  	v61 =	vld [tilespmem:s28+$0x9050]  }
0x79: {  	[tilespmem:$0x1FB50] =	vst v62;
	v62 =	vld [tilespmem:s28+$0x5540]  }
0x7a: {  	v37 =	vld [tilespmem:s28+$0x5060]  }
0x7b: {  	v38 =	vld [tilespmem:s28+$0x9060]  }
0x7c: {  	v40 =	vld [tilespmem:s28+$0x5070]  }
0x7d: {  	v41 =	vld [tilespmem:s28+$0x9070]  }
0x7e: {  	[tilespmem:$0x1FB80] =	vst v62;
	v62 =	vld [tilespmem:s28+$0x9540]  }
0x7f: {  	v4 =	vld [tilespmem:s28+$0x5400]  }
0x80: {  	v3 =	vld [tilespmem:s28+$0x9400]  }
0x81: {  	v2 =	vld [tilespmem:s28+$0x5410]  }
0x82: {  	v6 =	vld [tilespmem:s28+$0x5420]  }
0x83: {  	[tilespmem:$0x1FB90] =	vst v62;
	v62 =	vld [tilespmem:s28+$0x5550]  }
0x84: {  	v5 =	vld [tilespmem:s28+$0x9420]  }
0x85: {  	v8 =	vld [tilespmem:s28+$0x5430]  }
0x86: {  	v7 =	vld [tilespmem:s28+$0x9430]  }
0x87: {  	v16 =	vld [tilespmem:s28+$0x5440]  }
0x88: {  	[tilespmem:$0x1FBE0] =	vst v62;
	v62 =	vld [tilespmem:s28+$0x9550]  }
0x89: {  	v14 =	vld [tilespmem:s28+$0x9440]  }
0x8a: {  	v28 =	vld [tilespmem:s28+$0x9450]  }
0x8b: {  	v50 =	vld [tilespmem:s28+$0x5470]  }
0x8c: {  	v48 =	vld [tilespmem:s28+$0x9470]  }
0x8d: {  	[tilespmem:$0x1FBF0] =	vst v62;
	v62 =	vld [tilespmem:s28+$0x5560]  }
0x8e: {  	v58 =	vld [tilespmem:s28+$0x4F00]  }
0x8f: {  	v57 =	vld [tilespmem:s28+$0x8F00]  }
0x90: {  	v42 =	vld [tilespmem:s28+$0x8F10]  }
0x91: {  	v52 =	vld [tilespmem:s28+$0x4F20]  }
0x92: {  	[tilespmem:$0x1FC00] =	vst v62;
	v62 =	vld [tilespmem:s28+$0x9560]  }
0x93: {  	v54 =	vld [tilespmem:s28+$0x8F20]  }
0x94: {  	v59 =	vld [tilespmem:s28+$0x4F30]  }
0x95: {  	v63 =	vld [tilespmem:s28+$0x4F40]  }
0x96: {  	[tilespmem:$0x1F850] =	vst v20;
	v20 =	vld [tilespmem:s28+$0x5000]  }
0x97: {  	[tilespmem:$0x1FC10] =	vst v62;
	v62 =	vld [tilespmem:s28+$0x5570]  }
0x98: {  	[tilespmem:$0x1F8B0] =	vst v19;
	v19 =	vld [tilespmem:s28+$0x9000]  }
0x99: {  	[tilespmem:$0x1F8A0] =	vst v18;
	v18 =	vld [tilespmem:s28+$0x5010]  }
0x9a: {  	[tilespmem:$0x1F840] =	vst v17;
	v17 =	vld [tilespmem:s28+$0x9010]  }
0x9b: {  	[tilespmem:$0x1F890] =	vst v34;
	v34 =	vld [tilespmem:s28+$0x5020]  }
0x9c: {  	[tilespmem:$0x1FCE0] =	vst v62;
	v62 =	vld [tilespmem:s28+$0x9570]  }
0x9d: {  	[tilespmem:$0x1F880] =	vst v32;
	v32 =	vld [tilespmem:s28+$0x9020]  }
0x9e: {  	[tilespmem:$0x1F830] =	vst v1;
	v1 =	vld [tilespmem:s28+$0x9410]  }
0x9f: {  	[tilespmem:$0x1F860] =	vst v30;
	v30 =	vld [tilespmem:s28+$0x5450]  }
0xa0: {  	[tilespmem:$0x1F8F0] =	vst v41;
	v41 =	vld [tilespmem:s28+$0x5460]  }
0xa1: {  	[tilespmem:$0x1FCF0] =	vst v62;
	v62 =	vld [tilespmem:s28+$0x4E80]  }
0xa2: {  	[tilespmem:$0x1F8C0] =	vst v37;
	v37 =	vld [tilespmem:s28+$0x9460]  }
0xa3: {  	[tilespmem:$0x1F870] =	vst v36;
	v36 =	vld [tilespmem:s28+$0x4F10]  }
0xa4: {  	[tilespmem:$0x1F8E0] =	vst v40;
	v40 =	vld [tilespmem:s28+$0x8F40]  }
0xa5: {  	[tilespmem:$0x1F910] =	vst v42;
	v42 =	vld [tilespmem:s28+$0x4F50]  }
0xa6: {  	[tilespmem:$0x1FC20] =	vst v62;
	v62 =	vld [tilespmem:s28+$0x8E80]  }
0xa7: {  	[tilespmem:$0x1F920] =	vst v52;
	v52 =	vld [tilespmem:s28+$0x8F50]  }
0xa8: {  	[tilespmem:$0x1F930] =	vst v54;
	v54 =	vld [tilespmem:s28+$0x4F60]  }
0xa9: {  	[tilespmem:$0x1F940] =	vst v59;
	v59 =	vld [tilespmem:s28+$0x8F60]  }
0xaa: {  	[tilespmem:$0x1F980] =	vst v63;
	v63 =	vld [tilespmem:s28+$0x8F70]  }
0xab: {  	[tilespmem:$0x1FC30] =	vst v62;
	v62 =	vld [tilespmem:s28+$0x4E90]  }
0xac: {  	[tilespmem:$0x1F8D0] =	vst v38;
	v38 =	vld [tilespmem:s28+$0x5300]  }
0xad: {  	v22 =	vmul.f32 v22, v26;
	v26 =	vld [tilespmem:s28+$0x50D0]  }
0xae: {  	v25 =	vmul.f32 v25, v31;
	v11 =	vmul.f32 v11, v12;
	v12 =	vld [tilespmem:s28+$0x90E0]  }
0xaf: {  	v31 =	vmul.f32 v35, v0;
	v35 =	vmul.f32 v13, v15;
	v15 =	vld [tilespmem:s28+$0x90F0]  }
0xb0: {  	v9 =	vmul.f32 v9, v10;
	[tilespmem:$0x1FC40] =	vst v62;
	v62 =	vld [tilespmem:s28+$0x8E90]  }
0xb1: {  	v22 =	vadd.f32 v22, v25;
	v25 =	vmul.f32 v29, v33;
	v33 =	vld [tilespmem:s28+$0x50F0]  }
0xb2: {  	v9 =	vadd.f32 v9, v11;
	v29 =	vld [tilespmem:s28+$0x94A0]  }
0xb3: {  	v11 =	vld [tilespmem:$0x1F880]  }
0xb4: {  	v9 =	vadd.f32 v35, v9;
	v35 =	vmul.f32 v21, v24;
	v24 =	vld [tilespmem:s28+$0x94D0]  }
0xb5: {  	[tilespmem:$0x1FC50] =	vst v62;
	v62 =	vld [tilespmem:s28+$0x4EA0]  }
0xb6: {  	v21 =	vld [tilespmem:s28+$0x54E0]  }
0xb7: {  	v22 =	vadd.f32 v25, v22;
	v25 =	vld [tilespmem:s28+$0x94F0]  }
0xb8: {  	[tilespmem:$0x1F900] =	vst v36;
	v36 =	vld [tilespmem:s28+$0x9300]  }
0xb9: {  	[tilespmem:$0x1F9C0] =	vst v42;
	v42 =	vld [tilespmem:s28+$0x5310]  }
0xba: {  	[tilespmem:$0x1FCA0] =	vst v62;
	v62 =	vld [tilespmem:s28+$0x8EA0]  }
0xbb: {  	[tilespmem:$0x1F990] =	vst v40;
	v40 =	vld [tilespmem:s28+$0x9310]  }
0xbc: {  	[tilespmem:$0x1F9E0] =	vst v54;
	v54 =	vld [tilespmem:s28+$0x5320]  }
0xbd: {  	[tilespmem:$0x1F9D0] =	vst v52;
	v52 =	vld [tilespmem:s28+$0x9320]  }
0xbe: {  	[tilespmem:$0x1FA30] =	vst v63;
	v63 =	vld [tilespmem:s28+$0x5330]  }
0xbf: {  	[tilespmem:$0x1FCB0] =	vst v62;
	v62 =	vld [tilespmem:s28+$0x4EB0]  }
0xc0: {  	[tilespmem:$0x1F9F0] =	vst v59;
	v59 =	vld [tilespmem:s28+$0x9330]  }
0xc1: {  	[tilespmem:$0x1FF30] =	vst v26;
	v26 =	vld [tilespmem:s28+$0x90D0]  }
0xc2: {  	[tilespmem:$0x1FF60] =	vst v12;
	v12 =	vmul.f32 v17, v18;
	v17 =	vld [tilespmem:s28+$0x54A0]  }
0xc3: {  	v18 =	vmul.f32 v32, v34;
	v34 =	vld [tilespmem:$0x1F830]  }
0xc4: {  	[tilespmem:$0x1FD00] =	vst v62;
	v62 =	vld [tilespmem:s28+$0x8EB0]  }
0xc5: {  	[tilespmem:$0x1FF80] =	vst v15;
	v15 =	vld [tilespmem:$0x1F8B0]  }
0xc6: {  	v32 =	vld [tilespmem:$0x1F8E0]  }
0xc7: {  	v10 =	vadd.f32 v31, v22;
	v31 =	vmul.f32 v49, v44;
	v44 =	vld [tilespmem:s28+$0x9480]  }
0xc8: {  	v22 =	vmul.f32 v45, v47;
	v45 =	vld [tilespmem:s28+$0x5490]  }
0xc9: {  	[tilespmem:$0x1FD10] =	vst v62;
	v62 =	vld [tilespmem:s28+$0x4EC0]  }
0xca: {  	v49 =	vld [tilespmem:s28+$0x9490]  }
0xcb: {  	[tilespmem:$0x1FF70] =	vst v33;
	v33 =	vmul.f32 v23, v60;
	v60 =	vmul.f32 v19, v20;
	v23 =	vld [tilespmem:s28+$0x94B0]  }
0xcc: {  	v19 =	vmul.f32 v53, v55;
	v53 =	vmul.f32 v51, v56;
	v56 =	vld [tilespmem:$0x1F870]  }
0xcd: {  	v20 =	vld [tilespmem:s28+$0x54F0]  }
0xce: {  	[tilespmem:$0x1FD60] =	vst v62;
	v62 =	vld [tilespmem:s28+$0x8EC0]  }
0xcf: {  	v10 =	vadd.f32 v22, v10;
	v22 =	vld [tilespmem:s28+$0x54C0]  }
0xd0: {  	v3 =	vmul.f32 v3, v4;
	v4 =	vadd.f32 v12, v60;
	v60 =	vld [tilespmem:s28+$0x54D0]  }
0xd1: {  	v12 =	vld [tilespmem:$0x1F890]  }
0xd2: {  	[tilespmem:$0x1FF40] =	vst v26;
	v26 =	vld [tilespmem:s28+$0x50E0]  }
0xd3: {  	[tilespmem:$0x1FD70] =	vst v62;
	v62 =	vld [tilespmem:s28+$0x4ED0]  }
0xd4: {  	v10 =	vadd.f32 v31, v10;
	v31 =	vld [tilespmem:s28+$0x54B0]  }
0xd5: {  	[tilespmem:$0x1FF00] =	vst v17;
	v17 =	vld [tilespmem:$0x1F8D0]  }
0xd6: {  	v40 =	vmul.f32 v40, v42;
	v42 =	vld [tilespmem:$0x1F900]  }
0xd7: {  	v47 =	vadd.f32 v33, v9;
	v51 =	vmul.f32 v59, v63;
	v59 =	vld [tilespmem:$0x1F990]  }
0xd8: {  	[tilespmem:$0x1FDA0] =	vst v62;
	v62 =	vld [tilespmem:s28+$0x8ED0]  }
0xd9: {  	v1 =	vmul.f32 v1, v2;
	v2 =	vadd.f32 v35, v47;
	v35 =	vld [tilespmem:$0x1F840]  }
0xda: {  	[tilespmem:$0x1FE80] =	vst v44;
	v44 =	vmul.f32 v43, v46;
	v46 =	vld [tilespmem:$0x1F850]  }
0xdb: {  	v13 =	vmul.f32 v5, v6;
	v1 =	vadd.f32 v1, v3;
	v47 =	vld [tilespmem:$0x1F860]  }
0xdc: {  	[tilespmem:$0x1FE90] =	vst v45;
	v45 =	vmul.f32 v14, v16;
	v14 =	vld [tilespmem:$0x1F8A0]  }
0xdd: {  	v1 =	vadd.f32 v13, v1;
	v33 =	vmul.f32 v7, v8;
	[tilespmem:$0x1FDB0] =	vst v62;
	v62 =	vld [tilespmem:s28+$0x4EE0]  }
0xde: {  	v16 =	vld [tilespmem:$0x1F8C0]  }
0xdf: {  	v1 =	vadd.f32 v33, v1;
	v33 =	vld [tilespmem:$0x1F8F0]  }
0xe0: {  	v43 =	vld [tilespmem:$0x1F910]  }
0xe1: {  	v4 =	vadd.f32 v18, v4;
	v18 =	vmul.f32 v48, v50;
	v48 =	vld [tilespmem:$0x1F930]  }
0xe2: {  	[tilespmem:$0x1FDC0] =	vst v62;
	v62 =	vld [tilespmem:s28+$0x8EE0]  }
0xe3: {  	[tilespmem:$0x1FF90] =	vst v20;
	v20 =	vld [tilespmem:s28+$0x4FE0]  }
0xe4: {  	v2 =	vadd.f32 v19, v2;
	v4 =	vadd.f32 v44, v4;
	v19 =	vld [tilespmem:s28+$0x94E0]  }
0xe5: {  	[tilespmem:$0x1FF50] =	vst v26;
	v26 =	vld [tilespmem:s28+$0x94C0]  }
0xe6: {  	v4 =	vadd.f32 v53, v4;
	v53 =	vld [tilespmem:$0x1F950]  }
0xe7: {  	[tilespmem:$0x1FDD0] =	vst v62;
	v62 =	vld [tilespmem:s28+$0x4EF0]  }
0xe8: {  	v23 =	vmul.f32 v23, v31;
	v31 =	vld [tilespmem:s28+$0x51D0]  }
0xe9: {  	v6 =	vmul.f32 v47, v46;
	v47 =	vld [tilespmem:$0x1F920]  }
0xea: {  	v46 =	vmul.f32 v52, v54;
	v52 =	vld [tilespmem:$0x1F940]  }
0xeb: {  	v8 =	vmul.f32 v15, v14;
	v14 =	vld [tilespmem:s28+$0x8FB0]  }
0xec: {  	v55 =	vmul.f32 v28, v30;
	v1 =	vadd.f32 v45, v1;
	[tilespmem:$0x1FEE0] =	vst v62;
	v62 =	vld [tilespmem:s28+$0x8EF0]  }
0xed: {  	v54 =	vld [tilespmem:$0x1F960]  }
0xee: {  	v1 =	vadd.f32 v55, v1;
	v55 =	vld [tilespmem:$0x1F970]  }
0xef: {  	v7 =	vmul.f32 v35, v34;
	v34 =	vmul.f32 v57, v58;
	v58 =	vld [tilespmem:$0x1F980]  }
0xf0: {  	v15 =	vld [tilespmem:s28+$0x4FD0]  }
0xf1: {  	v13 =	vmul.f32 v37, v41;
	[tilespmem:$0x1FEF0] =	vst v62;
	v62 =	vld [tilespmem:s28+$0x5280]  }
0xf2: {  	v36 =	vmul.f32 v36, v38;
	v44 =	vmul.f32 v43, v42;
	v43 =	vld [tilespmem:$0x1FA20]  }
0xf3: {  	v1 =	vadd.f32 v13, v1;
	v13 =	vld [tilespmem:s28+$0x4FC0]  }
0xf4: {  	v7 =	vadd.f32 v7, v10;
	v10 =	vadd.f32 v40, v36;
	v36 =	vld [tilespmem:$0x1F9C0]  }
0xf5: {  	v40 =	vld [tilespmem:$0x1F9F0]  }
0xf6: {  	[tilespmem:$0x1FC60] =	vst v62;
	v62 =	vld [tilespmem:s28+$0x9280]  }
0xf7: {  	v19 =	vmul.f32 v19, v21;
	v21 =	vld [tilespmem:s28+$0x5580]  }
0xf8: {  	v3 =	vadd.f32 v18, v1;
	v1 =	vld [tilespmem:s28+$0x4F80]  }
0xf9: {  	v61 =	vmul.f32 v61, v56;
	v18 =	vld [tilespmem:s28+$0x8FD0]  }
0xfa: {  	v2 =	vadd.f32 v6, v2;
	v6 =	vmul.f32 v12, v11;
	v30 =	vadd.f32 v8, v7;
	v7 =	vld [tilespmem:s28+$0x8F80]  }
0xfb: {  	v5 =	vmul.f32 v17, v16;
	v4 =	vadd.f32 v61, v4;
	[tilespmem:$0x1FC70] =	vst v62;
	v62 =	vld [tilespmem:s28+$0x5290]  }
0xfc: {  	v2 =	vadd.f32 v6, v2;
	v6 =	vld [tilespmem:s28+$0x4FA0]  }
0xfd: {  	v4 =	vadd.f32 v5, v4;
	v5 =	vmul.f32 v33, v32;
	v8 =	vadd.f32 v44, v34;
	v44 =	vld [tilespmem:$0x1FA30]  }
0xfe: {  	v22 =	vmul.f32 v26, v22;
	v26 =	vld [tilespmem:s28+$0x51E0]  }
0xff: {  	v4 =	vadd.f32 v5, v4;
	v5 =	vld [tilespmem:s28+$0x4F90]  }
0x100: {  	v41 =	vperm.xlane v3, v27;
	[tilespmem:$0x1FC80] =	vst v62;
	v62 =	vld [tilespmem:s28+$0x9290]  }
0x101: {  	v32 =	vld [tilespmem:$0x1F9A0];
	v37 =	vperm.xlane v30, v27  }
0x102: {  	v50 =	vmul.f32 v48, v47;
	v45 =	vperm.xlane v4, v27;
	v9 =	vsel vm2, v4, v41;
	v4 =	vld [tilespmem:s28+$0x8FA0]  }
0x103: {  	v35 =	vperm.xlane v2, v27;
	v11 =	vsel vm2, v37, v2;
	v2 =	vld [tilespmem:s28+$0x8F90]  }
0x104: {  	v12 =	vmul.f32 v53, v52;
	v8 =	vadd.f32 v50, v8;
	v37 =	vld [tilespmem:$0x1F9D0]  }
0x105: {  	[tilespmem:$0x1FC90] =	vst v62;
	v62 =	vld [tilespmem:s28+$0x52A0]  }
0x106: {  	v38 =	vsel vm2, v30, v35;
	v12 =	vadd.f32 v12, v8;
	v8 =	vld [tilespmem:s28+$0x8FC0]  }
0x107: {  	v3 =	vsel vm2, v45, v3;
	v11 =	vadd.f32 v11, v38;
	v38 =	vld [tilespmem:$0x1F9E0]  }
0x108: {  	v3 =	vadd.f32 v3, v9;
	v9 =	vld [tilespmem:s28+$0x4FB0]  }
0x109: {  	v61 =	vmul.f32 v59, v58;
	v33 =	vld [tilespmem:$0x1F9B0]  }
0x10a: {  	v63 =	vperm.xlane v11, v39;
	[tilespmem:$0x1FCC0] =	vst v62;
	v62 =	vld [tilespmem:s28+$0x92A0]  }
0x10b: {  	v35 =	vadd.f32 v61, v12;
	v12 =	vmul.f32 v37, v36;
	v36 =	vld [tilespmem:s28+$0x9380]  }
0x10c: {  	v57 =	vperm.xlane v3, v39;
	v34 =	vsel vm0, v63, v3;
	v3 =	vld [tilespmem:s28+$0x5390]  }
0x10d: {  	v2 =	vmul.f32 v2, v5;
	v5 =	vld [tilespmem:s28+$0x91F0]  }
0x10e: {  	v41 =	vld [tilespmem:$0x1FA00]  }
0x10f: {  	[tilespmem:$0x1FCD0] =	vst v62;
	v62 =	vld [tilespmem:s28+$0x52B0]  }
0x110: {  	v30 =	vsel vm0, v11, v57;
	v11 =	vmul.f32 v33, v32;
	v32 =	vld [tilespmem:s28+$0x5380]  }
0x111: {  	v42 =	vld [tilespmem:$0x1FA10]  }
0x112: {  	v10 =	vadd.f32 v46, v10;
	v46 =	vld [tilespmem:$0x1FA40]  }
0x113: {  	v47 =	vld [tilespmem:$0x1FA50]  }
0x114: {  	[tilespmem:$0x1FD40] =	vst v62;
	v62 =	vld [tilespmem:s28+$0x92B0]  }
0x115: {  	v50 =	vld [tilespmem:$0x1FA60]  }
0x116: {  	v10 =	vadd.f32 v51, v10;
	v51 =	vld [tilespmem:$0x1FA70]  }
0x117: {  	v53 =	vld [tilespmem:$0x1FA80]  }
0x118: {  	v56 =	vmul.f32 v55, v54;
	v54 =	vld [tilespmem:$0x1FA90]  }
0x119: {  	[tilespmem:$0x1FD50] =	vst v62;
	v62 =	vld [tilespmem:s28+$0x52C0]  }
0x11a: {  	v10 =	vadd.f32 v56, v10;
	v16 =	vmul.f32 v40, v38;
	v40 =	vld [tilespmem:$0x1FAE0]  }
0x11b: {  	v12 =	vadd.f32 v12, v35;
	v28 =	vmul.f32 v42, v41;
	v41 =	vld [tilespmem:$0x1FAF0]  }
0x11c: {  	v10 =	vadd.f32 v11, v10;
	v11 =	vld [tilespmem:s28+$0x8FE0]  }
0x11d: {  	v16 =	vadd.f32 v16, v12;
	v12 =	vld [tilespmem:s28+$0x8FF0]  }
0x11e: {  	v52 =	vmul.f32 v51, v50;
	v55 =	vmul.f32 v54, v53;
	[tilespmem:$0x1FD80] =	vst v62;
	v62 =	vld [tilespmem:s28+$0x92C0]  }
0x11f: {  	v28 =	vadd.f32 v28, v10;
	v10 =	vld [tilespmem:s28+$0x4FF0]  }
0x120: {  	v48 =	vmul.f32 v47, v46;
	v33 =	vadd.f32 v55, v52;
	v42 =	vmul.f32 v41, v40;
	v47 =	vld [tilespmem:$0x1FB20]  }
0x121: {  	v40 =	vld [tilespmem:s28+$0x53A0]  }
0x122: {  	v33 =	vadd.f32 v42, v33;
	v42 =	vld [tilespmem:s28+$0x9390]  }
0x123: {  	[tilespmem:$0x1FD90] =	vst v62;
	v62 =	vld [tilespmem:s28+$0x52D0]  }
0x124: {  	v28 =	vadd.f32 v48, v28;
	v48 =	vld [tilespmem:$0x1FB30]  }
0x125: {  	v37 =	vld [tilespmem:$0x1FBA0]  }
0x126: {  	v38 =	vld [tilespmem:$0x1FBB0]  }
0x127: {  	v56 =	vld [tilespmem:$0x1FAA0]  }
0x128: {  	[tilespmem:$0x1FDE0] =	vst v62;
	v62 =	vld [tilespmem:s28+$0x92D0]  }
0x129: {  	v50 =	vmul.f32 v48, v47;
	v57 =	vld [tilespmem:$0x1FAB0]  }
0x12a: {  	v48 =	vld [tilespmem:$0x1FBC0]  }
0x12b: {  	v33 =	vadd.f32 v50, v33;
	v50 =	vld [tilespmem:$0x1FBD0]  }
0x12c: {  	v59 =	vld [tilespmem:$0x1FAC0]  }
0x12d: {  	[tilespmem:$0x1FDF0] =	vst v62;
	v62 =	vld [tilespmem:s28+$0x52E0]  }
0x12e: {  	v58 =	vmul.f32 v57, v56;
	v56 =	vld [tilespmem:$0x1FB60]  }
0x12f: {  	v57 =	vld [tilespmem:$0x1FB70]  }
0x130: {  	v61 =	vld [tilespmem:$0x1FAD0]  }
0x131: {  	v45 =	vmul.f32 v44, v43;
	v44 =	vld [tilespmem:$0x1FB00]  }
0x132: {  	[tilespmem:$0x1FE40] =	vst v62;
	v62 =	vld [tilespmem:s28+$0x92E0]  }
0x133: {  	v16 =	vadd.f32 v45, v16;
	v45 =	vld [tilespmem:$0x1FB10]  }
0x134: {  	v52 =	vld [tilespmem:$0x1FB40]  }
0x135: {  	v53 =	vld [tilespmem:$0x1FB50]  }
0x136: {  	v63 =	vmul.f32 v61, v59;
	v59 =	vld [tilespmem:$0x1FB80]  }
0x137: {  	[tilespmem:$0x1FE50] =	vst v62;
	v62 =	vld [tilespmem:s28+$0x52F0]  }
0x138: {  	v61 =	vld [tilespmem:$0x1FB90]  }
0x139: {  	v51 =	vperm.xlane v28, v27;
	v43 =	vadd.f32 v63, v58;
	v58 =	vmul.f32 v57, v56;
	v56 =	vld [tilespmem:$0x1FC20]  }
0x13a: {  	v57 =	vld [tilespmem:$0x1FC30]  }
0x13b: {  	v55 =	vperm.xlane v16, v27;
	v16 =	vsel vm2, v16, v51;
	v51 =	vld [tilespmem:$0x1FBE0]  }
0x13c: {  	[tilespmem:$0x1FEA0] =	vst v62;
	v62 =	vld [tilespmem:s28+$0x92F0]  }
0x13d: {  	v46 =	vmul.f32 v45, v44;
	v63 =	vmul.f32 v61, v59;
	v59 =	vld [tilespmem:$0x1FC40]  }
0x13e: {  	v33 =	vadd.f32 v58, v33;
	v61 =	vld [tilespmem:$0x1FC50]  }
0x13f: {  	[tilespmem:$0x1FFA0] =	vst v30;
	v30 =	vadd.f32 v46, v43;
	v54 =	vmul.f32 v53, v52;
	v58 =	vmul.f32 v57, v56;
	v56 =	vld [tilespmem:$0x1FCA0]  }
0x140: {  	v57 =	vld [tilespmem:$0x1FCB0]  }
0x141: {  	v44 =	vsel vm2, v55, v28;
	v28 =	vadd.f32 v54, v30;
	[tilespmem:$0x1FEB0] =	vst v62;
	v62 =	vld [tilespmem:s28+$0x5080]  }
0x142: {  	v52 =	vld [tilespmem:$0x1FBF0]  }
0x143: {  	v28 =	vadd.f32 v63, v28;
	v54 =	vld [tilespmem:$0x1FC00];
	v63 =	vmul.f32 v61, v59  }
0x144: {  	v55 =	vld [tilespmem:$0x1FC10]  }
0x145: {  	[tilespmem:$0x1FFB0] =	vst v34;
	v34 =	vadd.f32 v63, v58;
	v58 =	vmul.f32 v57, v56;
	v57 =	vld [tilespmem:$0x1FD20]  }
0x146: {  	[tilespmem:$0x1FE00] =	vst v62;
	v62 =	vld [tilespmem:s28+$0x9080]  }
0x147: {  	v35 =	vmul.f32 v50, v48;
	v50 =	vld [tilespmem:$0x1FC60]  }
0x148: {  	v53 =	vmul.f32 v52, v51;
	v51 =	vld [tilespmem:$0x1FC70]  }
0x149: {  	v41 =	vmul.f32 v38, v37;
	v56 =	vld [tilespmem:$0x1FD10]  }
0x14a: {  	v28 =	vadd.f32 v53, v28;
	v53 =	vld [tilespmem:$0x1FC80]  }
0x14b: {  	v33 =	vadd.f32 v41, v33;
	[tilespmem:$0x1FE10] =	vst v62;
	v62 =	vld [tilespmem:s28+$0x5090]  }
0x14c: {  	v38 =	vmul.f32 v55, v54;
	v54 =	vld [tilespmem:$0x1FC90]  }
0x14d: {  	v52 =	vmul.f32 v51, v50;
	v50 =	vadd.f32 v35, v33;
	v35 =	vadd.f32 v58, v34;
	v58 =	vld [tilespmem:$0x1FD30]  }
0x14e: {  	v59 =	vld [tilespmem:$0x1FCC0]  }
0x14f: {  	v61 =	vld [tilespmem:$0x1FCD0]  }
0x150: {  	[tilespmem:$0x1FE20] =	vst v62;
	v62 =	vld [tilespmem:s28+$0x9090]  }
0x151: {  	v55 =	vmul.f32 v54, v53;
	v53 =	vld [tilespmem:$0x1FCE0]  }
0x152: {  	v54 =	vld [tilespmem:$0x1FCF0]  }
0x153: {  	v30 =	vadd.f32 v55, v52;
	v55 =	vld [tilespmem:$0x1FD00]  }
0x154: {  	v63 =	vmul.f32 v61, v59;
	v59 =	vld [tilespmem:$0x1FD40]  }
0x155: {  	[tilespmem:$0x1FE30] =	vst v62;
	v62 =	vld [tilespmem:s28+$0x50A0]  }
0x156: {  	v61 =	vld [tilespmem:$0x1FD50]  }
0x157: {  	v51 =	vmul.f32 v54, v53;
	v53 =	vmul.f32 v58, v57;
	v57 =	vld [tilespmem:$0x1FD70]  }
0x158: {  	v52 =	vmul.f32 v56, v55;
	v56 =	vld [tilespmem:$0x1FD60]  }
0x159: {  	v37 =	vld [tilespmem:s28+$0x53C0]  }
0x15a: {  	[tilespmem:$0x1FE60] =	vst v62;
	v62 =	vld [tilespmem:s28+$0x90A0]  }
0x15b: {  	v48 =	vadd.f32 v63, v30;
	v63 =	vmul.f32 v61, v59;
	v59 =	vld [tilespmem:$0x1FD80]  }
0x15c: {  	v47 =	vadd.f32 v38, v28;
	v61 =	vld [tilespmem:$0x1FD90]  }
0x15d: {  	v58 =	vmul.f32 v57, v56;
	v56 =	vld [tilespmem:$0x1FDA0]  }
0x15e: {  	v47 =	vadd.f32 v51, v47;
	v51 =	vadd.f32 v52, v35;
	v57 =	vld [tilespmem:$0x1FDB0]  }
0x15f: {  	v16 =	vadd.f32 v44, v16;
	[tilespmem:$0x1FE70] =	vst v62;
	v62 =	vld [tilespmem:s28+$0x50B0]  }
0x160: {  	v50 =	vadd.f32 v53, v50;
	v51 =	vadd.f32 v58, v51;
	v58 =	vld [tilespmem:$0x1FDC0]  }
0x161: {  	v52 =	vperm.xlane v47, v27;
	v44 =	vadd.f32 v63, v48;
	v63 =	vmul.f32 v61, v59;
	v59 =	vld [tilespmem:$0x1FDD0]  }
0x162: {  	v61 =	vld [tilespmem:$0x1FDE0]  }
0x163: {  	v52 =	vsel vm2, v50, v52;
	v50 =	vperm.xlane v50, v27;
	v44 =	vadd.f32 v63, v44;
	v63 =	vld [tilespmem:$0x1FDF0]  }
0x164: {  	v54 =	vmul.f32 v57, v56;
	[tilespmem:$0x1FEC0] =	vst v62;
	v62 =	vld [tilespmem:s28+$0x90B0]  }
0x165: {  	v47 =	vsel vm2, v50, v47;
	v50 =	vld [tilespmem:$0x1FE40]  }
0x166: {  	v51 =	vadd.f32 v54, v51;
	v54 =	vld [tilespmem:$0x1FE00]  }
0x167: {  	v55 =	vmul.f32 v59, v58;
	v58 =	vld [tilespmem:$0x1FE10]  }
0x168: {  	v59 =	vld [tilespmem:$0x1FE20]  }
0x169: {  	v56 =	vmul.f32 v63, v61;
	[tilespmem:$0x1FED0] =	vst v62;
	v62 =	vld [tilespmem:s28+$0x50C0]  }
0x16a: {  	v61 =	vld [tilespmem:$0x1FE30]  }
0x16b: {  	v44 =	vadd.f32 v56, v44;
	v56 =	vld [tilespmem:$0x1FE50]  }
0x16c: {  	v41 =	vld [tilespmem:s28+$0x93C0]  }
0x16d: {  	v45 =	vld [tilespmem:s28+$0x53B0]  }
0x16e: {  	[tilespmem:$0x1FF10] =	vst v62;
	v62 =	vld [tilespmem:s28+$0x90C0]  }
0x16f: {  	v43 =	vld [tilespmem:s28+$0x93A0];
	v54 =	vmul.f32 v58, v54;
	v63 =	vmul.f32 v61, v59  }
0x170: {  	v50 =	vmul.f32 v56, v50;
	v61 =	vld [tilespmem:$0x1FE60]  }
0x171: {  	v54 =	vadd.f32 v63, v54;
	v63 =	vld [tilespmem:$0x1FE70]  }
0x172: {  	v44 =	vadd.f32 v50, v44;
	v50 =	vld [tilespmem:$0x1FE80]  }
0x173: {  	[tilespmem:$0x1FF20] =	vst v62;
	v62 =	vld [tilespmem:s28+$0x5480]  }
0x174: {  	v0 =	vld [tilespmem:$0x1FEE0]  }
0x175: {  	v17 =	vld [tilespmem:$0x1FEF0]  }
0x176: {  	v51 =	vadd.f32 v55, v51;
	v55 =	vmul.f32 v63, v61;
	v61 =	vld [tilespmem:$0x1FE90]  }
0x177: {  	v63 =	vld [tilespmem:$0x1FEB0]  }
0x178: {  	v50 =	vmul.f32 v50, v62;
	v62 =	vld [tilespmem:$0x1FEA0]  }
0x179: {  	v46 =	vld [tilespmem:s28+$0x93B0]  }
0x17a: {  	v36 =	vmul.f32 v36, v32;
	v32 =	vmul.f32 v43, v40;
	v40 =	vld [tilespmem:s28+$0x55B0]  }
0x17b: {  	v54 =	vadd.f32 v55, v54;
	v55 =	vld [tilespmem:$0x1FEC0]  }
0x17c: {  	v0 =	vmul.f32 v17, v0;
	v49 =	vmul.f32 v49, v61;
	v17 =	vld [tilespmem:$0x1FF10]  }
0x17d: {  	v62 =	vmul.f32 v63, v62;
	v63 =	vld [tilespmem:$0x1FED0]  }
0x17e: {  	v49 =	vadd.f32 v49, v50;
	v50 =	vld [tilespmem:$0x1FF00]  }
0x17f: {  	v44 =	vadd.f32 v62, v44;
	v62 =	vld [tilespmem:$0x1FF20]  }
0x180: {  	v38 =	vld [tilespmem:s28+$0x93D0]  }
0x181: {  	v28 =	vld [tilespmem:s28+$0x53E0]  }
0x182: {  	v33 =	vld [tilespmem:s28+$0x53D0];
	v55 =	vmul.f32 v63, v55  }
0x183: {  	v34 =	vld [tilespmem:s28+$0x93E0]  }
0x184: {  	v53 =	vld [tilespmem:s28+$0x5180];
	v29 =	vmul.f32 v29, v50;
	v54 =	vadd.f32 v55, v54;
	v55 =	vmul.f32 v62, v17  }
0x185: {  	v35 =	vld [tilespmem:s28+$0x93F0]  }
0x186: {  	v29 =	vadd.f32 v29, v49;
	v49 =	vadd.f32 v55, v54;
	v54 =	vld [tilespmem:$0x1FF30]  }
0x187: {  	v55 =	vld [tilespmem:$0x1FF40]  }
0x188: {  	v30 =	vld [tilespmem:s28+$0x53F0]  }
0x189: {  	v47 =	vadd.f32 v47, v52;
	v52 =	vld [tilespmem:$0x1FF60]  }
0x18a: {  	v57 =	vld [tilespmem:s28+$0x5190]  }
0x18b: {  	v48 =	vld [tilespmem:s28+$0x9180]  }
0x18c: {  	v0 =	vadd.f32 v0, v51;
	v56 =	vld [tilespmem:s28+$0x51A0];
	v17 =	vperm.xlane v44, v27;
	v51 =	vmul.f32 v55, v54  }
0x18d: {  	v58 =	vld [tilespmem:s28+$0x91A0]  }
0x18e: {  	v23 =	vadd.f32 v23, v29;
	v29 =	vadd.f32 v51, v49;
	v49 =	vsel vm2, v0, v17;
	v17 =	vld [tilespmem:$0x1FF50]  }
0x18f: {  	v59 =	vld [tilespmem:s28+$0x9190]  }
0x190: {  	v61 =	vld [tilespmem:s28+$0x51B0]  }
0x191: {  	v50 =	vld [tilespmem:s28+$0x51C0]  }
0x192: {  	v54 =	vld [tilespmem:$0x1FF70]  }
0x193: {  	v52 =	vmul.f32 v52, v17;
	v17 =	vmul.f32 v24, v60;
	v60 =	vld [tilespmem:$0x1FF80]  }
0x194: {  	v63 =	vld [tilespmem:s28+$0x91B0]  }
0x195: {  	v62 =	vld [tilespmem:s28+$0x91C0]  }
0x196: {  	v1 =	vmul.f32 v7, v1;
	v22 =	vadd.f32 v22, v23;
	v55 =	vld [tilespmem:s28+$0x91D0]  }
0x197: {  	v0 =	vperm.xlane v0, v27;
	v51 =	vld [tilespmem:s28+$0x91E0]  }
0x198: {  	v1 =	vadd.f32 v2, v1;
	v22 =	vadd.f32 v17, v22;
	v23 =	vmul.f32 v60, v54;
	v54 =	vld [tilespmem:$0x1FF90]  }
0x199: {  	v10 =	vmul.f32 v12, v10;
	v0 =	vsel vm2, v0, v44;
	v44 =	vmul.f32 v4, v6;
	v4 =	vld [tilespmem:s28+$0x9580]  }
0x19a: {  	v43 =	vmul.f32 v59, v57;
	v7 =	vadd.f32 v52, v29;
	v52 =	vadd.f32 v19, v22;
	v19 =	vld [tilespmem:s28+$0x5590]  }
0x19b: {  	v59 =	vmul.f32 v62, v50;
	v1 =	vadd.f32 v44, v1;
	v60 =	vmul.f32 v14, v9;
	v9 =	vld [tilespmem:s28+$0x9590]  }
0x19c: {  	v0 =	vadd.f32 v0, v49;
	v49 =	vld [tilespmem:s28+$0x55A0];
	v44 =	vmul.f32 v42, v3;
	v42 =	vmul.f32 v48, v53  }
0x19d: {  	v53 =	vmul.f32 v63, v61;
	v1 =	vadd.f32 v60, v1;
	v60 =	vld [tilespmem:s28+$0x95A0];
	v17 =	vmul.f32 v25, v54  }
0x19e: {  	v61 =	vmul.f32 v38, v33;
	v33 =	vmul.f32 v35, v30;
	v24 =	vld [tilespmem:s28+$0x51F0]  }
0x19f: {  	v2 =	vadd.f32 v43, v42;
	v25 =	vld [tilespmem:s28+$0x95B0];
	v6 =	vadd.f32 v17, v52;
	v52 =	vmul.f32 v8, v13  }
0x1a0: {  	v4 =	vmul.f32 v4, v21;
	v14 =	vadd.f32 v44, v36;
	v44 =	vld [tilespmem:s28+$0x55C0];
	v9 =	vmul.f32 v9, v19  }
0x1a1: {  	v36 =	vmul.f32 v46, v45;
	v46 =	vld [tilespmem:s28+$0x95C0];
	v54 =	vmul.f32 v18, v15;
	v1 =	vadd.f32 v52, v1  }
0x1a2: {  	v45 =	vmul.f32 v58, v56;
	v4 =	vadd.f32 v9, v4;
	v48 =	vmul.f32 v60, v49;
	v49 =	vld [tilespmem:s28+$0x55D0]  }
0x1a3: {  	v22 =	vmul.f32 v34, v28;
	v14 =	vadd.f32 v32, v14;
	v1 =	vadd.f32 v54, v1;
	v54 =	vld [tilespmem:s28+$0x95D0]  }
0x1a4: {  	v58 =	vld [tilespmem:s28+$0x55E0];
	v2 =	vadd.f32 v45, v2;
	v4 =	vadd.f32 v48, v4;
	v57 =	vmul.f32 v25, v40  }
0x1a5: {  	v56 =	vmul.f32 v11, v20;
	v14 =	vadd.f32 v36, v14;
	v60 =	vld [tilespmem:s28+$0x95E0];
	v52 =	vmul.f32 v41, v37  }
0x1a6: {  	v63 =	vld [tilespmem:s28+$0x55F0];
	v2 =	vadd.f32 v53, v2;
	v62 =	vmul.f32 v46, v44;
	v4 =	vadd.f32 v57, v4  }
0x1a7: {  	v20 =	vld [tilespmem:s28+$0x95F0];
	v34 =	vmul.f32 v5, v24;
	v19 =	vmul.f32 v55, v31;
	v14 =	vadd.f32 v52, v14  }
0x1a8: {  	v2 =	vadd.f32 v59, v2;
	v4 =	vadd.f32 v62, v4;
	v21 =	vmul.f32 v54, v49  }
0x1a9: {  	v7 =	vadd.f32 v23, v7;
	v23 =	vmul.f32 v51, v26;
	v14 =	vadd.f32 v61, v14  }
0x1aa: {  	v2 =	vadd.f32 v19, v2;
	v31 =	vmul.f32 v60, v58;
	v4 =	vadd.f32 v21, v4  }
0x1ab: {  	v38 =	vperm.xlane v7, v27;
	v1 =	vadd.f32 v56, v1;
	v32 =	vadd.f32 v22, v14  }
0x1ac: {  	v35 =	vmul.f32 v20, v63;
	v2 =	vadd.f32 v23, v2;
	v4 =	vadd.f32 v31, v4  }
0x1ad: {  	v36 =	vperm.xlane v6, v27;
	v1 =	vadd.f32 v10, v1;
	v37 =	vadd.f32 v33, v32  }
0x1ae: {  	v48 =	vperm.xlane v47, v39;
	v2 =	vadd.f32 v34, v2;
	v40 =	vadd.f32 v35, v4  }
0x1af: {  	v43 =	vperm.xlane v1, v27;
	v42 =	vperm.xlane v37, v27  }
0x1b0: {  	v55 =	vld [tilespmem:$0x1FFA0];
	v6 =	vsel vm2, v38, v6;
	v45 =	vperm.xlane v2, v27;
	v44 =	vperm.xlane v40, v27  }
0x1b1: {  	v41 =	vsel vm2, v7, v36;
	v56 =	vld [tilespmem:$0x1FFB0];
	v46 =	vsel vm2, v43, v37;
	v1 =	vsel vm2, v1, v42  }
0x1b2: {  	v4 =	vadd.f32 v6, v41;
	v3 =	vsel vm2, v45, v40;
	v2 =	vsel vm2, v2, v44  }
0x1b3: {  	v49 =	vperm.xlane v16, v39;
	v1 =	vadd.f32 v46, v1;
	v2 =	vadd.f32 v3, v2  }
0x1b4: {  	v50 =	vsel vm0, v16, v48;
	v52 =	vperm.xlane v0, v39;
	v57 =	vld [tilespmem:$0x1FFE0];
	v51 =	vperm.xlane v4, v39  }
0x1b5: {  	v7 =	vsel vm0, v49, v47;
	v54 =	vperm.xlane v1, v39;
	v53 =	vperm.xlane v2, v39  }
0x1b6: {  	v10 =	vadd.f32 v56, v55;
	v4 =	vsel vm0, v52, v4;
	v0 =	vsel vm0, v0, v51  }
0x1b7: {  	v3 =	vadd.f32 v7, v50;
	v2 =	vsel vm0, v54, v2;
	v1 =	vsel vm0, v1, v53  }
0x1b8: {  	v0 =	vadd.f32 v4, v0;
	v1 =	vadd.f32 v2, v1  }
0x1b9: {  	v59 =	vperm.xlane v10, v57;
	v58 =	vperm.xlane v3, v57  }
0x1ba: {  	v62 =	vld [tilespmem:$0x1FFF0];
	v61 =	vperm.xlane v0, v57;
	v60 =	vperm.xlane v1, v57  }
0x1bb: {  	v3 =	vsel vm1, v59, v3  }
0x1bc: {  	v63 =	vld [tilespmem:$0x1FFC0];
	v2 =	vsel vm1, v10, v58;
	v1 =	vsel vm1, v61, v1;
	v0 =	vsel vm1, v0, v60  }
0x1bd: {  	v2 =	vadd.f32 v3, v2;
	v0 =	vadd.f32 v1, v0;
	_ =	sdelay $0x1  }
0x1be: {  	p1 =	sne.s32 s26, $0x7;
	v3 =	vperm.xlane v2, v62;
	v1 =	vperm.xlane v0, v62  }
.Ltmp2:
0x1bf: {  	_ = 	snop;
	(pc) =	sbr.rel @p1 .LBB2_3-.Ltmp2, $4  }
0x1c0: {  	v0 =	vsel vm3, v3, v0;
	v1 =	vsel vm3, v2, v1  }
0x1c1: {  	s31 =	sshll.u32 s26, $0x4;
	v0 =	vadd.f32 v0, v1  }
0x1c2: {  	s28 =	sand.u32 $0x3FFFFFF0, s31  }
0x1c3: {  	s26 =	sadd.s32 $0x1, s26;
	[tilespmem:v63+s28+$0x0 ss:$0x1] =	vst.idx.msk $0xffff, v0  }
0x1c4: {  	p1 =	seq.s32 s23, $0x26  }
0x1c5: {  	s26 =	sadd.s32 @!p1 $0x100, s25;
	s28 =	simm.s32 @!p1 $0x80;
	s29 =	simm.s32 @!p1 $0x4E00  }
0x1c6: {  	[tilespmem:s29], [sflag:$0x1] =	stream.indirect.gather @!p1 [hbm4b:s0+s28], $0x80, s26, s28, $0xb8;
	[tilespmem:$0x17500] =	vst v63  }
0x1c7: {  	s25 =	sadd.s32 @!p1 $0x2800, s25;
	s26 =	simm.s32 @!p1 $0x8E00  }
0x1c8: {  	[tilespmem:s26], [sflag:$0x1] =	stream.indirect.gather @!p1 [hbm4b:s1+s28], $0x80, s25, s28, $0xb8;
	[tilespmem:$0x17500] =	vst v63  }
0x1c9: {  	_ =	swait.ge [sflag:s19], $0x4000  }
0x1ca: {  	[sflag:s19] =	ssyncset.done $0x0  }
0x1cb: {  	[sflag:s19] =	ssyncadd.s32 $0xFFFFC000  }
0x1cc: {  	s31 =	sadd.s32 $0x14E00, s24;
	_ =	swait.ge [sflag:s19], $0x4000  }
0x1cd: {  	v0 =	vmov s31;
	[sflag:s19] =	ssyncset.done $0x0  }
0x1ce: {  	s24 =	simm.s32 $0x0;
	[tilespmem:$0x1F820] =	vst v0;
	[sflag:s19] =	ssyncadd.s32 $0xFFFFC000  }
.LBB2_5:
0x1cf: {  	s25 =	sshll.u32 s24, $0xB  }
0x1d0: {  	v31 =	vld [tilespmem:s25+$0xCE00]  }
0x1d1: {  	v62 =	vld [tilespmem:s25+$0x10F30];
	_ =	sdelay $0x4  }
0x1d2: {  	[tilespmem:$0x1F1C0] =	vst v62;
	v62 =	vld [tilespmem:s25+$0xCF70];
	_ =	sdelay $0x4  }
0x1d3: {  	[tilespmem:$0x1F290] =	vst v62;
	v62 =	vld [tilespmem:s25+$0xD340];
	_ =	sdelay $0x4  }
0x1d4: {  	[tilespmem:$0x1F1D0] =	vst v62;
	v62 =	vld [tilespmem:s25+$0x11340];
	_ =	sdelay $0x4  }
0x1d5: {  	[tilespmem:$0x1F1E0] =	vst v62;
	v62 =	vld [tilespmem:s25+$0xD350];
	_ =	sdelay $0x4  }
0x1d6: {  	[tilespmem:$0x1F210] =	vst v62;
	v62 =	vld [tilespmem:s25+$0x11350];
	_ =	sdelay $0x4  }
0x1d7: {  	[tilespmem:$0x1F220] =	vst v62;
	v62 =	vld [tilespmem:s25+$0xD360];
	_ =	sdelay $0x4  }
0x1d8: {  	[tilespmem:$0x1F270] =	vst v62;
	v62 =	vld [tilespmem:s25+$0x11360];
	_ =	sdelay $0x4  }
0x1d9: {  	[tilespmem:$0x1F280] =	vst v62;
	v62 =	vld [tilespmem:s25+$0xD370];
	_ =	sdelay $0x4  }
0x1da: {  	[tilespmem:$0x1F2B0] =	vst v62;
	v62 =	vld [tilespmem:s25+$0x11370];
	_ =	sdelay $0x4  }
0x1db: {  	[tilespmem:$0x1F2C0] =	vst v62;
	v62 =	vld [tilespmem:s25+$0xD100];
	_ =	sdelay $0x4  }
0x1dc: {  	[tilespmem:$0x1F2D0] =	vst v62;
	v62 =	vld [tilespmem:s25+$0x11100];
	_ =	sdelay $0x4  }
0x1dd: {  	[tilespmem:$0x1F2E0] =	vst v62;
	v62 =	vld [tilespmem:s25+$0xD110];
	_ =	sdelay $0x4  }
0x1de: {  	[tilespmem:$0x1F2F0] =	vst v62;
	v62 =	vld [tilespmem:s25+$0x11110];
	_ =	sdelay $0x4  }
0x1df: {  	[tilespmem:$0x1F300] =	vst v62;
	v62 =	vld [tilespmem:s25+$0xD120];
	_ =	sdelay $0x4  }
0x1e0: {  	[tilespmem:$0x1F350] =	vst v62;
	v62 =	vld [tilespmem:s25+$0x11120];
	_ =	sdelay $0x4  }
0x1e1: {  	[tilespmem:$0x1F360] =	vst v62;
	v62 =	vld [tilespmem:s25+$0xD130];
	_ =	sdelay $0x4  }
0x1e2: {  	[tilespmem:$0x1F390] =	vst v62;
	v62 =	vld [tilespmem:s25+$0x11130];
	_ =	sdelay $0x4  }
0x1e3: {  	[tilespmem:$0x1F3A0] =	vst v62;
	v62 =	vld [tilespmem:s25+$0xD140];
	_ =	sdelay $0x4  }
0x1e4: {  	[tilespmem:$0x1F3D0] =	vst v62;
	v62 =	vld [tilespmem:s25+$0x11140];
	_ =	sdelay $0x4  }
0x1e5: {  	[tilespmem:$0x1F3E0] =	vst v62;
	v62 =	vld [tilespmem:s25+$0xD150];
	_ =	sdelay $0x4  }
0x1e6: {  	[tilespmem:$0x1F410] =	vst v62;
	v62 =	vld [tilespmem:s25+$0x11150];
	_ =	sdelay $0x4  }
0x1e7: {  	[tilespmem:$0x1F420] =	vst v62;
	v62 =	vld [tilespmem:s25+$0xD160];
	_ =	sdelay $0x4  }
0x1e8: {  	[tilespmem:$0x1F430] =	vst v62;
	v62 =	vld [tilespmem:s25+$0x11160];
	_ =	sdelay $0x4  }
0x1e9: {  	[tilespmem:$0x1F440] =	vst v62;
	v62 =	vld [tilespmem:s25+$0xD170];
	_ =	sdelay $0x4  }
0x1ea: {  	[tilespmem:$0x1F590] =	vst v62;
	v62 =	vld [tilespmem:s25+$0x11170];
	_ =	sdelay $0x4  }
0x1eb: {  	[tilespmem:$0x1F5A0] =	vst v62;
	v62 =	vld [tilespmem:s25+$0xD500];
	_ =	sdelay $0x1  }
0x1ec: {  	v25 =	vld [tilespmem:s25+$0x10E00]  }
0x1ed: {  	v26 =	vld [tilespmem:s25+$0xCE10]  }
0x1ee: {  	v22 =	vld [tilespmem:s25+$0x10E10]  }
0x1ef: {  	[tilespmem:$0x1F310] =	vst v62;
	v62 =	vld [tilespmem:s25+$0x11500]  }
0x1f0: {  	v33 =	vld [tilespmem:s25+$0xCE20]  }
0x1f1: {  	v29 =	vld [tilespmem:s25+$0x10E20]  }
0x1f2: {  	v58 =	vld [tilespmem:s25+$0xCE30]  }
0x1f3: {  	v35 =	vld [tilespmem:s25+$0x10E30]  }
0x1f4: {  	[tilespmem:$0x1F320] =	vst v62;
	v62 =	vld [tilespmem:s25+$0xD510]  }
0x1f5: {  	v45 =	vld [tilespmem:s25+$0xCE40]  }
0x1f6: {  	v44 =	vld [tilespmem:s25+$0x10E40]  }
0x1f7: {  	v47 =	vld [tilespmem:s25+$0xCE50]  }
0x1f8: {  	v57 =	vld [tilespmem:s25+$0x10E50]  }
0x1f9: {  	[tilespmem:$0x1F330] =	vst v62;
	v62 =	vld [tilespmem:s25+$0x11510]  }
0x1fa: {  	v0 =	vld [tilespmem:s25+$0xCE60]  }
0x1fb: {  	v14 =	vld [tilespmem:s25+$0x10E60]  }
0x1fc: {  	v15 =	vld [tilespmem:s25+$0xCE70]  }
0x1fd: {  	v16 =	vld [tilespmem:s25+$0x10E70]  }
0x1fe: {  	[tilespmem:$0x1F340] =	vst v62;
	v62 =	vld [tilespmem:s25+$0xD520]  }
0x1ff: {  	v12 =	vld [tilespmem:s25+$0xD200]  }
0x200: {  	v11 =	vld [tilespmem:s25+$0x11200]  }
0x201: {  	v10 =	vld [tilespmem:s25+$0xD210]  }
0x202: {  	v9 =	vld [tilespmem:s25+$0x11210]  }
0x203: {  	[tilespmem:$0x1F370] =	vst v62;
	v62 =	vld [tilespmem:s25+$0x11520]  }
0x204: {  	v13 =	vld [tilespmem:s25+$0x11220]  }
0x205: {  	v60 =	vld [tilespmem:s25+$0xD230]  }
0x206: {  	v23 =	vld [tilespmem:s25+$0x11230]  }
0x207: {  	v24 =	vld [tilespmem:s25+$0xD240]  }
0x208: {  	[tilespmem:$0x1F380] =	vst v62;
	v62 =	vld [tilespmem:s25+$0xD530]  }
0x209: {  	v21 =	vld [tilespmem:s25+$0x11240]  }
0x20a: {  	v52 =	vld [tilespmem:s25+$0xD250]  }
0x20b: {  	v51 =	vld [tilespmem:s25+$0x11250]  }
0x20c: {  	v17 =	vld [tilespmem:s25+$0xD260]  }
0x20d: {  	[tilespmem:$0x1F3B0] =	vst v62;
	v62 =	vld [tilespmem:s25+$0x11530]  }
0x20e: {  	v18 =	vld [tilespmem:s25+$0x11260]  }
0x20f: {  	v19 =	vld [tilespmem:s25+$0xD270]  }
0x210: {  	v20 =	vld [tilespmem:s25+$0x11270]  }
0x211: {  	v34 =	vld [tilespmem:s25+$0xD020]  }
0x212: {  	[tilespmem:$0x1F3C0] =	vst v62;
	v62 =	vld [tilespmem:s25+$0xD540]  }
0x213: {  	v32 =	vld [tilespmem:s25+$0x11020]  }
0x214: {  	v43 =	vld [tilespmem:s25+$0xD030]  }
0x215: {  	v42 =	vld [tilespmem:s25+$0x11030]  }
0x216: {  	v53 =	vld [tilespmem:s25+$0xD040]  }
0x217: {  	[tilespmem:$0x1F3F0] =	vst v62;
	v62 =	vld [tilespmem:s25+$0x11540]  }
0x218: {  	v49 =	vld [tilespmem:s25+$0x11040]  }
0x219: {  	v30 =	vld [tilespmem:s25+$0xD050]  }
0x21a: {  	v59 =	vld [tilespmem:s25+$0x11050]  }
0x21b: {  	v36 =	vld [tilespmem:s25+$0xD060]  }
0x21c: {  	[tilespmem:$0x1F400] =	vst v62;
	v62 =	vld [tilespmem:s25+$0xD550]  }
0x21d: {  	v37 =	vld [tilespmem:s25+$0x11060]  }
0x21e: {  	v38 =	vld [tilespmem:s25+$0xD070]  }
0x21f: {  	v40 =	vld [tilespmem:s25+$0x11070]  }
0x220: {  	v4 =	vld [tilespmem:s25+$0xD400]  }
0x221: {  	[tilespmem:$0x1F450] =	vst v62;
	v62 =	vld [tilespmem:s25+$0x11550]  }
0x222: {  	v3 =	vld [tilespmem:s25+$0x11400]  }
0x223: {  	v2 =	vld [tilespmem:s25+$0xD410]  }
0x224: {  	v1 =	vld [tilespmem:s25+$0x11410]  }
0x225: {  	v6 =	vld [tilespmem:s25+$0xD420]  }
0x226: {  	[tilespmem:$0x1F460] =	vst v62;
	v62 =	vld [tilespmem:s25+$0xD560]  }
0x227: {  	v5 =	vld [tilespmem:s25+$0x11420]  }
0x228: {  	v8 =	vld [tilespmem:s25+$0xD430]  }
0x229: {  	v7 =	vld [tilespmem:s25+$0x11430]  }
0x22a: {  	v28 =	vld [tilespmem:s25+$0x11450]  }
0x22b: {  	[tilespmem:$0x1F470] =	vst v62;
	v62 =	vld [tilespmem:s25+$0x11560]  }
0x22c: {  	v48 =	vld [tilespmem:s25+$0xD470]  }
0x22d: {  	v46 =	vld [tilespmem:s25+$0x11470]  }
0x22e: {  	v56 =	vld [tilespmem:s25+$0xCF00]  }
0x22f: {  	v55 =	vld [tilespmem:s25+$0x10F00]  }
0x230: {  	[tilespmem:$0x1F480] =	vst v62;
	v62 =	vld [tilespmem:s25+$0xD570]  }
0x231: {  	v41 =	vld [tilespmem:s25+$0x10F10]  }
0x232: {  	v50 =	vld [tilespmem:s25+$0xCF20]  }
0x233: {  	v54 =	vld [tilespmem:s25+$0x10F20]  }
0x234: {  	v61 =	vld [tilespmem:s25+$0xCF30]  }
0x235: {  	[tilespmem:$0x1F550] =	vst v62;
	v62 =	vld [tilespmem:s25+$0x11570]  }
0x236: {  	v63 =	vld [tilespmem:s25+$0xCF40]  }
0x237: {  	[tilespmem:$0x1F110] =	vst v15;
	v15 =	vld [tilespmem:s25+$0xD220]  }
0x238: {  	[tilespmem:$0x1F100] =	vst v20;
	v20 =	vld [tilespmem:s25+$0xD000]  }
0x239: {  	[tilespmem:$0x1F0F0] =	vst v19;
	v19 =	vld [tilespmem:s25+$0x11000]  }
0x23a: {  	[tilespmem:$0x1F560] =	vst v62;
	v62 =	vld [tilespmem:s25+$0xCE80]  }
0x23b: {  	[tilespmem:$0x1F0D0] =	vst v18;
	v18 =	vld [tilespmem:s25+$0xD010]  }
0x23c: {  	[tilespmem:$0x1F0C0] =	vst v17;
	v17 =	vld [tilespmem:s25+$0x11010]  }
0x23d: {  	[tilespmem:$0x1F120] =	vst v16;
	v16 =	vld [tilespmem:s25+$0xD440]  }
0x23e: {  	[tilespmem:$0x1F0B0] =	vst v14;
	v14 =	vld [tilespmem:s25+$0x11440]  }
0x23f: {  	[tilespmem:$0x1F490] =	vst v62;
	v62 =	vld [tilespmem:s25+$0x10E80]  }
0x240: {  	[tilespmem:$0x1F0E0] =	vst v30;
	v30 =	vld [tilespmem:s25+$0xD450]  }
0x241: {  	[tilespmem:$0x1F0A0] =	vst v0;
	v0 =	vld [tilespmem:s25+$0xD460]  }
0x242: {  	[tilespmem:$0x1F140] =	vst v37;
	v37 =	vld [tilespmem:s25+$0x11460]  }
0x243: {  	[tilespmem:$0x1F130] =	vst v36;
	v36 =	vld [tilespmem:s25+$0xCF10]  }
0x244: {  	[tilespmem:$0x1F4A0] =	vst v62;
	v62 =	vld [tilespmem:s25+$0xCE90]  }
0x245: {  	[tilespmem:$0x1F160] =	vst v40;
	v40 =	vld [tilespmem:s25+$0x10F40]  }
0x246: {  	[tilespmem:$0x1F180] =	vst v41;
	v41 =	vld [tilespmem:s25+$0xCF50]  }
0x247: {  	[tilespmem:$0x1F190] =	vst v50;
	v50 =	vld [tilespmem:s25+$0x10F50]  }
0x248: {  	[tilespmem:$0x1F1A0] =	vst v54;
	v54 =	vld [tilespmem:s25+$0xCF60]  }
0x249: {  	[tilespmem:$0x1F4B0] =	vst v62;
	v62 =	vld [tilespmem:s25+$0x10E90]  }
0x24a: {  	[tilespmem:$0x1F1B0] =	vst v61;
	v61 =	vld [tilespmem:s25+$0x10F60]  }
0x24b: {  	[tilespmem:$0x1F1F0] =	vst v63;
	v63 =	vld [tilespmem:s25+$0x10F70]  }
0x24c: {  	[tilespmem:$0x1F150] =	vst v38;
	v38 =	vld [tilespmem:s25+$0xD300]  }
0x24d: {  	v22 =	vmul.f32 v22, v26;
	v26 =	vld [tilespmem:s25+$0xD0D0]  }
0x24e: {  	v25 =	vmul.f32 v25, v31;
	[tilespmem:$0x1F4C0] =	vst v62;
	v62 =	vld [tilespmem:s25+$0xCEA0]  }
0x24f: {  	v11 =	vmul.f32 v11, v12;
	v9 =	vmul.f32 v9, v10;
	v12 =	vld [tilespmem:s25+$0x110E0]  }
0x250: {  	v22 =	vadd.f32 v22, v25;
	v25 =	vmul.f32 v29, v33;
	v33 =	vmul.f32 v35, v58;
	v35 =	vld [tilespmem:s25+$0xD0F0]  }
0x251: {  	v9 =	vadd.f32 v9, v11;
	v11 =	vld [tilespmem:s25+$0xCFC0]  }
0x252: {  	v31 =	vadd.f32 v25, v22;
	v22 =	vmul.f32 v44, v45;
	v44 =	vld [tilespmem:s25+$0xD490]  }
0x253: {  	[tilespmem:$0x1F510] =	vst v62;
	v62 =	vld [tilespmem:s25+$0x10EA0]  }
0x254: {  	v25 =	vld [tilespmem:s25+$0xD4A0]  }
0x255: {  	[tilespmem:$0x1F170] =	vst v36;
	v36 =	vld [tilespmem:s25+$0x11300]  }
0x256: {  	[tilespmem:$0x1F230] =	vst v41;
	v41 =	vld [tilespmem:s25+$0xD310]  }
0x257: {  	[tilespmem:$0x1F200] =	vst v40;
	v40 =	vld [tilespmem:s25+$0x11310]  }
0x258: {  	[tilespmem:$0x1F520] =	vst v62;
	v62 =	vld [tilespmem:s25+$0xCEB0]  }
0x259: {  	[tilespmem:$0x1F250] =	vst v54;
	v54 =	vld [tilespmem:s25+$0xD320]  }
0x25a: {  	[tilespmem:$0x1F240] =	vst v50;
	v50 =	vld [tilespmem:s25+$0x11320]  }
0x25b: {  	[tilespmem:$0x1F2A0] =	vst v63;
	v63 =	vld [tilespmem:s25+$0xD330]  }
0x25c: {  	[tilespmem:$0x1F260] =	vst v61;
	v61 =	vld [tilespmem:s25+$0x11330]  }
0x25d: {  	[tilespmem:$0x1F570] =	vst v62;
	v62 =	vld [tilespmem:s25+$0x10EB0]  }
0x25e: {  	[tilespmem:$0x1F780] =	vst v26;
	v26 =	vld [tilespmem:s25+$0x110D0]  }
0x25f: {  	[tilespmem:$0x1F7B0] =	vst v12;
	v12 =	vmul.f32 v17, v18;
	v18 =	vmul.f32 v51, v52;
	v52 =	vld [tilespmem:s25+$0xD4B0]  }
0x260: {  	v17 =	vmul.f32 v32, v34;
	v34 =	vld [tilespmem:$0x1F0C0]  }
0x261: {  	v32 =	vmul.f32 v42, v43;
	v42 =	vmul.f32 v49, v53;
	v49 =	vld [tilespmem:$0x1F100]  }
0x262: {  	[tilespmem:$0x1F580] =	vst v62;
	v62 =	vld [tilespmem:s25+$0xCEC0]  }
0x263: {  	v53 =	vld [tilespmem:s25+$0xD4E0]  }
0x264: {  	v43 =	vmul.f32 v28, v30;
	v30 =	vld [tilespmem:$0x1F150]  }
0x265: {  	v10 =	vadd.f32 v33, v31;
	v33 =	vmul.f32 v23, v60;
	v60 =	vld [tilespmem:s25+$0x11480]  }
0x266: {  	v3 =	vmul.f32 v3, v4;
	v31 =	vmul.f32 v57, v47;
	v57 =	vld [tilespmem:s25+$0x11490]  }
0x267: {  	v1 =	vmul.f32 v1, v2;
	v58 =	vmul.f32 v13, v15;
	[tilespmem:$0x1F5D0] =	vst v62;
	v62 =	vld [tilespmem:s25+$0x10EC0]  }
0x268: {  	v23 =	vld [tilespmem:$0x1F0A0]  }
0x269: {  	v1 =	vadd.f32 v1, v3;
	v13 =	vmul.f32 v5, v6;
	v9 =	vadd.f32 v58, v9;
	v58 =	vld [tilespmem:s25+$0x114A0]  }
0x26a: {  	[tilespmem:$0x1F7D0] =	vst v35;
	v35 =	vmul.f32 v21, v24;
	v24 =	vld [tilespmem:s25+$0xD4D0]  }
0x26b: {  	v1 =	vadd.f32 v13, v1;
	v13 =	vld [tilespmem:$0x1F130]  }
0x26c: {  	v47 =	vmul.f32 v19, v20;
	[tilespmem:$0x1F5E0] =	vst v62;
	v62 =	vld [tilespmem:s25+$0xCED0]  }
0x26d: {  	v10 =	vadd.f32 v22, v10;
	v22 =	vld [tilespmem:s25+$0x114B0]  }
0x26e: {  	v4 =	vadd.f32 v12, v47;
	v47 =	vld [tilespmem:s25+$0xD4C0]  }
0x26f: {  	v12 =	vld [tilespmem:$0x1F120]  }
0x270: {  	v19 =	vmul.f32 v7, v8;
	[tilespmem:$0x1F6F0] =	vst v44;
	v44 =	vld [tilespmem:$0x1F0E0]  }
0x271: {  	[tilespmem:$0x1F610] =	vst v62;
	v62 =	vld [tilespmem:s25+$0x10ED0]  }
0x272: {  	v1 =	vadd.f32 v19, v1;
	v19 =	vld [tilespmem:s25+$0x114D0]  }
0x273: {  	v45 =	vadd.f32 v33, v9;
	v33 =	vmul.f32 v14, v16;
	v14 =	vld [tilespmem:$0x1F140]  }
0x274: {  	v16 =	vld [tilespmem:s25+$0xD4F0]  }
0x275: {  	[tilespmem:$0x1F790] =	vst v26;
	v26 =	vld [tilespmem:s25+$0xD0E0]  }
0x276: {  	[tilespmem:$0x1F620] =	vst v62;
	v62 =	vld [tilespmem:s25+$0xCEE0]  }
0x277: {  	v10 =	vadd.f32 v31, v10;
	v31 =	vld [tilespmem:$0x1F0B0]  }
0x278: {  	v4 =	vadd.f32 v17, v4;
	v17 =	vld [tilespmem:s25+$0x114E0]  }
0x279: {  	[tilespmem:$0x1F7C0] =	vst v53;
	v53 =	vld [tilespmem:$0x1F1A0]  }
0x27a: {  	v2 =	vadd.f32 v35, v45;
	v35 =	vld [tilespmem:$0x1F0D0]  }
0x27b: {  	[tilespmem:$0x1F630] =	vst v62;
	v62 =	vld [tilespmem:s25+$0x10EE0]  }
0x27c: {  	v45 =	vld [tilespmem:$0x1F0F0]  }
0x27d: {  	v1 =	vadd.f32 v33, v1;
	v33 =	vmul.f32 v55, v56;
	v55 =	vmul.f32 v61, v63;
	v61 =	vld [tilespmem:$0x1F1C0]  }
0x27e: {  	v20 =	vld [tilespmem:$0x1F1D0]  }
0x27f: {  	v5 =	vmul.f32 v59, v44;
	v59 =	vld [tilespmem:$0x1F110]  }
0x280: {  	[tilespmem:$0x1F640] =	vst v62;
	v62 =	vld [tilespmem:s25+$0xCEF0]  }
0x281: {  	v4 =	vadd.f32 v32, v4;
	v44 =	vld [tilespmem:$0x1F170]  }
0x282: {  	[tilespmem:$0x1F7F0] =	vst v16;
	v16 =	vld [tilespmem:s25+$0xCFD0]  }
0x283: {  	v4 =	vadd.f32 v42, v4;
	v42 =	vmul.f32 v40, v41;
	v40 =	vld [tilespmem:$0x1F250]  }
0x284: {  	v41 =	vld [tilespmem:$0x1F260]  }
0x285: {  	[tilespmem:$0x1F740] =	vst v62;
	v62 =	vld [tilespmem:s25+$0x10EF0]  }
0x286: {  	v19 =	vmul.f32 v19, v24;
	v24 =	vld [tilespmem:s25+$0xD1F0]  }
0x287: {  	[tilespmem:$0x1F7A0] =	vst v26;
	v26 =	vld [tilespmem:s25+$0x114C0]  }
0x288: {  	v7 =	vmul.f32 v31, v23;
	v31 =	vld [tilespmem:$0x1F160]  }
0x289: {  	v51 =	vmul.f32 v37, v0;
	v1 =	vadd.f32 v43, v1;
	v23 =	vld [tilespmem:s25+$0x114F0]  }
0x28a: {  	[tilespmem:$0x1F750] =	vst v62;
	v62 =	vld [tilespmem:s25+$0xD280]  }
0x28b: {  	v15 =	vmul.f32 v46, v48;
	v1 =	vadd.f32 v51, v1;
	v51 =	vld [tilespmem:$0x1F190]  }
0x28c: {  	v21 =	vld [tilespmem:$0x1F1E0]  }
0x28d: {  	v3 =	vadd.f32 v15, v1;
	v1 =	vld [tilespmem:s25+$0x10F80]  }
0x28e: {  	v4 =	vadd.f32 v5, v4;
	v5 =	vmul.f32 v14, v13;
	v15 =	vld [tilespmem:s25+$0x10FC0]  }
0x28f: {  	v2 =	vadd.f32 v18, v2;
	v6 =	vmul.f32 v35, v34;
	[tilespmem:$0x1F4D0] =	vst v62;
	v62 =	vld [tilespmem:s25+$0x11280]  }
0x290: {  	v4 =	vadd.f32 v5, v4;
	v5 =	vld [tilespmem:s25+$0xCF80]  }
0x291: {  	v2 =	vadd.f32 v6, v2;
	v6 =	vmul.f32 v49, v45;
	v45 =	vld [tilespmem:$0x1F180]  }
0x292: {  	v8 =	vmul.f32 v12, v59;
	v59 =	vld [tilespmem:$0x1F1B0]  }
0x293: {  	v2 =	vadd.f32 v6, v2;
	v6 =	vld [tilespmem:s25+$0xCFA0]  }
0x294: {  	v7 =	vadd.f32 v7, v10;
	[tilespmem:$0x1F4E0] =	vst v62;
	v62 =	vld [tilespmem:s25+$0xD290]  }
0x295: {  	v36 =	vmul.f32 v36, v38;
	v32 =	vmul.f32 v31, v30;
	v31 =	vld [tilespmem:$0x1F1F0]  }
0x296: {  	v18 =	vadd.f32 v8, v7;
	v7 =	vld [tilespmem:s25+$0xCF90]  }
0x297: {  	v50 =	vmul.f32 v50, v54;
	v49 =	vadd.f32 v42, v36;
	v8 =	vld [tilespmem:s25+$0x10FA0]  }
0x298: {  	v35 =	vadd.f32 v32, v4;
	v4 =	vld [tilespmem:s25+$0x10F90]  }
0x299: {  	v10 =	vadd.f32 v50, v49;
	[tilespmem:$0x1F4F0] =	vst v62;
	v62 =	vld [tilespmem:s25+$0x11290]  }
0x29a: {  	v32 =	vld [tilespmem:$0x1F200]  }
0x29b: {  	v0 =	vadd.f32 v55, v10;
	v10 =	vmul.f32 v21, v20;
	v20 =	vld [tilespmem:s25+$0x10FD0]  }
0x29c: {  	v46 =	vmul.f32 v45, v44;
	v44 =	vld [tilespmem:$0x1F290]  }
0x29d: {  	v45 =	vld [tilespmem:$0x1F2A0]  }
0x29e: {  	v34 =	vperm.xlane v2, v27;
	[tilespmem:$0x1F500] =	vst v62;
	v62 =	vld [tilespmem:s25+$0xD2A0]  }
0x29f: {  	v1 =	vmul.f32 v1, v5;
	v5 =	vld [tilespmem:s25+$0x111F0]  }
0x2a0: {  	v37 =	vperm.xlane v18, v27;
	v38 =	vsel vm2, v18, v34;
	v34 =	vld [tilespmem:$0x1F210]  }
0x2a1: {  	v18 =	vld [tilespmem:s25+$0xCFE0]  }
0x2a2: {  	v43 =	vperm.xlane v3, v27;
	v2 =	vsel vm2, v37, v2;
	v37 =	vld [tilespmem:$0x1F230]  }
0x2a3: {  	v48 =	vperm.xlane v35, v27;
	[tilespmem:$0x1F530] =	vst v62;
	v62 =	vld [tilespmem:s25+$0x112A0]  }
0x2a4: {  	v54 =	vmul.f32 v53, v51;
	v9 =	vsel vm2, v35, v43;
	v35 =	vld [tilespmem:$0x1F220]  }
0x2a5: {  	v13 =	vadd.f32 v46, v33;
	v3 =	vsel vm2, v48, v3;
	v2 =	vadd.f32 v2, v38;
	v38 =	vld [tilespmem:$0x1F240]  }
0x2a6: {  	v3 =	vadd.f32 v3, v9;
	v9 =	vld [tilespmem:s25+$0xCFB0]  }
0x2a7: {  	v56 =	vadd.f32 v54, v13;
	v13 =	vld [tilespmem:s25+$0x10FB0]  }
0x2a8: {  	v33 =	vperm.xlane v2, v39;
	[tilespmem:$0x1F540] =	vst v62;
	v62 =	vld [tilespmem:s25+$0xD2B0]  }
0x2a9: {  	v63 =	vmul.f32 v61, v59;
	v14 =	vmul.f32 v32, v31;
	v31 =	vld [tilespmem:s25+$0xD3D0]  }
0x2aa: {  	v30 =	vperm.xlane v3, v39;
	v3 =	vsel vm0, v33, v3;
	v42 =	vld [tilespmem:$0x1F270]  }
0x2ab: {  	v12 =	vadd.f32 v63, v56;
	[tilespmem:$0x1F810] =	vst v3;
	v3 =	vld [tilespmem:s25+$0x10FE0]  }
0x2ac: {  	v2 =	vsel vm0, v2, v30;
	v30 =	vld [tilespmem:s25+$0xD380]  }
0x2ad: {  	v0 =	vadd.f32 v10, v0;
	v36 =	vadd.f32 v14, v12;
	v10 =	vmul.f32 v38, v37;
	[tilespmem:$0x1F5B0] =	vst v62;
	v62 =	vld [tilespmem:s25+$0x112B0]  }
0x2ae: {  	[tilespmem:$0x1F800] =	vst v2;
	v2 =	vmul.f32 v35, v34;
	v34 =	vld [tilespmem:s25+$0x11380]  }
0x2af: {  	v12 =	vmul.f32 v41, v40;
	v28 =	vadd.f32 v10, v36;
	v10 =	vld [tilespmem:s25+$0xCFF0]  }
0x2b0: {  	v0 =	vadd.f32 v2, v0;
	v2 =	vld [tilespmem:s25+$0x113C0]  }
0x2b1: {  	v28 =	vadd.f32 v12, v28;
	v12 =	vld [tilespmem:s25+$0x10FF0]  }
0x2b2: {  	[tilespmem:$0x1F5C0] =	vst v62;
	v62 =	vld [tilespmem:s25+$0xD2C0]  }
0x2b3: {  	v43 =	vld [tilespmem:$0x1F280]  }
0x2b4: {  	v46 =	vld [tilespmem:$0x1F2B0]  }
0x2b5: {  	v48 =	vld [tilespmem:$0x1F2C0]  }
0x2b6: {  	v50 =	vld [tilespmem:$0x1F2D0]  }
0x2b7: {  	[tilespmem:$0x1F5F0] =	vst v62;
	v62 =	vld [tilespmem:s25+$0x112C0]  }
0x2b8: {  	v51 =	vld [tilespmem:$0x1F2E0]  }
0x2b9: {  	v38 =	vld [tilespmem:$0x1F350]  }
0x2ba: {  	v40 =	vld [tilespmem:$0x1F360]  }
0x2bb: {  	v54 =	vld [tilespmem:$0x1F2F0]  }
0x2bc: {  	[tilespmem:$0x1F600] =	vst v62;
	v62 =	vld [tilespmem:s25+$0xD2D0]  }
0x2bd: {  	v55 =	vld [tilespmem:$0x1F300]  }
0x2be: {  	v29 =	vmul.f32 v45, v44;
	v45 =	vld [tilespmem:$0x1F390]  }
0x2bf: {  	v41 =	vmul.f32 v40, v38;
	v40 =	vld [tilespmem:s25+$0x11390]  }
0x2c0: {  	v38 =	vld [tilespmem:s25+$0xD3A0]  }
0x2c1: {  	[tilespmem:$0x1F650] =	vst v62;
	v62 =	vld [tilespmem:s25+$0x112D0]  }
0x2c2: {  	v49 =	vmul.f32 v48, v46;
	v46 =	vld [tilespmem:$0x1F3A0]  }
0x2c3: {  	v59 =	vld [tilespmem:$0x1F310]  }
0x2c4: {  	v61 =	vld [tilespmem:$0x1F320]  }
0x2c5: {  	v35 =	vld [tilespmem:$0x1F330]  }
0x2c6: {  	[tilespmem:$0x1F660] =	vst v62;
	v62 =	vld [tilespmem:s25+$0xD2E0]  }
0x2c7: {  	v36 =	vld [tilespmem:$0x1F340]  }
0x2c8: {  	v14 =	vmul.f32 v43, v42;
	v42 =	vld [tilespmem:$0x1F370]  }
0x2c9: {  	v43 =	vld [tilespmem:$0x1F380]  }
0x2ca: {  	v53 =	vmul.f32 v51, v50;
	v50 =	vld [tilespmem:$0x1F3B0]  }
0x2cb: {  	[tilespmem:$0x1F6B0] =	vst v62;
	v62 =	vld [tilespmem:s25+$0x112E0]  }
0x2cc: {  	v56 =	vmul.f32 v55, v54;
	v51 =	vld [tilespmem:$0x1F3C0]  }
0x2cd: {  	v55 =	vld [tilespmem:$0x1F3D0];
	v63 =	vmul.f32 v61, v59;
	v37 =	vmul.f32 v36, v35  }
0x2ce: {  	v0 =	vadd.f32 v14, v0;
	v14 =	vadd.f32 v56, v53;
	v56 =	vld [tilespmem:$0x1F3E0]  }
0x2cf: {  	v28 =	vadd.f32 v29, v28;
	v36 =	vld [tilespmem:$0x1F410];
	v29 =	vadd.f32 v37, v63;
	v44 =	vmul.f32 v43, v42  }
0x2d0: {  	[tilespmem:$0x1F6C0] =	vst v62;
	v62 =	vld [tilespmem:s25+$0xD2F0]  }
0x2d1: {  	v42 =	vld [tilespmem:$0x1F420];
	v29 =	vadd.f32 v44, v29;
	v53 =	vmul.f32 v51, v50  }
0x2d2: {  	v0 =	vadd.f32 v49, v0;
	v54 =	vperm.xlane v28, v27;
	v51 =	vld [tilespmem:$0x1F490]  }
0x2d3: {  	v29 =	vadd.f32 v53, v29;
	v53 =	vld [tilespmem:$0x1F4A0]  }
0x2d4: {  	v49 =	vperm.xlane v0, v27;
	v0 =	vsel vm2, v54, v0;
	v54 =	vld [tilespmem:$0x1F4B0]  }
0x2d5: {  	v14 =	vadd.f32 v41, v14;
	v48 =	vmul.f32 v46, v45;
	[tilespmem:$0x1F700] =	vst v62;
	v62 =	vld [tilespmem:s25+$0x112F0]  }
0x2d6: {  	v33 =	vsel vm2, v28, v49;
	v28 =	vmul.f32 v56, v55;
	v55 =	vld [tilespmem:$0x1F4C0]  }
0x2d7: {  	v14 =	vadd.f32 v48, v14;
	v43 =	vld [tilespmem:$0x1F430]  }
0x2d8: {  	v44 =	vld [tilespmem:$0x1F440]  }
0x2d9: {  	v14 =	vadd.f32 v28, v14;
	v28 =	vmul.f32 v42, v36;
	v59 =	vld [tilespmem:$0x1F3F0]  }
0x2da: {  	[tilespmem:$0x1F710] =	vst v62;
	v62 =	vld [tilespmem:s25+$0xD080]  }
0x2db: {  	v14 =	vadd.f32 v28, v14;
	v61 =	vld [tilespmem:$0x1F400];
	v28 =	vmul.f32 v53, v51;
	v56 =	vmul.f32 v55, v54  }
0x2dc: {  	v45 =	vld [tilespmem:$0x1F450]  }
0x2dd: {  	v55 =	vadd.f32 v56, v28;
	v56 =	vld [tilespmem:$0x1F510]  }
0x2de: {  	v28 =	vld [tilespmem:$0x1F520]  }
0x2df: {  	[tilespmem:$0x1F670] =	vst v62;
	v62 =	vld [tilespmem:s25+$0x11080]  }
0x2e0: {  	v46 =	vld [tilespmem:$0x1F460]  }
0x2e1: {  	v49 =	vld [tilespmem:$0x1F470]  }
0x2e2: {  	v50 =	vld [tilespmem:$0x1F480]  }
0x2e3: {  	v28 =	vmul.f32 v28, v56;
	v56 =	vld [tilespmem:$0x1F5A0]  }
0x2e4: {  	[tilespmem:$0x1F680] =	vst v62;
	v62 =	vld [tilespmem:s25+$0xD090]  }
0x2e5: {  	v63 =	vmul.f32 v61, v59;
	v59 =	vld [tilespmem:$0x1F4D0]  }
0x2e6: {  	v61 =	vld [tilespmem:$0x1F4E0]  }
0x2e7: {  	v29 =	vadd.f32 v63, v29;
	v48 =	vmul.f32 v46, v45;
	v51 =	vld [tilespmem:$0x1F4F0]  }
0x2e8: {  	v32 =	vmul.f32 v44, v43;
	v53 =	vld [tilespmem:$0x1F500]  }
0x2e9: {  	v29 =	vadd.f32 v48, v29;
	[tilespmem:$0x1F690] =	vst v62;
	v62 =	vld [tilespmem:s25+$0x11090]  }
0x2ea: {  	v48 =	vadd.f32 v32, v14;
	v14 =	vadd.f32 v28, v55;
	v28 =	vld [tilespmem:$0x1F580]  }
0x2eb: {  	v63 =	vmul.f32 v61, v59;
	v59 =	vld [tilespmem:$0x1F530]  }
0x2ec: {  	v61 =	vld [tilespmem:$0x1F540]  }
0x2ed: {  	v54 =	vmul.f32 v53, v51;
	v53 =	vld [tilespmem:$0x1F570]  }
0x2ee: {  	[tilespmem:$0x1F6A0] =	vst v62;
	v62 =	vld [tilespmem:s25+$0xD0A0]  }
0x2ef: {  	v55 =	vld [tilespmem:$0x1F590]  }
0x2f0: {  	v36 =	vmul.f32 v50, v49;
	v50 =	vld [tilespmem:$0x1F550]  }
0x2f1: {  	v32 =	vadd.f32 v54, v63;
	v63 =	vmul.f32 v61, v59;
	v59 =	vld [tilespmem:$0x1F5B0]  }
0x2f2: {  	v61 =	vld [tilespmem:$0x1F5C0]  }
0x2f3: {  	v54 =	vmul.f32 v28, v53;
	[tilespmem:$0x1F6D0] =	vst v62;
	v62 =	vld [tilespmem:s25+$0x110A0]  }
0x2f4: {  	v49 =	vmul.f32 v56, v55;
	v55 =	vld [tilespmem:$0x1F5E0]  }
0x2f5: {  	v46 =	vadd.f32 v54, v14;
	v54 =	vld [tilespmem:$0x1F5D0]  }
0x2f6: {  	v51 =	vld [tilespmem:$0x1F560]  }
0x2f7: {  	v44 =	vadd.f32 v63, v32;
	v63 =	vmul.f32 v61, v59;
	v59 =	vld [tilespmem:$0x1F5F0]  }
0x2f8: {  	[tilespmem:$0x1F6E0] =	vst v62;
	v62 =	vld [tilespmem:s25+$0xD0B0]  }
0x2f9: {  	v61 =	vld [tilespmem:$0x1F600]  }
0x2fa: {  	v56 =	vmul.f32 v55, v54;
	v54 =	vld [tilespmem:$0x1F610]  }
0x2fb: {  	v55 =	vld [tilespmem:$0x1F620]  }
0x2fc: {  	v46 =	vadd.f32 v56, v46;
	v56 =	vld [tilespmem:$0x1F630]  }
0x2fd: {  	[tilespmem:$0x1F720] =	vst v62;
	v62 =	vld [tilespmem:s25+$0x110B0]  }
0x2fe: {  	v14 =	vadd.f32 v0, v33;
	v0 =	vadd.f32 v63, v44;
	v63 =	vmul.f32 v61, v59;
	v59 =	vld [tilespmem:$0x1F640]  }
0x2ff: {  	v61 =	vld [tilespmem:$0x1F650]  }
0x300: {  	v0 =	vadd.f32 v63, v0;
	v63 =	vld [tilespmem:$0x1F660]  }
0x301: {  	v41 =	vld [tilespmem:s25+$0x113A0]  }
0x302: {  	[tilespmem:$0x1F730] =	vst v62;
	v62 =	vld [tilespmem:s25+$0xD0C0]  }
0x303: {  	v35 =	vld [tilespmem:s25+$0xD3C0]  }
0x304: {  	v45 =	vmul.f32 v51, v50;
	v53 =	vmul.f32 v59, v56;
	v59 =	vld [tilespmem:$0x1F670]  }
0x305: {  	v51 =	vmul.f32 v55, v54;
	v54 =	vmul.f32 v63, v61;
	v61 =	vld [tilespmem:$0x1F680]  }
0x306: {  	v37 =	vld [tilespmem:s25+$0xD390]  }
0x307: {  	[tilespmem:$0x1F760] =	vst v62;
	v62 =	vld [tilespmem:s25+$0x110C0]  }
0x308: {  	v42 =	vld [tilespmem:s25+$0xD3B0]  }
0x309: {  	v63 =	vld [tilespmem:$0x1F690]  }
0x30a: {  	v46 =	vadd.f32 v51, v46;
	v51 =	vmul.f32 v61, v59;
	v61 =	vld [tilespmem:$0x1F6A0]  }
0x30b: {  	v43 =	vld [tilespmem:s25+$0x113B0]  }
0x30c: {  	v29 =	vadd.f32 v36, v29;
	[tilespmem:$0x1F770] =	vst v62;
	v62 =	vld [tilespmem:s25+$0x110F0]  }
0x30d: {  	v36 =	vld [tilespmem:s25+$0x113D0]  }
0x30e: {  	v45 =	vadd.f32 v45, v29;
	v0 =	vadd.f32 v54, v0;
	v54 =	vld [tilespmem:$0x1F6C0]  }
0x30f: {  	v56 =	vmul.f32 v61, v63;
	v63 =	vld [tilespmem:$0x1F6B0]  }
0x310: {  	v48 =	vadd.f32 v49, v48;
	v28 =	vld [tilespmem:s25+$0xD3E0];
	v49 =	vperm.xlane v45, v27  }
0x311: {  	[tilespmem:$0x1F7E0] =	vst v62;
	v62 =	vld [tilespmem:s25+$0xD480]  }
0x312: {  	v50 =	vld [tilespmem:s25+$0xD180];
	v49 =	vsel vm2, v48, v49;
	v48 =	vperm.xlane v48, v27  }
0x313: {  	v29 =	vld [tilespmem:s25+$0xD3F0]  }
0x314: {  	v33 =	vld [tilespmem:s25+$0x113F0];
	v45 =	vsel vm2, v48, v45;
	v48 =	vmul.f32 v54, v63  }
0x315: {  	v21 =	vld [tilespmem:$0x1F700]  }
0x316: {  	v0 =	vadd.f32 v48, v0;
	v48 =	vmul.f32 v60, v62;
	v62 =	vld [tilespmem:$0x1F6F0]  }
0x317: {  	v60 =	vld [tilespmem:$0x1F710]  }
0x318: {  	v32 =	vld [tilespmem:s25+$0x113E0]  }
0x319: {  	v51 =	vadd.f32 v56, v51;
	v56 =	vld [tilespmem:$0x1F6D0]  }
0x31a: {  	v61 =	vld [tilespmem:$0x1F6E0]  }
0x31b: {  	v63 =	vld [tilespmem:$0x1F720]  }
0x31c: {  	v57 =	vmul.f32 v57, v62;
	v62 =	vmul.f32 v60, v21;
	v60 =	vld [tilespmem:$0x1F730]  }
0x31d: {  	v55 =	vld [tilespmem:s25+$0xD190]  }
0x31e: {  	v44 =	vld [tilespmem:s25+$0x11180]  }
0x31f: {  	v25 =	vmul.f32 v58, v25;
	v46 =	vadd.f32 v53, v46;
	v53 =	vmul.f32 v61, v56;
	v58 =	vld [tilespmem:$0x1F770]  }
0x320: {  	v21 =	vld [tilespmem:$0x1F750]  }
0x321: {  	v51 =	vadd.f32 v53, v51;
	v53 =	vmul.f32 v60, v63;
	v60 =	vld [tilespmem:$0x1F740]  }
0x322: {  	v0 =	vadd.f32 v62, v0;
	v62 =	vld [tilespmem:$0x1F760]  }
0x323: {  	v59 =	vld [tilespmem:s25+$0x11190]  }
0x324: {  	v54 =	vld [tilespmem:s25+$0xD1A0]  }
0x325: {  	v56 =	vld [tilespmem:s25+$0x111A0]  }
0x326: {  	v61 =	vld [tilespmem:s25+$0xD1B0];
	v60 =	vmul.f32 v21, v60  }
0x327: {  	v51 =	vadd.f32 v53, v51;
	v53 =	vmul.f32 v58, v62;
	v62 =	vld [tilespmem:$0x1F780]  }
0x328: {  	v48 =	vadd.f32 v57, v48;
	v46 =	vadd.f32 v60, v46;
	v60 =	vld [tilespmem:$0x1F790]  }
0x329: {  	v57 =	vld [tilespmem:s25+$0xD1C0]  }
0x32a: {  	v22 =	vmul.f32 v22, v52;
	v25 =	vadd.f32 v25, v48;
	v58 =	vld [tilespmem:s25+$0x111C0]  }
0x32b: {  	v63 =	vld [tilespmem:s25+$0x111B0]  }
0x32c: {  	v22 =	vadd.f32 v22, v25;
	v25 =	vmul.f32 v26, v47;
	v21 =	vld [tilespmem:$0x1F7A0]  }
0x32d: {  	v51 =	vadd.f32 v53, v51;
	v53 =	vperm.xlane v0, v27;
	v52 =	vmul.f32 v60, v62;
	v62 =	vld [tilespmem:$0x1F7B0]  }
0x32e: {  	v45 =	vadd.f32 v45, v49;
	v22 =	vadd.f32 v25, v22;
	v25 =	vld [tilespmem:$0x1F7E0]  }
0x32f: {  	v57 =	vmul.f32 v58, v57;
	v58 =	vld [tilespmem:s25+$0x115E0];
	v49 =	vsel vm2, v46, v53;
	v46 =	vperm.xlane v46, v27  }
0x330: {  	v53 =	vld [tilespmem:$0x1F7F0]  }
0x331: {  	v0 =	vsel vm2, v46, v0;
	v46 =	vld [tilespmem:$0x1F7D0]  }
0x332: {  	v47 =	vadd.f32 v52, v51;
	v52 =	vmul.f32 v62, v21;
	v62 =	vld [tilespmem:$0x1F7C0]  }
0x333: {  	v0 =	vadd.f32 v0, v49;
	v49 =	vmul.f32 v40, v37;
	v37 =	vmul.f32 v43, v42;
	v42 =	vld [tilespmem:s25+$0xD5C0]  }
0x334: {  	v40 =	vmul.f32 v44, v50;
	v44 =	vld [tilespmem:s25+$0x115C0]  }
0x335: {  	v43 =	vmul.f32 v56, v54;
	v56 =	vld [tilespmem:s25+$0xD5E0]  }
0x336: {  	v4 =	vmul.f32 v4, v7;
	v19 =	vadd.f32 v19, v22;
	v22 =	vmul.f32 v25, v46;
	v46 =	vld [tilespmem:s25+$0x11590]  }
0x337: {  	v21 =	vld [tilespmem:s25+$0xD580];
	v17 =	vmul.f32 v17, v62  }
0x338: {  	v1 =	vadd.f32 v4, v1;
	v7 =	vadd.f32 v52, v47;
	v47 =	vmul.f32 v8, v6;
	v6 =	vld [tilespmem:s25+$0x11580]  }
0x339: {  	v10 =	vmul.f32 v12, v10;
	v52 =	vadd.f32 v17, v19;
	v17 =	vmul.f32 v23, v53;
	v19 =	vld [tilespmem:s25+$0xD590]  }
0x33a: {  	v50 =	vmul.f32 v63, v61;
	v1 =	vadd.f32 v47, v1;
	v47 =	vmul.f32 v34, v30;
	v30 =	vld [tilespmem:s25+$0x115A0]  }
0x33b: {  	v61 =	vmul.f32 v44, v42;
	v34 =	vmul.f32 v41, v38;
	v8 =	vadd.f32 v17, v52;
	v52 =	vld [tilespmem:s25+$0xD5A0]  }
0x33c: {  	v25 =	vld [tilespmem:s25+$0x115B0];
	v41 =	vmul.f32 v59, v55;
	v59 =	vmul.f32 v36, v31  }
0x33d: {  	v7 =	vadd.f32 v22, v7;
	v38 =	vld [tilespmem:s25+$0xD5B0];
	v31 =	vmul.f32 v58, v56;
	v62 =	vmul.f32 v13, v9  }
0x33e: {  	v48 =	vld [tilespmem:s25+$0xD1D0];
	v13 =	vadd.f32 v49, v47;
	v6 =	vmul.f32 v6, v21;
	v9 =	vmul.f32 v46, v19  }
0x33f: {  	v60 =	vld [tilespmem:s25+$0x111D0];
	v4 =	vadd.f32 v41, v40;
	v49 =	vmul.f32 v2, v35;
	v1 =	vadd.f32 v62, v1  }
0x340: {  	v47 =	vld [tilespmem:s25+$0xD5D0];
	v53 =	vmul.f32 v15, v11;
	v6 =	vadd.f32 v9, v6;
	v46 =	vmul.f32 v30, v52  }
0x341: {  	v62 =	vmul.f32 v20, v16;
	v13 =	vadd.f32 v34, v13;
	v4 =	vadd.f32 v43, v4;
	v52 =	vld [tilespmem:s25+$0x115D0]  }
0x342: {  	v26 =	vld [tilespmem:s25+$0xD1E0];
	v1 =	vadd.f32 v53, v1;
	v55 =	vmul.f32 v25, v38;
	v54 =	vadd.f32 v46, v6  }
0x343: {  	v51 =	vld [tilespmem:s25+$0x111E0];
	v35 =	vmul.f32 v5, v24;
	v13 =	vadd.f32 v37, v13;
	v4 =	vadd.f32 v50, v4  }
0x344: {  	v53 =	vmul.f32 v3, v18;
	v1 =	vadd.f32 v62, v1;
	v62 =	vld [tilespmem:s25+$0xD5F0];
	v3 =	vadd.f32 v55, v54  }
0x345: {  	v23 =	vmul.f32 v32, v28;
	v18 =	vmul.f32 v60, v48;
	v13 =	vadd.f32 v49, v13;
	v19 =	vld [tilespmem:s25+$0x115F0]  }
0x346: {  	v63 =	vadd.f32 v57, v4;
	v22 =	vmul.f32 v52, v47;
	v3 =	vadd.f32 v61, v3  }
0x347: {  	v34 =	vmul.f32 v33, v29;
	v38 =	vperm.xlane v7, v27;
	v13 =	vadd.f32 v59, v13  }
0x348: {  	v2 =	vadd.f32 v18, v63;
	v30 =	vmul.f32 v51, v26;
	v3 =	vadd.f32 v22, v3  }
0x349: {  	v37 =	vperm.xlane v8, v27;
	v1 =	vadd.f32 v53, v1;
	v32 =	vadd.f32 v23, v13  }
0x34a: {  	v2 =	vadd.f32 v30, v2;
	v36 =	vmul.f32 v19, v62;
	v3 =	vadd.f32 v31, v3  }
0x34b: {  	v43 =	vsel vm2, v38, v8;
	v1 =	vadd.f32 v10, v1;
	v9 =	vadd.f32 v34, v32  }
0x34c: {  	v40 =	vsel vm2, v7, v37;
	v2 =	vadd.f32 v35, v2;
	v3 =	vadd.f32 v36, v3  }
0x34d: {  	v4 =	vadd.f32 v43, v40;
	v42 =	vperm.xlane v1, v27;
	v41 =	vperm.xlane v9, v27  }
0x34e: {  	v46 =	vperm.xlane v2, v27;
	v44 =	vperm.xlane v3, v27  }
0x34f: {  	v56 =	vld [tilespmem:$0x1F810];
	v51 =	vperm.xlane v4, v39;
	v47 =	vsel vm2, v42, v9  }
0x350: {  	v55 =	vld [tilespmem:$0x1F800];
	v1 =	vsel vm2, v1, v41;
	v3 =	vsel vm2, v46, v3;
	v2 =	vsel vm2, v2, v44  }
0x351: {  	v52 =	vperm.xlane v0, v39;
	v1 =	vadd.f32 v47, v1;
	v2 =	vadd.f32 v3, v2  }
0x352: {  	v48 =	vperm.xlane v45, v39;
	v49 =	vperm.xlane v14, v39;
	v57 =	vld [tilespmem:$0x1FFE0];
	v0 =	vsel vm0, v0, v51  }
0x353: {  	v4 =	vsel vm0, v52, v4;
	v54 =	vperm.xlane v1, v39;
	v53 =	vperm.xlane v2, v39  }
0x354: {  	v50 =	vsel vm0, v14, v48;
	v7 =	vsel vm0, v49, v45;
	v0 =	vadd.f32 v4, v0  }
0x355: {  	v10 =	vadd.f32 v56, v55;
	v2 =	vsel vm0, v54, v2;
	v1 =	vsel vm0, v1, v53  }
0x356: {  	v3 =	vadd.f32 v7, v50;
	v1 =	vadd.f32 v2, v1  }
0x357: {  	v61 =	vperm.xlane v0, v57;
	v59 =	vperm.xlane v10, v57  }
0x358: {  	v62 =	vld [tilespmem:$0x1FFF0];
	v58 =	vperm.xlane v3, v57;
	v60 =	vperm.xlane v1, v57  }
0x359: {  	v3 =	vsel vm1, v59, v3  }
0x35a: {  	v63 =	vld [tilespmem:$0x1F820];
	v2 =	vsel vm1, v10, v58;
	v1 =	vsel vm1, v61, v1;
	v0 =	vsel vm1, v0, v60  }
0x35b: {  	v2 =	vadd.f32 v3, v2;
	v0 =	vadd.f32 v1, v0;
	_ =	sdelay $0x1  }
0x35c: {  	p1 =	sne.s32 s24, $0x7;
	v3 =	vperm.xlane v2, v62;
	v1 =	vperm.xlane v0, v62  }
.Ltmp3:
0x35d: {  	_ = 	snop;
	(pc) =	sbr.rel @p1 .LBB2_5-.Ltmp3, $4  }
0x35e: {  	v0 =	vsel vm3, v3, v0;
	v1 =	vsel vm3, v2, v1  }
0x35f: {  	s31 =	sshll.u32 s24, $0x4;
	v0 =	vadd.f32 v0, v1  }
0x360: {  	s25 =	sand.u32 $0x3FFFFFF0, s31  }
0x361: {  	s24 =	sadd.s32 $0x1, s24;
	[tilespmem:v63+s25+$0x0 ss:$0x1] =	vst.idx.msk $0xffff, v0  }
0x362: {  	s23 =	sadd.s32 $0x1, s23  }
0x363: {  	p1 =	sne.s32 s23, $0x27  }
.Ltmp4:
0x364: {  	_ = 	snop;
	(pc) =	sbr.rel @p1 .LBB2_2-.Ltmp4, $1  }
0x365: {  	_ =	sdelay $0x3  }
.Ltmp5:
0x366: {  	(pc) =	sbr.rel @p0 .LBB2_11-.Ltmp5, $4  }
0x367: {  	[hbm4b:s7+s4] =	stream.linear.scatter [tilespmem:s20], [sflag:$0x3], $0x2700, $0x38;
	[tilespmem:$0x17500] =	vst v63  }
0x368: {  	_ =	swait.ge [sflag:s21], $0x2700  }
0x369: {  	[sflag:s21] =	ssyncset.done $0x0  }
0x36a: {  	[sflag:s21] =	ssyncadd.s32 $0xFFFFD900  }
0x36b: {  	s23 =	simm.s32 $0x0  }
0x36c: {  	[tilespmem:s23], [sflag:$0x3] =	stream.linear.gather [hbm4b:s8+s23], $0x80, $0x38;
	[tilespmem:$0x17500] =	vst v63  }
0x36d: {  	_ =	swait.ge [sflag:s21], $0x80  }
0x36e: {  	[sflag:s21] =	ssyncset.done $0x0  }
0x36f: {  	[sflag:s21] =	ssyncadd.s32 $0xFFFFFF80  }
0x370: {  	[tilespmem:s12], [sflag:$0x3] =	stream.linear.gather [hbm4b:s9+s23], $0x80, $0x38;
	[tilespmem:$0x17500] =	vst v63  }
0x371: {  	_ =	swait.ge [sflag:s21], $0x80  }
0x372: {  	[sflag:s21] =	ssyncset.done $0x0  }
0x373: {  	[sflag:s21] =	ssyncadd.s32 $0xFFFFFF80  }
0x374: {  	[tilespmem:s15], [sflag:$0x1] =	stream.indirect.gather [hbm4b:s0+s14], $0x80, s23, s14, $0xb8;
	[tilespmem:$0x17500] =	vst v63  }
0x375: {  	_ = 	snop  }
0x376: {  	[tilespmem:s16], [sflag:$0x1] =	stream.indirect.gather [hbm4b:s1+s14], $0x80, s12, s14, $0xb8;
	[tilespmem:$0x17500] =	vst v63  }
0x377: {  	_ =	swait.ge [sflag:s13], $0x4000  }
0x378: {  	[sflag:s13] =	ssyncset.done $0x0  }
0x379: {  	[sflag:s13] =	ssyncadd.s32 $0xFFFFC000  }
0x37a: {  	_ =	swait.ge [sflag:s13], $0x4000  }
0x37b: {  	[sflag:s13] =	ssyncset.done $0x0  }
0x37c: {  	[sflag:s13] =	ssyncadd.s32 $0xFFFFC000  }
.LBB2_9:
0x37d: {  	s24 =	sshll.u32 s23, $0xB  }
0x37e: {  	v63 =	vld [tilespmem:s24+$0x8F30];
	_ =	sdelay $0x4  }
0x37f: {  	[tilespmem:$0x1EA60] =	vst v63;
	v63 =	vld [tilespmem:s24+$0x8F70];
	_ =	sdelay $0x4  }
0x380: {  	[tilespmem:$0x1EB40] =	vst v63;
	v63 =	vld [tilespmem:s24+$0x5340];
	_ =	sdelay $0x4  }
0x381: {  	[tilespmem:$0x1EA70] =	vst v63;
	v63 =	vld [tilespmem:s24+$0x9340];
	_ =	sdelay $0x4  }
0x382: {  	[tilespmem:$0x1EA80] =	vst v63;
	v63 =	vld [tilespmem:s24+$0x5350];
	_ =	sdelay $0x4  }
0x383: {  	[tilespmem:$0x1EAB0] =	vst v63;
	v63 =	vld [tilespmem:s24+$0x9350];
	_ =	sdelay $0x4  }
0x384: {  	[tilespmem:$0x1EAC0] =	vst v63;
	v63 =	vld [tilespmem:s24+$0x5360];
	_ =	sdelay $0x4  }
0x385: {  	[tilespmem:$0x1EB10] =	vst v63;
	v63 =	vld [tilespmem:s24+$0x9360];
	_ =	sdelay $0x4  }
0x386: {  	[tilespmem:$0x1EB20] =	vst v63;
	v63 =	vld [tilespmem:s24+$0x5370];
	_ =	sdelay $0x4  }
0x387: {  	[tilespmem:$0x1EB50] =	vst v63;
	v63 =	vld [tilespmem:s24+$0x9370];
	_ =	sdelay $0x4  }
0x388: {  	[tilespmem:$0x1EB60] =	vst v63;
	v63 =	vld [tilespmem:s24+$0x5100];
	_ =	sdelay $0x4  }
0x389: {  	[tilespmem:$0x1EB70] =	vst v63;
	v63 =	vld [tilespmem:s24+$0x9100];
	_ =	sdelay $0x4  }
0x38a: {  	[tilespmem:$0x1EB80] =	vst v63;
	v63 =	vld [tilespmem:s24+$0x5110];
	_ =	sdelay $0x4  }
0x38b: {  	[tilespmem:$0x1EB90] =	vst v63;
	v63 =	vld [tilespmem:s24+$0x9110];
	_ =	sdelay $0x4  }
0x38c: {  	[tilespmem:$0x1EBA0] =	vst v63;
	v63 =	vld [tilespmem:s24+$0x5120];
	_ =	sdelay $0x4  }
0x38d: {  	[tilespmem:$0x1EBF0] =	vst v63;
	v63 =	vld [tilespmem:s24+$0x9120];
	_ =	sdelay $0x4  }
0x38e: {  	[tilespmem:$0x1EC00] =	vst v63;
	v63 =	vld [tilespmem:s24+$0x5130];
	_ =	sdelay $0x4  }
0x38f: {  	[tilespmem:$0x1EC30] =	vst v63;
	v63 =	vld [tilespmem:s24+$0x9130];
	_ =	sdelay $0x4  }
0x390: {  	[tilespmem:$0x1EC40] =	vst v63;
	v63 =	vld [tilespmem:s24+$0x5140];
	_ =	sdelay $0x4  }
0x391: {  	[tilespmem:$0x1EC70] =	vst v63;
	v63 =	vld [tilespmem:s24+$0x9140];
	_ =	sdelay $0x4  }
0x392: {  	[tilespmem:$0x1EC80] =	vst v63;
	v63 =	vld [tilespmem:s24+$0x5150];
	_ =	sdelay $0x4  }
0x393: {  	[tilespmem:$0x1ECB0] =	vst v63;
	v63 =	vld [tilespmem:s24+$0x9150];
	_ =	sdelay $0x4  }
0x394: {  	[tilespmem:$0x1ECC0] =	vst v63;
	v63 =	vld [tilespmem:s24+$0x5160];
	_ =	sdelay $0x4  }
0x395: {  	[tilespmem:$0x1ECD0] =	vst v63;
	v63 =	vld [tilespmem:s24+$0x9160];
	_ =	sdelay $0x4  }
0x396: {  	[tilespmem:$0x1ECE0] =	vst v63;
	v63 =	vld [tilespmem:s24+$0x5170];
	_ =	sdelay $0x4  }
0x397: {  	[tilespmem:$0x1EE30] =	vst v63;
	v63 =	vld [tilespmem:s24+$0x9170]  }
0x398: {  	v31 =	vld [tilespmem:s24+$0x4E00]  }
0x399: {  	v25 =	vld [tilespmem:s24+$0x8E00]  }
0x39a: {  	v26 =	vld [tilespmem:s24+$0x4E10]  }
0x39b: {  	v22 =	vld [tilespmem:s24+$0x8E10]  }
0x39c: {  	[tilespmem:$0x1EE40] =	vst v63;
	v63 =	vld [tilespmem:s24+$0x5500]  }
0x39d: {  	v32 =	vld [tilespmem:s24+$0x4E20]  }
0x39e: {  	v29 =	vld [tilespmem:s24+$0x8E20]  }
0x39f: {  	v61 =	vld [tilespmem:s24+$0x4E30]  }
0x3a0: {  	v36 =	vld [tilespmem:s24+$0x8E30]  }
0x3a1: {  	[tilespmem:$0x1EBB0] =	vst v63;
	v63 =	vld [tilespmem:s24+$0x9500]  }
0x3a2: {  	v44 =	vld [tilespmem:s24+$0x4E40]  }
0x3a3: {  	v58 =	vld [tilespmem:s24+$0x8E40]  }
0x3a4: {  	v45 =	vld [tilespmem:s24+$0x4E50]  }
0x3a5: {  	v47 =	vld [tilespmem:s24+$0x8E50]  }
0x3a6: {  	[tilespmem:$0x1EBC0] =	vst v63;
	v63 =	vld [tilespmem:s24+$0x5510]  }
0x3a7: {  	v0 =	vld [tilespmem:s24+$0x4E60]  }
0x3a8: {  	v33 =	vld [tilespmem:s24+$0x8E60]  }
0x3a9: {  	v34 =	vld [tilespmem:s24+$0x4E70]  }
0x3aa: {  	v35 =	vld [tilespmem:s24+$0x8E70]  }
0x3ab: {  	[tilespmem:$0x1EBD0] =	vst v63;
	v63 =	vld [tilespmem:s24+$0x9510]  }
0x3ac: {  	v12 =	vld [tilespmem:s24+$0x5200]  }
0x3ad: {  	v11 =	vld [tilespmem:s24+$0x9200]  }
0x3ae: {  	v10 =	vld [tilespmem:s24+$0x5210]  }
0x3af: {  	v9 =	vld [tilespmem:s24+$0x9210]  }
0x3b0: {  	[tilespmem:$0x1EBE0] =	vst v63;
	v63 =	vld [tilespmem:s24+$0x5520]  }
0x3b1: {  	v15 =	vld [tilespmem:s24+$0x5220]  }
0x3b2: {  	v13 =	vld [tilespmem:s24+$0x9220]  }
0x3b3: {  	v60 =	vld [tilespmem:s24+$0x5230]  }
0x3b4: {  	v23 =	vld [tilespmem:s24+$0x9230]  }
0x3b5: {  	[tilespmem:$0x1EC10] =	vst v63;
	v63 =	vld [tilespmem:s24+$0x9520]  }
0x3b6: {  	v24 =	vld [tilespmem:s24+$0x5240]  }
0x3b7: {  	v21 =	vld [tilespmem:s24+$0x9240]  }
0x3b8: {  	v53 =	vld [tilespmem:s24+$0x5250]  }
0x3b9: {  	v56 =	vld [tilespmem:s24+$0x9250]  }
0x3ba: {  	[tilespmem:$0x1EC20] =	vst v63;
	v63 =	vld [tilespmem:s24+$0x5530]  }
0x3bb: {  	v37 =	vld [tilespmem:s24+$0x5260]  }
0x3bc: {  	v38 =	vld [tilespmem:s24+$0x9260]  }
0x3bd: {  	v39 =	vld [tilespmem:s24+$0x5270]  }
0x3be: {  	v40 =	vld [tilespmem:s24+$0x9270]  }
0x3bf: {  	[tilespmem:$0x1EC50] =	vst v63;
	v63 =	vld [tilespmem:s24+$0x9530]  }
0x3c0: {  	v20 =	vld [tilespmem:s24+$0x5000]  }
0x3c1: {  	v19 =	vld [tilespmem:s24+$0x9000]  }
0x3c2: {  	v18 =	vld [tilespmem:s24+$0x5010]  }
0x3c3: {  	v17 =	vld [tilespmem:s24+$0x9010]  }
0x3c4: {  	[tilespmem:$0x1EC60] =	vst v63;
	v63 =	vld [tilespmem:s24+$0x5540]  }
0x3c5: {  	v43 =	vld [tilespmem:s24+$0x5030]  }
0x3c6: {  	v42 =	vld [tilespmem:s24+$0x9030]  }
0x3c7: {  	v52 =	vld [tilespmem:s24+$0x5040]  }
0x3c8: {  	v50 =	vld [tilespmem:s24+$0x9040]  }
0x3c9: {  	[tilespmem:$0x1EC90] =	vst v63;
	v63 =	vld [tilespmem:s24+$0x9540]  }
0x3ca: {  	v59 =	vld [tilespmem:s24+$0x9050]  }
0x3cb: {  	v1 =	vld [tilespmem:s24+$0x5060]  }
0x3cc: {  	v41 =	vld [tilespmem:s24+$0x9060]  }
0x3cd: {  	v46 =	vld [tilespmem:s24+$0x5070]  }
0x3ce: {  	[tilespmem:$0x1ECA0] =	vst v63;
	v63 =	vld [tilespmem:s24+$0x5550]  }
0x3cf: {  	v48 =	vld [tilespmem:s24+$0x9070]  }
0x3d0: {  	v4 =	vld [tilespmem:s24+$0x5400]  }
0x3d1: {  	v3 =	vld [tilespmem:s24+$0x9400]  }
0x3d2: {  	v2 =	vld [tilespmem:s24+$0x5410]  }
0x3d3: {  	[tilespmem:$0x1ECF0] =	vst v63;
	v63 =	vld [tilespmem:s24+$0x9550]  }
0x3d4: {  	v6 =	vld [tilespmem:s24+$0x5420]  }
0x3d5: {  	v5 =	vld [tilespmem:s24+$0x9420]  }
0x3d6: {  	v8 =	vld [tilespmem:s24+$0x5430]  }
0x3d7: {  	v7 =	vld [tilespmem:s24+$0x9430]  }
0x3d8: {  	[tilespmem:$0x1ED00] =	vst v63;
	v63 =	vld [tilespmem:s24+$0x5560]  }
0x3d9: {  	v16 =	vld [tilespmem:s24+$0x5440]  }
0x3da: {  	v14 =	vld [tilespmem:s24+$0x9440]  }
0x3db: {  	v30 =	vld [tilespmem:s24+$0x5450]  }
0x3dc: {  	v28 =	vld [tilespmem:s24+$0x9450]  }
0x3dd: {  	[tilespmem:$0x1ED10] =	vst v63;
	v63 =	vld [tilespmem:s24+$0x9560]  }
0x3de: {  	v55 =	vld [tilespmem:s24+$0x4F00]  }
0x3df: {  	v54 =	vld [tilespmem:s24+$0x8F00]  }
0x3e0: {  	v49 =	vld [tilespmem:s24+$0x8F10]  }
0x3e1: {  	v51 =	vld [tilespmem:s24+$0x4F20]  }
0x3e2: {  	[tilespmem:$0x1ED20] =	vst v63;
	v63 =	vld [tilespmem:s24+$0x5570]  }
0x3e3: {  	v57 =	vld [tilespmem:s24+$0x8F20]  }
0x3e4: {  	v62 =	vld [tilespmem:s24+$0x4F30]  }
0x3e5: {  	[tilespmem:$0x1E960] =	vst v33;
	v33 =	vld [tilespmem:s24+$0x5020]  }
0x3e6: {  	[tilespmem:$0x1E9B0] =	vst v34;
	v34 =	vld [tilespmem:s24+$0x9020]  }
0x3e7: {  	[tilespmem:$0x1EDF0] =	vst v63;
	v63 =	vld [tilespmem:s24+$0x9570]  }
0x3e8: {  	[tilespmem:$0x1E950] =	vst v0;
	v0 =	vld [tilespmem:s24+$0x5050]  }
0x3e9: {  	[tilespmem:$0x1E9D0] =	vst v1;
	v1 =	vld [tilespmem:s24+$0x9410]  }
0x3ea: {  	[tilespmem:$0x1E9A0] =	vst v40;
	v40 =	vld [tilespmem:s24+$0x5460]  }
0x3eb: {  	[tilespmem:$0x1E970] =	vst v37;
	v37 =	vld [tilespmem:s24+$0x9460]  }
0x3ec: {  	[tilespmem:$0x1EE00] =	vst v63;
	v63 =	vld [tilespmem:s24+$0x4E80]  }
0x3ed: {  	[tilespmem:$0x1EA00] =	vst v48;
	v48 =	vld [tilespmem:s24+$0x5470]  }
0x3ee: {  	[tilespmem:$0x1E9F0] =	vst v46;
	v46 =	vld [tilespmem:s24+$0x9470]  }
0x3ef: {  	[tilespmem:$0x1E9C0] =	vst v35;
	v35 =	vld [tilespmem:s24+$0x4F10]  }
0x3f0: {  	[tilespmem:$0x1E980] =	vst v38;
	v38 =	vld [tilespmem:s24+$0x4F40]  }
0x3f1: {  	[tilespmem:$0x1ED30] =	vst v63;
	v63 =	vld [tilespmem:s24+$0x8E80]  }
0x3f2: {  	[tilespmem:$0x1E990] =	vst v39;
	v39 =	vld [tilespmem:s24+$0x8F40]  }
0x3f3: {  	[tilespmem:$0x1E9E0] =	vst v41;
	v41 =	vld [tilespmem:s24+$0x4F50]  }
0x3f4: {  	[tilespmem:$0x1EA20] =	vst v49;
	v49 =	vld [tilespmem:s24+$0x8F50]  }
0x3f5: {  	[tilespmem:$0x1EA30] =	vst v51;
	v51 =	vld [tilespmem:s24+$0x4F60]  }
0x3f6: {  	[tilespmem:$0x1ED40] =	vst v63;
	v63 =	vld [tilespmem:s24+$0x4E90]  }
0x3f7: {  	[tilespmem:$0x1EA40] =	vst v57;
	v57 =	vld [tilespmem:s24+$0x8F60]  }
0x3f8: {  	[tilespmem:$0x1EA50] =	vst v62;
	v62 =	vld [tilespmem:s24+$0x4F70]  }
0x3f9: {  	v22 =	vmul.f32 v22, v26;
	v26 =	vld [tilespmem:s24+$0x50D0]  }
0x3fa: {  	v11 =	vmul.f32 v11, v12;
	v12 =	vld [tilespmem:s24+$0x90E0]  }
0x3fb: {  	[tilespmem:$0x1ED50] =	vst v63;
	v63 =	vld [tilespmem:s24+$0x8E90]  }
0x3fc: {  	v25 =	vmul.f32 v25, v31;
	v31 =	vmul.f32 v36, v61;
	v61 =	vld [tilespmem:s24+$0x9480]  }
0x3fd: {  	v9 =	vmul.f32 v9, v10;
	v36 =	vmul.f32 v13, v15;
	v15 =	vld [tilespmem:$0x1E9B0]  }
0x3fe: {  	v22 =	vadd.f32 v22, v25;
	v25 =	vmul.f32 v29, v32;
	v32 =	vld [tilespmem:s24+$0x50F0]  }
0x3ff: {  	v9 =	vadd.f32 v9, v11;
	v11 =	vld [tilespmem:$0x1E990]  }
0x400: {  	[tilespmem:$0x1ED60] =	vst v63;
	v63 =	vld [tilespmem:s24+$0x4EA0]  }
0x401: {  	v10 =	vadd.f32 v25, v22;
	v22 =	vmul.f32 v58, v44;
	v58 =	vld [tilespmem:s24+$0x5490]  }
0x402: {  	v9 =	vadd.f32 v36, v9;
	v36 =	vmul.f32 v21, v24;
	v24 =	vld [tilespmem:s24+$0x94C0]  }
0x403: {  	v25 =	vld [tilespmem:s24+$0x94D0]  }
0x404: {  	v44 =	vmul.f32 v14, v16;
	v14 =	vld [tilespmem:s24+$0x54E0]  }
0x405: {  	[tilespmem:$0x1EDB0] =	vst v63;
	v63 =	vld [tilespmem:s24+$0x8EA0]  }
0x406: {  	v16 =	vld [tilespmem:$0x1E9C0]  }
0x407: {  	v21 =	vmul.f32 v17, v18;
	v17 =	vld [tilespmem:$0x1E9D0]  }
0x408: {  	v18 =	vld [tilespmem:$0x1E9E0]  }
0x409: {  	[tilespmem:$0x1EAA0] =	vst v39;
	v39 =	vld [tilespmem:s24+$0x5300]  }
0x40a: {  	[tilespmem:$0x1EDC0] =	vst v63;
	v63 =	vld [tilespmem:s24+$0x4EB0]  }
0x40b: {  	[tilespmem:$0x1EA10] =	vst v35;
	v35 =	vld [tilespmem:s24+$0x9300]  }
0x40c: {  	[tilespmem:$0x1EAD0] =	vst v41;
	v41 =	vld [tilespmem:s24+$0x5310]  }
0x40d: {  	[tilespmem:$0x1EA90] =	vst v38;
	v38 =	vld [tilespmem:s24+$0x9310]  }
0x40e: {  	[tilespmem:$0x1EAF0] =	vst v51;
	v51 =	vld [tilespmem:s24+$0x5320]  }
0x40f: {  	[tilespmem:$0x1EE10] =	vst v63;
	v63 =	vld [tilespmem:s24+$0x8EB0]  }
0x410: {  	[tilespmem:$0x1EAE0] =	vst v49;
	v49 =	vld [tilespmem:s24+$0x9320]  }
0x411: {  	[tilespmem:$0x1EB30] =	vst v62;
	v62 =	vld [tilespmem:s24+$0x5330]  }
0x412: {  	[tilespmem:$0x1EB00] =	vst v57;
	v57 =	vld [tilespmem:s24+$0x9330]  }
0x413: {  	[tilespmem:$0x1F010] =	vst v26;
	v26 =	vld [tilespmem:s24+$0x90D0]  }
0x414: {  	[tilespmem:$0x1EE20] =	vst v63;
	v63 =	vld [tilespmem:s24+$0x4EC0]  }
0x415: {  	v20 =	vmul.f32 v19, v20;
	v19 =	vmul.f32 v46, v48;
	v48 =	vld [tilespmem:$0x1EA30]  }
0x416: {  	v10 =	vadd.f32 v31, v10;
	v31 =	vmul.f32 v47, v45;
	v47 =	vld [tilespmem:s24+$0x54A0]  }
0x417: {  	v45 =	vld [tilespmem:s24+$0x94B0]  }
0x418: {  	v3 =	vmul.f32 v3, v4;
	v4 =	vadd.f32 v21, v20;
	v21 =	vld [tilespmem:s24+$0x54F0]  }
0x419: {  	[tilespmem:$0x1EE70] =	vst v63;
	v63 =	vld [tilespmem:s24+$0x8EC0]  }
0x41a: {  	v43 =	vmul.f32 v42, v43;
	v42 =	vld [tilespmem:$0x1EA10]  }
0x41b: {  	v20 =	vld [tilespmem:$0x1FFD0]  }
0x41c: {  	[tilespmem:$0x1F060] =	vst v32;
	v32 =	vmul.f32 v23, v60;
	v23 =	vmul.f32 v34, v33;
	v34 =	vld [tilespmem:s24+$0x94A0]  }
0x41d: {  	v33 =	vld [tilespmem:$0x1E950]  }
0x41e: {  	v1 =	vmul.f32 v1, v2;
	[tilespmem:$0x1EE80] =	vst v63;
	v63 =	vld [tilespmem:s24+$0x4ED0]  }
0x41f: {  	v60 =	vld [tilespmem:$0x1E980]  }
0x420: {  	v1 =	vadd.f32 v1, v3;
	v3 =	vld [tilespmem:s24+$0x4FA0]  }
0x421: {  	v4 =	vadd.f32 v23, v4;
	v23 =	vld [tilespmem:s24+$0x54C0]  }
0x422: {  	[tilespmem:$0x1F040] =	vst v12;
	v12 =	vadd.f32 v32, v9;
	v32 =	vmul.f32 v7, v8;
	v8 =	vld [tilespmem:s24+$0x4F90]  }
0x423: {  	[tilespmem:$0x1EEB0] =	vst v63;
	v63 =	vld [tilespmem:s24+$0x8ED0]  }
0x424: {  	v10 =	vadd.f32 v22, v10;
	[tilespmem:$0x1F050] =	vst v14;
	v14 =	vld [tilespmem:s24+$0x4FD0]  }
0x425: {  	[tilespmem:$0x1F020] =	vst v26;
	v26 =	vld [tilespmem:s24+$0x50E0]  }
0x426: {  	v10 =	vadd.f32 v31, v10;
	v31 =	vmul.f32 v56, v53;
	v53 =	vld [tilespmem:s24+$0x54B0]  }
0x427: {  	v22 =	vmul.f32 v5, v6;
	v56 =	vld [tilespmem:$0x1E970]  }
0x428: {  	[tilespmem:$0x1EEC0] =	vst v63;
	v63 =	vld [tilespmem:s24+$0x4EE0]  }
0x429: {  	v1 =	vadd.f32 v22, v1;
	v22 =	vld [tilespmem:s24+$0x94E0]  }
0x42a: {  	v46 =	vmul.f32 v49, v51;
	v49 =	vld [tilespmem:$0x1EA40]  }
0x42b: {  	v13 =	vmul.f32 v37, v40;
	v37 =	vmul.f32 v35, v39;
	v35 =	vld [tilespmem:$0x1EAD0]  }
0x42c: {  	v40 =	vmul.f32 v38, v41;
	v38 =	vld [tilespmem:$0x1EAF0]  }
0x42d: {  	[tilespmem:$0x1EED0] =	vst v63;
	v63 =	vld [tilespmem:s24+$0x8EE0]  }
0x42e: {  	v2 =	vadd.f32 v36, v12;
	v36 =	vld [tilespmem:$0x1E960]  }
0x42f: {  	v12 =	vld [tilespmem:$0x1E9A0]  }
0x430: {  	v4 =	vadd.f32 v43, v4;
	v43 =	vld [tilespmem:$0x1EA20]  }
0x431: {  	v51 =	vmul.f32 v57, v62;
	v57 =	vld [tilespmem:$0x1EA70]  }
0x432: {  	[tilespmem:$0x1EEE0] =	vst v63;
	v63 =	vld [tilespmem:s24+$0x4EF0]  }
0x433: {  	v1 =	vadd.f32 v32, v1;
	v32 =	vld [tilespmem:$0x1EA00]  }
0x434: {  	v34 =	vmul.f32 v34, v47;
	v47 =	vld [tilespmem:s24+$0x51C0]  }
0x435: {  	v2 =	vadd.f32 v31, v2;
	v31 =	vld [tilespmem:$0x1E9F0]  }
0x436: {  	v9 =	vmul.f32 v50, v52;
	v23 =	vmul.f32 v24, v23;
	v24 =	vld [tilespmem:s24+$0x51E0]  }
0x437: {  	[tilespmem:$0x1EFD0] =	vst v63;
	v63 =	vld [tilespmem:s24+$0x8EF0]  }
0x438: {  	v0 =	vmul.f32 v59, v0;
	v4 =	vadd.f32 v9, v4;
	[tilespmem:$0x1F030] =	vst v26;
	v26 =	vld [tilespmem:s24+$0x9490]  }
0x439: {  	v6 =	vmul.f32 v60, v56;
	v56 =	vld [tilespmem:s24+$0x54D0]  }
0x43a: {  	v0 =	vadd.f32 v0, v4;
	v4 =	vmul.f32 v18, v17;
	v17 =	vld [tilespmem:s24+$0x4F80]  }
0x43b: {  	v60 =	vld [tilespmem:$0x1FFD0]  }
0x43c: {  	[tilespmem:$0x1EFE0] =	vst v63;
	v63 =	vld [tilespmem:s24+$0x5280]  }
0x43d: {  	v18 =	vld [tilespmem:$0x1EA90]  }
0x43e: {  	v5 =	vmul.f32 v12, v11;
	v11 =	vld [tilespmem:s24+$0x94F0]  }
0x43f: {  	v7 =	vmul.f32 v36, v33;
	v33 =	vmul.f32 v54, v55;
	v54 =	vld [tilespmem:$0x1EA50]  }
0x440: {  	v55 =	vld [tilespmem:$0x1EA60]  }
0x441: {  	[tilespmem:$0x1ED70] =	vst v63;
	v63 =	vld [tilespmem:s24+$0x9280]  }
0x442: {  	v59 =	vld [tilespmem:$0x1EA80]  }
0x443: {  	v9 =	vmul.f32 v43, v42;
	v43 =	vld [tilespmem:$0x1EB30]  }
0x444: {  	v2 =	vadd.f32 v6, v2;
	v6 =	vmul.f32 v16, v15;
	v15 =	vld [tilespmem:s24+$0x8F90]  }
0x445: {  	v16 =	vld [tilespmem:s24+$0x8FB0];
	v7 =	vadd.f32 v7, v10  }
0x446: {  	[tilespmem:$0x1ED80] =	vst v63;
	v63 =	vld [tilespmem:s24+$0x5290]  }
0x447: {  	v1 =	vadd.f32 v44, v1;
	v10 =	vmul.f32 v28, v30;
	v30 =	vadd.f32 v6, v7;
	v7 =	vld [tilespmem:s24+$0x8F80]  }
0x448: {  	v6 =	vadd.f32 v9, v33;
	v9 =	vld [tilespmem:s24+$0x4FB0]  }
0x449: {  	v1 =	vadd.f32 v10, v1;
	v10 =	vld [tilespmem:s24+$0x8FC0]  }
0x44a: {  	v26 =	vmul.f32 v26, v58;
	v58 =	vld [tilespmem:s24+$0x51B0]  }
0x44b: {  	[tilespmem:$0x1ED90] =	vst v63;
	v63 =	vld [tilespmem:s24+$0x9290]  }
0x44c: {  	v25 =	vmul.f32 v25, v56;
	v56 =	vld [tilespmem:$0x1F050]  }
0x44d: {  	v12 =	vmul.f32 v49, v48;
	v0 =	vadd.f32 v4, v0;
	v4 =	vmul.f32 v32, v31;
	v31 =	vld [tilespmem:$0x1EAB0]  }
0x44e: {  	v2 =	vadd.f32 v5, v2;
	v1 =	vadd.f32 v13, v1;
	v13 =	vld [tilespmem:s24+$0x8FA0]  }
0x44f: {  	v52 =	vadd.f32 v12, v6;
	v12 =	vld [tilespmem:s24+$0x4FC0]  }
0x450: {  	v36 =	vperm.xlane v2, v27;
	[tilespmem:$0x1EDA0] =	vst v63;
	v63 =	vld [tilespmem:s24+$0x52A0]  }
0x451: {  	v8 =	vmul.f32 v15, v8;
	v15 =	vld [tilespmem:s24+$0x91F0]  }
0x452: {  	v39 =	vperm.xlane v30, v27;
	v5 =	vsel vm2, v30, v36;
	v36 =	vld [tilespmem:$0x1EAE0]  }
0x453: {  	v0 =	vadd.f32 v4, v0;
	v1 =	vadd.f32 v19, v1;
	v19 =	vld [tilespmem:$0x1EAA0]  }
0x454: {  	v2 =	vsel vm2, v39, v2;
	v39 =	vld [tilespmem:$0x1EB00]  }
0x455: {  	v44 =	vperm.xlane v0, v27;
	[tilespmem:$0x1EDD0] =	vst v63;
	v63 =	vld [tilespmem:s24+$0x92A0]  }
0x456: {  	v7 =	vmul.f32 v7, v17;
	v41 =	vperm.xlane v1, v27;
	v32 =	vld [tilespmem:$0x1EAC0]  }
0x457: {  	v4 =	vadd.f32 v40, v37;
	v6 =	vmul.f32 v55, v54;
	v1 =	vsel vm2, v44, v1;
	v44 =	vld [tilespmem:$0x1EB40]  }
0x458: {  	v2 =	vadd.f32 v2, v5;
	v7 =	vadd.f32 v8, v7;
	v8 =	vld [tilespmem:s24+$0x9580];
	v0 =	vsel vm2, v0, v41  }
0x459: {  	v5 =	vadd.f32 v6, v52;
	v0 =	vadd.f32 v1, v0;
	v6 =	vmul.f32 v19, v18;
	v19 =	vld [tilespmem:s24+$0x8FD0]  }
0x45a: {  	[tilespmem:$0x1EDE0] =	vst v63;
	v63 =	vld [tilespmem:s24+$0x52B0]  }
0x45b: {  	v50 =	vadd.f32 v46, v4;
	v62 =	vperm.xlane v0, v60;
	v41 =	vld [tilespmem:$0x1EB10]  }
0x45c: {  	v4 =	vmul.f32 v59, v57;
	v30 =	vperm.xlane v2, v20;
	v42 =	vld [tilespmem:$0x1EB20]  }
0x45d: {  	v1 =	vadd.f32 v51, v50;
	v33 =	vadd.f32 v6, v5;
	v5 =	vld [tilespmem:s24+$0x4FE0];
	v2 =	vsel vm0, v2, v62  }
0x45e: {  	v6 =	vld [tilespmem:s24+$0x8FE0];
	[tilespmem:$0x1F080] =	vst v2  }
0x45f: {  	v37 =	vmul.f32 v36, v35;
	v1 =	vadd.f32 v4, v1;
	v2 =	vmul.f32 v32, v31;
	[tilespmem:$0x1EE50] =	vst v63;
	v63 =	vld [tilespmem:s24+$0x92B0]  }
0x460: {  	v0 =	vsel vm0, v30, v0;
	v4 =	vld [tilespmem:s24+$0x4FF0]  }
0x461: {  	[tilespmem:$0x1F090] =	vst v0;
	v0 =	vadd.f32 v37, v33;
	v33 =	vld [tilespmem:s24+$0x9380];
	v1 =	vadd.f32 v2, v1;
	v2 =	vmul.f32 v42, v41  }
0x462: {  	v46 =	vld [tilespmem:$0x1EB50]  }
0x463: {  	v49 =	vadd.f32 v2, v1;
	v2 =	vld [tilespmem:s24+$0x8FF0]  }
0x464: {  	[tilespmem:$0x1EE60] =	vst v63;
	v63 =	vld [tilespmem:s24+$0x52C0]  }
0x465: {  	v48 =	vld [tilespmem:$0x1EB60]  }
0x466: {  	v50 =	vld [tilespmem:$0x1EB70]  }
0x467: {  	v51 =	vld [tilespmem:$0x1EB80]  }
0x468: {  	v54 =	vld [tilespmem:$0x1EB90]  }
0x469: {  	[tilespmem:$0x1EE90] =	vst v63;
	v63 =	vld [tilespmem:s24+$0x92C0]  }
0x46a: {  	v40 =	vmul.f32 v39, v38;
	v55 =	vld [tilespmem:$0x1EBA0]  }
0x46b: {  	v39 =	vld [tilespmem:$0x1EBF0]  }
0x46c: {  	v0 =	vadd.f32 v40, v0;
	v40 =	vld [tilespmem:$0x1EC00]  }
0x46d: {  	v1 =	vld [tilespmem:s24+$0x53E0];
	v29 =	vmul.f32 v48, v46  }
0x46e: {  	[tilespmem:$0x1EEA0] =	vst v63;
	v63 =	vld [tilespmem:s24+$0x52D0]  }
0x46f: {  	v30 =	vadd.f32 v29, v49;
	v29 =	vld [tilespmem:s24+$0x5380]  }
0x470: {  	v28 =	vmul.f32 v44, v43;
	v52 =	vmul.f32 v51, v50;
	v44 =	vld [tilespmem:$0x1EC30]  }
0x471: {  	v57 =	vmul.f32 v55, v54;
	v41 =	vmul.f32 v40, v39;
	v40 =	vld [tilespmem:s24+$0x9390]  }
0x472: {  	v46 =	vld [tilespmem:$0x1EC40]  }
0x473: {  	v31 =	vadd.f32 v57, v52;
	[tilespmem:$0x1EEF0] =	vst v63;
	v63 =	vld [tilespmem:s24+$0x92D0]  }
0x474: {  	v39 =	vld [tilespmem:s24+$0x93C0]  }
0x475: {  	v31 =	vadd.f32 v41, v31;
	v41 =	vld [tilespmem:s24+$0x93A0]  }
0x476: {  	v0 =	vadd.f32 v28, v0;
	v55 =	vld [tilespmem:$0x1EC70]  }
0x477: {  	v48 =	vmul.f32 v46, v44;
	v44 =	vld [tilespmem:s24+$0x93B0]  }
0x478: {  	v52 =	vperm.xlane v0, v27;
	[tilespmem:$0x1EF00] =	vst v63;
	v63 =	vld [tilespmem:s24+$0x52E0]  }
0x479: {  	v57 =	vld [tilespmem:$0x1EC80]  }
0x47a: {  	v49 =	vperm.xlane v30, v27;
	v32 =	vsel vm2, v52, v30;
	v30 =	vld [tilespmem:$0x1ECB0]  }
0x47b: {  	v54 =	vadd.f32 v48, v31;
	v31 =	vld [tilespmem:$0x1ECC0]  }
0x47c: {  	v48 =	vld [tilespmem:$0x1ECD0]  }
0x47d: {  	[tilespmem:$0x1EF50] =	vst v63;
	v63 =	vld [tilespmem:s24+$0x92E0]  }
0x47e: {  	v59 =	vld [tilespmem:$0x1EBB0]  }
0x47f: {  	v36 =	vld [tilespmem:$0x1EBD0]  }
0x480: {  	v37 =	vld [tilespmem:$0x1EBE0]  }
0x481: {  	v60 =	vld [tilespmem:$0x1EBC0]  }
0x482: {  	[tilespmem:$0x1EF60] =	vst v63;
	v63 =	vld [tilespmem:s24+$0x52F0]  }
0x483: {  	v42 =	vld [tilespmem:$0x1EC10]  }
0x484: {  	v43 =	vld [tilespmem:$0x1EC20]  }
0x485: {  	v38 =	vmul.f32 v37, v36;
	v37 =	vld [tilespmem:s24+$0x5390]  }
0x486: {  	v50 =	vld [tilespmem:$0x1EC50]  }
0x487: {  	[tilespmem:$0x1EF90] =	vst v63;
	v63 =	vld [tilespmem:s24+$0x92F0]  }
0x488: {  	v51 =	vld [tilespmem:$0x1EC60]  }
0x489: {  	v62 =	vmul.f32 v60, v59;
	v28 =	vmul.f32 v43, v42;
	v42 =	vsel vm2, v0, v49;
	v49 =	vld [tilespmem:$0x1ECE0]  }
0x48a: {  	v60 =	vld [tilespmem:$0x1EC90]  }
0x48b: {  	v18 =	vadd.f32 v38, v62;
	v62 =	vld [tilespmem:$0x1ECA0]  }
0x48c: {  	[tilespmem:$0x1EFA0] =	vst v63;
	v63 =	vld [tilespmem:s24+$0x5080]  }
0x48d: {  	v18 =	vadd.f32 v28, v18;
	v28 =	vmul.f32 v51, v50;
	v50 =	vld [tilespmem:$0x1ECF0]  }
0x48e: {  	v59 =	vmul.f32 v57, v55;
	v51 =	vld [tilespmem:$0x1ED00]  }
0x48f: {  	v52 =	vld [tilespmem:$0x1ED10]  }
0x490: {  	v0 =	vadd.f32 v59, v54;
	v54 =	vld [tilespmem:$0x1ED20]  }
0x491: {  	[tilespmem:$0x1EF10] =	vst v63;
	v63 =	vld [tilespmem:s24+$0x9080]  }
0x492: {  	v55 =	vld [tilespmem:$0x1ED30]  }
0x493: {  	v57 =	vld [tilespmem:$0x1ED40]  }
0x494: {  	v59 =	vld [tilespmem:$0x1ED50]  }
0x495: {  	v18 =	vadd.f32 v28, v18;
	v28 =	vmul.f32 v62, v60;
	v60 =	vld [tilespmem:$0x1ED60]  }
0x496: {  	[tilespmem:$0x1EF20] =	vst v63;
	v63 =	vld [tilespmem:s24+$0x5090]  }
0x497: {  	v18 =	vadd.f32 v28, v18;
	v28 =	vmul.f32 v51, v50;
	v51 =	vld [tilespmem:$0x1ED70]  }
0x498: {  	v36 =	vmul.f32 v54, v52;
	v52 =	vld [tilespmem:$0x1ED80]  }
0x499: {  	v54 =	vld [tilespmem:$0x1ED90]  }
0x49a: {  	v35 =	vmul.f32 v31, v30;
	v30 =	vmul.f32 v57, v55;
	v55 =	vld [tilespmem:$0x1EDA0]  }
0x49b: {  	[tilespmem:$0x1EF30] =	vst v63;
	v63 =	vld [tilespmem:s24+$0x9090]  }
0x49c: {  	v62 =	vmul.f32 v60, v59;
	v59 =	vld [tilespmem:$0x1EDB0]  }
0x49d: {  	v60 =	vld [tilespmem:$0x1EDC0]  }
0x49e: {  	v18 =	vadd.f32 v28, v18;
	v28 =	vmul.f32 v52, v51;
	v52 =	vld [tilespmem:$0x1EDD0]  }
0x49f: {  	v57 =	vmul.f32 v55, v54;
	v55 =	vld [tilespmem:$0x1EDF0]  }
0x4a0: {  	[tilespmem:$0x1EF40] =	vst v63;
	v63 =	vld [tilespmem:s24+$0x50A0]  }
0x4a1: {  	v0 =	vadd.f32 v35, v0;
	v31 =	vmul.f32 v49, v48;
	v54 =	vld [tilespmem:$0x1EDE0]  }
0x4a2: {  	v28 =	vadd.f32 v57, v28;
	v57 =	vld [tilespmem:$0x1EE00]  }
0x4a3: {  	v49 =	vadd.f32 v31, v0;
	v0 =	vadd.f32 v62, v30;
	v62 =	vmul.f32 v60, v59;
	v59 =	vld [tilespmem:$0x1EE10]  }
0x4a4: {  	v60 =	vld [tilespmem:$0x1EE20]  }
0x4a5: {  	[tilespmem:$0x1EF70] =	vst v63;
	v63 =	vld [tilespmem:s24+$0x90A0]  }
0x4a6: {  	v46 =	vmul.f32 v54, v52;
	v54 =	vld [tilespmem:$0x1EE50]  }
0x4a7: {  	v48 =	vmul.f32 v57, v55;
	v55 =	vld [tilespmem:$0x1EE60]  }
0x4a8: {  	v38 =	vld [tilespmem:s24+$0x53A0]  }
0x4a9: {  	v50 =	vadd.f32 v62, v0;
	v62 =	vmul.f32 v60, v59;
	v59 =	vld [tilespmem:$0x1EE70]  }
0x4aa: {  	[tilespmem:$0x1EF80] =	vst v63;
	v63 =	vld [tilespmem:s24+$0x50B0]  }
0x4ab: {  	v18 =	vadd.f32 v36, v18;
	v60 =	vld [tilespmem:$0x1EE80]  }
0x4ac: {  	v31 =	vld [tilespmem:$0x1EE30];
	v46 =	vadd.f32 v46, v28;
	v57 =	vmul.f32 v55, v54  }
0x4ad: {  	v48 =	vadd.f32 v48, v18;
	v55 =	vld [tilespmem:$0x1EE90]  }
0x4ae: {  	v18 =	vadd.f32 v32, v42;
	v42 =	vadd.f32 v57, v46;
	v57 =	vld [tilespmem:$0x1EEA0]  }
0x4af: {  	[tilespmem:$0x1EFB0] =	vst v63;
	v63 =	vld [tilespmem:s24+$0x90B0]  }
0x4b0: {  	v50 =	vadd.f32 v62, v50;
	v62 =	vmul.f32 v60, v59;
	v59 =	vld [tilespmem:$0x1EEB0]  }
0x4b1: {  	v60 =	vld [tilespmem:$0x1EEC0]  }
0x4b2: {  	v52 =	vld [tilespmem:$0x1EE40]  }
0x4b3: {  	v46 =	vmul.f32 v57, v55;
	v55 =	vld [tilespmem:$0x1EED0]  }
0x4b4: {  	[tilespmem:$0x1EFC0] =	vst v63;
	v63 =	vld [tilespmem:s24+$0x50C0]  }
0x4b5: {  	v57 =	vld [tilespmem:$0x1EEE0]  }
0x4b6: {  	v50 =	vadd.f32 v62, v50;
	v62 =	vmul.f32 v60, v59;
	v59 =	vld [tilespmem:$0x1EEF0]  }
0x4b7: {  	v60 =	vld [tilespmem:$0x1EF00]  }
0x4b8: {  	v50 =	vadd.f32 v62, v50;
	v62 =	vld [tilespmem:$0x1EF10]  }
0x4b9: {  	[tilespmem:$0x1EFF0] =	vst v63;
	v63 =	vld [tilespmem:s24+$0x90C0]  }
0x4ba: {  	v54 =	vld [tilespmem:$0x1EF20]  }
0x4bb: {  	v43 =	vld [tilespmem:s24+$0x53B0];
	v52 =	vmul.f32 v52, v31  }
0x4bc: {  	v35 =	vld [tilespmem:s24+$0x53C0];
	v51 =	vperm.xlane v48, v27  }
0x4bd: {  	v49 =	vadd.f32 v52, v49;
	v55 =	vmul.f32 v57, v55;
	v57 =	vmul.f32 v60, v59;
	v60 =	vld [tilespmem:$0x1EF30]  }
0x4be: {  	v42 =	vadd.f32 v46, v42;
	[tilespmem:$0x1F000] =	vst v63;
	v63 =	vld [tilespmem:s24+$0x90F0]  }
0x4bf: {  	v51 =	vsel vm2, v49, v51;
	v49 =	vperm.xlane v49, v27;
	v54 =	vmul.f32 v54, v62;
	v62 =	vld [tilespmem:$0x1EF40]  }
0x4c0: {  	v42 =	vadd.f32 v57, v42;
	v57 =	vld [tilespmem:$0x1EF50]  }
0x4c1: {  	v48 =	vsel vm2, v49, v48;
	v49 =	vld [tilespmem:$0x1EF60]  }
0x4c2: {  	v36 =	vld [tilespmem:s24+$0x93D0]  }
0x4c3: {  	[tilespmem:$0x1F070] =	vst v63;
	v63 =	vld [tilespmem:s24+$0x5480]  }
0x4c4: {  	v30 =	vld [tilespmem:s24+$0x53D0];
	v60 =	vmul.f32 v62, v60  }
0x4c5: {  	v50 =	vadd.f32 v55, v50;
	v55 =	vld [tilespmem:$0x1EF70]  }
0x4c6: {  	v49 =	vmul.f32 v49, v57;
	v54 =	vadd.f32 v60, v54;
	v60 =	vld [tilespmem:$0x1EF80]  }
0x4c7: {  	v0 =	vld [tilespmem:$0x1EFD0]  }
0x4c8: {  	v42 =	vadd.f32 v49, v42;
	v49 =	vmul.f32 v61, v63;
	v63 =	vld [tilespmem:$0x1EF90]  }
0x4c9: {  	v61 =	vld [tilespmem:$0x1EFA0]  }
0x4ca: {  	v20 =	vld [tilespmem:$0x1EFE0]  }
0x4cb: {  	v32 =	vld [tilespmem:s24+$0x93F0];
	v55 =	vmul.f32 v60, v55  }
0x4cc: {  	v28 =	vld [tilespmem:s24+$0x53F0]  }
0x4cd: {  	v54 =	vadd.f32 v55, v54;
	v55 =	vld [tilespmem:$0x1EFC0]  }
0x4ce: {  	v61 =	vmul.f32 v61, v63;
	v63 =	vld [tilespmem:$0x1EFB0]  }
0x4cf: {  	v0 =	vmul.f32 v20, v0;
	v20 =	vld [tilespmem:$0x1EFF0]  }
0x4d0: {  	v42 =	vadd.f32 v61, v42;
	v61 =	vld [tilespmem:$0x1F000]  }
0x4d1: {  	v31 =	vld [tilespmem:s24+$0x93E0]  }
0x4d2: {  	v52 =	vld [tilespmem:s24+$0x5180]  }
0x4d3: {  	v46 =	vld [tilespmem:s24+$0x9180];
	v55 =	vmul.f32 v55, v63  }
0x4d4: {  	v59 =	vld [tilespmem:s24+$0x5190];
	v26 =	vadd.f32 v26, v49  }
0x4d5: {  	v57 =	vld [tilespmem:s24+$0x51A0];
	v49 =	vadd.f32 v55, v54;
	v54 =	vmul.f32 v61, v20  }
0x4d6: {  	v26 =	vadd.f32 v34, v26;
	v34 =	vmul.f32 v45, v53;
	v53 =	vld [tilespmem:$0x1F010]  }
0x4d7: {  	v49 =	vadd.f32 v54, v49;
	v54 =	vld [tilespmem:$0x1F020]  }
0x4d8: {  	v62 =	vld [tilespmem:s24+$0x9190]  }
0x4d9: {  	v60 =	vld [tilespmem:s24+$0x91A0];
	v26 =	vadd.f32 v34, v26  }
0x4da: {  	v45 =	vld [tilespmem:s24+$0x51D0]  }
0x4db: {  	v23 =	vadd.f32 v23, v26;
	v26 =	vld [tilespmem:s24+$0x51F0]  }
0x4dc: {  	v0 =	vadd.f32 v0, v50;
	v63 =	vld [tilespmem:s24+$0x91B0];
	v61 =	vperm.xlane v42, v27;
	v50 =	vmul.f32 v54, v53  }
0x4dd: {  	v20 =	vld [tilespmem:$0x1F030]  }
0x4de: {  	v34 =	vadd.f32 v50, v49;
	v49 =	vsel vm2, v0, v61;
	v61 =	vld [tilespmem:$0x1F040]  }
0x4df: {  	v23 =	vadd.f32 v25, v23;
	v25 =	vld [tilespmem:$0x1F060]  }
0x4e0: {  	v55 =	vld [tilespmem:s24+$0x91C0]  }
0x4e1: {  	v11 =	vmul.f32 v11, v21;
	v54 =	vld [tilespmem:s24+$0x91D0]  }
0x4e2: {  	v3 =	vmul.f32 v13, v3;
	v0 =	vperm.xlane v0, v27;
	v50 =	vld [tilespmem:s24+$0x91E0]  }
0x4e3: {  	v48 =	vadd.f32 v48, v51;
	v51 =	vmul.f32 v61, v20;
	v20 =	vmul.f32 v22, v56;
	v61 =	vld [tilespmem:$0x1F070]  }
0x4e4: {  	v5 =	vmul.f32 v6, v5;
	v2 =	vmul.f32 v2, v4;
	v0 =	vsel vm2, v0, v42;
	v22 =	vld [tilespmem:s24+$0x5580]  }
0x4e5: {  	v1 =	vmul.f32 v31, v1;
	v0 =	vadd.f32 v0, v49;
	v42 =	vadd.f32 v20, v23;
	v20 =	vld [tilespmem:s24+$0x5590]  }
0x4e6: {  	v49 =	vmul.f32 v16, v9;
	v56 =	vmul.f32 v40, v37;
	v53 =	vadd.f32 v51, v34;
	v51 =	vld [tilespmem:s24+$0x9590]  }
0x4e7: {  	v37 =	vmul.f32 v41, v38;
	v38 =	vmul.f32 v44, v43;
	v34 =	vld [tilespmem:s24+$0x95A0]  }
0x4e8: {  	v3 =	vadd.f32 v3, v7;
	v41 =	vmul.f32 v46, v52;
	v25 =	vmul.f32 v61, v25;
	v61 =	vld [tilespmem:s24+$0x55A0]  }
0x4e9: {  	v40 =	vld [tilespmem:s24+$0x55B0];
	v44 =	vmul.f32 v60, v57;
	v52 =	vmul.f32 v39, v35;
	v11 =	vadd.f32 v11, v42  }
0x4ea: {  	v42 =	vmul.f32 v62, v59;
	v8 =	vmul.f32 v8, v22;
	v17 =	vadd.f32 v25, v53;
	v25 =	vld [tilespmem:s24+$0x95B0]  }
0x4eb: {  	v3 =	vadd.f32 v49, v3;
	v43 =	vld [tilespmem:s24+$0x55C0];
	v53 =	vmul.f32 v33, v29;
	v9 =	vmul.f32 v51, v20  }
0x4ec: {  	v46 =	vld [tilespmem:s24+$0x95C0];
	v60 =	vmul.f32 v55, v47;
	v23 =	vmul.f32 v10, v12;
	v7 =	vadd.f32 v42, v41  }
0x4ed: {  	v51 =	vld [tilespmem:s24+$0x55D0];
	v13 =	vadd.f32 v56, v53;
	v8 =	vadd.f32 v9, v8;
	v49 =	vmul.f32 v34, v61  }
0x4ee: {  	v3 =	vadd.f32 v23, v3;
	v7 =	vadd.f32 v44, v7;
	v53 =	vmul.f32 v63, v58;
	v56 =	vld [tilespmem:s24+$0x95D0]  }
0x4ef: {  	v59 =	vld [tilespmem:s24+$0x55E0];
	v13 =	vadd.f32 v37, v13;
	v57 =	vadd.f32 v49, v8;
	v58 =	vmul.f32 v25, v40  }
0x4f0: {  	v62 =	vmul.f32 v36, v30;
	v33 =	vmul.f32 v19, v14;
	v61 =	vld [tilespmem:s24+$0x95E0];
	v7 =	vadd.f32 v53, v7  }
0x4f1: {  	v30 =	vld [tilespmem:s24+$0x95F0];
	v63 =	vmul.f32 v46, v43;
	v13 =	vadd.f32 v38, v13;
	v6 =	vadd.f32 v58, v57  }
0x4f2: {  	v23 =	vmul.f32 v54, v45;
	v20 =	vld [tilespmem:s24+$0x55F0];
	v3 =	vadd.f32 v33, v3;
	v22 =	vadd.f32 v60, v7  }
0x4f3: {  	v33 =	vmul.f32 v56, v51;
	v13 =	vadd.f32 v52, v13;
	v6 =	vadd.f32 v63, v6  }
0x4f4: {  	v34 =	vmul.f32 v50, v24;
	v3 =	vadd.f32 v5, v3;
	v5 =	vadd.f32 v23, v22  }
0x4f5: {  	v36 =	vmul.f32 v61, v59;
	v13 =	vadd.f32 v62, v13;
	v35 =	vadd.f32 v33, v6  }
0x4f6: {  	v37 =	vmul.f32 v32, v28;
	v38 =	vmul.f32 v15, v26;
	v5 =	vadd.f32 v34, v5  }
0x4f7: {  	v47 =	vld [tilespmem:$0x1FFD0];
	v39 =	vmul.f32 v30, v20;
	v1 =	vadd.f32 v1, v13;
	v4 =	vadd.f32 v36, v35  }
0x4f8: {  	v41 =	vperm.xlane v17, v27;
	v46 =	vld [tilespmem:$0x1FFD0];
	v2 =	vadd.f32 v2, v3;
	v5 =	vadd.f32 v38, v5  }
0x4f9: {  	v40 =	vperm.xlane v11, v27;
	v51 =	vld [tilespmem:$0x1FFD0];
	v1 =	vadd.f32 v37, v1;
	v4 =	vadd.f32 v39, v4  }
0x4fa: {  	v8 =	vsel vm2, v41, v11;
	v56 =	vld [tilespmem:$0x1F080];
	v43 =	vperm.xlane v2, v27;
	v45 =	vperm.xlane v5, v27  }
0x4fb: {  	v3 =	vsel vm2, v17, v40;
	v57 =	vld [tilespmem:$0x1F090];
	v42 =	vperm.xlane v1, v27;
	v44 =	vperm.xlane v4, v27  }
0x4fc: {  	v7 =	vperm.xlane v18, v47;
	v3 =	vadd.f32 v8, v3;
	v1 =	vsel vm2, v43, v1  }
0x4fd: {  	v4 =	vsel vm2, v45, v4;
	v2 =	vsel vm2, v2, v42;
	v5 =	vsel vm2, v5, v44  }
0x4fe: {  	v6 =	vperm.xlane v48, v46;
	v1 =	vadd.f32 v1, v2;
	v49 =	vadd.f32 v4, v5  }
0x4ff: {  	v58 =	vld [tilespmem:$0x1FFE0];
	v7 =	vsel vm0, v7, v48;
	v52 =	vperm.xlane v3, v51;
	v53 =	vperm.xlane v0, v51  }
0x500: {  	v10 =	vadd.f32 v57, v56;
	v55 =	vperm.xlane v1, v51;
	v54 =	vperm.xlane v49, v51  }
0x501: {  	v50 =	vsel vm0, v18, v6;
	v0 =	vsel vm0, v0, v52;
	v3 =	vsel vm0, v53, v3  }
0x502: {  	v0 =	vadd.f32 v3, v0;
	v2 =	vsel vm0, v55, v49;
	v1 =	vsel vm0, v1, v54  }
0x503: {  	v4 =	vadd.f32 v7, v50;
	v1 =	vadd.f32 v2, v1  }
0x504: {  	v60 =	vperm.xlane v10, v58;
	v62 =	vperm.xlane v0, v58  }
0x505: {  	v63 =	vld [tilespmem:$0x1FFF0];
	v59 =	vperm.xlane v4, v58;
	v61 =	vperm.xlane v1, v58  }
0x506: {  	v3 =	vsel vm1, v60, v4  }
0x507: {  	v2 =	vsel vm1, v10, v59;
	v1 =	vsel vm1, v62, v1;
	v0 =	vsel vm1, v0, v61  }
0x508: {  	v2 =	vadd.f32 v3, v2;
	v0 =	vadd.f32 v1, v0;
	_ =	sdelay $0x1  }
0x509: {  	p1 =	sne.s32 s23, $0x7;
	v3 =	vperm.xlane v2, v63;
	v1 =	vperm.xlane v0, v63  }
.Ltmp6:
0x50a: {  	_ = 	snop;
	(pc) =	sbr.rel @p1 .LBB2_9-.Ltmp6, $4  }
0x50b: {  	v0 =	vsel vm3, v3, v0;
	v1 =	vsel vm3, v2, v1  }
0x50c: {  	s31 =	sshll.u32 s23, $0x4;
	v0 =	vadd.f32 v0, v1  }
0x50d: {  	s24 =	sand.u32 $0x3FFFFFF0, s31  }
0x50e: {  	s23 =	sadd.s32 $0x1, s23;
	[tilespmem:s24+$0x14E00] =	vst v0  }
.Ltmp7:
0x50f: {  	(pc) =	sbr.rel .LBB2_11-.Ltmp7, $4  }
0x510: {  	[hbm4b:s10+s4] =	stream.linear.scatter [tilespmem:s20], [sflag:$0x3], $0x80, $0x38;
	[tilespmem:$0x17500] =	vst v63  }
0x511: {  	_ =	swait.ge [sflag:s21], $0x80  }
0x512: {  	[sflag:s21] =	ssyncset.done $0x0  }
0x513: {  	[sflag:s21] =	ssyncadd.s32 $0xFFFFFF80  }
.LBB2_12:
0x514: {  	_ =	sfence.sel $0x180000  }
0x515: {  	[bflag:$0x0] =	sbarrier.arrive $0xFFFF  }
0x516: {  	p0 =	sne.s32 s3, $0x0;
	_ =	strace $0x90000047  }
0x517: {  	s0 =	sadd.s32 @!p0 $0x100000, s2;
	[bflag:$0x2] =	sbarrier.arrive $0xFFFF  }
0x518: {  	[sflag:s0] =	ssyncadd.tile.s32 @!p0 $0x1;
	_ =	shalt  }
.Lfunc_end2:
_tile_overlayer_lowered:
.L_overlay_start_2:
0x519: {  	(tag) =	ssettag $0x2  }
0x51a: {  	s0 =	rddreg [dreg:$0x0];
	s2 =	stileid.u32  }
0x51b: {  	s1 =	rddreg [dreg:$0x1];
	p0 =	sne.s32 s2, $0x0  }
0x51c: {  	s3 =	rddreg [dreg:$0x2];
	[bflag:$0x3] =	sbarrier.arrive $0xFFFF;
	s2 =	simm.s32 @!p0 $0x1C03  }
0x51d: {  	[timem:s3], [sflag:s2] =	dma.local @!p0 [hbm:s0], s1  }
0x51e: {  	s0 =	simm.s32 @!p0 $0x3  }
0x51f: {  	_ =	swait.ge @!p0 [sflag:s0], s1  }
0x520: {  	s1 =	ssub.s32 @!p0 $0x0, s1;
	[sflag:s0] =	ssyncset.done @!p0 $0x0  }
0x521: {  	[sflag:s0] =	ssyncadd.s32 @!p0 s1  }
0x522: {  	[bflag:$0x3] =	sbarrier.arrive $0xFFFF  }
0x523: {  	_ =	shalt  }

</sc_bundles>
